<compile_context>
chip_gen: v7x
topology: tpu7x:2x2x1
jax: 0.10.2.dev20260603
libtpu: 0.0.44.dev20260713+nightly
codegen_flags: <defaults>
</compile_context>

<pallas_src>
import functools

import jax
import jax.numpy as jnp
import numpy as np
from jax import lax
from jax.experimental import pallas as pl
from jax.experimental.pallas import tpu as pltpu
from jax.experimental.pallas import tpu_sc as plsc

CUT_UP = 10.0




def _lin1_body(x_ref, w_ref, o_ref):
    o_ref[...] = lax.dot_general(
        x_ref[...], w_ref[...], (((1,), (1,)), ((), ())),
        preferred_element_type=jnp.float32)


def _tc_lin1(x, lin1_w):
    n, h = x.shape
    return pl.pallas_call(
        _lin1_body,
        out_shape=jax.ShapeDtypeStruct((n, h), jnp.float32),
    )(x, lin1_w)




def _filter_body(ea_ref, ew_ref, w0_ref, b0_ref, w2_ref, b2_ref, o_ref):
    ea = ea_ref[...]
    h1 = lax.dot_general(ea, w0_ref[...], (((0,), (1,)), ((), ())),
                         preferred_element_type=jnp.float32) + b0_ref[...]
    h1 = h1 * jax.nn.sigmoid(h1)
    w = lax.dot_general(h1.astype(jnp.bfloat16), w2_ref[...],
                        (((1,), (1,)), ((), ())),
                        preferred_element_type=jnp.float32) + b2_ref[...]
    ew = ew_ref[0]
    cut = 0.5 * (jnp.cos(ew * (np.pi / CUT_UP)) + 1.0)
    cut = jnp.where(ew < CUT_UP, cut, 0.0)
    o_ref[...] = w * jnp.transpose(cut, (1, 0))


_BE = 3200


def _tc_filter(edge_attr_t, ew2, mlp_w0, b0, mlp_w2, b2, e0, ecnt):
    nrbf, _ = edge_attr_t.shape
    nf = mlp_w0.shape[0]
    be = _BE
    grid = ecnt // be
    off = e0 // be
    return pl.pallas_call(
        _filter_body,
        grid=(grid,),
        in_specs=[
            pl.BlockSpec((nrbf, be), lambda i: (0, i + off)),
            pl.BlockSpec((1, 1, be), lambda i: (i + off, 0, 0)),
            pl.BlockSpec((nf, nrbf), lambda i: (0, 0)),
            pl.BlockSpec((1, nf), lambda i: (0, 0)),
            pl.BlockSpec((nf, nf), lambda i: (0, 0)),
            pl.BlockSpec((1, nf), lambda i: (0, 0)),
        ],
        out_specs=pl.BlockSpec((be, nf), lambda i: (i, 0)),
        out_shape=jax.ShapeDtypeStruct((ecnt, nf), jnp.float32),
    )(edge_attr_t, ew2, mlp_w0, b0, mlp_w2, b2)



_NC = 2
_NS = 16
_L = 16


def _sc_message_passing(h, w, src, dst, ebase):
    n, hd = h.shape
    ecnt = w.shape[0]
    nw = _NC * _NS
    epw = ecnt // nw
    b = 40
    nchunk = epw // b
    nrows_chunks = -(-n // b)
    rounds = -(-nrows_chunks // _NS)

    mesh = plsc.VectorSubcoreMesh(core_axis_name="c", subcore_axis_name="s")

    @functools.partial(
        pl.kernel,
        mesh=mesh,
        out_type=jax.ShapeDtypeStruct((_NC, n, hd), jnp.float32),
        scratch_types=[
            pltpu.VMEM((b,), jnp.int32),
            pltpu.VMEM((b,), jnp.int32),
            pltpu.VMEM((b,), jnp.int32),
            pltpu.VMEM((b,), jnp.int32),
            pltpu.VMEM((b, hd), jnp.float32),
            pltpu.VMEM((b, hd), jnp.float32),
            pltpu.VMEM((b, hd), jnp.float32),
            pltpu.VMEM((b, hd), jnp.float32),
            pltpu.VMEM((b, hd), jnp.float32),
            pltpu.VMEM((b, hd), jnp.float32),
            pltpu.VMEM_SHARED((n, hd), jnp.float32),
            pltpu.SemaphoreType.DMA,
            pltpu.SemaphoreType.DMA,
            pltpu.SemaphoreType.DMA,
            pltpu.SemaphoreType.DMA,
            pltpu.SemaphoreType.DMA,
            pltpu.SemaphoreType.DMA,
        ],
    )
    def sc_body(h_hbm, w_hbm, src_hbm, dst_hbm, out_hbm,
                src0, src1, dst0, dst1, rows0, rows1, w0, w1, msg0, msg1,
                agg_sh, isem0, isem1, gsem0, gsem1, wsem0, wsem1):
        c = lax.axis_index("c")
        s = lax.axis_index("s")
        wid = s * _NC + c

        srcs = (src0, src1)
        dsts = (dst0, dst1)
        rows = (rows0, rows1)
        ws = (w0, w1)
        msgs = (msg0, msg1)
        isems = (isem0, isem1)
        gsems = (gsem0, gsem1)
        wsems = (wsem0, wsem1)

        zeros = jnp.zeros((_L,), jnp.float32)

        def zero_row(i, _):
            for f in range(hd // _L):
                msg0[i, pl.ds(f * _L, _L)] = zeros
            return 0

        lax.fori_loop(0, b, zero_row, 0)

        def zero_chunk(k, _):
            idx = s + k * _NS

            @pl.when(idx < nrows_chunks)
            def _z():
                pltpu.sync_copy(msg0, agg_sh.at[pl.ds(idx * b, b)])

            return 0

        lax.fori_loop(0, rounds, zero_chunk, 0)
        plsc.subcore_barrier()

        def idx_start(j, sl):
            base = ebase + wid * epw + j * b
            pltpu.async_copy(src_hbm.at[pl.ds(base, b)], srcs[sl], isems[sl])
            pltpu.async_copy(dst_hbm.at[pl.ds(base, b)], dsts[sl], isems[sl])

        def idx_wait(sl):
            pltpu.make_async_copy(src_hbm.at[pl.ds(0, b)], srcs[sl], isems[sl]).wait()
            pltpu.make_async_copy(dst_hbm.at[pl.ds(0, b)], dsts[sl], isems[sl]).wait()

        def fetch_start(j, sl):
            wbase = wid * epw + j * b
            pltpu.async_copy(h_hbm.at[srcs[sl]], rows[sl], gsems[sl])
            pltpu.async_copy(w_hbm.at[pl.ds(wbase, b)], ws[sl], wsems[sl])

        def process(sl):
            pltpu.make_async_copy(h_hbm.at[srcs[sl]], rows[sl], gsems[sl]).wait()
            pltpu.make_async_copy(w_hbm.at[pl.ds(0, b)], ws[sl], wsems[sl]).wait()
            rv = rows[sl]
            wv = ws[sl]
            mv = msgs[sl]

            def mul_body(k, _2):
                for u in range(2):
                    ei = k * 2 + u
                    for f in range(hd // _L):
                        mv[ei, pl.ds(f * _L, _L)] = (
                            rv[ei, pl.ds(f * _L, _L)]
                            * wv[ei, pl.ds(f * _L, _L)])
                return 0

            lax.fori_loop(0, b // 2, mul_body, 0)
            pltpu.sync_copy(mv, agg_sh.at[dsts[sl]], add=True)

        idx_start(0, 0)
        idx_wait(0)
        fetch_start(0, 0)
        idx_start(1, 1)

        def step(j, sl):
            other = 1 - sl

            @pl.when(j + 1 < nchunk)
            def _g():
                idx_wait(other)
                fetch_start(j + 1, other)

            process(sl)

            @pl.when(j + 2 < nchunk)
            def _i():
                idx_start(j + 2, sl)

        def pair(k, _):
            step(k * 2, 0)
            step(k * 2 + 1, 1)
            return 0

        lax.fori_loop(0, nchunk // 2, pair, 0)
        if nchunk % 2 == 1:
            step(nchunk - 1, 0)
        plsc.subcore_barrier()

        def out_chunk(k, _):
            idx = s + k * _NS

            @pl.when(idx < nrows_chunks)
            def _o():
                pltpu.sync_copy(agg_sh.at[pl.ds(idx * b, b)], msg0)
                pltpu.sync_copy(msg0, out_hbm.at[c].at[pl.ds(idx * b, b)])

            return 0

        lax.fori_loop(0, rounds, out_chunk, 0)

    return sc_body(h, w, src, dst)




def _tail_body(p0_ref, p1_ref, p2_ref, w2_ref, b2_ref, wl_ref, bl_ref, o_ref):
    agg = ((p0_ref[0] + p0_ref[1]) + (p1_ref[0] + p1_ref[1])
           + (p2_ref[0] + p2_ref[1]))
    t = lax.dot_general(agg, w2_ref[...], (((1,), (1,)), ((), ())),
                        preferred_element_type=jnp.float32) + b2_ref[...]
    t = t * jax.nn.sigmoid(t)
    o_ref[...] = lax.dot_general(t, wl_ref[...], (((1,), (1,)), ((), ())),
                                 preferred_element_type=jnp.float32) + bl_ref[...]


def _tc_tail(pa, pb, pc, lin2_w, lin2_b, lin_w, lin_b):
    _, n, h = pa.shape
    bn = 2000
    grid = n // bn
    b2 = lin2_b.reshape(1, h)
    bl = lin_b.reshape(1, h)
    return pl.pallas_call(
        _tail_body,
        grid=(grid,),
        in_specs=[
            pl.BlockSpec((_NC, bn, h), lambda i: (0, i, 0)),
            pl.BlockSpec((_NC, bn, h), lambda i: (0, i, 0)),
            pl.BlockSpec((_NC, bn, h), lambda i: (0, i, 0)),
            pl.BlockSpec((h, h), lambda i: (0, 0)),
            pl.BlockSpec((1, h), lambda i: (0, 0)),
            pl.BlockSpec((h, h), lambda i: (0, 0)),
            pl.BlockSpec((1, h), lambda i: (0, 0)),
        ],
        out_specs=pl.BlockSpec((bn, h), lambda i: (i, 0)),
        out_shape=jax.ShapeDtypeStruct((n, h), jnp.float32),
    )(pa, pb, pc, lin2_w, b2, lin_w, bl)




def kernel(x, edge_index, edge_weight, edge_attr, lin1_w, lin2_w, lin2_b,
           mlp_w0, mlp_b0, mlp_w2, mlp_b2, lin_w, lin_b):
    src = edge_index[0]
    dst = edge_index[1]
    e = src.shape[0]
    h = _tc_lin1(x, lin1_w)
    ea_t = jnp.transpose(edge_attr, (1, 0)).astype(jnp.bfloat16)
    ew2 = edge_weight.reshape(e // _BE, 1, _BE)
    w0b = mlp_w0.astype(jnp.bfloat16)
    w2b = mlp_w2.astype(jnp.bfloat16)
    b0 = mlp_b0.reshape(1, -1)
    b2 = mlp_b2.reshape(1, -1)
    s0 = e // 5
    s1 = (e - s0) // 2
    segs = ((0, s0), (s0, s1), (s0 + s1, s1))
    parts = []
    for e0, ec in segs:
        w_i = _tc_filter(ea_t, ew2, w0b, b0, w2b, b2, e0, ec)
        parts.append(_sc_message_passing(h, w_i, src, dst, e0))
    return _tc_tail(parts[0], parts[1], parts[2], lin2_w, lin2_b, lin_w,
                    lin_b)

# --- scband reference (transcript-rebuilt; emitter-appended) ---
"""Pipeline reference for scband-interaction-block-20779051778082 (READ-ONLY COPY).

The authoritative reference and input builder live on the scoring server;
editing this copy changes nothing except your own understanding.
"""

import jax, jax.numpy as jnp
import numpy as np

N = 10000
E = 320000
H = 128
NRBF = 50
NF = 128
CUT_LOW = 0.0
CUT_UP = 10.0


def setup_inputs(seed: int = 0) -> dict:
    key = jax.random.key(seed)
    ks = jax.random.split(key, 13)
    x = jax.random.normal(ks[0], (N, H), dtype=jnp.float32)
    edge_index = jax.random.randint(ks[1], (2, E), 0, N, dtype=jnp.int32)
    edge_weight = jax.random.uniform(ks[2], (E,), dtype=jnp.float32, minval=0.0, maxval=CUT_UP)
    edge_attr = jax.random.normal(ks[3], (E, NRBF), dtype=jnp.float32) * 0.1
    # parameters (xavier-like scale)
    lin1_w = jax.random.normal(ks[4], (NF, H), dtype=jnp.float32) * (1.0 / np.sqrt(H))
    lin2_w = jax.random.normal(ks[5], (H, NF), dtype=jnp.float32) * (1.0 / np.sqrt(NF))
    lin2_b = jnp.zeros((H,), dtype=jnp.float32)
    mlp_w0 = jax.random.normal(ks[6], (NF, NRBF), dtype=jnp.float32) * (1.0 / np.sqrt(NRBF))
    mlp_b0 = jnp.zeros((NF,), dtype=jnp.float32)
    mlp_w2 = jax.random.normal(ks[7], (NF, NF), dtype=jnp.float32) * (1.0 / np.sqrt(NF))
    mlp_b2 = jnp.zeros((NF,), dtype=jnp.float32)
    lin_w = jax.random.normal(ks[8], (H, H), dtype=jnp.float32) * (1.0 / np.sqrt(H))
    lin_b = jnp.zeros((H,), dtype=jnp.float32)
    return {
        "x": x,
        "edge_index": edge_index,
        "edge_weight": edge_weight,
        "edge_attr": edge_attr,
        "lin1_w": lin1_w,
        "lin2_w": lin2_w,
        "lin2_b": lin2_b,
        "mlp_w0": mlp_w0,
        "mlp_b0": mlp_b0,
        "mlp_w2": mlp_w2,
        "mlp_b2": mlp_b2,
        "lin_w": lin_w,
        "lin_b": lin_b,
    }


def reference(x, edge_index, edge_weight, edge_attr, lin1_w, lin2_w, lin2_b, mlp_w0, mlp_b0, mlp_w2, mlp_b2, lin_w, lin_b):
    # CosineCutoff (cutoff_lower == 0 branch)
    C = 0.5 * (jnp.cos(edge_weight * jnp.pi / CUT_UP) + 1.0)
    C = C * (edge_weight < CUT_UP).astype(C.dtype)
    # filter network: Linear(num_rbf->num_filters) -> SiLU -> Linear(num_filters->num_filters)
    h1 = jax.nn.silu(edge_attr @ mlp_w0.T + mlp_b0)
    W = (h1 @ mlp_w2.T + mlp_b2) * C[:, None]
    # CFConv
    h = x @ lin1_w.T  # lin1, no bias
    src = edge_index[0]
    dst = edge_index[1]
    msg = h[src] * W  # message: x_j * W
    agg = jax.ops.segment_sum(msg, dst, num_segments=N)  # aggr='add' onto target nodes
    out = agg @ lin2_w.T + lin2_b  # lin2
    # InteractionBlock tail
    out = jax.nn.silu(out)
    out = out @ lin_w.T + lin_b
    return out

if __name__ == "__main__":
    import jax
    _d = setup_inputs()
    print(jax.jit(kernel)(*tuple(_d.values())))

</pallas_src>

<mosaic_0001>
#map = affine_map<(d0, d1) -> (0, 0)>
#map1 = affine_map<(d0, d1) -> (0)>
#map2 = affine_map<(d0, d1) -> (0, 0, 0)>
module attributes {stable_mosaic.version = 14 : i64} {
  func.func @sc_body(%arg0: i32, %arg1: i32, %arg2: memref<10000x128xf32, #tpu.memory_space<hbm>>, %arg3: memref<128000x128xf32, #tpu.memory_space<hbm>>, %arg4: memref<320000xi32, #tpu.memory_space<hbm>>, %arg5: memref<320000xi32, #tpu.memory_space<hbm>>, %arg6: memref<2x10000x128xf32, #tpu.memory_space<hbm>>, %arg7: memref<40xi32, #tpu.memory_space<vmem>>, %arg8: memref<40xi32, #tpu.memory_space<vmem>>, %arg9: memref<40xi32, #tpu.memory_space<vmem>>, %arg10: memref<40xi32, #tpu.memory_space<vmem>>, %arg11: memref<40x128xf32, #tpu.memory_space<vmem>>, %arg12: memref<40x128xf32, #tpu.memory_space<vmem>>, %arg13: memref<40x128xf32, #tpu.memory_space<vmem>>, %arg14: memref<40x128xf32, #tpu.memory_space<vmem>>, %arg15: memref<40x128xf32, #tpu.memory_space<vmem>>, %arg16: memref<40x128xf32, #tpu.memory_space<vmem>>, %arg17: memref<10000x128xf32, #tpu.memory_space<vmem_shared>>, %arg18: memref<!tpu.dma_semaphore, #tpu.memory_space<semaphore_mem>>, %arg19: memref<!tpu.dma_semaphore, #tpu.memory_space<semaphore_mem>>, %arg20: memref<!tpu.dma_semaphore, #tpu.memory_space<semaphore_mem>>, %arg21: memref<!tpu.dma_semaphore, #tpu.memory_space<semaphore_mem>>, %arg22: memref<!tpu.dma_semaphore, #tpu.memory_space<semaphore_mem>>, %arg23: memref<!tpu.dma_semaphore, #tpu.memory_space<semaphore_mem>>) attributes {dimension_semantics = [#tpu.dimension_semantics<core_parallel>, #tpu.dimension_semantics<subcore_parallel>], iteration_bounds = array<i64: 2, 16>, scalar_prefetch = 0 : i64, scratch_operands = 17 : i64, tpu.core_type = #tpu.core_type<sc_vector_subcore>, window_params = [{transform_indices = #map}, {transform_indices = #map}, {transform_indices = #map1}, {transform_indices = #map1}, {transform_indices = #map2}]} {
    %mul3A = arith.constant 2 : i32
    %mul3A_0 = arith.muli %arg1, %mul3A : i32
    %add3A = arith.addi %mul3A_0, %arg0 : i32
    %broadcast_in_dim3A = arith.constant 0.000000e+00 : f32
    %broadcast_in_dim3A_1 = vector.broadcast %broadcast_in_dim3A : f32 to vector<16xf32>
    %scan3A = arith.constant 0 : i32
    %scan3A_2 = arith.constant 0 : i32
    %scan3A_3 = arith.constant 40 : i32
    %scan3A_4 = arith.addi %scan3A_2, %scan3A_3 : i32
    %scan3A_5 = arith.constant 1 : i32
    %scan3A_6 = scf.for %scan3A_67 = %scan3A_2 to %scan3A_4 step %scan3A_5 iter_args(%scan3A_68 = %scan3A) -> (i32)  : i32 {
      %swap3A = arith.index_cast %scan3A_67 : i32 to index
      %swap3A_69 = arith.constant 0 : index
      %swap3A_70 = tpu.vector_load %arg15[%swap3A, %swap3A_69] {strides = array<i32>} : memref<40x128xf32, #tpu.memory_space<vmem>>, vector<1x16xf32>,
      %swap3A_71 = vector.shape_cast %swap3A_70 : vector<1x16xf32> to vector<16xf32>
      %swap3A_72 = vector.shape_cast %broadcast_in_dim3A_1 : vector<16xf32> to vector<1x16xf32>
      tpu.vector_store %arg15[%swap3A, %swap3A_69], %swap3A_72 {strides = array<i32>} : memref<40x128xf32, #tpu.memory_space<vmem>>, vector<1x16xf32>,
      %swap3A_73 = arith.index_cast %scan3A_67 : i32 to index
      %swap3A_74 = arith.constant 16 : index
      %swap3A_75 = tpu.vector_load %arg15[%swap3A_73, %swap3A_74] {strides = array<i32>} : memref<40x128xf32, #tpu.memory_space<vmem>>, vector<1x16xf32>,
      %swap3A_76 = vector.shape_cast %swap3A_75 : vector<1x16xf32> to vector<16xf32>
      %swap3A_77 = vector.shape_cast %broadcast_in_dim3A_1 : vector<16xf32> to vector<1x16xf32>
      tpu.vector_store %arg15[%swap3A_73, %swap3A_74], %swap3A_77 {strides = array<i32>} : memref<40x128xf32, #tpu.memory_space<vmem>>, vector<1x16xf32>,
      %swap3A_78 = arith.index_cast %scan3A_67 : i32 to index
      %swap3A_79 = arith.constant 32 : index
      %swap3A_80 = tpu.vector_load %arg15[%swap3A_78, %swap3A_79] {strides = array<i32>} : memref<40x128xf32, #tpu.memory_space<vmem>>, vector<1x16xf32>,
      %swap3A_81 = vector.shape_cast %swap3A_80 : vector<1x16xf32> to vector<16xf32>
      %swap3A_82 = vector.shape_cast %broadcast_in_dim3A_1 : vector<16xf32> to vector<1x16xf32>
      tpu.vector_store %arg15[%swap3A_78, %swap3A_79], %swap3A_82 {strides = array<i32>} : memref<40x128xf32, #tpu.memory_space<vmem>>, vector<1x16xf32>,
      %swap3A_83 = arith.index_cast %scan3A_67 : i32 to index
      %swap3A_84 = arith.constant 48 : index
      %swap3A_85 = tpu.vector_load %arg15[%swap3A_83, %swap3A_84] {strides = array<i32>} : memref<40x128xf32, #tpu.memory_space<vmem>>, vector<1x16xf32>,
      %swap3A_86 = vector.shape_cast %swap3A_85 : vector<1x16xf32> to vector<16xf32>
      %swap3A_87 = vector.shape_cast %broadcast_in_dim3A_1 : vector<16xf32> to vector<1x16xf32>
      tpu.vector_store %arg15[%swap3A_83, %swap3A_84], %swap3A_87 {strides = array<i32>} : memref<40x128xf32, #tpu.memory_space<vmem>>, vector<1x16xf32>,
      %swap3A_88 = arith.index_cast %scan3A_67 : i32 to index
      %swap3A_89 = arith.constant 64 : index
      %swap3A_90 = tpu.vector_load %arg15[%swap3A_88, %swap3A_89] {strides = array<i32>} : memref<40x128xf32, #tpu.memory_space<vmem>>, vector<1x16xf32>,
      %swap3A_91 = vector.shape_cast %swap3A_90 : vector<1x16xf32> to vector<16xf32>
      %swap3A_92 = vector.shape_cast %broadcast_in_dim3A_1 : vector<16xf32> to vector<1x16xf32>
      tpu.vector_store %arg15[%swap3A_88, %swap3A_89], %swap3A_92 {strides = array<i32>} : memref<40x128xf32, #tpu.memory_space<vmem>>, vector<1x16xf32>,
      %swap3A_93 = arith.index_cast %scan3A_67 : i32 to index
      %swap3A_94 = arith.constant 80 : index
      %swap3A_95 = tpu.vector_load %arg15[%swap3A_93, %swap3A_94] {strides = array<i32>} : memref<40x128xf32, #tpu.memory_space<vmem>>, vector<1x16xf32>,
      %swap3A_96 = vector.shape_cast %swap3A_95 : vector<1x16xf32> to vector<16xf32>
      %swap3A_97 = vector.shape_cast %broadcast_in_dim3A_1 : vector<16xf32> to vector<1x16xf32>
      tpu.vector_store %arg15[%swap3A_93, %swap3A_94], %swap3A_97 {strides = array<i32>} : memref<40x128xf32, #tpu.memory_space<vmem>>, vector<1x16xf32>,
      %swap3A_98 = arith.index_cast %scan3A_67 : i32 to index
      %swap3A_99 = arith.constant 96 : index
      %swap3A_100 = tpu.vector_load %arg15[%swap3A_98, %swap3A_99] {strides = array<i32>} : memref<40x128xf32, #tpu.memory_space<vmem>>, vector<1x16xf32>,
      %swap3A_101 = vector.shape_cast %swap3A_100 : vector<1x16xf32> to vector<16xf32>
      %swap3A_102 = vector.shape_cast %broadcast_in_dim3A_1 : vector<16xf32> to vector<1x16xf32>
      tpu.vector_store %arg15[%swap3A_98, %swap3A_99], %swap3A_102 {strides = array<i32>} : memref<40x128xf32, #tpu.memory_space<vmem>>, vector<1x16xf32>,
      %swap3A_103 = arith.index_cast %scan3A_67 : i32 to index
      %swap3A_104 = arith.constant 112 : index
      %swap3A_105 = tpu.vector_load %arg15[%swap3A_103, %swap3A_104] {strides = array<i32>} : memref<40x128xf32, #tpu.memory_space<vmem>>, vector<1x16xf32>,
      %swap3A_106 = vector.shape_cast %swap3A_105 : vector<1x16xf32> to vector<16xf32>
      %swap3A_107 = vector.shape_cast %broadcast_in_dim3A_1 : vector<16xf32> to vector<1x16xf32>
      tpu.vector_store %arg15[%swap3A_103, %swap3A_104], %swap3A_107 {strides = array<i32>} : memref<40x128xf32, #tpu.memory_space<vmem>>, vector<1x16xf32>,
      %scan3A_108 = arith.constant 0 : i32
      scf.yield %scan3A_108 : i32
    }
    %scan3A_7 = arith.constant 40 : i32
    %scan3A_8 = arith.constant 0 : i32
    %scan3A_9 = arith.constant 0 : i32
    %scan3A_10 = arith.constant 16 : i32
    %scan3A_11 = arith.addi %scan3A_9, %scan3A_10 : i32
    %scan3A_12 = arith.constant 1 : i32
    %scan3A_13 = scf.for %scan3A_67 = %scan3A_9 to %scan3A_11 step %scan3A_12 iter_args(%scan3A_68 = %scan3A_8) -> (i32)  : i32 {
      %mul3A_69 = arith.constant 16 : i32
      %mul3A_70 = arith.muli %scan3A_67, %mul3A_69 : i32
      %add3A_71 = arith.addi %arg1, %mul3A_70 : i32
      %lt3A = arith.constant 250 : i32
      %lt3A_72 = arith.cmpi slt, %add3A_71, %lt3A : i32
      %convert_element_type3A = arith.extui %lt3A_72 : i1 to i32
      %cond3A = arith.constant 0 : i32
      %cond3A_73 = arith.cmpi ne, %convert_element_type3A, %cond3A : i32
      scf.if %cond3A_73 {
        %mul3A_75 = arith.constant 40 : i32
        %mul3A_76 = arith.muli %add3A_71, %mul3A_75 : i32
        "tpu.region"() ({
          %run_scoped3A = tpu.sem_alloc : memref<!tpu.dma_semaphore, #tpu.memory_space<semaphore_mem>>
          %dma_start3A_77 = arith.constant 0 : i32
          %dma_start3A_78 = tpu.memref_slice %arg17[%mul3A_76, %dma_start3A_77] : memref<10000x128xf32, #tpu.memory_space<vmem_shared>> -> memref<40x128xf32, #tpu.memory_space<vmem_shared>>
          %dma_start3A_79 = arith.constant 0 : i32
          %dma_start3A_80 = tpu.memref_slice %arg17[%mul3A_76, %dma_start3A_79] : memref<10000x128xf32, #tpu.memory_space<vmem_shared>> -> memref<40x128xf32, #tpu.memory_space<vmem_shared>>
          tpu.enqueue_dma source(%arg15 : memref<40x128xf32, #tpu.memory_space<vmem>>) target(%dma_start3A_80 : memref<40x128xf32, #tpu.memory_space<vmem_shared>>) target_semaphore(%run_scoped3A : memref<!tpu.dma_semaphore, #tpu.memory_space<semaphore_mem>>)
          %dma_wait3A_81 = arith.constant 0 : i32
          %dma_wait3A_82 = tpu.memref_slice %arg17[%mul3A_76, %dma_wait3A_81] : memref<10000x128xf32, #tpu.memory_space<vmem_shared>> -> memref<40x128xf32, #tpu.memory_space<vmem_shared>>
          %dma_wait3A_83 = arith.constant 0 : i32
          %dma_wait3A_84 = tpu.memref_slice %arg17[%mul3A_76, %dma_wait3A_83] : memref<10000x128xf32, #tpu.memory_space<vmem_shared>> -> memref<40x128xf32, #tpu.memory_space<vmem_shared>>
          tpu.wait_dma2 semaphore(%run_scoped3A : memref<!tpu.dma_semaphore, #tpu.memory_space<semaphore_mem>>) src(%arg15 : memref<40x128xf32, #tpu.memory_space<vmem>>) dst(%dma_wait3A_84 : memref<40x128xf32, #tpu.memory_space<vmem_shared>>)
          tpu.yield
        }) : () -> ()
      } else {
      }
      %scan3A_74 = arith.constant 0 : i32
      scf.yield %scan3A_74 : i32
    }
    %scan3A_14 = arith.constant 16 : i32
    %barrier3A = arith.constant 0 : index
    tpu.barrier barrier_id(%barrier3A)
    %mul3A_15 = arith.constant 4000 : i32
    %mul3A_16 = arith.muli %add3A, %mul3A_15 : i32
    %add3A_17 = arith.constant 64000 : i32
    %add3A_18 = arith.addi %add3A_17, %mul3A_16 : i32
    %add3A_19 = arith.constant 0 : i32
    %add3A_20 = arith.addi %add3A_18, %add3A_19 : i32
    %dma_start3A = tpu.memref_slice %arg4[%add3A_20] : memref<320000xi32, #tpu.memory_space<hbm>> -> memref<40xi32, #tpu.memory_space<hbm>>
    %dma_start3A_21 = tpu.memref_slice %arg4[%add3A_20] : memref<320000xi32, #tpu.memory_space<hbm>> -> memref<40xi32, #tpu.memory_space<hbm>>
    tpu.enqueue_dma source(%dma_start3A_21 : memref<40xi32, #tpu.memory_space<hbm>>) target(%arg7 : memref<40xi32, #tpu.memory_space<vmem>>) target_semaphore(%arg18 : memref<!tpu.dma_semaphore, #tpu.memory_space<semaphore_mem>>)
    %dma_start3A_22 = tpu.memref_slice %arg5[%add3A_20] : memref<320000xi32, #tpu.memory_space<hbm>> -> memref<40xi32, #tpu.memory_space<hbm>>
    %dma_start3A_23 = tpu.memref_slice %arg5[%add3A_20] : memref<320000xi32, #tpu.memory_space<hbm>> -> memref<40xi32, #tpu.memory_space<hbm>>
    tpu.enqueue_dma source(%dma_start3A_23 : memref<40xi32, #tpu.memory_space<hbm>>) target(%arg9 : memref<40xi32, #tpu.memory_space<vmem>>) target_semaphore(%arg18 : memref<!tpu.dma_semaphore, #tpu.memory_space<semaphore_mem>>)
    %dma_wait3A = arith.constant 0 : i32
    %dma_wait3A_24 = tpu.memref_slice %arg4[%dma_wait3A] : memref<320000xi32, #tpu.memory_space<hbm>> -> memref<40xi32, #tpu.memory_space<hbm>>
    %dma_wait3A_25 = arith.constant 0 : i32
    %dma_wait3A_26 = tpu.memref_slice %arg4[%dma_wait3A_25] : memref<320000xi32, #tpu.memory_space<hbm>> -> memref<40xi32, #tpu.memory_space<hbm>>
    tpu.wait_dma2 semaphore(%arg18 : memref<!tpu.dma_semaphore, #tpu.memory_space<semaphore_mem>>) src(%dma_wait3A_26 : memref<40xi32, #tpu.memory_space<hbm>>) dst(%arg7 : memref<40xi32, #tpu.memory_space<vmem>>)
    %dma_wait3A_27 = arith.constant 0 : i32
    %dma_wait3A_28 = tpu.memref_slice %arg5[%dma_wait3A_27] : memref<320000xi32, #tpu.memory_space<hbm>> -> memref<40xi32, #tpu.memory_space<hbm>>
    %dma_wait3A_29 = arith.constant 0 : i32
    %dma_wait3A_30 = tpu.memref_slice %arg5[%dma_wait3A_29] : memref<320000xi32, #tpu.memory_space<hbm>> -> memref<40xi32, #tpu.memory_space<hbm>>
    tpu.wait_dma2 semaphore(%arg18 : memref<!tpu.dma_semaphore, #tpu.memory_space<semaphore_mem>>) src(%dma_wait3A_30 : memref<40xi32, #tpu.memory_space<hbm>>) dst(%arg9 : memref<40xi32, #tpu.memory_space<vmem>>)
    %mul3A_31 = arith.constant 4000 : i32
    %mul3A_32 = arith.muli %add3A, %mul3A_31 : i32
    %add3A_33 = arith.constant 0 : i32
    %add3A_34 = arith.addi %mul3A_32, %add3A_33 : i32
    %dma_start3A_35 = arith.constant 0 : i32
    %dma_start3A_36 = arith.constant 0 : i32
    %dma_start3A_37 = tpu.memref_slice %arg2[%dma_start3A_35, %dma_start3A_36] : memref<10000x128xf32, #tpu.memory_space<hbm>> -> memref<10000x128xf32, #tpu.memory_space<hbm>>
    tpu.enqueue_indirect_dma source(%dma_start3A_37 : memref<10000x128xf32, #tpu.memory_space<hbm>>) target(%arg11 : memref<40x128xf32, #tpu.memory_space<vmem>>) offsets(%arg7 : memref<40xi32, #tpu.memory_space<vmem>>) semaphore(%arg20 : memref<!tpu.dma_semaphore, #tpu.memory_space<semaphore_mem>>)
    %dma_start3A_38 = arith.constant 0 : i32
    %dma_start3A_39 = tpu.memref_slice %arg3[%add3A_34, %dma_start3A_38] : memref<128000x128xf32, #tpu.memory_space<hbm>> -> memref<40x128xf32, #tpu.memory_space<hbm>>
    %dma_start3A_40 = arith.constant 0 : i32
    %dma_start3A_41 = tpu.memref_slice %arg3[%add3A_34, %dma_start3A_40] : memref<128000x128xf32, #tpu.memory_space<hbm>> -> memref<40x128xf32, #tpu.memory_space<hbm>>
    tpu.enqueue_dma source(%dma_start3A_41 : memref<40x128xf32, #tpu.memory_space<hbm>>) target(%arg13 : memref<40x128xf32, #tpu.memory_space<vmem>>) target_semaphore(%arg22 : memref<!tpu.dma_semaphore, #tpu.memory_space<semaphore_mem>>)
    %mul3A_42 = arith.constant 4000 : i32
    %mul3A_43 = arith.muli %add3A, %mul3A_42 : i32
    %add3A_44 = arith.constant 64000 : i32
    %add3A_45 = arith.addi %add3A_44, %mul3A_43 : i32
    %add3A_46 = arith.constant 40 : i32
    %add3A_47 = arith.addi %add3A_45, %add3A_46 : i32
    %dma_start3A_48 = tpu.memref_slice %arg4[%add3A_47] : memref<320000xi32, #tpu.memory_space<hbm>> -> memref<40xi32, #tpu.memory_space<hbm>>
    %dma_start3A_49 = tpu.memref_slice %arg4[%add3A_47] : memref<320000xi32, #tpu.memory_space<hbm>> -> memref<40xi32, #tpu.memory_space<hbm>>
    tpu.enqueue_dma source(%dma_start3A_49 : memref<40xi32, #tpu.memory_space<hbm>>) target(%arg8 : memref<40xi32, #tpu.memory_space<vmem>>) target_semaphore(%arg19 : memref<!tpu.dma_semaphore, #tpu.memory_space<semaphore_mem>>)
    %dma_start3A_50 = tpu.memref_slice %arg5[%add3A_47] : memref<320000xi32, #tpu.memory_space<hbm>> -> memref<40xi32, #tpu.memory_space<hbm>>
    %dma_start3A_51 = tpu.memref_slice %arg5[%add3A_47] : memref<320000xi32, #tpu.memory_space<hbm>> -> memref<40xi32, #tpu.memory_space<hbm>>
    tpu.enqueue_dma source(%dma_start3A_51 : memref<40xi32, #tpu.memory_space<hbm>>) target(%arg10 : memref<40xi32, #tpu.memory_space<vmem>>) target_semaphore(%arg19 : memref<!tpu.dma_semaphore, #tpu.memory_space<semaphore_mem>>)
    %scan3A_52 = arith.constant 0 : i32
    %scan3A_53 = arith.constant 0 : i32
    %scan3A_54 = arith.constant 50 : i32
    %scan3A_55 = arith.addi %scan3A_53, %scan3A_54 : i32
    %scan3A_56 = arith.constant 1 : i32
    %scan3A_57 = scf.for %scan3A_67 = %scan3A_53 to %scan3A_55 step %scan3A_56 iter_args(%scan3A_68 = %scan3A_52) -> (i32)  : i32 {
      %mul3A_69 = arith.constant 2 : i32
      %mul3A_70 = arith.muli %scan3A_67, %mul3A_69 : i32
      %add3A_71 = arith.constant 1 : i32
      %add3A_72 = arith.addi %mul3A_70, %add3A_71 : i32
      %lt3A = arith.constant 100 : i32
      %lt3A_73 = arith.cmpi slt, %add3A_72, %lt3A : i32
      %convert_element_type3A = arith.extui %lt3A_73 : i1 to i32
      %cond3A = arith.constant 0 : i32
      %cond3A_74 = arith.cmpi ne, %convert_element_type3A, %cond3A : i32
      scf.if %cond3A_74 {
        %dma_wait3A_133 = arith.constant 0 : i32
        %dma_wait3A_134 = tpu.memref_slice %arg4[%dma_wait3A_133] : memref<320000xi32, #tpu.memory_space<hbm>> -> memref<40xi32, #tpu.memory_space<hbm>>
        %dma_wait3A_135 = arith.constant 0 : i32
        %dma_wait3A_136 = tpu.memref_slice %arg4[%dma_wait3A_135] : memref<320000xi32, #tpu.memory_space<hbm>> -> memref<40xi32, #tpu.memory_space<hbm>>
        tpu.wait_dma2 semaphore(%arg19 : memref<!tpu.dma_semaphore, #tpu.memory_space<semaphore_mem>>) src(%dma_wait3A_136 : memref<40xi32, #tpu.memory_space<hbm>>) dst(%arg8 : memref<40xi32, #tpu.memory_space<vmem>>)
        %dma_wait3A_137 = arith.constant 0 : i32
        %dma_wait3A_138 = tpu.memref_slice %arg5[%dma_wait3A_137] : memref<320000xi32, #tpu.memory_space<hbm>> -> memref<40xi32, #tpu.memory_space<hbm>>
        %dma_wait3A_139 = arith.constant 0 : i32
        %dma_wait3A_140 = tpu.memref_slice %arg5[%dma_wait3A_139] : memref<320000xi32, #tpu.memory_space<hbm>> -> memref<40xi32, #tpu.memory_space<hbm>>
        tpu.wait_dma2 semaphore(%arg19 : memref<!tpu.dma_semaphore, #tpu.memory_space<semaphore_mem>>) src(%dma_wait3A_140 : memref<40xi32, #tpu.memory_space<hbm>>) dst(%arg10 : memref<40xi32, #tpu.memory_space<vmem>>)
        %add3A_141 = arith.constant 1 : i32
        %add3A_142 = arith.addi %mul3A_70, %add3A_141 : i32
        %mul3A_143 = arith.constant 4000 : i32
        %mul3A_144 = arith.muli %add3A, %mul3A_143 : i32
        %mul3A_145 = arith.constant 40 : i32
        %mul3A_146 = arith.muli %add3A_142, %mul3A_145 : i32
        %add3A_147 = arith.addi %mul3A_144, %mul3A_146 : i32
        %dma_start3A_148 = arith.constant 0 : i32
        %dma_start3A_149 = arith.constant 0 : i32
        %dma_start3A_150 = tpu.memref_slice %arg2[%dma_start3A_148, %dma_start3A_149] : memref<10000x128xf32, #tpu.memory_space<hbm>> -> memref<10000x128xf32, #tpu.memory_space<hbm>>
        tpu.enqueue_indirect_dma source(%dma_start3A_150 : memref<10000x128xf32, #tpu.memory_space<hbm>>) target(%arg12 : memref<40x128xf32, #tpu.memory_space<vmem>>) offsets(%arg8 : memref<40xi32, #tpu.memory_space<vmem>>) semaphore(%arg21 : memref<!tpu.dma_semaphore, #tpu.memory_space<semaphore_mem>>)
        %dma_start3A_151 = arith.constant 0 : i32
        %dma_start3A_152 = tpu.memref_slice %arg3[%add3A_147, %dma_start3A_151] : memref<128000x128xf32, #tpu.memory_space<hbm>> -> memref<40x128xf32, #tpu.memory_space<hbm>>
        %dma_start3A_153 = arith.constant 0 : i32
        %dma_start3A_154 = tpu.memref_slice %arg3[%add3A_147, %dma_start3A_153] : memref<128000x128xf32, #tpu.memory_space<hbm>> -> memref<40x128xf32, #tpu.memory_space<hbm>>
        tpu.enqueue_dma source(%dma_start3A_154 : memref<40x128xf32, #tpu.memory_space<hbm>>) target(%arg14 : memref<40x128xf32, #tpu.memory_space<vmem>>) target_semaphore(%arg23 : memref<!tpu.dma_semaphore, #tpu.memory_space<semaphore_mem>>)
      } else {
      }
      %dma_wait3A_75 = arith.constant 0 : i32
      %dma_wait3A_76 = arith.constant 0 : i32
      %dma_wait3A_77 = tpu.memref_slice %arg2[%dma_wait3A_75, %dma_wait3A_76] : memref<10000x128xf32, #tpu.memory_space<hbm>> -> memref<10000x128xf32, #tpu.memory_space<hbm>>
      tpu.wait_indirect_dma semaphore(%arg20 : memref<!tpu.dma_semaphore, #tpu.memory_space<semaphore_mem>>) src(%dma_wait3A_77 : memref<10000x128xf32, #tpu.memory_space<hbm>>) dst(%arg11 : memref<40x128xf32, #tpu.memory_space<vmem>>)
      %dma_wait3A_78 = arith.constant 0 : i32
      %dma_wait3A_79 = arith.constant 0 : i32
      %dma_wait3A_80 = tpu.memref_slice %arg3[%dma_wait3A_78, %dma_wait3A_79] : memref<128000x128xf32, #tpu.memory_space<hbm>> -> memref<40x128xf32, #tpu.memory_space<hbm>>
      %dma_wait3A_81 = arith.constant 0 : i32
      %dma_wait3A_82 = arith.constant 0 : i32
      %dma_wait3A_83 = tpu.memref_slice %arg3[%dma_wait3A_81, %dma_wait3A_82] : memref<128000x128xf32, #tpu.memory_space<hbm>> -> memref<40x128xf32, #tpu.memory_space<hbm>>
      tpu.wait_dma2 semaphore(%arg22 : memref<!tpu.dma_semaphore, #tpu.memory_space<semaphore_mem>>) src(%dma_wait3A_83 : memref<40x128xf32, #tpu.memory_space<hbm>>) dst(%arg13 : memref<40x128xf32, #tpu.memory_space<vmem>>)
      %scan3A_84 = arith.constant 0 : i32
      %scan3A_85 = arith.constant 0 : i32
      %scan3A_86 = arith.constant 20 : i32
      %scan3A_87 = arith.addi %scan3A_85, %scan3A_86 : i32
      %scan3A_88 = arith.constant 1 : i32
      %scan3A_89 = scf.for %scan3A_133 = %scan3A_85 to %scan3A_87 step %scan3A_88 iter_args(%scan3A_134 = %scan3A_84) -> (i32)  : i32 {
        %mul3A_135 = arith.constant 2 : i32
        %mul3A_136 = arith.muli %scan3A_133, %mul3A_135 : i32
        %add3A_137 = arith.constant 0 : i32
        %add3A_138 = arith.addi %mul3A_136, %add3A_137 : i32
        %get3A = arith.index_cast %add3A_138 : i32 to index
        %get3A_139 = arith.constant 0 : index
        %get3A_140 = tpu.vector_load %arg11[%get3A, %get3A_139] {strides = array<i32>} : memref<40x128xf32, #tpu.memory_space<vmem>>, vector<1x16xf32>,
        %get3A_141 = vector.shape_cast %get3A_140 : vector<1x16xf32> to vector<16xf32>
        %get3A_142 = arith.index_cast %add3A_138 : i32 to index
        %get3A_143 = arith.constant 0 : index
        %get3A_144 = tpu.vector_load %arg13[%get3A_142, %get3A_143] {strides = array<i32>} : memref<40x128xf32, #tpu.memory_space<vmem>>, vector<1x16xf32>,
        %get3A_145 = vector.shape_cast %get3A_144 : vector<1x16xf32> to vector<16xf32>
        %mul3A_146 = arith.mulf %get3A_141, %get3A_145 : vector<16xf32>
        %swap3A = arith.index_cast %add3A_138 : i32 to index
        %swap3A_147 = arith.constant 0 : index
        %swap3A_148 = tpu.vector_load %arg15[%swap3A, %swap3A_147] {strides = array<i32>} : memref<40x128xf32, #tpu.memory_space<vmem>>, vector<1x16xf32>,
        %swap3A_149 = vector.shape_cast %swap3A_148 : vector<1x16xf32> to vector<16xf32>
        %swap3A_150 = vector.shape_cast %mul3A_146 : vector<16xf32> to vector<1x16xf32>
        tpu.vector_store %arg15[%swap3A, %swap3A_147], %swap3A_150 {strides = array<i32>} : memref<40x128xf32, #tpu.memory_space<vmem>>, vector<1x16xf32>,
        %get3A_151 = arith.index_cast %add3A_138 : i32 to index
        %get3A_152 = arith.constant 16 : index
        %get3A_153 = tpu.vector_load %arg11[%get3A_151, %get3A_152] {strides = array<i32>} : memref<40x128xf32, #tpu.memory_space<vmem>>, vector<1x16xf32>,
        %get3A_154 = vector.shape_cast %get3A_153 : vector<1x16xf32> to vector<16xf32>
        %get3A_155 = arith.index_cast %add3A_138 : i32 to index
        %get3A_156 = arith.constant 16 : index
        %get3A_157 = tpu.vector_load %arg13[%get3A_155, %get3A_156] {strides = array<i32>} : memref<40x128xf32, #tpu.memory_space<vmem>>, vector<1x16xf32>,
        %get3A_158 = vector.shape_cast %get3A_157 : vector<1x16xf32> to vector<16xf32>
        %mul3A_159 = arith.mulf %get3A_154, %get3A_158 : vector<16xf32>
        %swap3A_160 = arith.index_cast %add3A_138 : i32 to index
        %swap3A_161 = arith.constant 16 : index
        %swap3A_162 = tpu.vector_load %arg15[%swap3A_160, %swap3A_161] {strides = array<i32>} : memref<40x128xf32, #tpu.memory_space<vmem>>, vector<1x16xf32>,
        %swap3A_163 = vector.shape_cast %swap3A_162 : vector<1x16xf32> to vector<16xf32>
        %swap3A_164 = vector.shape_cast %mul3A_159 : vector<16xf32> to vector<1x16xf32>
        tpu.vector_store %arg15[%swap3A_160, %swap3A_161], %swap3A_164 {strides = array<i32>} : memref<40x128xf32, #tpu.memory_space<vmem>>, vector<1x16xf32>,
        %get3A_165 = arith.index_cast %add3A_138 : i32 to index
        %get3A_166 = arith.constant 32 : index
        %get3A_167 = tpu.vector_load %arg11[%get3A_165, %get3A_166] {strides = array<i32>} : memref<40x128xf32, #tpu.memory_space<vmem>>, vector<1x16xf32>,
        %get3A_168 = vector.shape_cast %get3A_167 : vector<1x16xf32> to vector<16xf32>
        %get3A_169 = arith.index_cast %add3A_138 : i32 to index
        %get3A_170 = arith.constant 32 : index
        %get3A_171 = tpu.vector_load %arg13[%get3A_169, %get3A_170] {strides = array<i32>} : memref<40x128xf32, #tpu.memory_space<vmem>>, vector<1x16xf32>,
        %get3A_172 = vector.shape_cast %get3A_171 : vector<1x16xf32> to vector<16xf32>
        %mul3A_173 = arith.mulf %get3A_168, %get3A_172 : vector<16xf32>
        %swap3A_174 = arith.index_cast %add3A_138 : i32 to index
        %swap3A_175 = arith.constant 32 : index
        %swap3A_176 = tpu.vector_load %arg15[%swap3A_174, %swap3A_175] {strides = array<i32>} : memref<40x128xf32, #tpu.memory_space<vmem>>, vector<1x16xf32>,
        %swap3A_177 = vector.shape_cast %swap3A_176 : vector<1x16xf32> to vector<16xf32>
        %swap3A_178 = vector.shape_cast %mul3A_173 : vector<16xf32> to vector<1x16xf32>
        tpu.vector_store %arg15[%swap3A_174, %swap3A_175], %swap3A_178 {strides = array<i32>} : memref<40x128xf32, #tpu.memory_space<vmem>>, vector<1x16xf32>,
        %get3A_179 = arith.index_cast %add3A_138 : i32 to index
        %get3A_180 = arith.constant 48 : index
        %get3A_181 = tpu.vector_load %arg11[%get3A_179, %get3A_180] {strides = array<i32>} : memref<40x128xf32, #tpu.memory_space<vmem>>, vector<1x16xf32>,
        %get3A_182 = vector.shape_cast %get3A_181 : vector<1x16xf32> to vector<16xf32>
        %get3A_183 = arith.index_cast %add3A_138 : i32 to index
        %get3A_184 = arith.constant 48 : index
        %get3A_185 = tpu.vector_load %arg13[%get3A_183, %get3A_184] {strides = array<i32>} : memref<40x128xf32, #tpu.memory_space<vmem>>, vector<1x16xf32>,
        %get3A_186 = vector.shape_cast %get3A_185 : vector<1x16xf32> to vector<16xf32>
        %mul3A_187 = arith.mulf %get3A_182, %get3A_186 : vector<16xf32>
        %swap3A_188 = arith.index_cast %add3A_138 : i32 to index
        %swap3A_189 = arith.constant 48 : index
        %swap3A_190 = tpu.vector_load %arg15[%swap3A_188, %swap3A_189] {strides = array<i32>} : memref<40x128xf32, #tpu.memory_space<vmem>>, vector<1x16xf32>,
        %swap3A_191 = vector.shape_cast %swap3A_190 : vector<1x16xf32> to vector<16xf32>
        %swap3A_192 = vector.shape_cast %mul3A_187 : vector<16xf32> to vector<1x16xf32>
        tpu.vector_store %arg15[%swap3A_188, %swap3A_189], %swap3A_192 {strides = array<i32>} : memref<40x128xf32, #tpu.memory_space<vmem>>, vector<1x16xf32>,
        %get3A_193 = arith.index_cast %add3A_138 : i32 to index
        %get3A_194 = arith.constant 64 : index
        %get3A_195 = tpu.vector_load %arg11[%get3A_193, %get3A_194] {strides = array<i32>} : memref<40x128xf32, #tpu.memory_space<vmem>>, vector<1x16xf32>,
        %get3A_196 = vector.shape_cast %get3A_195 : vector<1x16xf32> to vector<16xf32>
        %get3A_197 = arith.index_cast %add3A_138 : i32 to index
        %get3A_198 = arith.constant 64 : index
        %get3A_199 = tpu.vector_load %arg13[%get3A_197, %get3A_198] {strides = array<i32>} : memref<40x128xf32, #tpu.memory_space<vmem>>, vector<1x16xf32>,
        %get3A_200 = vector.shape_cast %get3A_199 : vector<1x16xf32> to vector<16xf32>
        %mul3A_201 = arith.mulf %get3A_196, %get3A_200 : vector<16xf32>
        %swap3A_202 = arith.index_cast %add3A_138 : i32 to index
        %swap3A_203 = arith.constant 64 : index
        %swap3A_204 = tpu.vector_load %arg15[%swap3A_202, %swap3A_203] {strides = array<i32>} : memref<40x128xf32, #tpu.memory_space<vmem>>, vector<1x16xf32>,
        %swap3A_205 = vector.shape_cast %swap3A_204 : vector<1x16xf32> to vector<16xf32>
        %swap3A_206 = vector.shape_cast %mul3A_201 : vector<16xf32> to vector<1x16xf32>
        tpu.vector_store %arg15[%swap3A_202, %swap3A_203], %swap3A_206 {strides = array<i32>} : memref<40x128xf32, #tpu.memory_space<vmem>>, vector<1x16xf32>,
        %get3A_207 = arith.index_cast %add3A_138 : i32 to index
        %get3A_208 = arith.constant 80 : index
        %get3A_209 = tpu.vector_load %arg11[%get3A_207, %get3A_208] {strides = array<i32>} : memref<40x128xf32, #tpu.memory_space<vmem>>, vector<1x16xf32>,
        %get3A_210 = vector.shape_cast %get3A_209 : vector<1x16xf32> to vector<16xf32>
        %get3A_211 = arith.index_cast %add3A_138 : i32 to index
        %get3A_212 = arith.constant 80 : index
        %get3A_213 = tpu.vector_load %arg13[%get3A_211, %get3A_212] {strides = array<i32>} : memref<40x128xf32, #tpu.memory_space<vmem>>, vector<1x16xf32>,
        %get3A_214 = vector.shape_cast %get3A_213 : vector<1x16xf32> to vector<16xf32>
        %mul3A_215 = arith.mulf %get3A_210, %get3A_214 : vector<16xf32>
        %swap3A_216 = arith.index_cast %add3A_138 : i32 to index
        %swap3A_217 = arith.constant 80 : index
        %swap3A_218 = tpu.vector_load %arg15[%swap3A_216, %swap3A_217] {strides = array<i32>} : memref<40x128xf32, #tpu.memory_space<vmem>>, vector<1x16xf32>,
        %swap3A_219 = vector.shape_cast %swap3A_218 : vector<1x16xf32> to vector<16xf32>
        %swap3A_220 = vector.shape_cast %mul3A_215 : vector<16xf32> to vector<1x16xf32>
        tpu.vector_store %arg15[%swap3A_216, %swap3A_217], %swap3A_220 {strides = array<i32>} : memref<40x128xf32, #tpu.memory_space<vmem>>, vector<1x16xf32>,
        %get3A_221 = arith.index_cast %add3A_138 : i32 to index
        %get3A_222 = arith.constant 96 : index
        %get3A_223 = tpu.vector_load %arg11[%get3A_221, %get3A_222] {strides = array<i32>} : memref<40x128xf32, #tpu.memory_space<vmem>>, vector<1x16xf32>,
        %get3A_224 = vector.shape_cast %get3A_223 : vector<1x16xf32> to vector<16xf32>
        %get3A_225 = arith.index_cast %add3A_138 : i32 to index
        %get3A_226 = arith.constant 96 : index
        %get3A_227 = tpu.vector_load %arg13[%get3A_225, %get3A_226] {strides = array<i32>} : memref<40x128xf32, #tpu.memory_space<vmem>>, vector<1x16xf32>,
        %get3A_228 = vector.shape_cast %get3A_227 : vector<1x16xf32> to vector<16xf32>
        %mul3A_229 = arith.mulf %get3A_224, %get3A_228 : vector<16xf32>
        %swap3A_230 = arith.index_cast %add3A_138 : i32 to index
        %swap3A_231 = arith.constant 96 : index
        %swap3A_232 = tpu.vector_load %arg15[%swap3A_230, %swap3A_231] {strides = array<i32>} : memref<40x128xf32, #tpu.memory_space<vmem>>, vector<1x16xf32>,
        %swap3A_233 = vector.shape_cast %swap3A_232 : vector<1x16xf32> to vector<16xf32>
        %swap3A_234 = vector.shape_cast %mul3A_229 : vector<16xf32> to vector<1x16xf32>
        tpu.vector_store %arg15[%swap3A_230, %swap3A_231], %swap3A_234 {strides = array<i32>} : memref<40x128xf32, #tpu.memory_space<vmem>>, vector<1x16xf32>,
        %get3A_235 = arith.index_cast %add3A_138 : i32 to index
        %get3A_236 = arith.constant 112 : index
        %get3A_237 = tpu.vector_load %arg11[%get3A_235, %get3A_236] {strides = array<i32>} : memref<40x128xf32, #tpu.memory_space<vmem>>, vector<1x16xf32>,
        %get3A_238 = vector.shape_cast %get3A_237 : vector<1x16xf32> to vector<16xf32>
        %get3A_239 = arith.index_cast %add3A_138 : i32 to index
        %get3A_240 = arith.constant 112 : index
        %get3A_241 = tpu.vector_load %arg13[%get3A_239, %get3A_240] {strides = array<i32>} : memref<40x128xf32, #tpu.memory_space<vmem>>, vector<1x16xf32>,
        %get3A_242 = vector.shape_cast %get3A_241 : vector<1x16xf32> to vector<16xf32>
        %mul3A_243 = arith.mulf %get3A_238, %get3A_242 : vector<16xf32>
        %swap3A_244 = arith.index_cast %add3A_138 : i32 to index
        %swap3A_245 = arith.constant 112 : index
        %swap3A_246 = tpu.vector_load %arg15[%swap3A_244, %swap3A_245] {strides = array<i32>} : memref<40x128xf32, #tpu.memory_space<vmem>>, vector<1x16xf32>,
        %swap3A_247 = vector.shape_cast %swap3A_246 : vector<1x16xf32> to vector<16xf32>
        %swap3A_248 = vector.shape_cast %mul3A_243 : vector<16xf32> to vector<1x16xf32>
        tpu.vector_store %arg15[%swap3A_244, %swap3A_245], %swap3A_248 {strides = array<i32>} : memref<40x128xf32, #tpu.memory_space<vmem>>, vector<1x16xf32>,
        %mul3A_249 = arith.constant 2 : i32
        %mul3A_250 = arith.muli %scan3A_133, %mul3A_249 : i32
        %add3A_251 = arith.constant 1 : i32
        %add3A_252 = arith.addi %mul3A_250, %add3A_251 : i32
        %get3A_253 = arith.index_cast %add3A_252 : i32 to index
        %get3A_254 = arith.constant 0 : index
        %get3A_255 = tpu.vector_load %arg11[%get3A_253, %get3A_254] {strides = array<i32>} : memref<40x128xf32, #tpu.memory_space<vmem>>, vector<1x16xf32>,
        %get3A_256 = vector.shape_cast %get3A_255 : vector<1x16xf32> to vector<16xf32>
        %get3A_257 = arith.index_cast %add3A_252 : i32 to index
        %get3A_258 = arith.constant 0 : index
        %get3A_259 = tpu.vector_load %arg13[%get3A_257, %get3A_258] {strides = array<i32>} : memref<40x128xf32, #tpu.memory_space<vmem>>, vector<1x16xf32>,
        %get3A_260 = vector.shape_cast %get3A_259 : vector<1x16xf32> to vector<16xf32>
        %mul3A_261 = arith.mulf %get3A_256, %get3A_260 : vector<16xf32>
        %swap3A_262 = arith.index_cast %add3A_252 : i32 to index
        %swap3A_263 = arith.constant 0 : index
        %swap3A_264 = tpu.vector_load %arg15[%swap3A_262, %swap3A_263] {strides = array<i32>} : memref<40x128xf32, #tpu.memory_space<vmem>>, vector<1x16xf32>,
        %swap3A_265 = vector.shape_cast %swap3A_264 : vector<1x16xf32> to vector<16xf32>
        %swap3A_266 = vector.shape_cast %mul3A_261 : vector<16xf32> to vector<1x16xf32>
        tpu.vector_store %arg15[%swap3A_262, %swap3A_263], %swap3A_266 {strides = array<i32>} : memref<40x128xf32, #tpu.memory_space<vmem>>, vector<1x16xf32>,
        %get3A_267 = arith.index_cast %add3A_252 : i32 to index
        %get3A_268 = arith.constant 16 : index
        %get3A_269 = tpu.vector_load %arg11[%get3A_267, %get3A_268] {strides = array<i32>} : memref<40x128xf32, #tpu.memory_space<vmem>>, vector<1x16xf32>,
        %get3A_270 = vector.shape_cast %get3A_269 : vector<1x16xf32> to vector<16xf32>
        %get3A_271 = arith.index_cast %add3A_252 : i32 to index
        %get3A_272 = arith.constant 16 : index
        %get3A_273 = tpu.vector_load %arg13[%get3A_271, %get3A_272] {strides = array<i32>} : memref<40x128xf32, #tpu.memory_space<vmem>>, vector<1x16xf32>,
        %get3A_274 = vector.shape_cast %get3A_273 : vector<1x16xf32> to vector<16xf32>
        %mul3A_275 = arith.mulf %get3A_270, %get3A_274 : vector<16xf32>
        %swap3A_276 = arith.index_cast %add3A_252 : i32 to index
        %swap3A_277 = arith.constant 16 : index
        %swap3A_278 = tpu.vector_load %arg15[%swap3A_276, %swap3A_277] {strides = array<i32>} : memref<40x128xf32, #tpu.memory_space<vmem>>, vector<1x16xf32>,
        %swap3A_279 = vector.shape_cast %swap3A_278 : vector<1x16xf32> to vector<16xf32>
        %swap3A_280 = vector.shape_cast %mul3A_275 : vector<16xf32> to vector<1x16xf32>
        tpu.vector_store %arg15[%swap3A_276, %swap3A_277], %swap3A_280 {strides = array<i32>} : memref<40x128xf32, #tpu.memory_space<vmem>>, vector<1x16xf32>,
        %get3A_281 = arith.index_cast %add3A_252 : i32 to index
        %get3A_282 = arith.constant 32 : index
        %get3A_283 = tpu.vector_load %arg11[%get3A_281, %get3A_282] {strides = array<i32>} : memref<40x128xf32, #tpu.memory_space<vmem>>, vector<1x16xf32>,
        %get3A_284 = vector.shape_cast %get3A_283 : vector<1x16xf32> to vector<16xf32>
        %get3A_285 = arith.index_cast %add3A_252 : i32 to index
        %get3A_286 = arith.constant 32 : index
        %get3A_287 = tpu.vector_load %arg13[%get3A_285, %get3A_286] {strides = array<i32>} : memref<40x128xf32, #tpu.memory_space<vmem>>, vector<1x16xf32>,
        %get3A_288 = vector.shape_cast %get3A_287 : vector<1x16xf32> to vector<16xf32>
        %mul3A_289 = arith.mulf %get3A_284, %get3A_288 : vector<16xf32>
        %swap3A_290 = arith.index_cast %add3A_252 : i32 to index
        %swap3A_291 = arith.constant 32 : index
        %swap3A_292 = tpu.vector_load %arg15[%swap3A_290, %swap3A_291] {strides = array<i32>} : memref<40x128xf32, #tpu.memory_space<vmem>>, vector<1x16xf32>,
        %swap3A_293 = vector.shape_cast %swap3A_292 : vector<1x16xf32> to vector<16xf32>
        %swap3A_294 = vector.shape_cast %mul3A_289 : vector<16xf32> to vector<1x16xf32>
        tpu.vector_store %arg15[%swap3A_290, %swap3A_291], %swap3A_294 {strides = array<i32>} : memref<40x128xf32, #tpu.memory_space<vmem>>, vector<1x16xf32>,
        %get3A_295 = arith.index_cast %add3A_252 : i32 to index
        %get3A_296 = arith.constant 48 : index
        %get3A_297 = tpu.vector_load %arg11[%get3A_295, %get3A_296] {strides = array<i32>} : memref<40x128xf32, #tpu.memory_space<vmem>>, vector<1x16xf32>,
        %get3A_298 = vector.shape_cast %get3A_297 : vector<1x16xf32> to vector<16xf32>
        %get3A_299 = arith.index_cast %add3A_252 : i32 to index
        %get3A_300 = arith.constant 48 : index
        %get3A_301 = tpu.vector_load %arg13[%get3A_299, %get3A_300] {strides = array<i32>} : memref<40x128xf32, #tpu.memory_space<vmem>>, vector<1x16xf32>,
        %get3A_302 = vector.shape_cast %get3A_301 : vector<1x16xf32> to vector<16xf32>
        %mul3A_303 = arith.mulf %get3A_298, %get3A_302 : vector<16xf32>
        %swap3A_304 = arith.index_cast %add3A_252 : i32 to index
        %swap3A_305 = arith.constant 48 : index
        %swap3A_306 = tpu.vector_load %arg15[%swap3A_304, %swap3A_305] {strides = array<i32>} : memref<40x128xf32, #tpu.memory_space<vmem>>, vector<1x16xf32>,
        %swap3A_307 = vector.shape_cast %swap3A_306 : vector<1x16xf32> to vector<16xf32>
        %swap3A_308 = vector.shape_cast %mul3A_303 : vector<16xf32> to vector<1x16xf32>
        tpu.vector_store %arg15[%swap3A_304, %swap3A_305], %swap3A_308 {strides = array<i32>} : memref<40x128xf32, #tpu.memory_space<vmem>>, vector<1x16xf32>,
        %get3A_309 = arith.index_cast %add3A_252 : i32 to index
        %get3A_310 = arith.constant 64 : index
        %get3A_311 = tpu.vector_load %arg11[%get3A_309, %get3A_310] {strides = array<i32>} : memref<40x128xf32, #tpu.memory_space<vmem>>, vector<1x16xf32>,
        %get3A_312 = vector.shape_cast %get3A_311 : vector<1x16xf32> to vector<16xf32>
        %get3A_313 = arith.index_cast %add3A_252 : i32 to index
        %get3A_314 = arith.constant 64 : index
        %get3A_315 = tpu.vector_load %arg13[%get3A_313, %get3A_314] {strides = array<i32>} : memref<40x128xf32, #tpu.memory_space<vmem>>, vector<1x16xf32>,
        %get3A_316 = vector.shape_cast %get3A_315 : vector<1x16xf32> to vector<16xf32>
        %mul3A_317 = arith.mulf %get3A_312, %get3A_316 : vector<16xf32>
        %swap3A_318 = arith.index_cast %add3A_252 : i32 to index
        %swap3A_319 = arith.constant 64 : index
        %swap3A_320 = tpu.vector_load %arg15[%swap3A_318, %swap3A_319] {strides = array<i32>} : memref<40x128xf32, #tpu.memory_space<vmem>>, vector<1x16xf32>,
        %swap3A_321 = vector.shape_cast %swap3A_320 : vector<1x16xf32> to vector<16xf32>
        %swap3A_322 = vector.shape_cast %mul3A_317 : vector<16xf32> to vector<1x16xf32>
        tpu.vector_store %arg15[%swap3A_318, %swap3A_319], %swap3A_322 {strides = array<i32>} : memref<40x128xf32, #tpu.memory_space<vmem>>, vector<1x16xf32>,
        %get3A_323 = arith.index_cast %add3A_252 : i32 to index
        %get3A_324 = arith.constant 80 : index
        %get3A_325 = tpu.vector_load %arg11[%get3A_323, %get3A_324] {strides = array<i32>} : memref<40x128xf32, #tpu.memory_space<vmem>>, vector<1x16xf32>,
        %get3A_326 = vector.shape_cast %get3A_325 : vector<1x16xf32> to vector<16xf32>
        %get3A_327 = arith.index_cast %add3A_252 : i32 to index
        %get3A_328 = arith.constant 80 : index
        %get3A_329 = tpu.vector_load %arg13[%get3A_327, %get3A_328] {strides = array<i32>} : memref<40x128xf32, #tpu.memory_space<vmem>>, vector<1x16xf32>,
        %get3A_330 = vector.shape_cast %get3A_329 : vector<1x16xf32> to vector<16xf32>
        %mul3A_331 = arith.mulf %get3A_326, %get3A_330 : vector<16xf32>
        %swap3A_332 = arith.index_cast %add3A_252 : i32 to index
        %swap3A_333 = arith.constant 80 : index
        %swap3A_334 = tpu.vector_load %arg15[%swap3A_332, %swap3A_333] {strides = array<i32>} : memref<40x128xf32, #tpu.memory_space<vmem>>, vector<1x16xf32>,
        %swap3A_335 = vector.shape_cast %swap3A_334 : vector<1x16xf32> to vector<16xf32>
        %swap3A_336 = vector.shape_cast %mul3A_331 : vector<16xf32> to vector<1x16xf32>
        tpu.vector_store %arg15[%swap3A_332, %swap3A_333], %swap3A_336 {strides = array<i32>} : memref<40x128xf32, #tpu.memory_space<vmem>>, vector<1x16xf32>,
        %get3A_337 = arith.index_cast %add3A_252 : i32 to index
        %get3A_338 = arith.constant 96 : index
        %get3A_339 = tpu.vector_load %arg11[%get3A_337, %get3A_338] {strides = array<i32>} : memref<40x128xf32, #tpu.memory_space<vmem>>, vector<1x16xf32>,
        %get3A_340 = vector.shape_cast %get3A_339 : vector<1x16xf32> to vector<16xf32>
        %get3A_341 = arith.index_cast %add3A_252 : i32 to index
        %get3A_342 = arith.constant 96 : index
        %get3A_343 = tpu.vector_load %arg13[%get3A_341, %get3A_342] {strides = array<i32>} : memref<40x128xf32, #tpu.memory_space<vmem>>, vector<1x16xf32>,
        %get3A_344 = vector.shape_cast %get3A_343 : vector<1x16xf32> to vector<16xf32>
        %mul3A_345 = arith.mulf %get3A_340, %get3A_344 : vector<16xf32>
        %swap3A_346 = arith.index_cast %add3A_252 : i32 to index
        %swap3A_347 = arith.constant 96 : index
        %swap3A_348 = tpu.vector_load %arg15[%swap3A_346, %swap3A_347] {strides = array<i32>} : memref<40x128xf32, #tpu.memory_space<vmem>>, vector<1x16xf32>,
        %swap3A_349 = vector.shape_cast %swap3A_348 : vector<1x16xf32> to vector<16xf32>
        %swap3A_350 = vector.shape_cast %mul3A_345 : vector<16xf32> to vector<1x16xf32>
        tpu.vector_store %arg15[%swap3A_346, %swap3A_347], %swap3A_350 {strides = array<i32>} : memref<40x128xf32, #tpu.memory_space<vmem>>, vector<1x16xf32>,
        %get3A_351 = arith.index_cast %add3A_252 : i32 to index
        %get3A_352 = arith.constant 112 : index
        %get3A_353 = tpu.vector_load %arg11[%get3A_351, %get3A_352] {strides = array<i32>} : memref<40x128xf32, #tpu.memory_space<vmem>>, vector<1x16xf32>,
        %get3A_354 = vector.shape_cast %get3A_353 : vector<1x16xf32> to vector<16xf32>
        %get3A_355 = arith.index_cast %add3A_252 : i32 to index
        %get3A_356 = arith.constant 112 : index
        %get3A_357 = tpu.vector_load %arg13[%get3A_355, %get3A_356] {strides = array<i32>} : memref<40x128xf32, #tpu.memory_space<vmem>>, vector<1x16xf32>,
        %get3A_358 = vector.shape_cast %get3A_357 : vector<1x16xf32> to vector<16xf32>
        %mul3A_359 = arith.mulf %get3A_354, %get3A_358 : vector<16xf32>
        %swap3A_360 = arith.index_cast %add3A_252 : i32 to index
        %swap3A_361 = arith.constant 112 : index
        %swap3A_362 = tpu.vector_load %arg15[%swap3A_360, %swap3A_361] {strides = array<i32>} : memref<40x128xf32, #tpu.memory_space<vmem>>, vector<1x16xf32>,
        %swap3A_363 = vector.shape_cast %swap3A_362 : vector<1x16xf32> to vector<16xf32>
        %swap3A_364 = vector.shape_cast %mul3A_359 : vector<16xf32> to vector<1x16xf32>
        tpu.vector_store %arg15[%swap3A_360, %swap3A_361], %swap3A_364 {strides = array<i32>} : memref<40x128xf32, #tpu.memory_space<vmem>>, vector<1x16xf32>,
        %scan3A_365 = arith.constant 0 : i32
        scf.yield %scan3A_365 : i32
      }
      %scan3A_90 = arith.constant 20 : i32
      "tpu.region"() ({
        %run_scoped3A = tpu.sem_alloc : memref<!tpu.dma_semaphore, #tpu.memory_space<semaphore_mem>>
        %dma_start3A_133 = arith.constant 0 : i32
        %dma_start3A_134 = arith.constant 0 : i32
        %dma_start3A_135 = tpu.memref_slice %arg17[%dma_start3A_133, %dma_start3A_134] : memref<10000x128xf32, #tpu.memory_space<vmem_shared>> -> memref<10000x128xf32, #tpu.memory_space<vmem_shared>>
        tpu.enqueue_indirect_dma source(%arg15 : memref<40x128xf32, #tpu.memory_space<vmem>>) target(%dma_start3A_135 : memref<10000x128xf32, #tpu.memory_space<vmem_shared>>) offsets(%arg9 : memref<40xi32, #tpu.memory_space<vmem>>) semaphore(%run_scoped3A : memref<!tpu.dma_semaphore, #tpu.memory_space<semaphore_mem>>) {add = true}
        %dma_wait3A_136 = arith.constant 0 : i32
        %dma_wait3A_137 = arith.constant 0 : i32
        %dma_wait3A_138 = tpu.memref_slice %arg17[%dma_wait3A_136, %dma_wait3A_137] : memref<10000x128xf32, #tpu.memory_space<vmem_shared>> -> memref<10000x128xf32, #tpu.memory_space<vmem_shared>>
        tpu.wait_indirect_dma semaphore(%run_scoped3A : memref<!tpu.dma_semaphore, #tpu.memory_space<semaphore_mem>>) src(%arg15 : memref<40x128xf32, #tpu.memory_space<vmem>>) dst(%dma_wait3A_138 : memref<10000x128xf32, #tpu.memory_space<vmem_shared>>)
        tpu.yield
      }) : () -> ()
      %add3A_91 = arith.constant 2 : i32
      %add3A_92 = arith.addi %mul3A_70, %add3A_91 : i32
      %lt3A_93 = arith.constant 100 : i32
      %lt3A_94 = arith.cmpi slt, %add3A_92, %lt3A_93 : i32
      %convert_element_type3A_95 = arith.extui %lt3A_94 : i1 to i32
      %cond3A_96 = arith.constant 0 : i32
      %cond3A_97 = arith.cmpi ne, %convert_element_type3A_95, %cond3A_96 : i32
      scf.if %cond3A_97 {
        %add3A_133 = arith.constant 2 : i32
        %add3A_134 = arith.addi %mul3A_70, %add3A_133 : i32
        %mul3A_135 = arith.constant 4000 : i32
        %mul3A_136 = arith.muli %add3A, %mul3A_135 : i32
        %add3A_137 = arith.constant 64000 : i32
        %add3A_138 = arith.addi %add3A_137, %mul3A_136 : i32
        %mul3A_139 = arith.constant 40 : i32
        %mul3A_140 = arith.muli %add3A_134, %mul3A_139 : i32
        %add3A_141 = arith.addi %add3A_138, %mul3A_140 : i32
        %dma_start3A_142 = tpu.memref_slice %arg4[%add3A_141] : memref<320000xi32, #tpu.memory_space<hbm>> -> memref<40xi32, #tpu.memory_space<hbm>>
        %dma_start3A_143 = tpu.memref_slice %arg4[%add3A_141] : memref<320000xi32, #tpu.memory_space<hbm>> -> memref<40xi32, #tpu.memory_space<hbm>>
        tpu.enqueue_dma source(%dma_start3A_143 : memref<40xi32, #tpu.memory_space<hbm>>) target(%arg7 : memref<40xi32, #tpu.memory_space<vmem>>) target_semaphore(%arg18 : memref<!tpu.dma_semaphore, #tpu.memory_space<semaphore_mem>>)
        %dma_start3A_144 = tpu.memref_slice %arg5[%add3A_141] : memref<320000xi32, #tpu.memory_space<hbm>> -> memref<40xi32, #tpu.memory_space<hbm>>
        %dma_start3A_145 = tpu.memref_slice %arg5[%add3A_141] : memref<320000xi32, #tpu.memory_space<hbm>> -> memref<40xi32, #tpu.memory_space<hbm>>
        tpu.enqueue_dma source(%dma_start3A_145 : memref<40xi32, #tpu.memory_space<hbm>>) target(%arg9 : memref<40xi32, #tpu.memory_space<vmem>>) target_semaphore(%arg18 : memref<!tpu.dma_semaphore, #tpu.memory_space<semaphore_mem>>)
      } else {
      }
      %mul3A_98 = arith.constant 2 : i32
      %mul3A_99 = arith.muli %scan3A_67, %mul3A_98 : i32
      %add3A_100 = arith.constant 1 : i32
      %add3A_101 = arith.addi %mul3A_99, %add3A_100 : i32
      %add3A_102 = arith.constant 1 : i32
      %add3A_103 = arith.addi %add3A_101, %add3A_102 : i32
      %lt3A_104 = arith.constant 100 : i32
      %lt3A_105 = arith.cmpi slt, %add3A_103, %lt3A_104 : i32
      %convert_element_type3A_106 = arith.extui %lt3A_105 : i1 to i32
      %cond3A_107 = arith.constant 0 : i32
      %cond3A_108 = arith.cmpi ne, %convert_element_type3A_106, %cond3A_107 : i32
      scf.if %cond3A_108 {
        %dma_wait3A_133 = arith.constant 0 : i32
        %dma_wait3A_134 = tpu.memref_slice %arg4[%dma_wait3A_133] : memref<320000xi32, #tpu.memory_space<hbm>> -> memref<40xi32, #tpu.memory_space<hbm>>
        %dma_wait3A_135 = arith.constant 0 : i32
        %dma_wait3A_136 = tpu.memref_slice %arg4[%dma_wait3A_135] : memref<320000xi32, #tpu.memory_space<hbm>> -> memref<40xi32, #tpu.memory_space<hbm>>
        tpu.wait_dma2 semaphore(%arg18 : memref<!tpu.dma_semaphore, #tpu.memory_space<semaphore_mem>>) src(%dma_wait3A_136 : memref<40xi32, #tpu.memory_space<hbm>>) dst(%arg7 : memref<40xi32, #tpu.memory_space<vmem>>)
        %dma_wait3A_137 = arith.constant 0 : i32
        %dma_wait3A_138 = tpu.memref_slice %arg5[%dma_wait3A_137] : memref<320000xi32, #tpu.memory_space<hbm>> -> memref<40xi32, #tpu.memory_space<hbm>>
        %dma_wait3A_139 = arith.constant 0 : i32
        %dma_wait3A_140 = tpu.memref_slice %arg5[%dma_wait3A_139] : memref<320000xi32, #tpu.memory_space<hbm>> -> memref<40xi32, #tpu.memory_space<hbm>>
        tpu.wait_dma2 semaphore(%arg18 : memref<!tpu.dma_semaphore, #tpu.memory_space<semaphore_mem>>) src(%dma_wait3A_140 : memref<40xi32, #tpu.memory_space<hbm>>) dst(%arg9 : memref<40xi32, #tpu.memory_space<vmem>>)
        %add3A_141 = arith.constant 1 : i32
        %add3A_142 = arith.addi %add3A_101, %add3A_141 : i32
        %mul3A_143 = arith.constant 4000 : i32
        %mul3A_144 = arith.muli %add3A, %mul3A_143 : i32
        %mul3A_145 = arith.constant 40 : i32
        %mul3A_146 = arith.muli %add3A_142, %mul3A_145 : i32
        %add3A_147 = arith.addi %mul3A_144, %mul3A_146 : i32
        %dma_start3A_148 = arith.constant 0 : i32
        %dma_start3A_149 = arith.constant 0 : i32
        %dma_start3A_150 = tpu.memref_slice %arg2[%dma_start3A_148, %dma_start3A_149] : memref<10000x128xf32, #tpu.memory_space<hbm>> -> memref<10000x128xf32, #tpu.memory_space<hbm>>
        tpu.enqueue_indirect_dma source(%dma_start3A_150 : memref<10000x128xf32, #tpu.memory_space<hbm>>) target(%arg11 : memref<40x128xf32, #tpu.memory_space<vmem>>) offsets(%arg7 : memref<40xi32, #tpu.memory_space<vmem>>) semaphore(%arg20 : memref<!tpu.dma_semaphore, #tpu.memory_space<semaphore_mem>>)
        %dma_start3A_151 = arith.constant 0 : i32
        %dma_start3A_152 = tpu.memref_slice %arg3[%add3A_147, %dma_start3A_151] : memref<128000x128xf32, #tpu.memory_space<hbm>> -> memref<40x128xf32, #tpu.memory_space<hbm>>
        %dma_start3A_153 = arith.constant 0 : i32
        %dma_start3A_154 = tpu.memref_slice %arg3[%add3A_147, %dma_start3A_153] : memref<128000x128xf32, #tpu.memory_space<hbm>> -> memref<40x128xf32, #tpu.memory_space<hbm>>
        tpu.enqueue_dma source(%dma_start3A_154 : memref<40x128xf32, #tpu.memory_space<hbm>>) target(%arg13 : memref<40x128xf32, #tpu.memory_space<vmem>>) target_semaphore(%arg22 : memref<!tpu.dma_semaphore, #tpu.memory_space<semaphore_mem>>)
      } else {
      }
      %dma_wait3A_109 = arith.constant 0 : i32
      %dma_wait3A_110 = arith.constant 0 : i32
      %dma_wait3A_111 = tpu.memref_slice %arg2[%dma_wait3A_109, %dma_wait3A_110] : memref<10000x128xf32, #tpu.memory_space<hbm>> -> memref<10000x128xf32, #tpu.memory_space<hbm>>
      tpu.wait_indirect_dma semaphore(%arg21 : memref<!tpu.dma_semaphore, #tpu.memory_space<semaphore_mem>>) src(%dma_wait3A_111 : memref<10000x128xf32, #tpu.memory_space<hbm>>) dst(%arg12 : memref<40x128xf32, #tpu.memory_space<vmem>>)
      %dma_wait3A_112 = arith.constant 0 : i32
      %dma_wait3A_113 = arith.constant 0 : i32
      %dma_wait3A_114 = tpu.memref_slice %arg3[%dma_wait3A_112, %dma_wait3A_113] : memref<128000x128xf32, #tpu.memory_space<hbm>> -> memref<40x128xf32, #tpu.memory_space<hbm>>
      %dma_wait3A_115 = arith.constant 0 : i32
      %dma_wait3A_116 = arith.constant 0 : i32
      %dma_wait3A_117 = tpu.memref_slice %arg3[%dma_wait3A_115, %dma_wait3A_116] : memref<128000x128xf32, #tpu.memory_space<hbm>> -> memref<40x128xf32, #tpu.memory_space<hbm>>
      tpu.wait_dma2 semaphore(%arg23 : memref<!tpu.dma_semaphore, #tpu.memory_space<semaphore_mem>>) src(%dma_wait3A_117 : memref<40x128xf32, #tpu.memory_space<hbm>>) dst(%arg14 : memref<40x128xf32, #tpu.memory_space<vmem>>)
      %scan3A_118 = arith.constant 0 : i32
      %scan3A_119 = arith.constant 0 : i32
      %scan3A_120 = arith.constant 20 : i32
      %scan3A_121 = arith.addi %scan3A_119, %scan3A_120 : i32
      %scan3A_122 = arith.constant 1 : i32
      %scan3A_123 = scf.for %scan3A_133 = %scan3A_119 to %scan3A_121 step %scan3A_122 iter_args(%scan3A_134 = %scan3A_118) -> (i32)  : i32 {
        %mul3A_135 = arith.constant 2 : i32
        %mul3A_136 = arith.muli %scan3A_133, %mul3A_135 : i32
        %add3A_137 = arith.constant 0 : i32
        %add3A_138 = arith.addi %mul3A_136, %add3A_137 : i32
        %get3A = arith.index_cast %add3A_138 : i32 to index
        %get3A_139 = arith.constant 0 : index
        %get3A_140 = tpu.vector_load %arg12[%get3A, %get3A_139] {strides = array<i32>} : memref<40x128xf32, #tpu.memory_space<vmem>>, vector<1x16xf32>,
        %get3A_141 = vector.shape_cast %get3A_140 : vector<1x16xf32> to vector<16xf32>
        %get3A_142 = arith.index_cast %add3A_138 : i32 to index
        %get3A_143 = arith.constant 0 : index
        %get3A_144 = tpu.vector_load %arg14[%get3A_142, %get3A_143] {strides = array<i32>} : memref<40x128xf32, #tpu.memory_space<vmem>>, vector<1x16xf32>,
        %get3A_145 = vector.shape_cast %get3A_144 : vector<1x16xf32> to vector<16xf32>
        %mul3A_146 = arith.mulf %get3A_141, %get3A_145 : vector<16xf32>
        %swap3A = arith.index_cast %add3A_138 : i32 to index
        %swap3A_147 = arith.constant 0 : index
        %swap3A_148 = tpu.vector_load %arg16[%swap3A, %swap3A_147] {strides = array<i32>} : memref<40x128xf32, #tpu.memory_space<vmem>>, vector<1x16xf32>,
        %swap3A_149 = vector.shape_cast %swap3A_148 : vector<1x16xf32> to vector<16xf32>
        %swap3A_150 = vector.shape_cast %mul3A_146 : vector<16xf32> to vector<1x16xf32>
        tpu.vector_store %arg16[%swap3A, %swap3A_147], %swap3A_150 {strides = array<i32>} : memref<40x128xf32, #tpu.memory_space<vmem>>, vector<1x16xf32>,
        %get3A_151 = arith.index_cast %add3A_138 : i32 to index
        %get3A_152 = arith.constant 16 : index
        %get3A_153 = tpu.vector_load %arg12[%get3A_151, %get3A_152] {strides = array<i32>} : memref<40x128xf32, #tpu.memory_space<vmem>>, vector<1x16xf32>,
        %get3A_154 = vector.shape_cast %get3A_153 : vector<1x16xf32> to vector<16xf32>
        %get3A_155 = arith.index_cast %add3A_138 : i32 to index
        %get3A_156 = arith.constant 16 : index
        %get3A_157 = tpu.vector_load %arg14[%get3A_155, %get3A_156] {strides = array<i32>} : memref<40x128xf32, #tpu.memory_space<vmem>>, vector<1x16xf32>,
        %get3A_158 = vector.shape_cast %get3A_157 : vector<1x16xf32> to vector<16xf32>
        %mul3A_159 = arith.mulf %get3A_154, %get3A_158 : vector<16xf32>
        %swap3A_160 = arith.index_cast %add3A_138 : i32 to index
        %swap3A_161 = arith.constant 16 : index
        %swap3A_162 = tpu.vector_load %arg16[%swap3A_160, %swap3A_161] {strides = array<i32>} : memref<40x128xf32, #tpu.memory_space<vmem>>, vector<1x16xf32>,
        %swap3A_163 = vector.shape_cast %swap3A_162 : vector<1x16xf32> to vector<16xf32>
        %swap3A_164 = vector.shape_cast %mul3A_159 : vector<16xf32> to vector<1x16xf32>
        tpu.vector_store %arg16[%swap3A_160, %swap3A_161], %swap3A_164 {strides = array<i32>} : memref<40x128xf32, #tpu.memory_space<vmem>>, vector<1x16xf32>,
        %get3A_165 = arith.index_cast %add3A_138 : i32 to index
        %get3A_166 = arith.constant 32 : index
        %get3A_167 = tpu.vector_load %arg12[%get3A_165, %get3A_166] {strides = array<i32>} : memref<40x128xf32, #tpu.memory_space<vmem>>, vector<1x16xf32>,
        %get3A_168 = vector.shape_cast %get3A_167 : vector<1x16xf32> to vector<16xf32>
        %get3A_169 = arith.index_cast %add3A_138 : i32 to index
        %get3A_170 = arith.constant 32 : index
        %get3A_171 = tpu.vector_load %arg14[%get3A_169, %get3A_170] {strides = array<i32>} : memref<40x128xf32, #tpu.memory_space<vmem>>, vector<1x16xf32>,
        %get3A_172 = vector.shape_cast %get3A_171 : vector<1x16xf32> to vector<16xf32>
        %mul3A_173 = arith.mulf %get3A_168, %get3A_172 : vector<16xf32>
        %swap3A_174 = arith.index_cast %add3A_138 : i32 to index
        %swap3A_175 = arith.constant 32 : index
        %swap3A_176 = tpu.vector_load %arg16[%swap3A_174, %swap3A_175] {strides = array<i32>} : memref<40x128xf32, #tpu.memory_space<vmem>>, vector<1x16xf32>,
        %swap3A_177 = vector.shape_cast %swap3A_176 : vector<1x16xf32> to vector<16xf32>
        %swap3A_178 = vector.shape_cast %mul3A_173 : vector<16xf32> to vector<1x16xf32>
        tpu.vector_store %arg16[%swap3A_174, %swap3A_175], %swap3A_178 {strides = array<i32>} : memref<40x128xf32, #tpu.memory_space<vmem>>, vector<1x16xf32>,
        %get3A_179 = arith.index_cast %add3A_138 : i32 to index
        %get3A_180 = arith.constant 48 : index
        %get3A_181 = tpu.vector_load %arg12[%get3A_179, %get3A_180] {strides = array<i32>} : memref<40x128xf32, #tpu.memory_space<vmem>>, vector<1x16xf32>,
        %get3A_182 = vector.shape_cast %get3A_181 : vector<1x16xf32> to vector<16xf32>
        %get3A_183 = arith.index_cast %add3A_138 : i32 to index
        %get3A_184 = arith.constant 48 : index
        %get3A_185 = tpu.vector_load %arg14[%get3A_183, %get3A_184] {strides = array<i32>} : memref<40x128xf32, #tpu.memory_space<vmem>>, vector<1x16xf32>,
        %get3A_186 = vector.shape_cast %get3A_185 : vector<1x16xf32> to vector<16xf32>
        %mul3A_187 = arith.mulf %get3A_182, %get3A_186 : vector<16xf32>
        %swap3A_188 = arith.index_cast %add3A_138 : i32 to index
        %swap3A_189 = arith.constant 48 : index
        %swap3A_190 = tpu.vector_load %arg16[%swap3A_188, %swap3A_189] {strides = array<i32>} : memref<40x128xf32, #tpu.memory_space<vmem>>, vector<1x16xf32>,
        %swap3A_191 = vector.shape_cast %swap3A_190 : vector<1x16xf32> to vector<16xf32>
        %swap3A_192 = vector.shape_cast %mul3A_187 : vector<16xf32> to vector<1x16xf32>
        tpu.vector_store %arg16[%swap3A_188, %swap3A_189], %swap3A_192 {strides = array<i32>} : memref<40x128xf32, #tpu.memory_space<vmem>>, vector<1x16xf32>,
        %get3A_193 = arith.index_cast %add3A_138 : i32 to index
        %get3A_194 = arith.constant 64 : index
        %get3A_195 = tpu.vector_load %arg12[%get3A_193, %get3A_194] {strides = array<i32>} : memref<40x128xf32, #tpu.memory_space<vmem>>, vector<1x16xf32>,
        %get3A_196 = vector.shape_cast %get3A_195 : vector<1x16xf32> to vector<16xf32>
        %get3A_197 = arith.index_cast %add3A_138 : i32 to index
        %get3A_198 = arith.constant 64 : index
        %get3A_199 = tpu.vector_load %arg14[%get3A_197, %get3A_198] {strides = array<i32>} : memref<40x128xf32, #tpu.memory_space<vmem>>, vector<1x16xf32>,
        %get3A_200 = vector.shape_cast %get3A_199 : vector<1x16xf32> to vector<16xf32>
        %mul3A_201 = arith.mulf %get3A_196, %get3A_200 : vector<16xf32>
        %swap3A_202 = arith.index_cast %add3A_138 : i32 to index
        %swap3A_203 = arith.constant 64 : index
        %swap3A_204 = tpu.vector_load %arg16[%swap3A_202, %swap3A_203] {strides = array<i32>} : memref<40x128xf32, #tpu.memory_space<vmem>>, vector<1x16xf32>,
        %swap3A_205 = vector.shape_cast %swap3A_204 : vector<1x16xf32> to vector<16xf32>
        %swap3A_206 = vector.shape_cast %mul3A_201 : vector<16xf32> to vector<1x16xf32>
        tpu.vector_store %arg16[%swap3A_202, %swap3A_203], %swap3A_206 {strides = array<i32>} : memref<40x128xf32, #tpu.memory_space<vmem>>, vector<1x16xf32>,
        %get3A_207 = arith.index_cast %add3A_138 : i32 to index
        %get3A_208 = arith.constant 80 : index
        %get3A_209 = tpu.vector_load %arg12[%get3A_207, %get3A_208] {strides = array<i32>} : memref<40x128xf32, #tpu.memory_space<vmem>>, vector<1x16xf32>,
        %get3A_210 = vector.shape_cast %get3A_209 : vector<1x16xf32> to vector<16xf32>
        %get3A_211 = arith.index_cast %add3A_138 : i32 to index
        %get3A_212 = arith.constant 80 : index
        %get3A_213 = tpu.vector_load %arg14[%get3A_211, %get3A_212] {strides = array<i32>} : memref<40x128xf32, #tpu.memory_space<vmem>>, vector<1x16xf32>,
        %get3A_214 = vector.shape_cast %get3A_213 : vector<1x16xf32> to vector<16xf32>
        %mul3A_215 = arith.mulf %get3A_210, %get3A_214 : vector<16xf32>
        %swap3A_216 = arith.index_cast %add3A_138 : i32 to index
        %swap3A_217 = arith.constant 80 : index
        %swap3A_218 = tpu.vector_load %arg16[%swap3A_216, %swap3A_217] {strides = array<i32>} : memref<40x128xf32, #tpu.memory_space<vmem>>, vector<1x16xf32>,
        %swap3A_219 = vector.shape_cast %swap3A_218 : vector<1x16xf32> to vector<16xf32>
        %swap3A_220 = vector.shape_cast %mul3A_215 : vector<16xf32> to vector<1x16xf32>
        tpu.vector_store %arg16[%swap3A_216, %swap3A_217], %swap3A_220 {strides = array<i32>} : memref<40x128xf32, #tpu.memory_space<vmem>>, vector<1x16xf32>,
        %get3A_221 = arith.index_cast %add3A_138 : i32 to index
        %get3A_222 = arith.constant 96 : index
        %get3A_223 = tpu.vector_load %arg12[%get3A_221, %get3A_222] {strides = array<i32>} : memref<40x128xf32, #tpu.memory_space<vmem>>, vector<1x16xf32>,
        %get3A_224 = vector.shape_cast %get3A_223 : vector<1x16xf32> to vector<16xf32>
        %get3A_225 = arith.index_cast %add3A_138 : i32 to index
        %get3A_226 = arith.constant 96 : index
        %get3A_227 = tpu.vector_load %arg14[%get3A_225, %get3A_226] {strides = array<i32>} : memref<40x128xf32, #tpu.memory_space<vmem>>, vector<1x16xf32>,
        %get3A_228 = vector.shape_cast %get3A_227 : vector<1x16xf32> to vector<16xf32>
        %mul3A_229 = arith.mulf %get3A_224, %get3A_228 : vector<16xf32>
        %swap3A_230 = arith.index_cast %add3A_138 : i32 to index
        %swap3A_231 = arith.constant 96 : index
        %swap3A_232 = tpu.vector_load %arg16[%swap3A_230, %swap3A_231] {strides = array<i32>} : memref<40x128xf32, #tpu.memory_space<vmem>>, vector<1x16xf32>,
        %swap3A_233 = vector.shape_cast %swap3A_232 : vector<1x16xf32> to vector<16xf32>
        %swap3A_234 = vector.shape_cast %mul3A_229 : vector<16xf32> to vector<1x16xf32>
        tpu.vector_store %arg16[%swap3A_230, %swap3A_231], %swap3A_234 {strides = array<i32>} : memref<40x128xf32, #tpu.memory_space<vmem>>, vector<1x16xf32>,
        %get3A_235 = arith.index_cast %add3A_138 : i32 to index
        %get3A_236 = arith.constant 112 : index
        %get3A_237 = tpu.vector_load %arg12[%get3A_235, %get3A_236] {strides = array<i32>} : memref<40x128xf32, #tpu.memory_space<vmem>>, vector<1x16xf32>,
        %get3A_238 = vector.shape_cast %get3A_237 : vector<1x16xf32> to vector<16xf32>
        %get3A_239 = arith.index_cast %add3A_138 : i32 to index
        %get3A_240 = arith.constant 112 : index
        %get3A_241 = tpu.vector_load %arg14[%get3A_239, %get3A_240] {strides = array<i32>} : memref<40x128xf32, #tpu.memory_space<vmem>>, vector<1x16xf32>,
        %get3A_242 = vector.shape_cast %get3A_241 : vector<1x16xf32> to vector<16xf32>
        %mul3A_243 = arith.mulf %get3A_238, %get3A_242 : vector<16xf32>
        %swap3A_244 = arith.index_cast %add3A_138 : i32 to index
        %swap3A_245 = arith.constant 112 : index
        %swap3A_246 = tpu.vector_load %arg16[%swap3A_244, %swap3A_245] {strides = array<i32>} : memref<40x128xf32, #tpu.memory_space<vmem>>, vector<1x16xf32>,
        %swap3A_247 = vector.shape_cast %swap3A_246 : vector<1x16xf32> to vector<16xf32>
        %swap3A_248 = vector.shape_cast %mul3A_243 : vector<16xf32> to vector<1x16xf32>
        tpu.vector_store %arg16[%swap3A_244, %swap3A_245], %swap3A_248 {strides = array<i32>} : memref<40x128xf32, #tpu.memory_space<vmem>>, vector<1x16xf32>,
        %mul3A_249 = arith.constant 2 : i32
        %mul3A_250 = arith.muli %scan3A_133, %mul3A_249 : i32
        %add3A_251 = arith.constant 1 : i32
        %add3A_252 = arith.addi %mul3A_250, %add3A_251 : i32
        %get3A_253 = arith.index_cast %add3A_252 : i32 to index
        %get3A_254 = arith.constant 0 : index
        %get3A_255 = tpu.vector_load %arg12[%get3A_253, %get3A_254] {strides = array<i32>} : memref<40x128xf32, #tpu.memory_space<vmem>>, vector<1x16xf32>,
        %get3A_256 = vector.shape_cast %get3A_255 : vector<1x16xf32> to vector<16xf32>
        %get3A_257 = arith.index_cast %add3A_252 : i32 to index
        %get3A_258 = arith.constant 0 : index
        %get3A_259 = tpu.vector_load %arg14[%get3A_257, %get3A_258] {strides = array<i32>} : memref<40x128xf32, #tpu.memory_space<vmem>>, vector<1x16xf32>,
        %get3A_260 = vector.shape_cast %get3A_259 : vector<1x16xf32> to vector<16xf32>
        %mul3A_261 = arith.mulf %get3A_256, %get3A_260 : vector<16xf32>
        %swap3A_262 = arith.index_cast %add3A_252 : i32 to index
        %swap3A_263 = arith.constant 0 : index
        %swap3A_264 = tpu.vector_load %arg16[%swap3A_262, %swap3A_263] {strides = array<i32>} : memref<40x128xf32, #tpu.memory_space<vmem>>, vector<1x16xf32>,
        %swap3A_265 = vector.shape_cast %swap3A_264 : vector<1x16xf32> to vector<16xf32>
        %swap3A_266 = vector.shape_cast %mul3A_261 : vector<16xf32> to vector<1x16xf32>
        tpu.vector_store %arg16[%swap3A_262, %swap3A_263], %swap3A_266 {strides = array<i32>} : memref<40x128xf32, #tpu.memory_space<vmem>>, vector<1x16xf32>,
        %get3A_267 = arith.index_cast %add3A_252 : i32 to index
        %get3A_268 = arith.constant 16 : index
        %get3A_269 = tpu.vector_load %arg12[%get3A_267, %get3A_268] {strides = array<i32>} : memref<40x128xf32, #tpu.memory_space<vmem>>, vector<1x16xf32>,
        %get3A_270 = vector.shape_cast %get3A_269 : vector<1x16xf32> to vector<16xf32>
        %get3A_271 = arith.index_cast %add3A_252 : i32 to index
        %get3A_272 = arith.constant 16 : index
        %get3A_273 = tpu.vector_load %arg14[%get3A_271, %get3A_272] {strides = array<i32>} : memref<40x128xf32, #tpu.memory_space<vmem>>, vector<1x16xf32>,
        %get3A_274 = vector.shape_cast %get3A_273 : vector<1x16xf32> to vector<16xf32>
        %mul3A_275 = arith.mulf %get3A_270, %get3A_274 : vector<16xf32>
        %swap3A_276 = arith.index_cast %add3A_252 : i32 to index
        %swap3A_277 = arith.constant 16 : index
        %swap3A_278 = tpu.vector_load %arg16[%swap3A_276, %swap3A_277] {strides = array<i32>} : memref<40x128xf32, #tpu.memory_space<vmem>>, vector<1x16xf32>,
        %swap3A_279 = vector.shape_cast %swap3A_278 : vector<1x16xf32> to vector<16xf32>
        %swap3A_280 = vector.shape_cast %mul3A_275 : vector<16xf32> to vector<1x16xf32>
        tpu.vector_store %arg16[%swap3A_276, %swap3A_277], %swap3A_280 {strides = array<i32>} : memref<40x128xf32, #tpu.memory_space<vmem>>, vector<1x16xf32>,
        %get3A_281 = arith.index_cast %add3A_252 : i32 to index
        %get3A_282 = arith.constant 32 : index
        %get3A_283 = tpu.vector_load %arg12[%get3A_281, %get3A_282] {strides = array<i32>} : memref<40x128xf32, #tpu.memory_space<vmem>>, vector<1x16xf32>,
        %get3A_284 = vector.shape_cast %get3A_283 : vector<1x16xf32> to vector<16xf32>
        %get3A_285 = arith.index_cast %add3A_252 : i32 to index
        %get3A_286 = arith.constant 32 : index
        %get3A_287 = tpu.vector_load %arg14[%get3A_285, %get3A_286] {strides = array<i32>} : memref<40x128xf32, #tpu.memory_space<vmem>>, vector<1x16xf32>,
        %get3A_288 = vector.shape_cast %get3A_287 : vector<1x16xf32> to vector<16xf32>
        %mul3A_289 = arith.mulf %get3A_284, %get3A_288 : vector<16xf32>
        %swap3A_290 = arith.index_cast %add3A_252 : i32 to index
        %swap3A_291 = arith.constant 32 : index
        %swap3A_292 = tpu.vector_load %arg16[%swap3A_290, %swap3A_291] {strides = array<i32>} : memref<40x128xf32, #tpu.memory_space<vmem>>, vector<1x16xf32>,
        %swap3A_293 = vector.shape_cast %swap3A_292 : vector<1x16xf32> to vector<16xf32>
        %swap3A_294 = vector.shape_cast %mul3A_289 : vector<16xf32> to vector<1x16xf32>
        tpu.vector_store %arg16[%swap3A_290, %swap3A_291], %swap3A_294 {strides = array<i32>} : memref<40x128xf32, #tpu.memory_space<vmem>>, vector<1x16xf32>,
        %get3A_295 = arith.index_cast %add3A_252 : i32 to index
        %get3A_296 = arith.constant 48 : index
        %get3A_297 = tpu.vector_load %arg12[%get3A_295, %get3A_296] {strides = array<i32>} : memref<40x128xf32, #tpu.memory_space<vmem>>, vector<1x16xf32>,
        %get3A_298 = vector.shape_cast %get3A_297 : vector<1x16xf32> to vector<16xf32>
        %get3A_299 = arith.index_cast %add3A_252 : i32 to index
        %get3A_300 = arith.constant 48 : index
        %get3A_301 = tpu.vector_load %arg14[%get3A_299, %get3A_300] {strides = array<i32>} : memref<40x128xf32, #tpu.memory_space<vmem>>, vector<1x16xf32>,
        %get3A_302 = vector.shape_cast %get3A_301 : vector<1x16xf32> to vector<16xf32>
        %mul3A_303 = arith.mulf %get3A_298, %get3A_302 : vector<16xf32>
        %swap3A_304 = arith.index_cast %add3A_252 : i32 to index
        %swap3A_305 = arith.constant 48 : index
        %swap3A_306 = tpu.vector_load %arg16[%swap3A_304, %swap3A_305] {strides = array<i32>} : memref<40x128xf32, #tpu.memory_space<vmem>>, vector<1x16xf32>,
        %swap3A_307 = vector.shape_cast %swap3A_306 : vector<1x16xf32> to vector<16xf32>
        %swap3A_308 = vector.shape_cast %mul3A_303 : vector<16xf32> to vector<1x16xf32>
        tpu.vector_store %arg16[%swap3A_304, %swap3A_305], %swap3A_308 {strides = array<i32>} : memref<40x128xf32, #tpu.memory_space<vmem>>, vector<1x16xf32>,
        %get3A_309 = arith.index_cast %add3A_252 : i32 to index
        %get3A_310 = arith.constant 64 : index
        %get3A_311 = tpu.vector_load %arg12[%get3A_309, %get3A_310] {strides = array<i32>} : memref<40x128xf32, #tpu.memory_space<vmem>>, vector<1x16xf32>,
        %get3A_312 = vector.shape_cast %get3A_311 : vector<1x16xf32> to vector<16xf32>
        %get3A_313 = arith.index_cast %add3A_252 : i32 to index
        %get3A_314 = arith.constant 64 : index
        %get3A_315 = tpu.vector_load %arg14[%get3A_313, %get3A_314] {strides = array<i32>} : memref<40x128xf32, #tpu.memory_space<vmem>>, vector<1x16xf32>,
        %get3A_316 = vector.shape_cast %get3A_315 : vector<1x16xf32> to vector<16xf32>
        %mul3A_317 = arith.mulf %get3A_312, %get3A_316 : vector<16xf32>
        %swap3A_318 = arith.index_cast %add3A_252 : i32 to index
        %swap3A_319 = arith.constant 64 : index
        %swap3A_320 = tpu.vector_load %arg16[%swap3A_318, %swap3A_319] {strides = array<i32>} : memref<40x128xf32, #tpu.memory_space<vmem>>, vector<1x16xf32>,
        %swap3A_321 = vector.shape_cast %swap3A_320 : vector<1x16xf32> to vector<16xf32>
        %swap3A_322 = vector.shape_cast %mul3A_317 : vector<16xf32> to vector<1x16xf32>
        tpu.vector_store %arg16[%swap3A_318, %swap3A_319], %swap3A_322 {strides = array<i32>} : memref<40x128xf32, #tpu.memory_space<vmem>>, vector<1x16xf32>,
        %get3A_323 = arith.index_cast %add3A_252 : i32 to index
        %get3A_324 = arith.constant 80 : index
        %get3A_325 = tpu.vector_load %arg12[%get3A_323, %get3A_324] {strides = array<i32>} : memref<40x128xf32, #tpu.memory_space<vmem>>, vector<1x16xf32>,
        %get3A_326 = vector.shape_cast %get3A_325 : vector<1x16xf32> to vector<16xf32>
        %get3A_327 = arith.index_cast %add3A_252 : i32 to index
        %get3A_328 = arith.constant 80 : index
        %get3A_329 = tpu.vector_load %arg14[%get3A_327, %get3A_328] {strides = array<i32>} : memref<40x128xf32, #tpu.memory_space<vmem>>, vector<1x16xf32>,
        %get3A_330 = vector.shape_cast %get3A_329 : vector<1x16xf32> to vector<16xf32>
        %mul3A_331 = arith.mulf %get3A_326, %get3A_330 : vector<16xf32>
        %swap3A_332 = arith.index_cast %add3A_252 : i32 to index
        %swap3A_333 = arith.constant 80 : index
        %swap3A_334 = tpu.vector_load %arg16[%swap3A_332, %swap3A_333] {strides = array<i32>} : memref<40x128xf32, #tpu.memory_space<vmem>>, vector<1x16xf32>,
        %swap3A_335 = vector.shape_cast %swap3A_334 : vector<1x16xf32> to vector<16xf32>
        %swap3A_336 = vector.shape_cast %mul3A_331 : vector<16xf32> to vector<1x16xf32>
        tpu.vector_store %arg16[%swap3A_332, %swap3A_333], %swap3A_336 {strides = array<i32>} : memref<40x128xf32, #tpu.memory_space<vmem>>, vector<1x16xf32>,
        %get3A_337 = arith.index_cast %add3A_252 : i32 to index
        %get3A_338 = arith.constant 96 : index
        %get3A_339 = tpu.vector_load %arg12[%get3A_337, %get3A_338] {strides = array<i32>} : memref<40x128xf32, #tpu.memory_space<vmem>>, vector<1x16xf32>,
        %get3A_340 = vector.shape_cast %get3A_339 : vector<1x16xf32> to vector<16xf32>
        %get3A_341 = arith.index_cast %add3A_252 : i32 to index
        %get3A_342 = arith.constant 96 : index
        %get3A_343 = tpu.vector_load %arg14[%get3A_341, %get3A_342] {strides = array<i32>} : memref<40x128xf32, #tpu.memory_space<vmem>>, vector<1x16xf32>,
        %get3A_344 = vector.shape_cast %get3A_343 : vector<1x16xf32> to vector<16xf32>
        %mul3A_345 = arith.mulf %get3A_340, %get3A_344 : vector<16xf32>
        %swap3A_346 = arith.index_cast %add3A_252 : i32 to index
        %swap3A_347 = arith.constant 96 : index
        %swap3A_348 = tpu.vector_load %arg16[%swap3A_346, %swap3A_347] {strides = array<i32>} : memref<40x128xf32, #tpu.memory_space<vmem>>, vector<1x16xf32>,
        %swap3A_349 = vector.shape_cast %swap3A_348 : vector<1x16xf32> to vector<16xf32>
        %swap3A_350 = vector.shape_cast %mul3A_345 : vector<16xf32> to vector<1x16xf32>
        tpu.vector_store %arg16[%swap3A_346, %swap3A_347], %swap3A_350 {strides = array<i32>} : memref<40x128xf32, #tpu.memory_space<vmem>>, vector<1x16xf32>,
        %get3A_351 = arith.index_cast %add3A_252 : i32 to index
        %get3A_352 = arith.constant 112 : index
        %get3A_353 = tpu.vector_load %arg12[%get3A_351, %get3A_352] {strides = array<i32>} : memref<40x128xf32, #tpu.memory_space<vmem>>, vector<1x16xf32>,
        %get3A_354 = vector.shape_cast %get3A_353 : vector<1x16xf32> to vector<16xf32>
        %get3A_355 = arith.index_cast %add3A_252 : i32 to index
        %get3A_356 = arith.constant 112 : index
        %get3A_357 = tpu.vector_load %arg14[%get3A_355, %get3A_356] {strides = array<i32>} : memref<40x128xf32, #tpu.memory_space<vmem>>, vector<1x16xf32>,
        %get3A_358 = vector.shape_cast %get3A_357 : vector<1x16xf32> to vector<16xf32>
        %mul3A_359 = arith.mulf %get3A_354, %get3A_358 : vector<16xf32>
        %swap3A_360 = arith.index_cast %add3A_252 : i32 to index
        %swap3A_361 = arith.constant 112 : index
        %swap3A_362 = tpu.vector_load %arg16[%swap3A_360, %swap3A_361] {strides = array<i32>} : memref<40x128xf32, #tpu.memory_space<vmem>>, vector<1x16xf32>,
        %swap3A_363 = vector.shape_cast %swap3A_362 : vector<1x16xf32> to vector<16xf32>
        %swap3A_364 = vector.shape_cast %mul3A_359 : vector<16xf32> to vector<1x16xf32>
        tpu.vector_store %arg16[%swap3A_360, %swap3A_361], %swap3A_364 {strides = array<i32>} : memref<40x128xf32, #tpu.memory_space<vmem>>, vector<1x16xf32>,
        %scan3A_365 = arith.constant 0 : i32
        scf.yield %scan3A_365 : i32
      }
      %scan3A_124 = arith.constant 20 : i32
      "tpu.region"() ({
        %run_scoped3A = tpu.sem_alloc : memref<!tpu.dma_semaphore, #tpu.memory_space<semaphore_mem>>
        %dma_start3A_133 = arith.constant 0 : i32
        %dma_start3A_134 = arith.constant 0 : i32
        %dma_start3A_135 = tpu.memref_slice %arg17[%dma_start3A_133, %dma_start3A_134] : memref<10000x128xf32, #tpu.memory_space<vmem_shared>> -> memref<10000x128xf32, #tpu.memory_space<vmem_shared>>
        tpu.enqueue_indirect_dma source(%arg16 : memref<40x128xf32, #tpu.memory_space<vmem>>) target(%dma_start3A_135 : memref<10000x128xf32, #tpu.memory_space<vmem_shared>>) offsets(%arg10 : memref<40xi32, #tpu.memory_space<vmem>>) semaphore(%run_scoped3A : memref<!tpu.dma_semaphore, #tpu.memory_space<semaphore_mem>>) {add = true}
        %dma_wait3A_136 = arith.constant 0 : i32
        %dma_wait3A_137 = arith.constant 0 : i32
        %dma_wait3A_138 = tpu.memref_slice %arg17[%dma_wait3A_136, %dma_wait3A_137] : memref<10000x128xf32, #tpu.memory_space<vmem_shared>> -> memref<10000x128xf32, #tpu.memory_space<vmem_shared>>
        tpu.wait_indirect_dma semaphore(%run_scoped3A : memref<!tpu.dma_semaphore, #tpu.memory_space<semaphore_mem>>) src(%arg16 : memref<40x128xf32, #tpu.memory_space<vmem>>) dst(%dma_wait3A_138 : memref<10000x128xf32, #tpu.memory_space<vmem_shared>>)
        tpu.yield
      }) : () -> ()
      %add3A_125 = arith.constant 2 : i32
      %add3A_126 = arith.addi %add3A_101, %add3A_125 : i32
      %lt3A_127 = arith.constant 100 : i32
      %lt3A_128 = arith.cmpi slt, %add3A_126, %lt3A_127 : i32
      %convert_element_type3A_129 = arith.extui %lt3A_128 : i1 to i32
      %cond3A_130 = arith.constant 0 : i32
      %cond3A_131 = arith.cmpi ne, %convert_element_type3A_129, %cond3A_130 : i32
      scf.if %cond3A_131 {
        %add3A_133 = arith.constant 2 : i32
        %add3A_134 = arith.addi %add3A_101, %add3A_133 : i32
        %mul3A_135 = arith.constant 4000 : i32
        %mul3A_136 = arith.muli %add3A, %mul3A_135 : i32
        %add3A_137 = arith.constant 64000 : i32
        %add3A_138 = arith.addi %add3A_137, %mul3A_136 : i32
        %mul3A_139 = arith.constant 40 : i32
        %mul3A_140 = arith.muli %add3A_134, %mul3A_139 : i32
        %add3A_141 = arith.addi %add3A_138, %mul3A_140 : i32
        %dma_start3A_142 = tpu.memref_slice %arg4[%add3A_141] : memref<320000xi32, #tpu.memory_space<hbm>> -> memref<40xi32, #tpu.memory_space<hbm>>
        %dma_start3A_143 = tpu.memref_slice %arg4[%add3A_141] : memref<320000xi32, #tpu.memory_space<hbm>> -> memref<40xi32, #tpu.memory_space<hbm>>
        tpu.enqueue_dma source(%dma_start3A_143 : memref<40xi32, #tpu.memory_space<hbm>>) target(%arg8 : memref<40xi32, #tpu.memory_space<vmem>>) target_semaphore(%arg19 : memref<!tpu.dma_semaphore, #tpu.memory_space<semaphore_mem>>)
        %dma_start3A_144 = tpu.memref_slice %arg5[%add3A_141] : memref<320000xi32, #tpu.memory_space<hbm>> -> memref<40xi32, #tpu.memory_space<hbm>>
        %dma_start3A_145 = tpu.memref_slice %arg5[%add3A_141] : memref<320000xi32, #tpu.memory_space<hbm>> -> memref<40xi32, #tpu.memory_space<hbm>>
        tpu.enqueue_dma source(%dma_start3A_145 : memref<40xi32, #tpu.memory_space<hbm>>) target(%arg10 : memref<40xi32, #tpu.memory_space<vmem>>) target_semaphore(%arg19 : memref<!tpu.dma_semaphore, #tpu.memory_space<semaphore_mem>>)
      } else {
      }
      %scan3A_132 = arith.constant 0 : i32
      scf.yield %scan3A_132 : i32
    }
    %scan3A_58 = arith.constant 50 : i32
    %barrier3A_59 = arith.constant 0 : index
    tpu.barrier barrier_id(%barrier3A_59)
    %scan3A_60 = arith.constant 0 : i32
    %scan3A_61 = arith.constant 0 : i32
    %scan3A_62 = arith.constant 16 : i32
    %scan3A_63 = arith.addi %scan3A_61, %scan3A_62 : i32
    %scan3A_64 = arith.constant 1 : i32
    %scan3A_65 = scf.for %scan3A_67 = %scan3A_61 to %scan3A_63 step %scan3A_64 iter_args(%scan3A_68 = %scan3A_60) -> (i32)  : i32 {
      %mul3A_69 = arith.constant 16 : i32
      %mul3A_70 = arith.muli %scan3A_67, %mul3A_69 : i32
      %add3A_71 = arith.addi %arg1, %mul3A_70 : i32
      %lt3A = arith.constant 250 : i32
      %lt3A_72 = arith.cmpi slt, %add3A_71, %lt3A : i32
      %convert_element_type3A = arith.extui %lt3A_72 : i1 to i32
      %cond3A = arith.constant 0 : i32
      %cond3A_73 = arith.cmpi ne, %convert_element_type3A, %cond3A : i32
      scf.if %cond3A_73 {
        %mul3A_75 = arith.constant 40 : i32
        %mul3A_76 = arith.muli %add3A_71, %mul3A_75 : i32
        "tpu.region"() ({
          %run_scoped3A = tpu.sem_alloc : memref<!tpu.dma_semaphore, #tpu.memory_space<semaphore_mem>>
          %dma_start3A_79 = arith.constant 0 : i32
          %dma_start3A_80 = tpu.memref_slice %arg17[%mul3A_76, %dma_start3A_79] : memref<10000x128xf32, #tpu.memory_space<vmem_shared>> -> memref<40x128xf32, #tpu.memory_space<vmem_shared>>
          %dma_start3A_81 = arith.constant 0 : i32
          %dma_start3A_82 = tpu.memref_slice %arg17[%mul3A_76, %dma_start3A_81] : memref<10000x128xf32, #tpu.memory_space<vmem_shared>> -> memref<40x128xf32, #tpu.memory_space<vmem_shared>>
          tpu.enqueue_dma source(%dma_start3A_82 : memref<40x128xf32, #tpu.memory_space<vmem_shared>>) target(%arg15 : memref<40x128xf32, #tpu.memory_space<vmem>>) target_semaphore(%run_scoped3A : memref<!tpu.dma_semaphore, #tpu.memory_space<semaphore_mem>>)
          %dma_wait3A_83 = arith.constant 0 : i32
          %dma_wait3A_84 = tpu.memref_slice %arg17[%mul3A_76, %dma_wait3A_83] : memref<10000x128xf32, #tpu.memory_space<vmem_shared>> -> memref<40x128xf32, #tpu.memory_space<vmem_shared>>
          %dma_wait3A_85 = arith.constant 0 : i32
          %dma_wait3A_86 = tpu.memref_slice %arg17[%mul3A_76, %dma_wait3A_85] : memref<10000x128xf32, #tpu.memory_space<vmem_shared>> -> memref<40x128xf32, #tpu.memory_space<vmem_shared>>
          tpu.wait_dma2 semaphore(%run_scoped3A : memref<!tpu.dma_semaphore, #tpu.memory_space<semaphore_mem>>) src(%dma_wait3A_86 : memref<40x128xf32, #tpu.memory_space<vmem_shared>>) dst(%arg15 : memref<40x128xf32, #tpu.memory_space<vmem>>)
          tpu.yield
        }) : () -> ()
        %mul3A_77 = arith.constant 40 : i32
        %mul3A_78 = arith.muli %add3A_71, %mul3A_77 : i32
        "tpu.region"() ({
          %run_scoped3A = tpu.sem_alloc : memref<!tpu.dma_semaphore, #tpu.memory_space<semaphore_mem>>
          %dma_start3A_79 = arith.constant 0 : i32
          %dma_start3A_80 = arith.constant 0 : i32
          %dma_start3A_81 = tpu.memref_slice %arg6[%arg0, %dma_start3A_79, %dma_start3A_80] : memref<2x10000x128xf32, #tpu.memory_space<hbm>> -> memref<1x10000x128xf32, #tpu.memory_space<hbm>>
          %dma_start3A_82 = tpu.memref_squeeze %dma_start3A_81 : memref<1x10000x128xf32, #tpu.memory_space<hbm>> -> memref<10000x128xf32, #tpu.memory_space<hbm>>
          %dma_start3A_83 = arith.constant 0 : i32
          %dma_start3A_84 = tpu.memref_slice %dma_start3A_82[%mul3A_78, %dma_start3A_83] : memref<10000x128xf32, #tpu.memory_space<hbm>> -> memref<40x128xf32, #tpu.memory_space<hbm>>
          %dma_start3A_85 = arith.constant 0 : i32
          %dma_start3A_86 = arith.constant 0 : i32
          %dma_start3A_87 = tpu.memref_slice %arg6[%arg0, %dma_start3A_85, %dma_start3A_86] : memref<2x10000x128xf32, #tpu.memory_space<hbm>> -> memref<1x10000x128xf32, #tpu.memory_space<hbm>>
          %dma_start3A_88 = tpu.memref_squeeze %dma_start3A_87 : memref<1x10000x128xf32, #tpu.memory_space<hbm>> -> memref<10000x128xf32, #tpu.memory_space<hbm>>
          %dma_start3A_89 = arith.constant 0 : i32
          %dma_start3A_90 = tpu.memref_slice %dma_start3A_88[%mul3A_78, %dma_start3A_89] : memref<10000x128xf32, #tpu.memory_space<hbm>> -> memref<40x128xf32, #tpu.memory_space<hbm>>
          tpu.enqueue_dma source(%arg15 : memref<40x128xf32, #tpu.memory_space<vmem>>) target(%dma_start3A_90 : memref<40x128xf32, #tpu.memory_space<hbm>>) target_semaphore(%run_scoped3A : memref<!tpu.dma_semaphore, #tpu.memory_space<semaphore_mem>>)
          %dma_wait3A_91 = arith.constant 0 : i32
          %dma_wait3A_92 = arith.constant 0 : i32
          %dma_wait3A_93 = tpu.memref_slice %arg6[%arg0, %dma_wait3A_91, %dma_wait3A_92] : memref<2x10000x128xf32, #tpu.memory_space<hbm>> -> memref<1x10000x128xf32, #tpu.memory_space<hbm>>
          %dma_wait3A_94 = tpu.memref_squeeze %dma_wait3A_93 : memref<1x10000x128xf32, #tpu.memory_space<hbm>> -> memref<10000x128xf32, #tpu.memory_space<hbm>>
          %dma_wait3A_95 = arith.constant 0 : i32
          %dma_wait3A_96 = tpu.memref_slice %dma_wait3A_94[%mul3A_78, %dma_wait3A_95] : memref<10000x128xf32, #tpu.memory_space<hbm>> -> memref<40x128xf32, #tpu.memory_space<hbm>>
          %dma_wait3A_97 = arith.constant 0 : i32
          %dma_wait3A_98 = arith.constant 0 : i32
          %dma_wait3A_99 = tpu.memref_slice %arg6[%arg0, %dma_wait3A_97, %dma_wait3A_98] : memref<2x10000x128xf32, #tpu.memory_space<hbm>> -> memref<1x10000x128xf32, #tpu.memory_space<hbm>>
          %dma_wait3A_100 = tpu.memref_squeeze %dma_wait3A_99 : memref<1x10000x128xf32, #tpu.memory_space<hbm>> -> memref<10000x128xf32, #tpu.memory_space<hbm>>
          %dma_wait3A_101 = arith.constant 0 : i32
          %dma_wait3A_102 = tpu.memref_slice %dma_wait3A_100[%mul3A_78, %dma_wait3A_101] : memref<10000x128xf32, #tpu.memory_space<hbm>> -> memref<40x128xf32, #tpu.memory_space<hbm>>
          tpu.wait_dma2 semaphore(%run_scoped3A : memref<!tpu.dma_semaphore, #tpu.memory_space<semaphore_mem>>) src(%arg15 : memref<40x128xf32, #tpu.memory_space<vmem>>) dst(%dma_wait3A_102 : memref<40x128xf32, #tpu.memory_space<hbm>>)
          tpu.yield
        }) : () -> ()
      } else {
      }
      %scan3A_74 = arith.constant 0 : i32
      scf.yield %scan3A_74 : i32
    }
    %scan3A_66 = arith.constant 16 : i32
    return
  }
}

#map = affine_map<(d0, d1) -> (0, 0)>
#map1 = affine_map<(d0, d1) -> (0)>
#map2 = affine_map<(d0, d1) -> (0, 0, 0)>
module attributes {stable_mosaic.version = 14 : i64} {
  func.func @sc_body(%arg0: i32, %arg1: i32, %arg2: memref<10000x128xf32, #tpu.memory_space<hbm>>, %arg3: memref<64000x128xf32, #tpu.memory_space<hbm>>, %arg4: memref<320000xi32, #tpu.memory_space<hbm>>, %arg5: memref<320000xi32, #tpu.memory_space<hbm>>, %arg6: memref<2x10000x128xf32, #tpu.memory_space<hbm>>, %arg7: memref<40xi32, #tpu.memory_space<vmem>>, %arg8: memref<40xi32, #tpu.memory_space<vmem>>, %arg9: memref<40xi32, #tpu.memory_space<vmem>>, %arg10: memref<40xi32, #tpu.memory_space<vmem>>, %arg11: memref<40x128xf32, #tpu.memory_space<vmem>>, %arg12: memref<40x128xf32, #tpu.memory_space<vmem>>, %arg13: memref<40x128xf32, #tpu.memory_space<vmem>>, %arg14: memref<40x128xf32, #tpu.memory_space<vmem>>, %arg15: memref<40x128xf32, #tpu.memory_space<vmem>>, %arg16: memref<40x128xf32, #tpu.memory_space<vmem>>, %arg17: memref<10000x128xf32, #tpu.memory_space<vmem_shared>>, %arg18: memref<!tpu.dma_semaphore, #tpu.memory_space<semaphore_mem>>, %arg19: memref<!tpu.dma_semaphore, #tpu.memory_space<semaphore_mem>>, %arg20: memref<!tpu.dma_semaphore, #tpu.memory_space<semaphore_mem>>, %arg21: memref<!tpu.dma_semaphore, #tpu.memory_space<semaphore_mem>>, %arg22: memref<!tpu.dma_semaphore, #tpu.memory_space<semaphore_mem>>, %arg23: memref<!tpu.dma_semaphore, #tpu.memory_space<semaphore_mem>>) attributes {dimension_semantics = [#tpu.dimension_semantics<core_parallel>, #tpu.dimension_semantics<subcore_parallel>], iteration_bounds = array<i64: 2, 16>, scalar_prefetch = 0 : i64, scratch_operands = 17 : i64, tpu.core_type = #tpu.core_type<sc_vector_subcore>, window_params = [{transform_indices = #map}, {transform_indices = #map}, {transform_indices = #map1}, {transform_indices = #map1}, {transform_indices = #map2}]} {
    %mul3A = arith.constant 2 : i32
    %mul3A_0 = arith.muli %arg1, %mul3A : i32
    %add3A = arith.addi %mul3A_0, %arg0 : i32
    %broadcast_in_dim3A = arith.constant 0.000000e+00 : f32
    %broadcast_in_dim3A_1 = vector.broadcast %broadcast_in_dim3A : f32 to vector<16xf32>
    %scan3A = arith.constant 0 : i32
    %scan3A_2 = arith.constant 0 : i32
    %scan3A_3 = arith.constant 40 : i32
    %scan3A_4 = arith.addi %scan3A_2, %scan3A_3 : i32
    %scan3A_5 = arith.constant 1 : i32
    %scan3A_6 = scf.for %scan3A_67 = %scan3A_2 to %scan3A_4 step %scan3A_5 iter_args(%scan3A_68 = %scan3A) -> (i32)  : i32 {
      %swap3A = arith.index_cast %scan3A_67 : i32 to index
      %swap3A_69 = arith.constant 0 : index
      %swap3A_70 = tpu.vector_load %arg15[%swap3A, %swap3A_69] {strides = array<i32>} : memref<40x128xf32, #tpu.memory_space<vmem>>, vector<1x16xf32>,
      %swap3A_71 = vector.shape_cast %swap3A_70 : vector<1x16xf32> to vector<16xf32>
      %swap3A_72 = vector.shape_cast %broadcast_in_dim3A_1 : vector<16xf32> to vector<1x16xf32>
      tpu.vector_store %arg15[%swap3A, %swap3A_69], %swap3A_72 {strides = array<i32>} : memref<40x128xf32, #tpu.memory_space<vmem>>, vector<1x16xf32>,
      %swap3A_73 = arith.index_cast %scan3A_67 : i32 to index
      %swap3A_74 = arith.constant 16 : index
      %swap3A_75 = tpu.vector_load %arg15[%swap3A_73, %swap3A_74] {strides = array<i32>} : memref<40x128xf32, #tpu.memory_space<vmem>>, vector<1x16xf32>,
      %swap3A_76 = vector.shape_cast %swap3A_75 : vector<1x16xf32> to vector<16xf32>
      %swap3A_77 = vector.shape_cast %broadcast_in_dim3A_1 : vector<16xf32> to vector<1x16xf32>
      tpu.vector_store %arg15[%swap3A_73, %swap3A_74], %swap3A_77 {strides = array<i32>} : memref<40x128xf32, #tpu.memory_space<vmem>>, vector<1x16xf32>,
      %swap3A_78 = arith.index_cast %scan3A_67 : i32 to index
      %swap3A_79 = arith.constant 32 : index
      %swap3A_80 = tpu.vector_load %arg15[%swap3A_78, %swap3A_79] {strides = array<i32>} : memref<40x128xf32, #tpu.memory_space<vmem>>, vector<1x16xf32>,
      %swap3A_81 = vector.shape_cast %swap3A_80 : vector<1x16xf32> to vector<16xf32>
      %swap3A_82 = vector.shape_cast %broadcast_in_dim3A_1 : vector<16xf32> to vector<1x16xf32>
      tpu.vector_store %arg15[%swap3A_78, %swap3A_79], %swap3A_82 {strides = array<i32>} : memref<40x128xf32, #tpu.memory_space<vmem>>, vector<1x16xf32>,
      %swap3A_83 = arith.index_cast %scan3A_67 : i32 to index
      %swap3A_84 = arith.constant 48 : index
      %swap3A_85 = tpu.vector_load %arg15[%swap3A_83, %swap3A_84] {strides = array<i32>} : memref<40x128xf32, #tpu.memory_space<vmem>>, vector<1x16xf32>,
      %swap3A_86 = vector.shape_cast %swap3A_85 : vector<1x16xf32> to vector<16xf32>
      %swap3A_87 = vector.shape_cast %broadcast_in_dim3A_1 : vector<16xf32> to vector<1x16xf32>
      tpu.vector_store %arg15[%swap3A_83, %swap3A_84], %swap3A_87 {strides = array<i32>} : memref<40x128xf32, #tpu.memory_space<vmem>>, vector<1x16xf32>,
      %swap3A_88 = arith.index_cast %scan3A_67 : i32 to index
      %swap3A_89 = arith.constant 64 : index
      %swap3A_90 = tpu.vector_load %arg15[%swap3A_88, %swap3A_89] {strides = array<i32>} : memref<40x128xf32, #tpu.memory_space<vmem>>, vector<1x16xf32>,
      %swap3A_91 = vector.shape_cast %swap3A_90 : vector<1x16xf32> to vector<16xf32>
      %swap3A_92 = vector.shape_cast %broadcast_in_dim3A_1 : vector<16xf32> to vector<1x16xf32>
      tpu.vector_store %arg15[%swap3A_88, %swap3A_89], %swap3A_92 {strides = array<i32>} : memref<40x128xf32, #tpu.memory_space<vmem>>, vector<1x16xf32>,
      %swap3A_93 = arith.index_cast %scan3A_67 : i32 to index
      %swap3A_94 = arith.constant 80 : index
      %swap3A_95 = tpu.vector_load %arg15[%swap3A_93, %swap3A_94] {strides = array<i32>} : memref<40x128xf32, #tpu.memory_space<vmem>>, vector<1x16xf32>,
      %swap3A_96 = vector.shape_cast %swap3A_95 : vector<1x16xf32> to vector<16xf32>
      %swap3A_97 = vector.shape_cast %broadcast_in_dim3A_1 : vector<16xf32> to vector<1x16xf32>
      tpu.vector_store %arg15[%swap3A_93, %swap3A_94], %swap3A_97 {strides = array<i32>} : memref<40x128xf32, #tpu.memory_space<vmem>>, vector<1x16xf32>,
      %swap3A_98 = arith.index_cast %scan3A_67 : i32 to index
      %swap3A_99 = arith.constant 96 : index
      %swap3A_100 = tpu.vector_load %arg15[%swap3A_98, %swap3A_99] {strides = array<i32>} : memref<40x128xf32, #tpu.memory_space<vmem>>, vector<1x16xf32>,
      %swap3A_101 = vector.shape_cast %swap3A_100 : vector<1x16xf32> to vector<16xf32>
      %swap3A_102 = vector.shape_cast %broadcast_in_dim3A_1 : vector<16xf32> to vector<1x16xf32>
      tpu.vector_store %arg15[%swap3A_98, %swap3A_99], %swap3A_102 {strides = array<i32>} : memref<40x128xf32, #tpu.memory_space<vmem>>, vector<1x16xf32>,
      %swap3A_103 = arith.index_cast %scan3A_67 : i32 to index
      %swap3A_104 = arith.constant 112 : index
      %swap3A_105 = tpu.vector_load %arg15[%swap3A_103, %swap3A_104] {strides = array<i32>} : memref<40x128xf32, #tpu.memory_space<vmem>>, vector<1x16xf32>,
      %swap3A_106 = vector.shape_cast %swap3A_105 : vector<1x16xf32> to vector<16xf32>
      %swap3A_107 = vector.shape_cast %broadcast_in_dim3A_1 : vector<16xf32> to vector<1x16xf32>
      tpu.vector_store %arg15[%swap3A_103, %swap3A_104], %swap3A_107 {strides = array<i32>} : memref<40x128xf32, #tpu.memory_space<vmem>>, vector<1x16xf32>,
      %scan3A_108 = arith.constant 0 : i32
      scf.yield %scan3A_108 : i32
    }
    %scan3A_7 = arith.constant 40 : i32
    %scan3A_8 = arith.constant 0 : i32
    %scan3A_9 = arith.constant 0 : i32
    %scan3A_10 = arith.constant 16 : i32
    %scan3A_11 = arith.addi %scan3A_9, %scan3A_10 : i32
    %scan3A_12 = arith.constant 1 : i32
    %scan3A_13 = scf.for %scan3A_67 = %scan3A_9 to %scan3A_11 step %scan3A_12 iter_args(%scan3A_68 = %scan3A_8) -> (i32)  : i32 {
      %mul3A_69 = arith.constant 16 : i32
      %mul3A_70 = arith.muli %scan3A_67, %mul3A_69 : i32
      %add3A_71 = arith.addi %arg1, %mul3A_70 : i32
      %lt3A = arith.constant 250 : i32
      %lt3A_72 = arith.cmpi slt, %add3A_71, %lt3A : i32
      %convert_element_type3A = arith.extui %lt3A_72 : i1 to i32
      %cond3A = arith.constant 0 : i32
      %cond3A_73 = arith.cmpi ne, %convert_element_type3A, %cond3A : i32
      scf.if %cond3A_73 {
        %mul3A_75 = arith.constant 40 : i32
        %mul3A_76 = arith.muli %add3A_71, %mul3A_75 : i32
        "tpu.region"() ({
          %run_scoped3A = tpu.sem_alloc : memref<!tpu.dma_semaphore, #tpu.memory_space<semaphore_mem>>
          %dma_start3A_77 = arith.constant 0 : i32
          %dma_start3A_78 = tpu.memref_slice %arg17[%mul3A_76, %dma_start3A_77] : memref<10000x128xf32, #tpu.memory_space<vmem_shared>> -> memref<40x128xf32, #tpu.memory_space<vmem_shared>>
          %dma_start3A_79 = arith.constant 0 : i32
          %dma_start3A_80 = tpu.memref_slice %arg17[%mul3A_76, %dma_start3A_79] : memref<10000x128xf32, #tpu.memory_space<vmem_shared>> -> memref<40x128xf32, #tpu.memory_space<vmem_shared>>
          tpu.enqueue_dma source(%arg15 : memref<40x128xf32, #tpu.memory_space<vmem>>) target(%dma_start3A_80 : memref<40x128xf32, #tpu.memory_space<vmem_shared>>) target_semaphore(%run_scoped3A : memref<!tpu.dma_semaphore, #tpu.memory_space<semaphore_mem>>)
          %dma_wait3A_81 = arith.constant 0 : i32
          %dma_wait3A_82 = tpu.memref_slice %arg17[%mul3A_76, %dma_wait3A_81] : memref<10000x128xf32, #tpu.memory_space<vmem_shared>> -> memref<40x128xf32, #tpu.memory_space<vmem_shared>>
          %dma_wait3A_83 = arith.constant 0 : i32
          %dma_wait3A_84 = tpu.memref_slice %arg17[%mul3A_76, %dma_wait3A_83] : memref<10000x128xf32, #tpu.memory_space<vmem_shared>> -> memref<40x128xf32, #tpu.memory_space<vmem_shared>>
          tpu.wait_dma2 semaphore(%run_scoped3A : memref<!tpu.dma_semaphore, #tpu.memory_space<semaphore_mem>>) src(%arg15 : memref<40x128xf32, #tpu.memory_space<vmem>>) dst(%dma_wait3A_84 : memref<40x128xf32, #tpu.memory_space<vmem_shared>>)
          tpu.yield
        }) : () -> ()
      } else {
      }
      %scan3A_74 = arith.constant 0 : i32
      scf.yield %scan3A_74 : i32
    }
    %scan3A_14 = arith.constant 16 : i32
    %barrier3A = arith.constant 0 : index
    tpu.barrier barrier_id(%barrier3A)
    %mul3A_15 = arith.constant 2000 : i32
    %mul3A_16 = arith.muli %add3A, %mul3A_15 : i32
    %add3A_17 = arith.constant 0 : i32
    %add3A_18 = arith.addi %add3A_17, %mul3A_16 : i32
    %add3A_19 = arith.constant 0 : i32
    %add3A_20 = arith.addi %add3A_18, %add3A_19 : i32
    %dma_start3A = tpu.memref_slice %arg4[%add3A_20] : memref<320000xi32, #tpu.memory_space<hbm>> -> memref<40xi32, #tpu.memory_space<hbm>>
    %dma_start3A_21 = tpu.memref_slice %arg4[%add3A_20] : memref<320000xi32, #tpu.memory_space<hbm>> -> memref<40xi32, #tpu.memory_space<hbm>>
    tpu.enqueue_dma source(%dma_start3A_21 : memref<40xi32, #tpu.memory_space<hbm>>) target(%arg7 : memref<40xi32, #tpu.memory_space<vmem>>) target_semaphore(%arg18 : memref<!tpu.dma_semaphore, #tpu.memory_space<semaphore_mem>>)
    %dma_start3A_22 = tpu.memref_slice %arg5[%add3A_20] : memref<320000xi32, #tpu.memory_space<hbm>> -> memref<40xi32, #tpu.memory_space<hbm>>
    %dma_start3A_23 = tpu.memref_slice %arg5[%add3A_20] : memref<320000xi32, #tpu.memory_space<hbm>> -> memref<40xi32, #tpu.memory_space<hbm>>
    tpu.enqueue_dma source(%dma_start3A_23 : memref<40xi32, #tpu.memory_space<hbm>>) target(%arg9 : memref<40xi32, #tpu.memory_space<vmem>>) target_semaphore(%arg18 : memref<!tpu.dma_semaphore, #tpu.memory_space<semaphore_mem>>)
    %dma_wait3A = arith.constant 0 : i32
    %dma_wait3A_24 = tpu.memref_slice %arg4[%dma_wait3A] : memref<320000xi32, #tpu.memory_space<hbm>> -> memref<40xi32, #tpu.memory_space<hbm>>
    %dma_wait3A_25 = arith.constant 0 : i32
    %dma_wait3A_26 = tpu.memref_slice %arg4[%dma_wait3A_25] : memref<320000xi32, #tpu.memory_space<hbm>> -> memref<40xi32, #tpu.memory_space<hbm>>
    tpu.wait_dma2 semaphore(%arg18 : memref<!tpu.dma_semaphore, #tpu.memory_space<semaphore_mem>>) src(%dma_wait3A_26 : memref<40xi32, #tpu.memory_space<hbm>>) dst(%arg7 : memref<40xi32, #tpu.memory_space<vmem>>)
    %dma_wait3A_27 = arith.constant 0 : i32
    %dma_wait3A_28 = tpu.memref_slice %arg5[%dma_wait3A_27] : memref<320000xi32, #tpu.memory_space<hbm>> -> memref<40xi32, #tpu.memory_space<hbm>>
    %dma_wait3A_29 = arith.constant 0 : i32
    %dma_wait3A_30 = tpu.memref_slice %arg5[%dma_wait3A_29] : memref<320000xi32, #tpu.memory_space<hbm>> -> memref<40xi32, #tpu.memory_space<hbm>>
    tpu.wait_dma2 semaphore(%arg18 : memref<!tpu.dma_semaphore, #tpu.memory_space<semaphore_mem>>) src(%dma_wait3A_30 : memref<40xi32, #tpu.memory_space<hbm>>) dst(%arg9 : memref<40xi32, #tpu.memory_space<vmem>>)
    %mul3A_31 = arith.constant 2000 : i32
    %mul3A_32 = arith.muli %add3A, %mul3A_31 : i32
    %add3A_33 = arith.constant 0 : i32
    %add3A_34 = arith.addi %mul3A_32, %add3A_33 : i32
    %dma_start3A_35 = arith.constant 0 : i32
    %dma_start3A_36 = arith.constant 0 : i32
    %dma_start3A_37 = tpu.memref_slice %arg2[%dma_start3A_35, %dma_start3A_36] : memref<10000x128xf32, #tpu.memory_space<hbm>> -> memref<10000x128xf32, #tpu.memory_space<hbm>>
    tpu.enqueue_indirect_dma source(%dma_start3A_37 : memref<10000x128xf32, #tpu.memory_space<hbm>>) target(%arg11 : memref<40x128xf32, #tpu.memory_space<vmem>>) offsets(%arg7 : memref<40xi32, #tpu.memory_space<vmem>>) semaphore(%arg20 : memref<!tpu.dma_semaphore, #tpu.memory_space<semaphore_mem>>)
    %dma_start3A_38 = arith.constant 0 : i32
    %dma_start3A_39 = tpu.memref_slice %arg3[%add3A_34, %dma_start3A_38] : memref<64000x128xf32, #tpu.memory_space<hbm>> -> memref<40x128xf32, #tpu.memory_space<hbm>>
    %dma_start3A_40 = arith.constant 0 : i32
    %dma_start3A_41 = tpu.memref_slice %arg3[%add3A_34, %dma_start3A_40] : memref<64000x128xf32, #tpu.memory_space<hbm>> -> memref<40x128xf32, #tpu.memory_space<hbm>>
    tpu.enqueue_dma source(%dma_start3A_41 : memref<40x128xf32, #tpu.memory_space<hbm>>) target(%arg13 : memref<40x128xf32, #tpu.memory_space<vmem>>) target_semaphore(%arg22 : memref<!tpu.dma_semaphore, #tpu.memory_space<semaphore_mem>>)
    %mul3A_42 = arith.constant 2000 : i32
    %mul3A_43 = arith.muli %add3A, %mul3A_42 : i32
    %add3A_44 = arith.constant 0 : i32
    %add3A_45 = arith.addi %add3A_44, %mul3A_43 : i32
    %add3A_46 = arith.constant 40 : i32
    %add3A_47 = arith.addi %add3A_45, %add3A_46 : i32
    %dma_start3A_48 = tpu.memref_slice %arg4[%add3A_47] : memref<320000xi32, #tpu.memory_space<hbm>> -> memref<40xi32, #tpu.memory_space<hbm>>
    %dma_start3A_49 = tpu.memref_slice %arg4[%add3A_47] : memref<320000xi32, #tpu.memory_space<hbm>> -> memref<40xi32, #tpu.memory_space<hbm>>
    tpu.enqueue_dma source(%dma_start3A_49 : memref<40xi32, #tpu.memory_space<hbm>>) target(%arg8 : memref<40xi32, #tpu.memory_space<vmem>>) target_semaphore(%arg19 : memref<!tpu.dma_semaphore, #tpu.memory_space<semaphore_mem>>)
    %dma_start3A_50 = tpu.memref_slice %arg5[%add3A_47] : memref<320000xi32, #tpu.memory_space<hbm>> -> memref<40xi32, #tpu.memory_space<hbm>>
    %dma_start3A_51 = tpu.memref_slice %arg5[%add3A_47] : memref<320000xi32, #tpu.memory_space<hbm>> -> memref<40xi32, #tpu.memory_space<hbm>>
    tpu.enqueue_dma source(%dma_start3A_51 : memref<40xi32, #tpu.memory_space<hbm>>) target(%arg10 : memref<40xi32, #tpu.memory_space<vmem>>) target_semaphore(%arg19 : memref<!tpu.dma_semaphore, #tpu.memory_space<semaphore_mem>>)
    %scan3A_52 = arith.constant 0 : i32
    %scan3A_53 = arith.constant 0 : i32
    %scan3A_54 = arith.constant 25 : i32
    %scan3A_55 = arith.addi %scan3A_53, %scan3A_54 : i32
    %scan3A_56 = arith.constant 1 : i32
    %scan3A_57 = scf.for %scan3A_67 = %scan3A_53 to %scan3A_55 step %scan3A_56 iter_args(%scan3A_68 = %scan3A_52) -> (i32)  : i32 {
      %mul3A_69 = arith.constant 2 : i32
      %mul3A_70 = arith.muli %scan3A_67, %mul3A_69 : i32
      %add3A_71 = arith.constant 1 : i32
      %add3A_72 = arith.addi %mul3A_70, %add3A_71 : i32
      %lt3A = arith.constant 50 : i32
      %lt3A_73 = arith.cmpi slt, %add3A_72, %lt3A : i32
      %convert_element_type3A = arith.extui %lt3A_73 : i1 to i32
      %cond3A = arith.constant 0 : i32
      %cond3A_74 = arith.cmpi ne, %convert_element_type3A, %cond3A : i32
      scf.if %cond3A_74 {
        %dma_wait3A_133 = arith.constant 0 : i32
        %dma_wait3A_134 = tpu.memref_slice %arg4[%dma_wait3A_133] : memref<320000xi32, #tpu.memory_space<hbm>> -> memref<40xi32, #tpu.memory_space<hbm>>
        %dma_wait3A_135 = arith.constant 0 : i32
        %dma_wait3A_136 = tpu.memref_slice %arg4[%dma_wait3A_135] : memref<320000xi32, #tpu.memory_space<hbm>> -> memref<40xi32, #tpu.memory_space<hbm>>
        tpu.wait_dma2 semaphore(%arg19 : memref<!tpu.dma_semaphore, #tpu.memory_space<semaphore_mem>>) src(%dma_wait3A_136 : memref<40xi32, #tpu.memory_space<hbm>>) dst(%arg8 : memref<40xi32, #tpu.memory_space<vmem>>)
        %dma_wait3A_137 = arith.constant 0 : i32
        %dma_wait3A_138 = tpu.memref_slice %arg5[%dma_wait3A_137] : memref<320000xi32, #tpu.memory_space<hbm>> -> memref<40xi32, #tpu.memory_space<hbm>>
        %dma_wait3A_139 = arith.constant 0 : i32
        %dma_wait3A_140 = tpu.memref_slice %arg5[%dma_wait3A_139] : memref<320000xi32, #tpu.memory_space<hbm>> -> memref<40xi32, #tpu.memory_space<hbm>>
        tpu.wait_dma2 semaphore(%arg19 : memref<!tpu.dma_semaphore, #tpu.memory_space<semaphore_mem>>) src(%dma_wait3A_140 : memref<40xi32, #tpu.memory_space<hbm>>) dst(%arg10 : memref<40xi32, #tpu.memory_space<vmem>>)
        %add3A_141 = arith.constant 1 : i32
        %add3A_142 = arith.addi %mul3A_70, %add3A_141 : i32
        %mul3A_143 = arith.constant 2000 : i32
        %mul3A_144 = arith.muli %add3A, %mul3A_143 : i32
        %mul3A_145 = arith.constant 40 : i32
        %mul3A_146 = arith.muli %add3A_142, %mul3A_145 : i32
        %add3A_147 = arith.addi %mul3A_144, %mul3A_146 : i32
        %dma_start3A_148 = arith.constant 0 : i32
        %dma_start3A_149 = arith.constant 0 : i32
        %dma_start3A_150 = tpu.memref_slice %arg2[%dma_start3A_148, %dma_start3A_149] : memref<10000x128xf32, #tpu.memory_space<hbm>> -> memref<10000x128xf32, #tpu.memory_space<hbm>>
        tpu.enqueue_indirect_dma source(%dma_start3A_150 : memref<10000x128xf32, #tpu.memory_space<hbm>>) target(%arg12 : memref<40x128xf32, #tpu.memory_space<vmem>>) offsets(%arg8 : memref<40xi32, #tpu.memory_space<vmem>>) semaphore(%arg21 : memref<!tpu.dma_semaphore, #tpu.memory_space<semaphore_mem>>)
        %dma_start3A_151 = arith.constant 0 : i32
        %dma_start3A_152 = tpu.memref_slice %arg3[%add3A_147, %dma_start3A_151] : memref<64000x128xf32, #tpu.memory_space<hbm>> -> memref<40x128xf32, #tpu.memory_space<hbm>>
        %dma_start3A_153 = arith.constant 0 : i32
        %dma_start3A_154 = tpu.memref_slice %arg3[%add3A_147, %dma_start3A_153] : memref<64000x128xf32, #tpu.memory_space<hbm>> -> memref<40x128xf32, #tpu.memory_space<hbm>>
        tpu.enqueue_dma source(%dma_start3A_154 : memref<40x128xf32, #tpu.memory_space<hbm>>) target(%arg14 : memref<40x128xf32, #tpu.memory_space<vmem>>) target_semaphore(%arg23 : memref<!tpu.dma_semaphore, #tpu.memory_space<semaphore_mem>>)
      } else {
      }
      %dma_wait3A_75 = arith.constant 0 : i32
      %dma_wait3A_76 = arith.constant 0 : i32
      %dma_wait3A_77 = tpu.memref_slice %arg2[%dma_wait3A_75, %dma_wait3A_76] : memref<10000x128xf32, #tpu.memory_space<hbm>> -> memref<10000x128xf32, #tpu.memory_space<hbm>>
      tpu.wait_indirect_dma semaphore(%arg20 : memref<!tpu.dma_semaphore, #tpu.memory_space<semaphore_mem>>) src(%dma_wait3A_77 : memref<10000x128xf32, #tpu.memory_space<hbm>>) dst(%arg11 : memref<40x128xf32, #tpu.memory_space<vmem>>)
      %dma_wait3A_78 = arith.constant 0 : i32
      %dma_wait3A_79 = arith.constant 0 : i32
      %dma_wait3A_80 = tpu.memref_slice %arg3[%dma_wait3A_78, %dma_wait3A_79] : memref<64000x128xf32, #tpu.memory_space<hbm>> -> memref<40x128xf32, #tpu.memory_space<hbm>>
      %dma_wait3A_81 = arith.constant 0 : i32
      %dma_wait3A_82 = arith.constant 0 : i32
      %dma_wait3A_83 = tpu.memref_slice %arg3[%dma_wait3A_81, %dma_wait3A_82] : memref<64000x128xf32, #tpu.memory_space<hbm>> -> memref<40x128xf32, #tpu.memory_space<hbm>>
      tpu.wait_dma2 semaphore(%arg22 : memref<!tpu.dma_semaphore, #tpu.memory_space<semaphore_mem>>) src(%dma_wait3A_83 : memref<40x128xf32, #tpu.memory_space<hbm>>) dst(%arg13 : memref<40x128xf32, #tpu.memory_space<vmem>>)
      %scan3A_84 = arith.constant 0 : i32
      %scan3A_85 = arith.constant 0 : i32
      %scan3A_86 = arith.constant 20 : i32
      %scan3A_87 = arith.addi %scan3A_85, %scan3A_86 : i32
      %scan3A_88 = arith.constant 1 : i32
      %scan3A_89 = scf.for %scan3A_133 = %scan3A_85 to %scan3A_87 step %scan3A_88 iter_args(%scan3A_134 = %scan3A_84) -> (i32)  : i32 {
        %mul3A_135 = arith.constant 2 : i32
        %mul3A_136 = arith.muli %scan3A_133, %mul3A_135 : i32
        %add3A_137 = arith.constant 0 : i32
        %add3A_138 = arith.addi %mul3A_136, %add3A_137 : i32
        %get3A = arith.index_cast %add3A_138 : i32 to index
        %get3A_139 = arith.constant 0 : index
        %get3A_140 = tpu.vector_load %arg11[%get3A, %get3A_139] {strides = array<i32>} : memref<40x128xf32, #tpu.memory_space<vmem>>, vector<1x16xf32>,
        %get3A_141 = vector.shape_cast %get3A_140 : vector<1x16xf32> to vector<16xf32>
        %get3A_142 = arith.index_cast %add3A_138 : i32 to index
        %get3A_143 = arith.constant 0 : index
        %get3A_144 = tpu.vector_load %arg13[%get3A_142, %get3A_143] {strides = array<i32>} : memref<40x128xf32, #tpu.memory_space<vmem>>, vector<1x16xf32>,
        %get3A_145 = vector.shape_cast %get3A_144 : vector<1x16xf32> to vector<16xf32>
        %mul3A_146 = arith.mulf %get3A_141, %get3A_145 : vector<16xf32>
        %swap3A = arith.index_cast %add3A_138 : i32 to index
        %swap3A_147 = arith.constant 0 : index
        %swap3A_148 = tpu.vector_load %arg15[%swap3A, %swap3A_147] {strides = array<i32>} : memref<40x128xf32, #tpu.memory_space<vmem>>, vector<1x16xf32>,
        %swap3A_149 = vector.shape_cast %swap3A_148 : vector<1x16xf32> to vector<16xf32>
        %swap3A_150 = vector.shape_cast %mul3A_146 : vector<16xf32> to vector<1x16xf32>
        tpu.vector_store %arg15[%swap3A, %swap3A_147], %swap3A_150 {strides = array<i32>} : memref<40x128xf32, #tpu.memory_space<vmem>>, vector<1x16xf32>,
        %get3A_151 = arith.index_cast %add3A_138 : i32 to index
        %get3A_152 = arith.constant 16 : index
        %get3A_153 = tpu.vector_load %arg11[%get3A_151, %get3A_152] {strides = array<i32>} : memref<40x128xf32, #tpu.memory_space<vmem>>, vector<1x16xf32>,
        %get3A_154 = vector.shape_cast %get3A_153 : vector<1x16xf32> to vector<16xf32>
        %get3A_155 = arith.index_cast %add3A_138 : i32 to index
        %get3A_156 = arith.constant 16 : index
        %get3A_157 = tpu.vector_load %arg13[%get3A_155, %get3A_156] {strides = array<i32>} : memref<40x128xf32, #tpu.memory_space<vmem>>, vector<1x16xf32>,
        %get3A_158 = vector.shape_cast %get3A_157 : vector<1x16xf32> to vector<16xf32>
        %mul3A_159 = arith.mulf %get3A_154, %get3A_158 : vector<16xf32>
        %swap3A_160 = arith.index_cast %add3A_138 : i32 to index
        %swap3A_161 = arith.constant 16 : index
        %swap3A_162 = tpu.vector_load %arg15[%swap3A_160, %swap3A_161] {strides = array<i32>} : memref<40x128xf32, #tpu.memory_space<vmem>>, vector<1x16xf32>,
        %swap3A_163 = vector.shape_cast %swap3A_162 : vector<1x16xf32> to vector<16xf32>
        %swap3A_164 = vector.shape_cast %mul3A_159 : vector<16xf32> to vector<1x16xf32>
        tpu.vector_store %arg15[%swap3A_160, %swap3A_161], %swap3A_164 {strides = array<i32>} : memref<40x128xf32, #tpu.memory_space<vmem>>, vector<1x16xf32>,
        %get3A_165 = arith.index_cast %add3A_138 : i32 to index
        %get3A_166 = arith.constant 32 : index
        %get3A_167 = tpu.vector_load %arg11[%get3A_165, %get3A_166] {strides = array<i32>} : memref<40x128xf32, #tpu.memory_space<vmem>>, vector<1x16xf32>,
        %get3A_168 = vector.shape_cast %get3A_167 : vector<1x16xf32> to vector<16xf32>
        %get3A_169 = arith.index_cast %add3A_138 : i32 to index
        %get3A_170 = arith.constant 32 : index
        %get3A_171 = tpu.vector_load %arg13[%get3A_169, %get3A_170] {strides = array<i32>} : memref<40x128xf32, #tpu.memory_space<vmem>>, vector<1x16xf32>,
        %get3A_172 = vector.shape_cast %get3A_171 : vector<1x16xf32> to vector<16xf32>
        %mul3A_173 = arith.mulf %get3A_168, %get3A_172 : vector<16xf32>
        %swap3A_174 = arith.index_cast %add3A_138 : i32 to index
        %swap3A_175 = arith.constant 32 : index
        %swap3A_176 = tpu.vector_load %arg15[%swap3A_174, %swap3A_175] {strides = array<i32>} : memref<40x128xf32, #tpu.memory_space<vmem>>, vector<1x16xf32>,
        %swap3A_177 = vector.shape_cast %swap3A_176 : vector<1x16xf32> to vector<16xf32>
        %swap3A_178 = vector.shape_cast %mul3A_173 : vector<16xf32> to vector<1x16xf32>
        tpu.vector_store %arg15[%swap3A_174, %swap3A_175], %swap3A_178 {strides = array<i32>} : memref<40x128xf32, #tpu.memory_space<vmem>>, vector<1x16xf32>,
        %get3A_179 = arith.index_cast %add3A_138 : i32 to index
        %get3A_180 = arith.constant 48 : index
        %get3A_181 = tpu.vector_load %arg11[%get3A_179, %get3A_180] {strides = array<i32>} : memref<40x128xf32, #tpu.memory_space<vmem>>, vector<1x16xf32>,
        %get3A_182 = vector.shape_cast %get3A_181 : vector<1x16xf32> to vector<16xf32>
        %get3A_183 = arith.index_cast %add3A_138 : i32 to index
        %get3A_184 = arith.constant 48 : index
        %get3A_185 = tpu.vector_load %arg13[%get3A_183, %get3A_184] {strides = array<i32>} : memref<40x128xf32, #tpu.memory_space<vmem>>, vector<1x16xf32>,
        %get3A_186 = vector.shape_cast %get3A_185 : vector<1x16xf32> to vector<16xf32>
        %mul3A_187 = arith.mulf %get3A_182, %get3A_186 : vector<16xf32>
        %swap3A_188 = arith.index_cast %add3A_138 : i32 to index
        %swap3A_189 = arith.constant 48 : index
        %swap3A_190 = tpu.vector_load %arg15[%swap3A_188, %swap3A_189] {strides = array<i32>} : memref<40x128xf32, #tpu.memory_space<vmem>>, vector<1x16xf32>,
        %swap3A_191 = vector.shape_cast %swap3A_190 : vector<1x16xf32> to vector<16xf32>
        %swap3A_192 = vector.shape_cast %mul3A_187 : vector<16xf32> to vector<1x16xf32>
        tpu.vector_store %arg15[%swap3A_188, %swap3A_189], %swap3A_192 {strides = array<i32>} : memref<40x128xf32, #tpu.memory_space<vmem>>, vector<1x16xf32>,
        %get3A_193 = arith.index_cast %add3A_138 : i32 to index
        %get3A_194 = arith.constant 64 : index
        %get3A_195 = tpu.vector_load %arg11[%get3A_193, %get3A_194] {strides = array<i32>} : memref<40x128xf32, #tpu.memory_space<vmem>>, vector<1x16xf32>,
        %get3A_196 = vector.shape_cast %get3A_195 : vector<1x16xf32> to vector<16xf32>
        %get3A_197 = arith.index_cast %add3A_138 : i32 to index
        %get3A_198 = arith.constant 64 : index
        %get3A_199 = tpu.vector_load %arg13[%get3A_197, %get3A_198] {strides = array<i32>} : memref<40x128xf32, #tpu.memory_space<vmem>>, vector<1x16xf32>,
        %get3A_200 = vector.shape_cast %get3A_199 : vector<1x16xf32> to vector<16xf32>
        %mul3A_201 = arith.mulf %get3A_196, %get3A_200 : vector<16xf32>
        %swap3A_202 = arith.index_cast %add3A_138 : i32 to index
        %swap3A_203 = arith.constant 64 : index
        %swap3A_204 = tpu.vector_load %arg15[%swap3A_202, %swap3A_203] {strides = array<i32>} : memref<40x128xf32, #tpu.memory_space<vmem>>, vector<1x16xf32>,
        %swap3A_205 = vector.shape_cast %swap3A_204 : vector<1x16xf32> to vector<16xf32>
        %swap3A_206 = vector.shape_cast %mul3A_201 : vector<16xf32> to vector<1x16xf32>
        tpu.vector_store %arg15[%swap3A_202, %swap3A_203], %swap3A_206 {strides = array<i32>} : memref<40x128xf32, #tpu.memory_space<vmem>>, vector<1x16xf32>,
        %get3A_207 = arith.index_cast %add3A_138 : i32 to index
        %get3A_208 = arith.constant 80 : index
        %get3A_209 = tpu.vector_load %arg11[%get3A_207, %get3A_208] {strides = array<i32>} : memref<40x128xf32, #tpu.memory_space<vmem>>, vector<1x16xf32>,
        %get3A_210 = vector.shape_cast %get3A_209 : vector<1x16xf32> to vector<16xf32>
        %get3A_211 = arith.index_cast %add3A_138 : i32 to index
        %get3A_212 = arith.constant 80 : index
        %get3A_213 = tpu.vector_load %arg13[%get3A_211, %get3A_212] {strides = array<i32>} : memref<40x128xf32, #tpu.memory_space<vmem>>, vector<1x16xf32>,
        %get3A_214 = vector.shape_cast %get3A_213 : vector<1x16xf32> to vector<16xf32>
        %mul3A_215 = arith.mulf %get3A_210, %get3A_214 : vector<16xf32>
        %swap3A_216 = arith.index_cast %add3A_138 : i32 to index
        %swap3A_217 = arith.constant 80 : index
        %swap3A_218 = tpu.vector_load %arg15[%swap3A_216, %swap3A_217] {strides = array<i32>} : memref<40x128xf32, #tpu.memory_space<vmem>>, vector<1x16xf32>,
        %swap3A_219 = vector.shape_cast %swap3A_218 : vector<1x16xf32> to vector<16xf32>
        %swap3A_220 = vector.shape_cast %mul3A_215 : vector<16xf32> to vector<1x16xf32>
        tpu.vector_store %arg15[%swap3A_216, %swap3A_217], %swap3A_220 {strides = array<i32>} : memref<40x128xf32, #tpu.memory_space<vmem>>, vector<1x16xf32>,
        %get3A_221 = arith.index_cast %add3A_138 : i32 to index
        %get3A_222 = arith.constant 96 : index
        %get3A_223 = tpu.vector_load %arg11[%get3A_221, %get3A_222] {strides = array<i32>} : memref<40x128xf32, #tpu.memory_space<vmem>>, vector<1x16xf32>,
        %get3A_224 = vector.shape_cast %get3A_223 : vector<1x16xf32> to vector<16xf32>
        %get3A_225 = arith.index_cast %add3A_138 : i32 to index
        %get3A_226 = arith.constant 96 : index
        %get3A_227 = tpu.vector_load %arg13[%get3A_225, %get3A_226] {strides = array<i32>} : memref<40x128xf32, #tpu.memory_space<vmem>>, vector<1x16xf32>,
        %get3A_228 = vector.shape_cast %get3A_227 : vector<1x16xf32> to vector<16xf32>
        %mul3A_229 = arith.mulf %get3A_224, %get3A_228 : vector<16xf32>
        %swap3A_230 = arith.index_cast %add3A_138 : i32 to index
        %swap3A_231 = arith.constant 96 : index
        %swap3A_232 = tpu.vector_load %arg15[%swap3A_230, %swap3A_231] {strides = array<i32>} : memref<40x128xf32, #tpu.memory_space<vmem>>, vector<1x16xf32>,
        %swap3A_233 = vector.shape_cast %swap3A_232 : vector<1x16xf32> to vector<16xf32>
        %swap3A_234 = vector.shape_cast %mul3A_229 : vector<16xf32> to vector<1x16xf32>
        tpu.vector_store %arg15[%swap3A_230, %swap3A_231], %swap3A_234 {strides = array<i32>} : memref<40x128xf32, #tpu.memory_space<vmem>>, vector<1x16xf32>,
        %get3A_235 = arith.index_cast %add3A_138 : i32 to index
        %get3A_236 = arith.constant 112 : index
        %get3A_237 = tpu.vector_load %arg11[%get3A_235, %get3A_236] {strides = array<i32>} : memref<40x128xf32, #tpu.memory_space<vmem>>, vector<1x16xf32>,
        %get3A_238 = vector.shape_cast %get3A_237 : vector<1x16xf32> to vector<16xf32>
        %get3A_239 = arith.index_cast %add3A_138 : i32 to index
        %get3A_240 = arith.constant 112 : index
        %get3A_241 = tpu.vector_load %arg13[%get3A_239, %get3A_240] {strides = array<i32>} : memref<40x128xf32, #tpu.memory_space<vmem>>, vector<1x16xf32>,
        %get3A_242 = vector.shape_cast %get3A_241 : vector<1x16xf32> to vector<16xf32>
        %mul3A_243 = arith.mulf %get3A_238, %get3A_242 : vector<16xf32>
        %swap3A_244 = arith.index_cast %add3A_138 : i32 to index
        %swap3A_245 = arith.constant 112 : index
        %swap3A_246 = tpu.vector_load %arg15[%swap3A_244, %swap3A_245] {strides = array<i32>} : memref<40x128xf32, #tpu.memory_space<vmem>>, vector<1x16xf32>,
        %swap3A_247 = vector.shape_cast %swap3A_246 : vector<1x16xf32> to vector<16xf32>
        %swap3A_248 = vector.shape_cast %mul3A_243 : vector<16xf32> to vector<1x16xf32>
        tpu.vector_store %arg15[%swap3A_244, %swap3A_245], %swap3A_248 {strides = array<i32>} : memref<40x128xf32, #tpu.memory_space<vmem>>, vector<1x16xf32>,
        %mul3A_249 = arith.constant 2 : i32
        %mul3A_250 = arith.muli %scan3A_133, %mul3A_249 : i32
        %add3A_251 = arith.constant 1 : i32
        %add3A_252 = arith.addi %mul3A_250, %add3A_251 : i32
        %get3A_253 = arith.index_cast %add3A_252 : i32 to index
        %get3A_254 = arith.constant 0 : index
        %get3A_255 = tpu.vector_load %arg11[%get3A_253, %get3A_254] {strides = array<i32>} : memref<40x128xf32, #tpu.memory_space<vmem>>, vector<1x16xf32>,
        %get3A_256 = vector.shape_cast %get3A_255 : vector<1x16xf32> to vector<16xf32>
        %get3A_257 = arith.index_cast %add3A_252 : i32 to index
        %get3A_258 = arith.constant 0 : index
        %get3A_259 = tpu.vector_load %arg13[%get3A_257, %get3A_258] {strides = array<i32>} : memref<40x128xf32, #tpu.memory_space<vmem>>, vector<1x16xf32>,
        %get3A_260 = vector.shape_cast %get3A_259 : vector<1x16xf32> to vector<16xf32>
        %mul3A_261 = arith.mulf %get3A_256, %get3A_260 : vector<16xf32>
        %swap3A_262 = arith.index_cast %add3A_252 : i32 to index
        %swap3A_263 = arith.constant 0 : index
        %swap3A_264 = tpu.vector_load %arg15[%swap3A_262, %swap3A_263] {strides = array<i32>} : memref<40x128xf32, #tpu.memory_space<vmem>>, vector<1x16xf32>,
        %swap3A_265 = vector.shape_cast %swap3A_264 : vector<1x16xf32> to vector<16xf32>
        %swap3A_266 = vector.shape_cast %mul3A_261 : vector<16xf32> to vector<1x16xf32>
        tpu.vector_store %arg15[%swap3A_262, %swap3A_263], %swap3A_266 {strides = array<i32>} : memref<40x128xf32, #tpu.memory_space<vmem>>, vector<1x16xf32>,
        %get3A_267 = arith.index_cast %add3A_252 : i32 to index
        %get3A_268 = arith.constant 16 : index
        %get3A_269 = tpu.vector_load %arg11[%get3A_267, %get3A_268] {strides = array<i32>} : memref<40x128xf32, #tpu.memory_space<vmem>>, vector<1x16xf32>,
        %get3A_270 = vector.shape_cast %get3A_269 : vector<1x16xf32> to vector<16xf32>
        %get3A_271 = arith.index_cast %add3A_252 : i32 to index
        %get3A_272 = arith.constant 16 : index
        %get3A_273 = tpu.vector_load %arg13[%get3A_271, %get3A_272] {strides = array<i32>} : memref<40x128xf32, #tpu.memory_space<vmem>>, vector<1x16xf32>,
        %get3A_274 = vector.shape_cast %get3A_273 : vector<1x16xf32> to vector<16xf32>
        %mul3A_275 = arith.mulf %get3A_270, %get3A_274 : vector<16xf32>
        %swap3A_276 = arith.index_cast %add3A_252 : i32 to index
        %swap3A_277 = arith.constant 16 : index
        %swap3A_278 = tpu.vector_load %arg15[%swap3A_276, %swap3A_277] {strides = array<i32>} : memref<40x128xf32, #tpu.memory_space<vmem>>, vector<1x16xf32>,
        %swap3A_279 = vector.shape_cast %swap3A_278 : vector<1x16xf32> to vector<16xf32>
        %swap3A_280 = vector.shape_cast %mul3A_275 : vector<16xf32> to vector<1x16xf32>
        tpu.vector_store %arg15[%swap3A_276, %swap3A_277], %swap3A_280 {strides = array<i32>} : memref<40x128xf32, #tpu.memory_space<vmem>>, vector<1x16xf32>,
        %get3A_281 = arith.index_cast %add3A_252 : i32 to index
        %get3A_282 = arith.constant 32 : index
        %get3A_283 = tpu.vector_load %arg11[%get3A_281, %get3A_282] {strides = array<i32>} : memref<40x128xf32, #tpu.memory_space<vmem>>, vector<1x16xf32>,
        %get3A_284 = vector.shape_cast %get3A_283 : vector<1x16xf32> to vector<16xf32>
        %get3A_285 = arith.index_cast %add3A_252 : i32 to index
        %get3A_286 = arith.constant 32 : index
        %get3A_287 = tpu.vector_load %arg13[%get3A_285, %get3A_286] {strides = array<i32>} : memref<40x128xf32, #tpu.memory_space<vmem>>, vector<1x16xf32>,
        %get3A_288 = vector.shape_cast %get3A_287 : vector<1x16xf32> to vector<16xf32>
        %mul3A_289 = arith.mulf %get3A_284, %get3A_288 : vector<16xf32>
        %swap3A_290 = arith.index_cast %add3A_252 : i32 to index
        %swap3A_291 = arith.constant 32 : index
        %swap3A_292 = tpu.vector_load %arg15[%swap3A_290, %swap3A_291] {strides = array<i32>} : memref<40x128xf32, #tpu.memory_space<vmem>>, vector<1x16xf32>,
        %swap3A_293 = vector.shape_cast %swap3A_292 : vector<1x16xf32> to vector<16xf32>
        %swap3A_294 = vector.shape_cast %mul3A_289 : vector<16xf32> to vector<1x16xf32>
        tpu.vector_store %arg15[%swap3A_290, %swap3A_291], %swap3A_294 {strides = array<i32>} : memref<40x128xf32, #tpu.memory_space<vmem>>, vector<1x16xf32>,
        %get3A_295 = arith.index_cast %add3A_252 : i32 to index
        %get3A_296 = arith.constant 48 : index
        %get3A_297 = tpu.vector_load %arg11[%get3A_295, %get3A_296] {strides = array<i32>} : memref<40x128xf32, #tpu.memory_space<vmem>>, vector<1x16xf32>,
        %get3A_298 = vector.shape_cast %get3A_297 : vector<1x16xf32> to vector<16xf32>
        %get3A_299 = arith.index_cast %add3A_252 : i32 to index
        %get3A_300 = arith.constant 48 : index
        %get3A_301 = tpu.vector_load %arg13[%get3A_299, %get3A_300] {strides = array<i32>} : memref<40x128xf32, #tpu.memory_space<vmem>>, vector<1x16xf32>,
        %get3A_302 = vector.shape_cast %get3A_301 : vector<1x16xf32> to vector<16xf32>
        %mul3A_303 = arith.mulf %get3A_298, %get3A_302 : vector<16xf32>
        %swap3A_304 = arith.index_cast %add3A_252 : i32 to index
        %swap3A_305 = arith.constant 48 : index
        %swap3A_306 = tpu.vector_load %arg15[%swap3A_304, %swap3A_305] {strides = array<i32>} : memref<40x128xf32, #tpu.memory_space<vmem>>, vector<1x16xf32>,
        %swap3A_307 = vector.shape_cast %swap3A_306 : vector<1x16xf32> to vector<16xf32>
        %swap3A_308 = vector.shape_cast %mul3A_303 : vector<16xf32> to vector<1x16xf32>
        tpu.vector_store %arg15[%swap3A_304, %swap3A_305], %swap3A_308 {strides = array<i32>} : memref<40x128xf32, #tpu.memory_space<vmem>>, vector<1x16xf32>,
        %get3A_309 = arith.index_cast %add3A_252 : i32 to index
        %get3A_310 = arith.constant 64 : index
        %get3A_311 = tpu.vector_load %arg11[%get3A_309, %get3A_310] {strides = array<i32>} : memref<40x128xf32, #tpu.memory_space<vmem>>, vector<1x16xf32>,
        %get3A_312 = vector.shape_cast %get3A_311 : vector<1x16xf32> to vector<16xf32>
        %get3A_313 = arith.index_cast %add3A_252 : i32 to index
        %get3A_314 = arith.constant 64 : index
        %get3A_315 = tpu.vector_load %arg13[%get3A_313, %get3A_314] {strides = array<i32>} : memref<40x128xf32, #tpu.memory_space<vmem>>, vector<1x16xf32>,
        %get3A_316 = vector.shape_cast %get3A_315 : vector<1x16xf32> to vector<16xf32>
        %mul3A_317 = arith.mulf %get3A_312, %get3A_316 : vector<16xf32>
        %swap3A_318 = arith.index_cast %add3A_252 : i32 to index
        %swap3A_319 = arith.constant 64 : index
        %swap3A_320 = tpu.vector_load %arg15[%swap3A_318, %swap3A_319] {strides = array<i32>} : memref<40x128xf32, #tpu.memory_space<vmem>>, vector<1x16xf32>,
        %swap3A_321 = vector.shape_cast %swap3A_320 : vector<1x16xf32> to vector<16xf32>
        %swap3A_322 = vector.shape_cast %mul3A_317 : vector<16xf32> to vector<1x16xf32>
        tpu.vector_store %arg15[%swap3A_318, %swap3A_319], %swap3A_322 {strides = array<i32>} : memref<40x128xf32, #tpu.memory_space<vmem>>, vector<1x16xf32>,
        %get3A_323 = arith.index_cast %add3A_252 : i32 to index
        %get3A_324 = arith.constant 80 : index
        %get3A_325 = tpu.vector_load %arg11[%get3A_323, %get3A_324] {strides = array<i32>} : memref<40x128xf32, #tpu.memory_space<vmem>>, vector<1x16xf32>,
        %get3A_326 = vector.shape_cast %get3A_325 : vector<1x16xf32> to vector<16xf32>
        %get3A_327 = arith.index_cast %add3A_252 : i32 to index
        %get3A_328 = arith.constant 80 : index
        %get3A_329 = tpu.vector_load %arg13[%get3A_327, %get3A_328] {strides = array<i32>} : memref<40x128xf32, #tpu.memory_space<vmem>>, vector<1x16xf32>,
        %get3A_330 = vector.shape_cast %get3A_329 : vector<1x16xf32> to vector<16xf32>
        %mul3A_331 = arith.mulf %get3A_326, %get3A_330 : vector<16xf32>
        %swap3A_332 = arith.index_cast %add3A_252 : i32 to index
        %swap3A_333 = arith.constant 80 : index
        %swap3A_334 = tpu.vector_load %arg15[%swap3A_332, %swap3A_333] {strides = array<i32>} : memref<40x128xf32, #tpu.memory_space<vmem>>, vector<1x16xf32>,
        %swap3A_335 = vector.shape_cast %swap3A_334 : vector<1x16xf32> to vector<16xf32>
        %swap3A_336 = vector.shape_cast %mul3A_331 : vector<16xf32> to vector<1x16xf32>
        tpu.vector_store %arg15[%swap3A_332, %swap3A_333], %swap3A_336 {strides = array<i32>} : memref<40x128xf32, #tpu.memory_space<vmem>>, vector<1x16xf32>,
        %get3A_337 = arith.index_cast %add3A_252 : i32 to index
        %get3A_338 = arith.constant 96 : index
        %get3A_339 = tpu.vector_load %arg11[%get3A_337, %get3A_338] {strides = array<i32>} : memref<40x128xf32, #tpu.memory_space<vmem>>, vector<1x16xf32>,
        %get3A_340 = vector.shape_cast %get3A_339 : vector<1x16xf32> to vector<16xf32>
        %get3A_341 = arith.index_cast %add3A_252 : i32 to index
        %get3A_342 = arith.constant 96 : index
        %get3A_343 = tpu.vector_load %arg13[%get3A_341, %get3A_342] {strides = array<i32>} : memref<40x128xf32, #tpu.memory_space<vmem>>, vector<1x16xf32>,
        %get3A_344 = vector.shape_cast %get3A_343 : vector<1x16xf32> to vector<16xf32>
        %mul3A_345 = arith.mulf %get3A_340, %get3A_344 : vector<16xf32>
        %swap3A_346 = arith.index_cast %add3A_252 : i32 to index
        %swap3A_347 = arith.constant 96 : index
        %swap3A_348 = tpu.vector_load %arg15[%swap3A_346, %swap3A_347] {strides = array<i32>} : memref<40x128xf32, #tpu.memory_space<vmem>>, vector<1x16xf32>,
        %swap3A_349 = vector.shape_cast %swap3A_348 : vector<1x16xf32> to vector<16xf32>
        %swap3A_350 = vector.shape_cast %mul3A_345 : vector<16xf32> to vector<1x16xf32>
        tpu.vector_store %arg15[%swap3A_346, %swap3A_347], %swap3A_350 {strides = array<i32>} : memref<40x128xf32, #tpu.memory_space<vmem>>, vector<1x16xf32>,
        %get3A_351 = arith.index_cast %add3A_252 : i32 to index
        %get3A_352 = arith.constant 112 : index
        %get3A_353 = tpu.vector_load %arg11[%get3A_351, %get3A_352] {strides = array<i32>} : memref<40x128xf32, #tpu.memory_space<vmem>>, vector<1x16xf32>,
        %get3A_354 = vector.shape_cast %get3A_353 : vector<1x16xf32> to vector<16xf32>
        %get3A_355 = arith.index_cast %add3A_252 : i32 to index
        %get3A_356 = arith.constant 112 : index
        %get3A_357 = tpu.vector_load %arg13[%get3A_355, %get3A_356] {strides = array<i32>} : memref<40x128xf32, #tpu.memory_space<vmem>>, vector<1x16xf32>,
        %get3A_358 = vector.shape_cast %get3A_357 : vector<1x16xf32> to vector<16xf32>
        %mul3A_359 = arith.mulf %get3A_354, %get3A_358 : vector<16xf32>
        %swap3A_360 = arith.index_cast %add3A_252 : i32 to index
        %swap3A_361 = arith.constant 112 : index
        %swap3A_362 = tpu.vector_load %arg15[%swap3A_360, %swap3A_361] {strides = array<i32>} : memref<40x128xf32, #tpu.memory_space<vmem>>, vector<1x16xf32>,
        %swap3A_363 = vector.shape_cast %swap3A_362 : vector<1x16xf32> to vector<16xf32>
        %swap3A_364 = vector.shape_cast %mul3A_359 : vector<16xf32> to vector<1x16xf32>
        tpu.vector_store %arg15[%swap3A_360, %swap3A_361], %swap3A_364 {strides = array<i32>} : memref<40x128xf32, #tpu.memory_space<vmem>>, vector<1x16xf32>,
        %scan3A_365 = arith.constant 0 : i32
        scf.yield %scan3A_365 : i32
      }
      %scan3A_90 = arith.constant 20 : i32
      "tpu.region"() ({
        %run_scoped3A = tpu.sem_alloc : memref<!tpu.dma_semaphore, #tpu.memory_space<semaphore_mem>>
        %dma_start3A_133 = arith.constant 0 : i32
        %dma_start3A_134 = arith.constant 0 : i32
        %dma_start3A_135 = tpu.memref_slice %arg17[%dma_start3A_133, %dma_start3A_134] : memref<10000x128xf32, #tpu.memory_space<vmem_shared>> -> memref<10000x128xf32, #tpu.memory_space<vmem_shared>>
        tpu.enqueue_indirect_dma source(%arg15 : memref<40x128xf32, #tpu.memory_space<vmem>>) target(%dma_start3A_135 : memref<10000x128xf32, #tpu.memory_space<vmem_shared>>) offsets(%arg9 : memref<40xi32, #tpu.memory_space<vmem>>) semaphore(%run_scoped3A : memref<!tpu.dma_semaphore, #tpu.memory_space<semaphore_mem>>) {add = true}
        %dma_wait3A_136 = arith.constant 0 : i32
        %dma_wait3A_137 = arith.constant 0 : i32
        %dma_wait3A_138 = tpu.memref_slice %arg17[%dma_wait3A_136, %dma_wait3A_137] : memref<10000x128xf32, #tpu.memory_space<vmem_shared>> -> memref<10000x128xf32, #tpu.memory_space<vmem_shared>>
        tpu.wait_indirect_dma semaphore(%run_scoped3A : memref<!tpu.dma_semaphore, #tpu.memory_space<semaphore_mem>>) src(%arg15 : memref<40x128xf32, #tpu.memory_space<vmem>>) dst(%dma_wait3A_138 : memref<10000x128xf32, #tpu.memory_space<vmem_shared>>)
        tpu.yield
      }) : () -> ()
      %add3A_91 = arith.constant 2 : i32
      %add3A_92 = arith.addi %mul3A_70, %add3A_91 : i32
      %lt3A_93 = arith.constant 50 : i32
      %lt3A_94 = arith.cmpi slt, %add3A_92, %lt3A_93 : i32
      %convert_element_type3A_95 = arith.extui %lt3A_94 : i1 to i32
      %cond3A_96 = arith.constant 0 : i32
      %cond3A_97 = arith.cmpi ne, %convert_element_type3A_95, %cond3A_96 : i32
      scf.if %cond3A_97 {
        %add3A_133 = arith.constant 2 : i32
        %add3A_134 = arith.addi %mul3A_70, %add3A_133 : i32
        %mul3A_135 = arith.constant 2000 : i32
        %mul3A_136 = arith.muli %add3A, %mul3A_135 : i32
        %add3A_137 = arith.constant 0 : i32
        %add3A_138 = arith.addi %add3A_137, %mul3A_136 : i32
        %mul3A_139 = arith.constant 40 : i32
        %mul3A_140 = arith.muli %add3A_134, %mul3A_139 : i32
        %add3A_141 = arith.addi %add3A_138, %mul3A_140 : i32
        %dma_start3A_142 = tpu.memref_slice %arg4[%add3A_141] : memref<320000xi32, #tpu.memory_space<hbm>> -> memref<40xi32, #tpu.memory_space<hbm>>
        %dma_start3A_143 = tpu.memref_slice %arg4[%add3A_141] : memref<320000xi32, #tpu.memory_space<hbm>> -> memref<40xi32, #tpu.memory_space<hbm>>
        tpu.enqueue_dma source(%dma_start3A_143 : memref<40xi32, #tpu.memory_space<hbm>>) target(%arg7 : memref<40xi32, #tpu.memory_space<vmem>>) target_semaphore(%arg18 : memref<!tpu.dma_semaphore, #tpu.memory_space<semaphore_mem>>)
        %dma_start3A_144 = tpu.memref_slice %arg5[%add3A_141] : memref<320000xi32, #tpu.memory_space<hbm>> -> memref<40xi32, #tpu.memory_space<hbm>>
        %dma_start3A_145 = tpu.memref_slice %arg5[%add3A_141] : memref<320000xi32, #tpu.memory_space<hbm>> -> memref<40xi32, #tpu.memory_space<hbm>>
        tpu.enqueue_dma source(%dma_start3A_145 : memref<40xi32, #tpu.memory_space<hbm>>) target(%arg9 : memref<40xi32, #tpu.memory_space<vmem>>) target_semaphore(%arg18 : memref<!tpu.dma_semaphore, #tpu.memory_space<semaphore_mem>>)
      } else {
      }
      %mul3A_98 = arith.constant 2 : i32
      %mul3A_99 = arith.muli %scan3A_67, %mul3A_98 : i32
      %add3A_100 = arith.constant 1 : i32
      %add3A_101 = arith.addi %mul3A_99, %add3A_100 : i32
      %add3A_102 = arith.constant 1 : i32
      %add3A_103 = arith.addi %add3A_101, %add3A_102 : i32
      %lt3A_104 = arith.constant 50 : i32
      %lt3A_105 = arith.cmpi slt, %add3A_103, %lt3A_104 : i32
      %convert_element_type3A_106 = arith.extui %lt3A_105 : i1 to i32
      %cond3A_107 = arith.constant 0 : i32
      %cond3A_108 = arith.cmpi ne, %convert_element_type3A_106, %cond3A_107 : i32
      scf.if %cond3A_108 {
        %dma_wait3A_133 = arith.constant 0 : i32
        %dma_wait3A_134 = tpu.memref_slice %arg4[%dma_wait3A_133] : memref<320000xi32, #tpu.memory_space<hbm>> -> memref<40xi32, #tpu.memory_space<hbm>>
        %dma_wait3A_135 = arith.constant 0 : i32
        %dma_wait3A_136 = tpu.memref_slice %arg4[%dma_wait3A_135] : memref<320000xi32, #tpu.memory_space<hbm>> -> memref<40xi32, #tpu.memory_space<hbm>>
        tpu.wait_dma2 semaphore(%arg18 : memref<!tpu.dma_semaphore, #tpu.memory_space<semaphore_mem>>) src(%dma_wait3A_136 : memref<40xi32, #tpu.memory_space<hbm>>) dst(%arg7 : memref<40xi32, #tpu.memory_space<vmem>>)
        %dma_wait3A_137 = arith.constant 0 : i32
        %dma_wait3A_138 = tpu.memref_slice %arg5[%dma_wait3A_137] : memref<320000xi32, #tpu.memory_space<hbm>> -> memref<40xi32, #tpu.memory_space<hbm>>
        %dma_wait3A_139 = arith.constant 0 : i32
        %dma_wait3A_140 = tpu.memref_slice %arg5[%dma_wait3A_139] : memref<320000xi32, #tpu.memory_space<hbm>> -> memref<40xi32, #tpu.memory_space<hbm>>
        tpu.wait_dma2 semaphore(%arg18 : memref<!tpu.dma_semaphore, #tpu.memory_space<semaphore_mem>>) src(%dma_wait3A_140 : memref<40xi32, #tpu.memory_space<hbm>>) dst(%arg9 : memref<40xi32, #tpu.memory_space<vmem>>)
        %add3A_141 = arith.constant 1 : i32
        %add3A_142 = arith.addi %add3A_101, %add3A_141 : i32
        %mul3A_143 = arith.constant 2000 : i32
        %mul3A_144 = arith.muli %add3A, %mul3A_143 : i32
        %mul3A_145 = arith.constant 40 : i32
        %mul3A_146 = arith.muli %add3A_142, %mul3A_145 : i32
        %add3A_147 = arith.addi %mul3A_144, %mul3A_146 : i32
        %dma_start3A_148 = arith.constant 0 : i32
        %dma_start3A_149 = arith.constant 0 : i32
        %dma_start3A_150 = tpu.memref_slice %arg2[%dma_start3A_148, %dma_start3A_149] : memref<10000x128xf32, #tpu.memory_space<hbm>> -> memref<10000x128xf32, #tpu.memory_space<hbm>>
        tpu.enqueue_indirect_dma source(%dma_start3A_150 : memref<10000x128xf32, #tpu.memory_space<hbm>>) target(%arg11 : memref<40x128xf32, #tpu.memory_space<vmem>>) offsets(%arg7 : memref<40xi32, #tpu.memory_space<vmem>>) semaphore(%arg20 : memref<!tpu.dma_semaphore, #tpu.memory_space<semaphore_mem>>)
        %dma_start3A_151 = arith.constant 0 : i32
        %dma_start3A_152 = tpu.memref_slice %arg3[%add3A_147, %dma_start3A_151] : memref<64000x128xf32, #tpu.memory_space<hbm>> -> memref<40x128xf32, #tpu.memory_space<hbm>>
        %dma_start3A_153 = arith.constant 0 : i32
        %dma_start3A_154 = tpu.memref_slice %arg3[%add3A_147, %dma_start3A_153] : memref<64000x128xf32, #tpu.memory_space<hbm>> -> memref<40x128xf32, #tpu.memory_space<hbm>>
        tpu.enqueue_dma source(%dma_start3A_154 : memref<40x128xf32, #tpu.memory_space<hbm>>) target(%arg13 : memref<40x128xf32, #tpu.memory_space<vmem>>) target_semaphore(%arg22 : memref<!tpu.dma_semaphore, #tpu.memory_space<semaphore_mem>>)
      } else {
      }
      %dma_wait3A_109 = arith.constant 0 : i32
      %dma_wait3A_110 = arith.constant 0 : i32
      %dma_wait3A_111 = tpu.memref_slice %arg2[%dma_wait3A_109, %dma_wait3A_110] : memref<10000x128xf32, #tpu.memory_space<hbm>> -> memref<10000x128xf32, #tpu.memory_space<hbm>>
      tpu.wait_indirect_dma semaphore(%arg21 : memref<!tpu.dma_semaphore, #tpu.memory_space<semaphore_mem>>) src(%dma_wait3A_111 : memref<10000x128xf32, #tpu.memory_space<hbm>>) dst(%arg12 : memref<40x128xf32, #tpu.memory_space<vmem>>)
      %dma_wait3A_112 = arith.constant 0 : i32
      %dma_wait3A_113 = arith.constant 0 : i32
      %dma_wait3A_114 = tpu.memref_slice %arg3[%dma_wait3A_112, %dma_wait3A_113] : memref<64000x128xf32, #tpu.memory_space<hbm>> -> memref<40x128xf32, #tpu.memory_space<hbm>>
      %dma_wait3A_115 = arith.constant 0 : i32
      %dma_wait3A_116 = arith.constant 0 : i32
      %dma_wait3A_117 = tpu.memref_slice %arg3[%dma_wait3A_115, %dma_wait3A_116] : memref<64000x128xf32, #tpu.memory_space<hbm>> -> memref<40x128xf32, #tpu.memory_space<hbm>>
      tpu.wait_dma2 semaphore(%arg23 : memref<!tpu.dma_semaphore, #tpu.memory_space<semaphore_mem>>) src(%dma_wait3A_117 : memref<40x128xf32, #tpu.memory_space<hbm>>) dst(%arg14 : memref<40x128xf32, #tpu.memory_space<vmem>>)
      %scan3A_118 = arith.constant 0 : i32
      %scan3A_119 = arith.constant 0 : i32
      %scan3A_120 = arith.constant 20 : i32
      %scan3A_121 = arith.addi %scan3A_119, %scan3A_120 : i32
      %scan3A_122 = arith.constant 1 : i32
      %scan3A_123 = scf.for %scan3A_133 = %scan3A_119 to %scan3A_121 step %scan3A_122 iter_args(%scan3A_134 = %scan3A_118) -> (i32)  : i32 {
        %mul3A_135 = arith.constant 2 : i32
        %mul3A_136 = arith.muli %scan3A_133, %mul3A_135 : i32
        %add3A_137 = arith.constant 0 : i32
        %add3A_138 = arith.addi %mul3A_136, %add3A_137 : i32
        %get3A = arith.index_cast %add3A_138 : i32 to index
        %get3A_139 = arith.constant 0 : index
        %get3A_140 = tpu.vector_load %arg12[%get3A, %get3A_139] {strides = array<i32>} : memref<40x128xf32, #tpu.memory_space<vmem>>, vector<1x16xf32>,
        %get3A_141 = vector.shape_cast %get3A_140 : vector<1x16xf32> to vector<16xf32>
        %get3A_142 = arith.index_cast %add3A_138 : i32 to index
        %get3A_143 = arith.constant 0 : index
        %get3A_144 = tpu.vector_load %arg14[%get3A_142, %get3A_143] {strides = array<i32>} : memref<40x128xf32, #tpu.memory_space<vmem>>, vector<1x16xf32>,
        %get3A_145 = vector.shape_cast %get3A_144 : vector<1x16xf32> to vector<16xf32>
        %mul3A_146 = arith.mulf %get3A_141, %get3A_145 : vector<16xf32>
        %swap3A = arith.index_cast %add3A_138 : i32 to index
        %swap3A_147 = arith.constant 0 : index
        %swap3A_148 = tpu.vector_load %arg16[%swap3A, %swap3A_147] {strides = array<i32>} : memref<40x128xf32, #tpu.memory_space<vmem>>, vector<1x16xf32>,
        %swap3A_149 = vector.shape_cast %swap3A_148 : vector<1x16xf32> to vector<16xf32>
        %swap3A_150 = vector.shape_cast %mul3A_146 : vector<16xf32> to vector<1x16xf32>
        tpu.vector_store %arg16[%swap3A, %swap3A_147], %swap3A_150 {strides = array<i32>} : memref<40x128xf32, #tpu.memory_space<vmem>>, vector<1x16xf32>,
        %get3A_151 = arith.index_cast %add3A_138 : i32 to index
        %get3A_152 = arith.constant 16 : index
        %get3A_153 = tpu.vector_load %arg12[%get3A_151, %get3A_152] {strides = array<i32>} : memref<40x128xf32, #tpu.memory_space<vmem>>, vector<1x16xf32>,
        %get3A_154 = vector.shape_cast %get3A_153 : vector<1x16xf32> to vector<16xf32>
        %get3A_155 = arith.index_cast %add3A_138 : i32 to index
        %get3A_156 = arith.constant 16 : index
        %get3A_157 = tpu.vector_load %arg14[%get3A_155, %get3A_156] {strides = array<i32>} : memref<40x128xf32, #tpu.memory_space<vmem>>, vector<1x16xf32>,
        %get3A_158 = vector.shape_cast %get3A_157 : vector<1x16xf32> to vector<16xf32>
        %mul3A_159 = arith.mulf %get3A_154, %get3A_158 : vector<16xf32>
        %swap3A_160 = arith.index_cast %add3A_138 : i32 to index
        %swap3A_161 = arith.constant 16 : index
        %swap3A_162 = tpu.vector_load %arg16[%swap3A_160, %swap3A_161] {strides = array<i32>} : memref<40x128xf32, #tpu.memory_space<vmem>>, vector<1x16xf32>,
        %swap3A_163 = vector.shape_cast %swap3A_162 : vector<1x16xf32> to vector<16xf32>
        %swap3A_164 = vector.shape_cast %mul3A_159 : vector<16xf32> to vector<1x16xf32>
        tpu.vector_store %arg16[%swap3A_160, %swap3A_161], %swap3A_164 {strides = array<i32>} : memref<40x128xf32, #tpu.memory_space<vmem>>, vector<1x16xf32>,
        %get3A_165 = arith.index_cast %add3A_138 : i32 to index
        %get3A_166 = arith.constant 32 : index
        %get3A_167 = tpu.vector_load %arg12[%get3A_165, %get3A_166] {strides = array<i32>} : memref<40x128xf32, #tpu.memory_space<vmem>>, vector<1x16xf32>,
        %get3A_168 = vector.shape_cast %get3A_167 : vector<1x16xf32> to vector<16xf32>
        %get3A_169 = arith.index_cast %add3A_138 : i32 to index
        %get3A_170 = arith.constant 32 : index
        %get3A_171 = tpu.vector_load %arg14[%get3A_169, %get3A_170] {strides = array<i32>} : memref<40x128xf32, #tpu.memory_space<vmem>>, vector<1x16xf32>,
        %get3A_172 = vector.shape_cast %get3A_171 : vector<1x16xf32> to vector<16xf32>
        %mul3A_173 = arith.mulf %get3A_168, %get3A_172 : vector<16xf32>
        %swap3A_174 = arith.index_cast %add3A_138 : i32 to index
        %swap3A_175 = arith.constant 32 : index
        %swap3A_176 = tpu.vector_load %arg16[%swap3A_174, %swap3A_175] {strides = array<i32>} : memref<40x128xf32, #tpu.memory_space<vmem>>, vector<1x16xf32>,
        %swap3A_177 = vector.shape_cast %swap3A_176 : vector<1x16xf32> to vector<16xf32>
        %swap3A_178 = vector.shape_cast %mul3A_173 : vector<16xf32> to vector<1x16xf32>
        tpu.vector_store %arg16[%swap3A_174, %swap3A_175], %swap3A_178 {strides = array<i32>} : memref<40x128xf32, #tpu.memory_space<vmem>>, vector<1x16xf32>,
        %get3A_179 = arith.index_cast %add3A_138 : i32 to index
        %get3A_180 = arith.constant 48 : index
        %get3A_181 = tpu.vector_load %arg12[%get3A_179, %get3A_180] {strides = array<i32>} : memref<40x128xf32, #tpu.memory_space<vmem>>, vector<1x16xf32>,
        %get3A_182 = vector.shape_cast %get3A_181 : vector<1x16xf32> to vector<16xf32>
        %get3A_183 = arith.index_cast %add3A_138 : i32 to index
        %get3A_184 = arith.constant 48 : index
        %get3A_185 = tpu.vector_load %arg14[%get3A_183, %get3A_184] {strides = array<i32>} : memref<40x128xf32, #tpu.memory_space<vmem>>, vector<1x16xf32>,
        %get3A_186 = vector.shape_cast %get3A_185 : vector<1x16xf32> to vector<16xf32>
        %mul3A_187 = arith.mulf %get3A_182, %get3A_186 : vector<16xf32>
        %swap3A_188 = arith.index_cast %add3A_138 : i32 to index
        %swap3A_189 = arith.constant 48 : index
        %swap3A_190 = tpu.vector_load %arg16[%swap3A_188, %swap3A_189] {strides = array<i32>} : memref<40x128xf32, #tpu.memory_space<vmem>>, vector<1x16xf32>,
        %swap3A_191 = vector.shape_cast %swap3A_190 : vector<1x16xf32> to vector<16xf32>
        %swap3A_192 = vector.shape_cast %mul3A_187 : vector<16xf32> to vector<1x16xf32>
        tpu.vector_store %arg16[%swap3A_188, %swap3A_189], %swap3A_192 {strides = array<i32>} : memref<40x128xf32, #tpu.memory_space<vmem>>, vector<1x16xf32>,
        %get3A_193 = arith.index_cast %add3A_138 : i32 to index
        %get3A_194 = arith.constant 64 : index
        %get3A_195 = tpu.vector_load %arg12[%get3A_193, %get3A_194] {strides = array<i32>} : memref<40x128xf32, #tpu.memory_space<vmem>>, vector<1x16xf32>,
        %get3A_196 = vector.shape_cast %get3A_195 : vector<1x16xf32> to vector<16xf32>
        %get3A_197 = arith.index_cast %add3A_138 : i32 to index
        %get3A_198 = arith.constant 64 : index
        %get3A_199 = tpu.vector_load %arg14[%get3A_197, %get3A_198] {strides = array<i32>} : memref<40x128xf32, #tpu.memory_space<vmem>>, vector<1x16xf32>,
        %get3A_200 = vector.shape_cast %get3A_199 : vector<1x16xf32> to vector<16xf32>
        %mul3A_201 = arith.mulf %get3A_196, %get3A_200 : vector<16xf32>
        %swap3A_202 = arith.index_cast %add3A_138 : i32 to index
        %swap3A_203 = arith.constant 64 : index
        %swap3A_204 = tpu.vector_load %arg16[%swap3A_202, %swap3A_203] {strides = array<i32>} : memref<40x128xf32, #tpu.memory_space<vmem>>, vector<1x16xf32>,
        %swap3A_205 = vector.shape_cast %swap3A_204 : vector<1x16xf32> to vector<16xf32>
        %swap3A_206 = vector.shape_cast %mul3A_201 : vector<16xf32> to vector<1x16xf32>
        tpu.vector_store %arg16[%swap3A_202, %swap3A_203], %swap3A_206 {strides = array<i32>} : memref<40x128xf32, #tpu.memory_space<vmem>>, vector<1x16xf32>,
        %get3A_207 = arith.index_cast %add3A_138 : i32 to index
        %get3A_208 = arith.constant 80 : index
        %get3A_209 = tpu.vector_load %arg12[%get3A_207, %get3A_208] {strides = array<i32>} : memref<40x128xf32, #tpu.memory_space<vmem>>, vector<1x16xf32>,
        %get3A_210 = vector.shape_cast %get3A_209 : vector<1x16xf32> to vector<16xf32>
        %get3A_211 = arith.index_cast %add3A_138 : i32 to index
        %get3A_212 = arith.constant 80 : index
        %get3A_213 = tpu.vector_load %arg14[%get3A_211, %get3A_212] {strides = array<i32>} : memref<40x128xf32, #tpu.memory_space<vmem>>, vector<1x16xf32>,
        %get3A_214 = vector.shape_cast %get3A_213 : vector<1x16xf32> to vector<16xf32>
        %mul3A_215 = arith.mulf %get3A_210, %get3A_214 : vector<16xf32>
        %swap3A_216 = arith.index_cast %add3A_138 : i32 to index
        %swap3A_217 = arith.constant 80 : index
        %swap3A_218 = tpu.vector_load %arg16[%swap3A_216, %swap3A_217] {strides = array<i32>} : memref<40x128xf32, #tpu.memory_space<vmem>>, vector<1x16xf32>,
        %swap3A_219 = vector.shape_cast %swap3A_218 : vector<1x16xf32> to vector<16xf32>
        %swap3A_220 = vector.shape_cast %mul3A_215 : vector<16xf32> to vector<1x16xf32>
        tpu.vector_store %arg16[%swap3A_216, %swap3A_217], %swap3A_220 {strides = array<i32>} : memref<40x128xf32, #tpu.memory_space<vmem>>, vector<1x16xf32>,
        %get3A_221 = arith.index_cast %add3A_138 : i32 to index
        %get3A_222 = arith.constant 96 : index
        %get3A_223 = tpu.vector_load %arg12[%get3A_221, %get3A_222] {strides = array<i32>} : memref<40x128xf32, #tpu.memory_space<vmem>>, vector<1x16xf32>,
        %get3A_224 = vector.shape_cast %get3A_223 : vector<1x16xf32> to vector<16xf32>
        %get3A_225 = arith.index_cast %add3A_138 : i32 to index
        %get3A_226 = arith.constant 96 : index
        %get3A_227 = tpu.vector_load %arg14[%get3A_225, %get3A_226] {strides = array<i32>} : memref<40x128xf32, #tpu.memory_space<vmem>>, vector<1x16xf32>,
        %get3A_228 = vector.shape_cast %get3A_227 : vector<1x16xf32> to vector<16xf32>
        %mul3A_229 = arith.mulf %get3A_224, %get3A_228 : vector<16xf32>
        %swap3A_230 = arith.index_cast %add3A_138 : i32 to index
        %swap3A_231 = arith.constant 96 : index
        %swap3A_232 = tpu.vector_load %arg16[%swap3A_230, %swap3A_231] {strides = array<i32>} : memref<40x128xf32, #tpu.memory_space<vmem>>, vector<1x16xf32>,
        %swap3A_233 = vector.shape_cast %swap3A_232 : vector<1x16xf32> to vector<16xf32>
        %swap3A_234 = vector.shape_cast %mul3A_229 : vector<16xf32> to vector<1x16xf32>
        tpu.vector_store %arg16[%swap3A_230, %swap3A_231], %swap3A_234 {strides = array<i32>} : memref<40x128xf32, #tpu.memory_space<vmem>>, vector<1x16xf32>,
        %get3A_235 = arith.index_cast %add3A_138 : i32 to index
        %get3A_236 = arith.constant 112 : index
        %get3A_237 = tpu.vector_load %arg12[%get3A_235, %get3A_236] {strides = array<i32>} : memref<40x128xf32, #tpu.memory_space<vmem>>, vector<1x16xf32>,
        %get3A_238 = vector.shape_cast %get3A_237 : vector<1x16xf32> to vector<16xf32>
        %get3A_239 = arith.index_cast %add3A_138 : i32 to index
        %get3A_240 = arith.constant 112 : index
        %get3A_241 = tpu.vector_load %arg14[%get3A_239, %get3A_240] {strides = array<i32>} : memref<40x128xf32, #tpu.memory_space<vmem>>, vector<1x16xf32>,
        %get3A_242 = vector.shape_cast %get3A_241 : vector<1x16xf32> to vector<16xf32>
        %mul3A_243 = arith.mulf %get3A_238, %get3A_242 : vector<16xf32>
        %swap3A_244 = arith.index_cast %add3A_138 : i32 to index
        %swap3A_245 = arith.constant 112 : index
        %swap3A_246 = tpu.vector_load %arg16[%swap3A_244, %swap3A_245] {strides = array<i32>} : memref<40x128xf32, #tpu.memory_space<vmem>>, vector<1x16xf32>,
        %swap3A_247 = vector.shape_cast %swap3A_246 : vector<1x16xf32> to vector<16xf32>
        %swap3A_248 = vector.shape_cast %mul3A_243 : vector<16xf32> to vector<1x16xf32>
        tpu.vector_store %arg16[%swap3A_244, %swap3A_245], %swap3A_248 {strides = array<i32>} : memref<40x128xf32, #tpu.memory_space<vmem>>, vector<1x16xf32>,
        %mul3A_249 = arith.constant 2 : i32
        %mul3A_250 = arith.muli %scan3A_133, %mul3A_249 : i32
        %add3A_251 = arith.constant 1 : i32
        %add3A_252 = arith.addi %mul3A_250, %add3A_251 : i32
        %get3A_253 = arith.index_cast %add3A_252 : i32 to index
        %get3A_254 = arith.constant 0 : index
        %get3A_255 = tpu.vector_load %arg12[%get3A_253, %get3A_254] {strides = array<i32>} : memref<40x128xf32, #tpu.memory_space<vmem>>, vector<1x16xf32>,
        %get3A_256 = vector.shape_cast %get3A_255 : vector<1x16xf32> to vector<16xf32>
        %get3A_257 = arith.index_cast %add3A_252 : i32 to index
        %get3A_258 = arith.constant 0 : index
        %get3A_259 = tpu.vector_load %arg14[%get3A_257, %get3A_258] {strides = array<i32>} : memref<40x128xf32, #tpu.memory_space<vmem>>, vector<1x16xf32>,
        %get3A_260 = vector.shape_cast %get3A_259 : vector<1x16xf32> to vector<16xf32>
        %mul3A_261 = arith.mulf %get3A_256, %get3A_260 : vector<16xf32>
        %swap3A_262 = arith.index_cast %add3A_252 : i32 to index
        %swap3A_263 = arith.constant 0 : index
        %swap3A_264 = tpu.vector_load %arg16[%swap3A_262, %swap3A_263] {strides = array<i32>} : memref<40x128xf32, #tpu.memory_space<vmem>>, vector<1x16xf32>,
        %swap3A_265 = vector.shape_cast %swap3A_264 : vector<1x16xf32> to vector<16xf32>
        %swap3A_266 = vector.shape_cast %mul3A_261 : vector<16xf32> to vector<1x16xf32>
        tpu.vector_store %arg16[%swap3A_262, %swap3A_263], %swap3A_266 {strides = array<i32>} : memref<40x128xf32, #tpu.memory_space<vmem>>, vector<1x16xf32>,
        %get3A_267 = arith.index_cast %add3A_252 : i32 to index
        %get3A_268 = arith.constant 16 : index
        %get3A_269 = tpu.vector_load %arg12[%get3A_267, %get3A_268] {strides = array<i32>} : memref<40x128xf32, #tpu.memory_space<vmem>>, vector<1x16xf32>,
        %get3A_270 = vector.shape_cast %get3A_269 : vector<1x16xf32> to vector<16xf32>
        %get3A_271 = arith.index_cast %add3A_252 : i32 to index
        %get3A_272 = arith.constant 16 : index
        %get3A_273 = tpu.vector_load %arg14[%get3A_271, %get3A_272] {strides = array<i32>} : memref<40x128xf32, #tpu.memory_space<vmem>>, vector<1x16xf32>,
        %get3A_274 = vector.shape_cast %get3A_273 : vector<1x16xf32> to vector<16xf32>
        %mul3A_275 = arith.mulf %get3A_270, %get3A_274 : vector<16xf32>
        %swap3A_276 = arith.index_cast %add3A_252 : i32 to index
        %swap3A_277 = arith.constant 16 : index
        %swap3A_278 = tpu.vector_load %arg16[%swap3A_276, %swap3A_277] {strides = array<i32>} : memref<40x128xf32, #tpu.memory_space<vmem>>, vector<1x16xf32>,
        %swap3A_279 = vector.shape_cast %swap3A_278 : vector<1x16xf32> to vector<16xf32>
        %swap3A_280 = vector.shape_cast %mul3A_275 : vector<16xf32> to vector<1x16xf32>
        tpu.vector_store %arg16[%swap3A_276, %swap3A_277], %swap3A_280 {strides = array<i32>} : memref<40x128xf32, #tpu.memory_space<vmem>>, vector<1x16xf32>,
        %get3A_281 = arith.index_cast %add3A_252 : i32 to index
        %get3A_282 = arith.constant 32 : index
        %get3A_283 = tpu.vector_load %arg12[%get3A_281, %get3A_282] {strides = array<i32>} : memref<40x128xf32, #tpu.memory_space<vmem>>, vector<1x16xf32>,
        %get3A_284 = vector.shape_cast %get3A_283 : vector<1x16xf32> to vector<16xf32>
        %get3A_285 = arith.index_cast %add3A_252 : i32 to index
        %get3A_286 = arith.constant 32 : index
        %get3A_287 = tpu.vector_load %arg14[%get3A_285, %get3A_286] {strides = array<i32>} : memref<40x128xf32, #tpu.memory_space<vmem>>, vector<1x16xf32>,
        %get3A_288 = vector.shape_cast %get3A_287 : vector<1x16xf32> to vector<16xf32>
        %mul3A_289 = arith.mulf %get3A_284, %get3A_288 : vector<16xf32>
        %swap3A_290 = arith.index_cast %add3A_252 : i32 to index
        %swap3A_291 = arith.constant 32 : index
        %swap3A_292 = tpu.vector_load %arg16[%swap3A_290, %swap3A_291] {strides = array<i32>} : memref<40x128xf32, #tpu.memory_space<vmem>>, vector<1x16xf32>,
        %swap3A_293 = vector.shape_cast %swap3A_292 : vector<1x16xf32> to vector<16xf32>
        %swap3A_294 = vector.shape_cast %mul3A_289 : vector<16xf32> to vector<1x16xf32>
        tpu.vector_store %arg16[%swap3A_290, %swap3A_291], %swap3A_294 {strides = array<i32>} : memref<40x128xf32, #tpu.memory_space<vmem>>, vector<1x16xf32>,
        %get3A_295 = arith.index_cast %add3A_252 : i32 to index
        %get3A_296 = arith.constant 48 : index
        %get3A_297 = tpu.vector_load %arg12[%get3A_295, %get3A_296] {strides = array<i32>} : memref<40x128xf32, #tpu.memory_space<vmem>>, vector<1x16xf32>,
        %get3A_298 = vector.shape_cast %get3A_297 : vector<1x16xf32> to vector<16xf32>
        %get3A_299 = arith.index_cast %add3A_252 : i32 to index
        %get3A_300 = arith.constant 48 : index
        %get3A_301 = tpu.vector_load %arg14[%get3A_299, %get3A_300] {strides = array<i32>} : memref<40x128xf32, #tpu.memory_space<vmem>>, vector<1x16xf32>,
        %get3A_302 = vector.shape_cast %get3A_301 : vector<1x16xf32> to vector<16xf32>
        %mul3A_303 = arith.mulf %get3A_298, %get3A_302 : vector<16xf32>
        %swap3A_304 = arith.index_cast %add3A_252 : i32 to index
        %swap3A_305 = arith.constant 48 : index
        %swap3A_306 = tpu.vector_load %arg16[%swap3A_304, %swap3A_305] {strides = array<i32>} : memref<40x128xf32, #tpu.memory_space<vmem>>, vector<1x16xf32>,
        %swap3A_307 = vector.shape_cast %swap3A_306 : vector<1x16xf32> to vector<16xf32>
        %swap3A_308 = vector.shape_cast %mul3A_303 : vector<16xf32> to vector<1x16xf32>
        tpu.vector_store %arg16[%swap3A_304, %swap3A_305], %swap3A_308 {strides = array<i32>} : memref<40x128xf32, #tpu.memory_space<vmem>>, vector<1x16xf32>,
        %get3A_309 = arith.index_cast %add3A_252 : i32 to index
        %get3A_310 = arith.constant 64 : index
        %get3A_311 = tpu.vector_load %arg12[%get3A_309, %get3A_310] {strides = array<i32>} : memref<40x128xf32, #tpu.memory_space<vmem>>, vector<1x16xf32>,
        %get3A_312 = vector.shape_cast %get3A_311 : vector<1x16xf32> to vector<16xf32>
        %get3A_313 = arith.index_cast %add3A_252 : i32 to index
        %get3A_314 = arith.constant 64 : index
        %get3A_315 = tpu.vector_load %arg14[%get3A_313, %get3A_314] {strides = array<i32>} : memref<40x128xf32, #tpu.memory_space<vmem>>, vector<1x16xf32>,
        %get3A_316 = vector.shape_cast %get3A_315 : vector<1x16xf32> to vector<16xf32>
        %mul3A_317 = arith.mulf %get3A_312, %get3A_316 : vector<16xf32>
        %swap3A_318 = arith.index_cast %add3A_252 : i32 to index
        %swap3A_319 = arith.constant 64 : index
        %swap3A_320 = tpu.vector_load %arg16[%swap3A_318, %swap3A_319] {strides = array<i32>} : memref<40x128xf32, #tpu.memory_space<vmem>>, vector<1x16xf32>,
        %swap3A_321 = vector.shape_cast %swap3A_320 : vector<1x16xf32> to vector<16xf32>
        %swap3A_322 = vector.shape_cast %mul3A_317 : vector<16xf32> to vector<1x16xf32>
        tpu.vector_store %arg16[%swap3A_318, %swap3A_319], %swap3A_322 {strides = array<i32>} : memref<40x128xf32, #tpu.memory_space<vmem>>, vector<1x16xf32>,
        %get3A_323 = arith.index_cast %add3A_252 : i32 to index
        %get3A_324 = arith.constant 80 : index
        %get3A_325 = tpu.vector_load %arg12[%get3A_323, %get3A_324] {strides = array<i32>} : memref<40x128xf32, #tpu.memory_space<vmem>>, vector<1x16xf32>,
        %get3A_326 = vector.shape_cast %get3A_325 : vector<1x16xf32> to vector<16xf32>
        %get3A_327 = arith.index_cast %add3A_252 : i32 to index
        %get3A_328 = arith.constant 80 : index
        %get3A_329 = tpu.vector_load %arg14[%get3A_327, %get3A_328] {strides = array<i32>} : memref<40x128xf32, #tpu.memory_space<vmem>>, vector<1x16xf32>,
        %get3A_330 = vector.shape_cast %get3A_329 : vector<1x16xf32> to vector<16xf32>
        %mul3A_331 = arith.mulf %get3A_326, %get3A_330 : vector<16xf32>
        %swap3A_332 = arith.index_cast %add3A_252 : i32 to index
        %swap3A_333 = arith.constant 80 : index
        %swap3A_334 = tpu.vector_load %arg16[%swap3A_332, %swap3A_333] {strides = array<i32>} : memref<40x128xf32, #tpu.memory_space<vmem>>, vector<1x16xf32>,
        %swap3A_335 = vector.shape_cast %swap3A_334 : vector<1x16xf32> to vector<16xf32>
        %swap3A_336 = vector.shape_cast %mul3A_331 : vector<16xf32> to vector<1x16xf32>
        tpu.vector_store %arg16[%swap3A_332, %swap3A_333], %swap3A_336 {strides = array<i32>} : memref<40x128xf32, #tpu.memory_space<vmem>>, vector<1x16xf32>,
        %get3A_337 = arith.index_cast %add3A_252 : i32 to index
        %get3A_338 = arith.constant 96 : index
        %get3A_339 = tpu.vector_load %arg12[%get3A_337, %get3A_338] {strides = array<i32>} : memref<40x128xf32, #tpu.memory_space<vmem>>, vector<1x16xf32>,
        %get3A_340 = vector.shape_cast %get3A_339 : vector<1x16xf32> to vector<16xf32>
        %get3A_341 = arith.index_cast %add3A_252 : i32 to index
        %get3A_342 = arith.constant 96 : index
        %get3A_343 = tpu.vector_load %arg14[%get3A_341, %get3A_342] {strides = array<i32>} : memref<40x128xf32, #tpu.memory_space<vmem>>, vector<1x16xf32>,
        %get3A_344 = vector.shape_cast %get3A_343 : vector<1x16xf32> to vector<16xf32>
        %mul3A_345 = arith.mulf %get3A_340, %get3A_344 : vector<16xf32>
        %swap3A_346 = arith.index_cast %add3A_252 : i32 to index
        %swap3A_347 = arith.constant 96 : index
        %swap3A_348 = tpu.vector_load %arg16[%swap3A_346, %swap3A_347] {strides = array<i32>} : memref<40x128xf32, #tpu.memory_space<vmem>>, vector<1x16xf32>,
        %swap3A_349 = vector.shape_cast %swap3A_348 : vector<1x16xf32> to vector<16xf32>
        %swap3A_350 = vector.shape_cast %mul3A_345 : vector<16xf32> to vector<1x16xf32>
        tpu.vector_store %arg16[%swap3A_346, %swap3A_347], %swap3A_350 {strides = array<i32>} : memref<40x128xf32, #tpu.memory_space<vmem>>, vector<1x16xf32>,
        %get3A_351 = arith.index_cast %add3A_252 : i32 to index
        %get3A_352 = arith.constant 112 : index
        %get3A_353 = tpu.vector_load %arg12[%get3A_351, %get3A_352] {strides = array<i32>} : memref<40x128xf32, #tpu.memory_space<vmem>>, vector<1x16xf32>,
        %get3A_354 = vector.shape_cast %get3A_353 : vector<1x16xf32> to vector<16xf32>
        %get3A_355 = arith.index_cast %add3A_252 : i32 to index
        %get3A_356 = arith.constant 112 : index
        %get3A_357 = tpu.vector_load %arg14[%get3A_355, %get3A_356] {strides = array<i32>} : memref<40x128xf32, #tpu.memory_space<vmem>>, vector<1x16xf32>,
        %get3A_358 = vector.shape_cast %get3A_357 : vector<1x16xf32> to vector<16xf32>
        %mul3A_359 = arith.mulf %get3A_354, %get3A_358 : vector<16xf32>
        %swap3A_360 = arith.index_cast %add3A_252 : i32 to index
        %swap3A_361 = arith.constant 112 : index
        %swap3A_362 = tpu.vector_load %arg16[%swap3A_360, %swap3A_361] {strides = array<i32>} : memref<40x128xf32, #tpu.memory_space<vmem>>, vector<1x16xf32>,
        %swap3A_363 = vector.shape_cast %swap3A_362 : vector<1x16xf32> to vector<16xf32>
        %swap3A_364 = vector.shape_cast %mul3A_359 : vector<16xf32> to vector<1x16xf32>
        tpu.vector_store %arg16[%swap3A_360, %swap3A_361], %swap3A_364 {strides = array<i32>} : memref<40x128xf32, #tpu.memory_space<vmem>>, vector<1x16xf32>,
        %scan3A_365 = arith.constant 0 : i32
        scf.yield %scan3A_365 : i32
      }
      %scan3A_124 = arith.constant 20 : i32
      "tpu.region"() ({
        %run_scoped3A = tpu.sem_alloc : memref<!tpu.dma_semaphore, #tpu.memory_space<semaphore_mem>>
        %dma_start3A_133 = arith.constant 0 : i32
        %dma_start3A_134 = arith.constant 0 : i32
        %dma_start3A_135 = tpu.memref_slice %arg17[%dma_start3A_133, %dma_start3A_134] : memref<10000x128xf32, #tpu.memory_space<vmem_shared>> -> memref<10000x128xf32, #tpu.memory_space<vmem_shared>>
        tpu.enqueue_indirect_dma source(%arg16 : memref<40x128xf32, #tpu.memory_space<vmem>>) target(%dma_start3A_135 : memref<10000x128xf32, #tpu.memory_space<vmem_shared>>) offsets(%arg10 : memref<40xi32, #tpu.memory_space<vmem>>) semaphore(%run_scoped3A : memref<!tpu.dma_semaphore, #tpu.memory_space<semaphore_mem>>) {add = true}
        %dma_wait3A_136 = arith.constant 0 : i32
        %dma_wait3A_137 = arith.constant 0 : i32
        %dma_wait3A_138 = tpu.memref_slice %arg17[%dma_wait3A_136, %dma_wait3A_137] : memref<10000x128xf32, #tpu.memory_space<vmem_shared>> -> memref<10000x128xf32, #tpu.memory_space<vmem_shared>>
        tpu.wait_indirect_dma semaphore(%run_scoped3A : memref<!tpu.dma_semaphore, #tpu.memory_space<semaphore_mem>>) src(%arg16 : memref<40x128xf32, #tpu.memory_space<vmem>>) dst(%dma_wait3A_138 : memref<10000x128xf32, #tpu.memory_space<vmem_shared>>)
        tpu.yield
      }) : () -> ()
      %add3A_125 = arith.constant 2 : i32
      %add3A_126 = arith.addi %add3A_101, %add3A_125 : i32
      %lt3A_127 = arith.constant 50 : i32
      %lt3A_128 = arith.cmpi slt, %add3A_126, %lt3A_127 : i32
      %convert_element_type3A_129 = arith.extui %lt3A_128 : i1 to i32
      %cond3A_130 = arith.constant 0 : i32
      %cond3A_131 = arith.cmpi ne, %convert_element_type3A_129, %cond3A_130 : i32
      scf.if %cond3A_131 {
        %add3A_133 = arith.constant 2 : i32
        %add3A_134 = arith.addi %add3A_101, %add3A_133 : i32
        %mul3A_135 = arith.constant 2000 : i32
        %mul3A_136 = arith.muli %add3A, %mul3A_135 : i32
        %add3A_137 = arith.constant 0 : i32
        %add3A_138 = arith.addi %add3A_137, %mul3A_136 : i32
        %mul3A_139 = arith.constant 40 : i32
        %mul3A_140 = arith.muli %add3A_134, %mul3A_139 : i32
        %add3A_141 = arith.addi %add3A_138, %mul3A_140 : i32
        %dma_start3A_142 = tpu.memref_slice %arg4[%add3A_141] : memref<320000xi32, #tpu.memory_space<hbm>> -> memref<40xi32, #tpu.memory_space<hbm>>
        %dma_start3A_143 = tpu.memref_slice %arg4[%add3A_141] : memref<320000xi32, #tpu.memory_space<hbm>> -> memref<40xi32, #tpu.memory_space<hbm>>
        tpu.enqueue_dma source(%dma_start3A_143 : memref<40xi32, #tpu.memory_space<hbm>>) target(%arg8 : memref<40xi32, #tpu.memory_space<vmem>>) target_semaphore(%arg19 : memref<!tpu.dma_semaphore, #tpu.memory_space<semaphore_mem>>)
        %dma_start3A_144 = tpu.memref_slice %arg5[%add3A_141] : memref<320000xi32, #tpu.memory_space<hbm>> -> memref<40xi32, #tpu.memory_space<hbm>>
        %dma_start3A_145 = tpu.memref_slice %arg5[%add3A_141] : memref<320000xi32, #tpu.memory_space<hbm>> -> memref<40xi32, #tpu.memory_space<hbm>>
        tpu.enqueue_dma source(%dma_start3A_145 : memref<40xi32, #tpu.memory_space<hbm>>) target(%arg10 : memref<40xi32, #tpu.memory_space<vmem>>) target_semaphore(%arg19 : memref<!tpu.dma_semaphore, #tpu.memory_space<semaphore_mem>>)
      } else {
      }
      %scan3A_132 = arith.constant 0 : i32
      scf.yield %scan3A_132 : i32
    }
    %scan3A_58 = arith.constant 25 : i32
    %barrier3A_59 = arith.constant 0 : index
    tpu.barrier barrier_id(%barrier3A_59)
    %scan3A_60 = arith.constant 0 : i32
    %scan3A_61 = arith.constant 0 : i32
    %scan3A_62 = arith.constant 16 : i32
    %scan3A_63 = arith.addi %scan3A_61, %scan3A_62 : i32
    %scan3A_64 = arith.constant 1 : i32
    %scan3A_65 = scf.for %scan3A_67 = %scan3A_61 to %scan3A_63 step %scan3A_64 iter_args(%scan3A_68 = %scan3A_60) -> (i32)  : i32 {
      %mul3A_69 = arith.constant 16 : i32
      %mul3A_70 = arith.muli %scan3A_67, %mul3A_69 : i32
      %add3A_71 = arith.addi %arg1, %mul3A_70 : i32
      %lt3A = arith.constant 250 : i32
      %lt3A_72 = arith.cmpi slt, %add3A_71, %lt3A : i32
      %convert_element_type3A = arith.extui %lt3A_72 : i1 to i32
      %cond3A = arith.constant 0 : i32
      %cond3A_73 = arith.cmpi ne, %convert_element_type3A, %cond3A : i32
      scf.if %cond3A_73 {
        %mul3A_75 = arith.constant 40 : i32
        %mul3A_76 = arith.muli %add3A_71, %mul3A_75 : i32
        "tpu.region"() ({
          %run_scoped3A = tpu.sem_alloc : memref<!tpu.dma_semaphore, #tpu.memory_space<semaphore_mem>>
          %dma_start3A_79 = arith.constant 0 : i32
          %dma_start3A_80 = tpu.memref_slice %arg17[%mul3A_76, %dma_start3A_79] : memref<10000x128xf32, #tpu.memory_space<vmem_shared>> -> memref<40x128xf32, #tpu.memory_space<vmem_shared>>
          %dma_start3A_81 = arith.constant 0 : i32
          %dma_start3A_82 = tpu.memref_slice %arg17[%mul3A_76, %dma_start3A_81] : memref<10000x128xf32, #tpu.memory_space<vmem_shared>> -> memref<40x128xf32, #tpu.memory_space<vmem_shared>>
          tpu.enqueue_dma source(%dma_start3A_82 : memref<40x128xf32, #tpu.memory_space<vmem_shared>>) target(%arg15 : memref<40x128xf32, #tpu.memory_space<vmem>>) target_semaphore(%run_scoped3A : memref<!tpu.dma_semaphore, #tpu.memory_space<semaphore_mem>>)
          %dma_wait3A_83 = arith.constant 0 : i32
          %dma_wait3A_84 = tpu.memref_slice %arg17[%mul3A_76, %dma_wait3A_83] : memref<10000x128xf32, #tpu.memory_space<vmem_shared>> -> memref<40x128xf32, #tpu.memory_space<vmem_shared>>
          %dma_wait3A_85 = arith.constant 0 : i32
          %dma_wait3A_86 = tpu.memref_slice %arg17[%mul3A_76, %dma_wait3A_85] : memref<10000x128xf32, #tpu.memory_space<vmem_shared>> -> memref<40x128xf32, #tpu.memory_space<vmem_shared>>
          tpu.wait_dma2 semaphore(%run_scoped3A : memref<!tpu.dma_semaphore, #tpu.memory_space<semaphore_mem>>) src(%dma_wait3A_86 : memref<40x128xf32, #tpu.memory_space<vmem_shared>>) dst(%arg15 : memref<40x128xf32, #tpu.memory_space<vmem>>)
          tpu.yield
        }) : () -> ()
        %mul3A_77 = arith.constant 40 : i32
        %mul3A_78 = arith.muli %add3A_71, %mul3A_77 : i32
        "tpu.region"() ({
          %run_scoped3A = tpu.sem_alloc : memref<!tpu.dma_semaphore, #tpu.memory_space<semaphore_mem>>
          %dma_start3A_79 = arith.constant 0 : i32
          %dma_start3A_80 = arith.constant 0 : i32
          %dma_start3A_81 = tpu.memref_slice %arg6[%arg0, %dma_start3A_79, %dma_start3A_80] : memref<2x10000x128xf32, #tpu.memory_space<hbm>> -> memref<1x10000x128xf32, #tpu.memory_space<hbm>>
          %dma_start3A_82 = tpu.memref_squeeze %dma_start3A_81 : memref<1x10000x128xf32, #tpu.memory_space<hbm>> -> memref<10000x128xf32, #tpu.memory_space<hbm>>
          %dma_start3A_83 = arith.constant 0 : i32
          %dma_start3A_84 = tpu.memref_slice %dma_start3A_82[%mul3A_78, %dma_start3A_83] : memref<10000x128xf32, #tpu.memory_space<hbm>> -> memref<40x128xf32, #tpu.memory_space<hbm>>
          %dma_start3A_85 = arith.constant 0 : i32
          %dma_start3A_86 = arith.constant 0 : i32
          %dma_start3A_87 = tpu.memref_slice %arg6[%arg0, %dma_start3A_85, %dma_start3A_86] : memref<2x10000x128xf32, #tpu.memory_space<hbm>> -> memref<1x10000x128xf32, #tpu.memory_space<hbm>>
          %dma_start3A_88 = tpu.memref_squeeze %dma_start3A_87 : memref<1x10000x128xf32, #tpu.memory_space<hbm>> -> memref<10000x128xf32, #tpu.memory_space<hbm>>
          %dma_start3A_89 = arith.constant 0 : i32
          %dma_start3A_90 = tpu.memref_slice %dma_start3A_88[%mul3A_78, %dma_start3A_89] : memref<10000x128xf32, #tpu.memory_space<hbm>> -> memref<40x128xf32, #tpu.memory_space<hbm>>
          tpu.enqueue_dma source(%arg15 : memref<40x128xf32, #tpu.memory_space<vmem>>) target(%dma_start3A_90 : memref<40x128xf32, #tpu.memory_space<hbm>>) target_semaphore(%run_scoped3A : memref<!tpu.dma_semaphore, #tpu.memory_space<semaphore_mem>>)
          %dma_wait3A_91 = arith.constant 0 : i32
          %dma_wait3A_92 = arith.constant 0 : i32
          %dma_wait3A_93 = tpu.memref_slice %arg6[%arg0, %dma_wait3A_91, %dma_wait3A_92] : memref<2x10000x128xf32, #tpu.memory_space<hbm>> -> memref<1x10000x128xf32, #tpu.memory_space<hbm>>
          %dma_wait3A_94 = tpu.memref_squeeze %dma_wait3A_93 : memref<1x10000x128xf32, #tpu.memory_space<hbm>> -> memref<10000x128xf32, #tpu.memory_space<hbm>>
          %dma_wait3A_95 = arith.constant 0 : i32
          %dma_wait3A_96 = tpu.memref_slice %dma_wait3A_94[%mul3A_78, %dma_wait3A_95] : memref<10000x128xf32, #tpu.memory_space<hbm>> -> memref<40x128xf32, #tpu.memory_space<hbm>>
          %dma_wait3A_97 = arith.constant 0 : i32
          %dma_wait3A_98 = arith.constant 0 : i32
          %dma_wait3A_99 = tpu.memref_slice %arg6[%arg0, %dma_wait3A_97, %dma_wait3A_98] : memref<2x10000x128xf32, #tpu.memory_space<hbm>> -> memref<1x10000x128xf32, #tpu.memory_space<hbm>>
          %dma_wait3A_100 = tpu.memref_squeeze %dma_wait3A_99 : memref<1x10000x128xf32, #tpu.memory_space<hbm>> -> memref<10000x128xf32, #tpu.memory_space<hbm>>
          %dma_wait3A_101 = arith.constant 0 : i32
          %dma_wait3A_102 = tpu.memref_slice %dma_wait3A_100[%mul3A_78, %dma_wait3A_101] : memref<10000x128xf32, #tpu.memory_space<hbm>> -> memref<40x128xf32, #tpu.memory_space<hbm>>
          tpu.wait_dma2 semaphore(%run_scoped3A : memref<!tpu.dma_semaphore, #tpu.memory_space<semaphore_mem>>) src(%arg15 : memref<40x128xf32, #tpu.memory_space<vmem>>) dst(%dma_wait3A_102 : memref<40x128xf32, #tpu.memory_space<hbm>>)
          tpu.yield
        }) : () -> ()
      } else {
      }
      %scan3A_74 = arith.constant 0 : i32
      scf.yield %scan3A_74 : i32
    }
    %scan3A_66 = arith.constant 16 : i32
    return
  }
}

#map = affine_map<(d0, d1) -> (0, 0)>
#map1 = affine_map<(d0, d1) -> (0)>
#map2 = affine_map<(d0, d1) -> (0, 0, 0)>
module attributes {stable_mosaic.version = 14 : i64} {
  func.func @sc_body(%arg0: i32, %arg1: i32, %arg2: memref<10000x128xf32, #tpu.memory_space<hbm>>, %arg3: memref<128000x128xf32, #tpu.memory_space<hbm>>, %arg4: memref<320000xi32, #tpu.memory_space<hbm>>, %arg5: memref<320000xi32, #tpu.memory_space<hbm>>, %arg6: memref<2x10000x128xf32, #tpu.memory_space<hbm>>, %arg7: memref<40xi32, #tpu.memory_space<vmem>>, %arg8: memref<40xi32, #tpu.memory_space<vmem>>, %arg9: memref<40xi32, #tpu.memory_space<vmem>>, %arg10: memref<40xi32, #tpu.memory_space<vmem>>, %arg11: memref<40x128xf32, #tpu.memory_space<vmem>>, %arg12: memref<40x128xf32, #tpu.memory_space<vmem>>, %arg13: memref<40x128xf32, #tpu.memory_space<vmem>>, %arg14: memref<40x128xf32, #tpu.memory_space<vmem>>, %arg15: memref<40x128xf32, #tpu.memory_space<vmem>>, %arg16: memref<40x128xf32, #tpu.memory_space<vmem>>, %arg17: memref<10000x128xf32, #tpu.memory_space<vmem_shared>>, %arg18: memref<!tpu.dma_semaphore, #tpu.memory_space<semaphore_mem>>, %arg19: memref<!tpu.dma_semaphore, #tpu.memory_space<semaphore_mem>>, %arg20: memref<!tpu.dma_semaphore, #tpu.memory_space<semaphore_mem>>, %arg21: memref<!tpu.dma_semaphore, #tpu.memory_space<semaphore_mem>>, %arg22: memref<!tpu.dma_semaphore, #tpu.memory_space<semaphore_mem>>, %arg23: memref<!tpu.dma_semaphore, #tpu.memory_space<semaphore_mem>>) attributes {dimension_semantics = [#tpu.dimension_semantics<core_parallel>, #tpu.dimension_semantics<subcore_parallel>], iteration_bounds = array<i64: 2, 16>, scalar_prefetch = 0 : i64, scratch_operands = 17 : i64, tpu.core_type = #tpu.core_type<sc_vector_subcore>, window_params = [{transform_indices = #map}, {transform_indices = #map}, {transform_indices = #map1}, {transform_indices = #map1}, {transform_indices = #map2}]} {
    %mul3A = arith.constant 2 : i32
    %mul3A_0 = arith.muli %arg1, %mul3A : i32
    %add3A = arith.addi %mul3A_0, %arg0 : i32
    %broadcast_in_dim3A = arith.constant 0.000000e+00 : f32
    %broadcast_in_dim3A_1 = vector.broadcast %broadcast_in_dim3A : f32 to vector<16xf32>
    %scan3A = arith.constant 0 : i32
    %scan3A_2 = arith.constant 0 : i32
    %scan3A_3 = arith.constant 40 : i32
    %scan3A_4 = arith.addi %scan3A_2, %scan3A_3 : i32
    %scan3A_5 = arith.constant 1 : i32
    %scan3A_6 = scf.for %scan3A_67 = %scan3A_2 to %scan3A_4 step %scan3A_5 iter_args(%scan3A_68 = %scan3A) -> (i32)  : i32 {
      %swap3A = arith.index_cast %scan3A_67 : i32 to index
      %swap3A_69 = arith.constant 0 : index
      %swap3A_70 = tpu.vector_load %arg15[%swap3A, %swap3A_69] {strides = array<i32>} : memref<40x128xf32, #tpu.memory_space<vmem>>, vector<1x16xf32>,
      %swap3A_71 = vector.shape_cast %swap3A_70 : vector<1x16xf32> to vector<16xf32>
      %swap3A_72 = vector.shape_cast %broadcast_in_dim3A_1 : vector<16xf32> to vector<1x16xf32>
      tpu.vector_store %arg15[%swap3A, %swap3A_69], %swap3A_72 {strides = array<i32>} : memref<40x128xf32, #tpu.memory_space<vmem>>, vector<1x16xf32>,
      %swap3A_73 = arith.index_cast %scan3A_67 : i32 to index
      %swap3A_74 = arith.constant 16 : index
      %swap3A_75 = tpu.vector_load %arg15[%swap3A_73, %swap3A_74] {strides = array<i32>} : memref<40x128xf32, #tpu.memory_space<vmem>>, vector<1x16xf32>,
      %swap3A_76 = vector.shape_cast %swap3A_75 : vector<1x16xf32> to vector<16xf32>
      %swap3A_77 = vector.shape_cast %broadcast_in_dim3A_1 : vector<16xf32> to vector<1x16xf32>
      tpu.vector_store %arg15[%swap3A_73, %swap3A_74], %swap3A_77 {strides = array<i32>} : memref<40x128xf32, #tpu.memory_space<vmem>>, vector<1x16xf32>,
      %swap3A_78 = arith.index_cast %scan3A_67 : i32 to index
      %swap3A_79 = arith.constant 32 : index
      %swap3A_80 = tpu.vector_load %arg15[%swap3A_78, %swap3A_79] {strides = array<i32>} : memref<40x128xf32, #tpu.memory_space<vmem>>, vector<1x16xf32>,
      %swap3A_81 = vector.shape_cast %swap3A_80 : vector<1x16xf32> to vector<16xf32>
      %swap3A_82 = vector.shape_cast %broadcast_in_dim3A_1 : vector<16xf32> to vector<1x16xf32>
      tpu.vector_store %arg15[%swap3A_78, %swap3A_79], %swap3A_82 {strides = array<i32>} : memref<40x128xf32, #tpu.memory_space<vmem>>, vector<1x16xf32>,
      %swap3A_83 = arith.index_cast %scan3A_67 : i32 to index
      %swap3A_84 = arith.constant 48 : index
      %swap3A_85 = tpu.vector_load %arg15[%swap3A_83, %swap3A_84] {strides = array<i32>} : memref<40x128xf32, #tpu.memory_space<vmem>>, vector<1x16xf32>,
      %swap3A_86 = vector.shape_cast %swap3A_85 : vector<1x16xf32> to vector<16xf32>
      %swap3A_87 = vector.shape_cast %broadcast_in_dim3A_1 : vector<16xf32> to vector<1x16xf32>
      tpu.vector_store %arg15[%swap3A_83, %swap3A_84], %swap3A_87 {strides = array<i32>} : memref<40x128xf32, #tpu.memory_space<vmem>>, vector<1x16xf32>,
      %swap3A_88 = arith.index_cast %scan3A_67 : i32 to index
      %swap3A_89 = arith.constant 64 : index
      %swap3A_90 = tpu.vector_load %arg15[%swap3A_88, %swap3A_89] {strides = array<i32>} : memref<40x128xf32, #tpu.memory_space<vmem>>, vector<1x16xf32>,
      %swap3A_91 = vector.shape_cast %swap3A_90 : vector<1x16xf32> to vector<16xf32>
      %swap3A_92 = vector.shape_cast %broadcast_in_dim3A_1 : vector<16xf32> to vector<1x16xf32>
      tpu.vector_store %arg15[%swap3A_88, %swap3A_89], %swap3A_92 {strides = array<i32>} : memref<40x128xf32, #tpu.memory_space<vmem>>, vector<1x16xf32>,
      %swap3A_93 = arith.index_cast %scan3A_67 : i32 to index
      %swap3A_94 = arith.constant 80 : index
      %swap3A_95 = tpu.vector_load %arg15[%swap3A_93, %swap3A_94] {strides = array<i32>} : memref<40x128xf32, #tpu.memory_space<vmem>>, vector<1x16xf32>,
      %swap3A_96 = vector.shape_cast %swap3A_95 : vector<1x16xf32> to vector<16xf32>
      %swap3A_97 = vector.shape_cast %broadcast_in_dim3A_1 : vector<16xf32> to vector<1x16xf32>
      tpu.vector_store %arg15[%swap3A_93, %swap3A_94], %swap3A_97 {strides = array<i32>} : memref<40x128xf32, #tpu.memory_space<vmem>>, vector<1x16xf32>,
      %swap3A_98 = arith.index_cast %scan3A_67 : i32 to index
      %swap3A_99 = arith.constant 96 : index
      %swap3A_100 = tpu.vector_load %arg15[%swap3A_98, %swap3A_99] {strides = array<i32>} : memref<40x128xf32, #tpu.memory_space<vmem>>, vector<1x16xf32>,
      %swap3A_101 = vector.shape_cast %swap3A_100 : vector<1x16xf32> to vector<16xf32>
      %swap3A_102 = vector.shape_cast %broadcast_in_dim3A_1 : vector<16xf32> to vector<1x16xf32>
      tpu.vector_store %arg15[%swap3A_98, %swap3A_99], %swap3A_102 {strides = array<i32>} : memref<40x128xf32, #tpu.memory_space<vmem>>, vector<1x16xf32>,
      %swap3A_103 = arith.index_cast %scan3A_67 : i32 to index
      %swap3A_104 = arith.constant 112 : index
      %swap3A_105 = tpu.vector_load %arg15[%swap3A_103, %swap3A_104] {strides = array<i32>} : memref<40x128xf32, #tpu.memory_space<vmem>>, vector<1x16xf32>,
      %swap3A_106 = vector.shape_cast %swap3A_105 : vector<1x16xf32> to vector<16xf32>
      %swap3A_107 = vector.shape_cast %broadcast_in_dim3A_1 : vector<16xf32> to vector<1x16xf32>
      tpu.vector_store %arg15[%swap3A_103, %swap3A_104], %swap3A_107 {strides = array<i32>} : memref<40x128xf32, #tpu.memory_space<vmem>>, vector<1x16xf32>,
      %scan3A_108 = arith.constant 0 : i32
      scf.yield %scan3A_108 : i32
    }
    %scan3A_7 = arith.constant 40 : i32
    %scan3A_8 = arith.constant 0 : i32
    %scan3A_9 = arith.constant 0 : i32
    %scan3A_10 = arith.constant 16 : i32
    %scan3A_11 = arith.addi %scan3A_9, %scan3A_10 : i32
    %scan3A_12 = arith.constant 1 : i32
    %scan3A_13 = scf.for %scan3A_67 = %scan3A_9 to %scan3A_11 step %scan3A_12 iter_args(%scan3A_68 = %scan3A_8) -> (i32)  : i32 {
      %mul3A_69 = arith.constant 16 : i32
      %mul3A_70 = arith.muli %scan3A_67, %mul3A_69 : i32
      %add3A_71 = arith.addi %arg1, %mul3A_70 : i32
      %lt3A = arith.constant 250 : i32
      %lt3A_72 = arith.cmpi slt, %add3A_71, %lt3A : i32
      %convert_element_type3A = arith.extui %lt3A_72 : i1 to i32
      %cond3A = arith.constant 0 : i32
      %cond3A_73 = arith.cmpi ne, %convert_element_type3A, %cond3A : i32
      scf.if %cond3A_73 {
        %mul3A_75 = arith.constant 40 : i32
        %mul3A_76 = arith.muli %add3A_71, %mul3A_75 : i32
        "tpu.region"() ({
          %run_scoped3A = tpu.sem_alloc : memref<!tpu.dma_semaphore, #tpu.memory_space<semaphore_mem>>
          %dma_start3A_77 = arith.constant 0 : i32
          %dma_start3A_78 = tpu.memref_slice %arg17[%mul3A_76, %dma_start3A_77] : memref<10000x128xf32, #tpu.memory_space<vmem_shared>> -> memref<40x128xf32, #tpu.memory_space<vmem_shared>>
          %dma_start3A_79 = arith.constant 0 : i32
          %dma_start3A_80 = tpu.memref_slice %arg17[%mul3A_76, %dma_start3A_79] : memref<10000x128xf32, #tpu.memory_space<vmem_shared>> -> memref<40x128xf32, #tpu.memory_space<vmem_shared>>
          tpu.enqueue_dma source(%arg15 : memref<40x128xf32, #tpu.memory_space<vmem>>) target(%dma_start3A_80 : memref<40x128xf32, #tpu.memory_space<vmem_shared>>) target_semaphore(%run_scoped3A : memref<!tpu.dma_semaphore, #tpu.memory_space<semaphore_mem>>)
          %dma_wait3A_81 = arith.constant 0 : i32
          %dma_wait3A_82 = tpu.memref_slice %arg17[%mul3A_76, %dma_wait3A_81] : memref<10000x128xf32, #tpu.memory_space<vmem_shared>> -> memref<40x128xf32, #tpu.memory_space<vmem_shared>>
          %dma_wait3A_83 = arith.constant 0 : i32
          %dma_wait3A_84 = tpu.memref_slice %arg17[%mul3A_76, %dma_wait3A_83] : memref<10000x128xf32, #tpu.memory_space<vmem_shared>> -> memref<40x128xf32, #tpu.memory_space<vmem_shared>>
          tpu.wait_dma2 semaphore(%run_scoped3A : memref<!tpu.dma_semaphore, #tpu.memory_space<semaphore_mem>>) src(%arg15 : memref<40x128xf32, #tpu.memory_space<vmem>>) dst(%dma_wait3A_84 : memref<40x128xf32, #tpu.memory_space<vmem_shared>>)
          tpu.yield
        }) : () -> ()
      } else {
      }
      %scan3A_74 = arith.constant 0 : i32
      scf.yield %scan3A_74 : i32
    }
    %scan3A_14 = arith.constant 16 : i32
    %barrier3A = arith.constant 0 : index
    tpu.barrier barrier_id(%barrier3A)
    %mul3A_15 = arith.constant 4000 : i32
    %mul3A_16 = arith.muli %add3A, %mul3A_15 : i32
    %add3A_17 = arith.constant 192000 : i32
    %add3A_18 = arith.addi %add3A_17, %mul3A_16 : i32
    %add3A_19 = arith.constant 0 : i32
    %add3A_20 = arith.addi %add3A_18, %add3A_19 : i32
    %dma_start3A = tpu.memref_slice %arg4[%add3A_20] : memref<320000xi32, #tpu.memory_space<hbm>> -> memref<40xi32, #tpu.memory_space<hbm>>
    %dma_start3A_21 = tpu.memref_slice %arg4[%add3A_20] : memref<320000xi32, #tpu.memory_space<hbm>> -> memref<40xi32, #tpu.memory_space<hbm>>
    tpu.enqueue_dma source(%dma_start3A_21 : memref<40xi32, #tpu.memory_space<hbm>>) target(%arg7 : memref<40xi32, #tpu.memory_space<vmem>>) target_semaphore(%arg18 : memref<!tpu.dma_semaphore, #tpu.memory_space<semaphore_mem>>)
    %dma_start3A_22 = tpu.memref_slice %arg5[%add3A_20] : memref<320000xi32, #tpu.memory_space<hbm>> -> memref<40xi32, #tpu.memory_space<hbm>>
    %dma_start3A_23 = tpu.memref_slice %arg5[%add3A_20] : memref<320000xi32, #tpu.memory_space<hbm>> -> memref<40xi32, #tpu.memory_space<hbm>>
    tpu.enqueue_dma source(%dma_start3A_23 : memref<40xi32, #tpu.memory_space<hbm>>) target(%arg9 : memref<40xi32, #tpu.memory_space<vmem>>) target_semaphore(%arg18 : memref<!tpu.dma_semaphore, #tpu.memory_space<semaphore_mem>>)
    %dma_wait3A = arith.constant 0 : i32
    %dma_wait3A_24 = tpu.memref_slice %arg4[%dma_wait3A] : memref<320000xi32, #tpu.memory_space<hbm>> -> memref<40xi32, #tpu.memory_space<hbm>>
    %dma_wait3A_25 = arith.constant 0 : i32
    %dma_wait3A_26 = tpu.memref_slice %arg4[%dma_wait3A_25] : memref<320000xi32, #tpu.memory_space<hbm>> -> memref<40xi32, #tpu.memory_space<hbm>>
    tpu.wait_dma2 semaphore(%arg18 : memref<!tpu.dma_semaphore, #tpu.memory_space<semaphore_mem>>) src(%dma_wait3A_26 : memref<40xi32, #tpu.memory_space<hbm>>) dst(%arg7 : memref<40xi32, #tpu.memory_space<vmem>>)
    %dma_wait3A_27 = arith.constant 0 : i32
    %dma_wait3A_28 = tpu.memref_slice %arg5[%dma_wait3A_27] : memref<320000xi32, #tpu.memory_space<hbm>> -> memref<40xi32, #tpu.memory_space<hbm>>
    %dma_wait3A_29 = arith.constant 0 : i32
    %dma_wait3A_30 = tpu.memref_slice %arg5[%dma_wait3A_29] : memref<320000xi32, #tpu.memory_space<hbm>> -> memref<40xi32, #tpu.memory_space<hbm>>
    tpu.wait_dma2 semaphore(%arg18 : memref<!tpu.dma_semaphore, #tpu.memory_space<semaphore_mem>>) src(%dma_wait3A_30 : memref<40xi32, #tpu.memory_space<hbm>>) dst(%arg9 : memref<40xi32, #tpu.memory_space<vmem>>)
    %mul3A_31 = arith.constant 4000 : i32
    %mul3A_32 = arith.muli %add3A, %mul3A_31 : i32
    %add3A_33 = arith.constant 0 : i32
    %add3A_34 = arith.addi %mul3A_32, %add3A_33 : i32
    %dma_start3A_35 = arith.constant 0 : i32
    %dma_start3A_36 = arith.constant 0 : i32
    %dma_start3A_37 = tpu.memref_slice %arg2[%dma_start3A_35, %dma_start3A_36] : memref<10000x128xf32, #tpu.memory_space<hbm>> -> memref<10000x128xf32, #tpu.memory_space<hbm>>
    tpu.enqueue_indirect_dma source(%dma_start3A_37 : memref<10000x128xf32, #tpu.memory_space<hbm>>) target(%arg11 : memref<40x128xf32, #tpu.memory_space<vmem>>) offsets(%arg7 : memref<40xi32, #tpu.memory_space<vmem>>) semaphore(%arg20 : memref<!tpu.dma_semaphore, #tpu.memory_space<semaphore_mem>>)
    %dma_start3A_38 = arith.constant 0 : i32
    %dma_start3A_39 = tpu.memref_slice %arg3[%add3A_34, %dma_start3A_38] : memref<128000x128xf32, #tpu.memory_space<hbm>> -> memref<40x128xf32, #tpu.memory_space<hbm>>
    %dma_start3A_40 = arith.constant 0 : i32
    %dma_start3A_41 = tpu.memref_slice %arg3[%add3A_34, %dma_start3A_40] : memref<128000x128xf32, #tpu.memory_space<hbm>> -> memref<40x128xf32, #tpu.memory_space<hbm>>
    tpu.enqueue_dma source(%dma_start3A_41 : memref<40x128xf32, #tpu.memory_space<hbm>>) target(%arg13 : memref<40x128xf32, #tpu.memory_space<vmem>>) target_semaphore(%arg22 : memref<!tpu.dma_semaphore, #tpu.memory_space<semaphore_mem>>)
    %mul3A_42 = arith.constant 4000 : i32
    %mul3A_43 = arith.muli %add3A, %mul3A_42 : i32
    %add3A_44 = arith.constant 192000 : i32
    %add3A_45 = arith.addi %add3A_44, %mul3A_43 : i32
    %add3A_46 = arith.constant 40 : i32
    %add3A_47 = arith.addi %add3A_45, %add3A_46 : i32
    %dma_start3A_48 = tpu.memref_slice %arg4[%add3A_47] : memref<320000xi32, #tpu.memory_space<hbm>> -> memref<40xi32, #tpu.memory_space<hbm>>
    %dma_start3A_49 = tpu.memref_slice %arg4[%add3A_47] : memref<320000xi32, #tpu.memory_space<hbm>> -> memref<40xi32, #tpu.memory_space<hbm>>
    tpu.enqueue_dma source(%dma_start3A_49 : memref<40xi32, #tpu.memory_space<hbm>>) target(%arg8 : memref<40xi32, #tpu.memory_space<vmem>>) target_semaphore(%arg19 : memref<!tpu.dma_semaphore, #tpu.memory_space<semaphore_mem>>)
    %dma_start3A_50 = tpu.memref_slice %arg5[%add3A_47] : memref<320000xi32, #tpu.memory_space<hbm>> -> memref<40xi32, #tpu.memory_space<hbm>>
    %dma_start3A_51 = tpu.memref_slice %arg5[%add3A_47] : memref<320000xi32, #tpu.memory_space<hbm>> -> memref<40xi32, #tpu.memory_space<hbm>>
    tpu.enqueue_dma source(%dma_start3A_51 : memref<40xi32, #tpu.memory_space<hbm>>) target(%arg10 : memref<40xi32, #tpu.memory_space<vmem>>) target_semaphore(%arg19 : memref<!tpu.dma_semaphore, #tpu.memory_space<semaphore_mem>>)
    %scan3A_52 = arith.constant 0 : i32
    %scan3A_53 = arith.constant 0 : i32
    %scan3A_54 = arith.constant 50 : i32
    %scan3A_55 = arith.addi %scan3A_53, %scan3A_54 : i32
    %scan3A_56 = arith.constant 1 : i32
    %scan3A_57 = scf.for %scan3A_67 = %scan3A_53 to %scan3A_55 step %scan3A_56 iter_args(%scan3A_68 = %scan3A_52) -> (i32)  : i32 {
      %mul3A_69 = arith.constant 2 : i32
      %mul3A_70 = arith.muli %scan3A_67, %mul3A_69 : i32
      %add3A_71 = arith.constant 1 : i32
      %add3A_72 = arith.addi %mul3A_70, %add3A_71 : i32
      %lt3A = arith.constant 100 : i32
      %lt3A_73 = arith.cmpi slt, %add3A_72, %lt3A : i32
      %convert_element_type3A = arith.extui %lt3A_73 : i1 to i32
      %cond3A = arith.constant 0 : i32
      %cond3A_74 = arith.cmpi ne, %convert_element_type3A, %cond3A : i32
      scf.if %cond3A_74 {
        %dma_wait3A_133 = arith.constant 0 : i32
        %dma_wait3A_134 = tpu.memref_slice %arg4[%dma_wait3A_133] : memref<320000xi32, #tpu.memory_space<hbm>> -> memref<40xi32, #tpu.memory_space<hbm>>
        %dma_wait3A_135 = arith.constant 0 : i32
        %dma_wait3A_136 = tpu.memref_slice %arg4[%dma_wait3A_135] : memref<320000xi32, #tpu.memory_space<hbm>> -> memref<40xi32, #tpu.memory_space<hbm>>
        tpu.wait_dma2 semaphore(%arg19 : memref<!tpu.dma_semaphore, #tpu.memory_space<semaphore_mem>>) src(%dma_wait3A_136 : memref<40xi32, #tpu.memory_space<hbm>>) dst(%arg8 : memref<40xi32, #tpu.memory_space<vmem>>)
        %dma_wait3A_137 = arith.constant 0 : i32
        %dma_wait3A_138 = tpu.memref_slice %arg5[%dma_wait3A_137] : memref<320000xi32, #tpu.memory_space<hbm>> -> memref<40xi32, #tpu.memory_space<hbm>>
        %dma_wait3A_139 = arith.constant 0 : i32
        %dma_wait3A_140 = tpu.memref_slice %arg5[%dma_wait3A_139] : memref<320000xi32, #tpu.memory_space<hbm>> -> memref<40xi32, #tpu.memory_space<hbm>>
        tpu.wait_dma2 semaphore(%arg19 : memref<!tpu.dma_semaphore, #tpu.memory_space<semaphore_mem>>) src(%dma_wait3A_140 : memref<40xi32, #tpu.memory_space<hbm>>) dst(%arg10 : memref<40xi32, #tpu.memory_space<vmem>>)
        %add3A_141 = arith.constant 1 : i32
        %add3A_142 = arith.addi %mul3A_70, %add3A_141 : i32
        %mul3A_143 = arith.constant 4000 : i32
        %mul3A_144 = arith.muli %add3A, %mul3A_143 : i32
        %mul3A_145 = arith.constant 40 : i32
        %mul3A_146 = arith.muli %add3A_142, %mul3A_145 : i32
        %add3A_147 = arith.addi %mul3A_144, %mul3A_146 : i32
        %dma_start3A_148 = arith.constant 0 : i32
        %dma_start3A_149 = arith.constant 0 : i32
        %dma_start3A_150 = tpu.memref_slice %arg2[%dma_start3A_148, %dma_start3A_149] : memref<10000x128xf32, #tpu.memory_space<hbm>> -> memref<10000x128xf32, #tpu.memory_space<hbm>>
        tpu.enqueue_indirect_dma source(%dma_start3A_150 : memref<10000x128xf32, #tpu.memory_space<hbm>>) target(%arg12 : memref<40x128xf32, #tpu.memory_space<vmem>>) offsets(%arg8 : memref<40xi32, #tpu.memory_space<vmem>>) semaphore(%arg21 : memref<!tpu.dma_semaphore, #tpu.memory_space<semaphore_mem>>)
        %dma_start3A_151 = arith.constant 0 : i32
        %dma_start3A_152 = tpu.memref_slice %arg3[%add3A_147, %dma_start3A_151] : memref<128000x128xf32, #tpu.memory_space<hbm>> -> memref<40x128xf32, #tpu.memory_space<hbm>>
        %dma_start3A_153 = arith.constant 0 : i32
        %dma_start3A_154 = tpu.memref_slice %arg3[%add3A_147, %dma_start3A_153] : memref<128000x128xf32, #tpu.memory_space<hbm>> -> memref<40x128xf32, #tpu.memory_space<hbm>>
        tpu.enqueue_dma source(%dma_start3A_154 : memref<40x128xf32, #tpu.memory_space<hbm>>) target(%arg14 : memref<40x128xf32, #tpu.memory_space<vmem>>) target_semaphore(%arg23 : memref<!tpu.dma_semaphore, #tpu.memory_space<semaphore_mem>>)
      } else {
      }
      %dma_wait3A_75 = arith.constant 0 : i32
      %dma_wait3A_76 = arith.constant 0 : i32
      %dma_wait3A_77 = tpu.memref_slice %arg2[%dma_wait3A_75, %dma_wait3A_76] : memref<10000x128xf32, #tpu.memory_space<hbm>> -> memref<10000x128xf32, #tpu.memory_space<hbm>>
      tpu.wait_indirect_dma semaphore(%arg20 : memref<!tpu.dma_semaphore, #tpu.memory_space<semaphore_mem>>) src(%dma_wait3A_77 : memref<10000x128xf32, #tpu.memory_space<hbm>>) dst(%arg11 : memref<40x128xf32, #tpu.memory_space<vmem>>)
      %dma_wait3A_78 = arith.constant 0 : i32
      %dma_wait3A_79 = arith.constant 0 : i32
      %dma_wait3A_80 = tpu.memref_slice %arg3[%dma_wait3A_78, %dma_wait3A_79] : memref<128000x128xf32, #tpu.memory_space<hbm>> -> memref<40x128xf32, #tpu.memory_space<hbm>>
      %dma_wait3A_81 = arith.constant 0 : i32
      %dma_wait3A_82 = arith.constant 0 : i32
      %dma_wait3A_83 = tpu.memref_slice %arg3[%dma_wait3A_81, %dma_wait3A_82] : memref<128000x128xf32, #tpu.memory_space<hbm>> -> memref<40x128xf32, #tpu.memory_space<hbm>>
      tpu.wait_dma2 semaphore(%arg22 : memref<!tpu.dma_semaphore, #tpu.memory_space<semaphore_mem>>) src(%dma_wait3A_83 : memref<40x128xf32, #tpu.memory_space<hbm>>) dst(%arg13 : memref<40x128xf32, #tpu.memory_space<vmem>>)
      %scan3A_84 = arith.constant 0 : i32
      %scan3A_85 = arith.constant 0 : i32
      %scan3A_86 = arith.constant 20 : i32
      %scan3A_87 = arith.addi %scan3A_85, %scan3A_86 : i32
      %scan3A_88 = arith.constant 1 : i32
      %scan3A_89 = scf.for %scan3A_133 = %scan3A_85 to %scan3A_87 step %scan3A_88 iter_args(%scan3A_134 = %scan3A_84) -> (i32)  : i32 {
        %mul3A_135 = arith.constant 2 : i32
        %mul3A_136 = arith.muli %scan3A_133, %mul3A_135 : i32
        %add3A_137 = arith.constant 0 : i32
        %add3A_138 = arith.addi %mul3A_136, %add3A_137 : i32
        %get3A = arith.index_cast %add3A_138 : i32 to index
        %get3A_139 = arith.constant 0 : index
        %get3A_140 = tpu.vector_load %arg11[%get3A, %get3A_139] {strides = array<i32>} : memref<40x128xf32, #tpu.memory_space<vmem>>, vector<1x16xf32>,
        %get3A_141 = vector.shape_cast %get3A_140 : vector<1x16xf32> to vector<16xf32>
        %get3A_142 = arith.index_cast %add3A_138 : i32 to index
        %get3A_143 = arith.constant 0 : index
        %get3A_144 = tpu.vector_load %arg13[%get3A_142, %get3A_143] {strides = array<i32>} : memref<40x128xf32, #tpu.memory_space<vmem>>, vector<1x16xf32>,
        %get3A_145 = vector.shape_cast %get3A_144 : vector<1x16xf32> to vector<16xf32>
        %mul3A_146 = arith.mulf %get3A_141, %get3A_145 : vector<16xf32>
        %swap3A = arith.index_cast %add3A_138 : i32 to index
        %swap3A_147 = arith.constant 0 : index
        %swap3A_148 = tpu.vector_load %arg15[%swap3A, %swap3A_147] {strides = array<i32>} : memref<40x128xf32, #tpu.memory_space<vmem>>, vector<1x16xf32>,
        %swap3A_149 = vector.shape_cast %swap3A_148 : vector<1x16xf32> to vector<16xf32>
        %swap3A_150 = vector.shape_cast %mul3A_146 : vector<16xf32> to vector<1x16xf32>
        tpu.vector_store %arg15[%swap3A, %swap3A_147], %swap3A_150 {strides = array<i32>} : memref<40x128xf32, #tpu.memory_space<vmem>>, vector<1x16xf32>,
        %get3A_151 = arith.index_cast %add3A_138 : i32 to index
        %get3A_152 = arith.constant 16 : index
        %get3A_153 = tpu.vector_load %arg11[%get3A_151, %get3A_152] {strides = array<i32>} : memref<40x128xf32, #tpu.memory_space<vmem>>, vector<1x16xf32>,
        %get3A_154 = vector.shape_cast %get3A_153 : vector<1x16xf32> to vector<16xf32>
        %get3A_155 = arith.index_cast %add3A_138 : i32 to index
        %get3A_156 = arith.constant 16 : index
        %get3A_157 = tpu.vector_load %arg13[%get3A_155, %get3A_156] {strides = array<i32>} : memref<40x128xf32, #tpu.memory_space<vmem>>, vector<1x16xf32>,
        %get3A_158 = vector.shape_cast %get3A_157 : vector<1x16xf32> to vector<16xf32>
        %mul3A_159 = arith.mulf %get3A_154, %get3A_158 : vector<16xf32>
        %swap3A_160 = arith.index_cast %add3A_138 : i32 to index
        %swap3A_161 = arith.constant 16 : index
        %swap3A_162 = tpu.vector_load %arg15[%swap3A_160, %swap3A_161] {strides = array<i32>} : memref<40x128xf32, #tpu.memory_space<vmem>>, vector<1x16xf32>,
        %swap3A_163 = vector.shape_cast %swap3A_162 : vector<1x16xf32> to vector<16xf32>
        %swap3A_164 = vector.shape_cast %mul3A_159 : vector<16xf32> to vector<1x16xf32>
        tpu.vector_store %arg15[%swap3A_160, %swap3A_161], %swap3A_164 {strides = array<i32>} : memref<40x128xf32, #tpu.memory_space<vmem>>, vector<1x16xf32>,
        %get3A_165 = arith.index_cast %add3A_138 : i32 to index
        %get3A_166 = arith.constant 32 : index
        %get3A_167 = tpu.vector_load %arg11[%get3A_165, %get3A_166] {strides = array<i32>} : memref<40x128xf32, #tpu.memory_space<vmem>>, vector<1x16xf32>,
        %get3A_168 = vector.shape_cast %get3A_167 : vector<1x16xf32> to vector<16xf32>
        %get3A_169 = arith.index_cast %add3A_138 : i32 to index
        %get3A_170 = arith.constant 32 : index
        %get3A_171 = tpu.vector_load %arg13[%get3A_169, %get3A_170] {strides = array<i32>} : memref<40x128xf32, #tpu.memory_space<vmem>>, vector<1x16xf32>,
        %get3A_172 = vector.shape_cast %get3A_171 : vector<1x16xf32> to vector<16xf32>
        %mul3A_173 = arith.mulf %get3A_168, %get3A_172 : vector<16xf32>
        %swap3A_174 = arith.index_cast %add3A_138 : i32 to index
        %swap3A_175 = arith.constant 32 : index
        %swap3A_176 = tpu.vector_load %arg15[%swap3A_174, %swap3A_175] {strides = array<i32>} : memref<40x128xf32, #tpu.memory_space<vmem>>, vector<1x16xf32>,
        %swap3A_177 = vector.shape_cast %swap3A_176 : vector<1x16xf32> to vector<16xf32>
        %swap3A_178 = vector.shape_cast %mul3A_173 : vector<16xf32> to vector<1x16xf32>
        tpu.vector_store %arg15[%swap3A_174, %swap3A_175], %swap3A_178 {strides = array<i32>} : memref<40x128xf32, #tpu.memory_space<vmem>>, vector<1x16xf32>,
        %get3A_179 = arith.index_cast %add3A_138 : i32 to index
        %get3A_180 = arith.constant 48 : index
        %get3A_181 = tpu.vector_load %arg11[%get3A_179, %get3A_180] {strides = array<i32>} : memref<40x128xf32, #tpu.memory_space<vmem>>, vector<1x16xf32>,
        %get3A_182 = vector.shape_cast %get3A_181 : vector<1x16xf32> to vector<16xf32>
        %get3A_183 = arith.index_cast %add3A_138 : i32 to index
        %get3A_184 = arith.constant 48 : index
        %get3A_185 = tpu.vector_load %arg13[%get3A_183, %get3A_184] {strides = array<i32>} : memref<40x128xf32, #tpu.memory_space<vmem>>, vector<1x16xf32>,
        %get3A_186 = vector.shape_cast %get3A_185 : vector<1x16xf32> to vector<16xf32>
        %mul3A_187 = arith.mulf %get3A_182, %get3A_186 : vector<16xf32>
        %swap3A_188 = arith.index_cast %add3A_138 : i32 to index
        %swap3A_189 = arith.constant 48 : index
        %swap3A_190 = tpu.vector_load %arg15[%swap3A_188, %swap3A_189] {strides = array<i32>} : memref<40x128xf32, #tpu.memory_space<vmem>>, vector<1x16xf32>,
        %swap3A_191 = vector.shape_cast %swap3A_190 : vector<1x16xf32> to vector<16xf32>
        %swap3A_192 = vector.shape_cast %mul3A_187 : vector<16xf32> to vector<1x16xf32>
        tpu.vector_store %arg15[%swap3A_188, %swap3A_189], %swap3A_192 {strides = array<i32>} : memref<40x128xf32, #tpu.memory_space<vmem>>, vector<1x16xf32>,
        %get3A_193 = arith.index_cast %add3A_138 : i32 to index
        %get3A_194 = arith.constant 64 : index
        %get3A_195 = tpu.vector_load %arg11[%get3A_193, %get3A_194] {strides = array<i32>} : memref<40x128xf32, #tpu.memory_space<vmem>>, vector<1x16xf32>,
        %get3A_196 = vector.shape_cast %get3A_195 : vector<1x16xf32> to vector<16xf32>
        %get3A_197 = arith.index_cast %add3A_138 : i32 to index
        %get3A_198 = arith.constant 64 : index
        %get3A_199 = tpu.vector_load %arg13[%get3A_197, %get3A_198] {strides = array<i32>} : memref<40x128xf32, #tpu.memory_space<vmem>>, vector<1x16xf32>,
        %get3A_200 = vector.shape_cast %get3A_199 : vector<1x16xf32> to vector<16xf32>
        %mul3A_201 = arith.mulf %get3A_196, %get3A_200 : vector<16xf32>
        %swap3A_202 = arith.index_cast %add3A_138 : i32 to index
        %swap3A_203 = arith.constant 64 : index
        %swap3A_204 = tpu.vector_load %arg15[%swap3A_202, %swap3A_203] {strides = array<i32>} : memref<40x128xf32, #tpu.memory_space<vmem>>, vector<1x16xf32>,
        %swap3A_205 = vector.shape_cast %swap3A_204 : vector<1x16xf32> to vector<16xf32>
        %swap3A_206 = vector.shape_cast %mul3A_201 : vector<16xf32> to vector<1x16xf32>
        tpu.vector_store %arg15[%swap3A_202, %swap3A_203], %swap3A_206 {strides = array<i32>} : memref<40x128xf32, #tpu.memory_space<vmem>>, vector<1x16xf32>,
        %get3A_207 = arith.index_cast %add3A_138 : i32 to index
        %get3A_208 = arith.constant 80 : index
        %get3A_209 = tpu.vector_load %arg11[%get3A_207, %get3A_208] {strides = array<i32>} : memref<40x128xf32, #tpu.memory_space<vmem>>, vector<1x16xf32>,
        %get3A_210 = vector.shape_cast %get3A_209 : vector<1x16xf32> to vector<16xf32>
        %get3A_211 = arith.index_cast %add3A_138 : i32 to index
        %get3A_212 = arith.constant 80 : index
        %get3A_213 = tpu.vector_load %arg13[%get3A_211, %get3A_212] {strides = array<i32>} : memref<40x128xf32, #tpu.memory_space<vmem>>, vector<1x16xf32>,
        %get3A_214 = vector.shape_cast %get3A_213 : vector<1x16xf32> to vector<16xf32>
        %mul3A_215 = arith.mulf %get3A_210, %get3A_214 : vector<16xf32>
        %swap3A_216 = arith.index_cast %add3A_138 : i32 to index
        %swap3A_217 = arith.constant 80 : index
        %swap3A_218 = tpu.vector_load %arg15[%swap3A_216, %swap3A_217] {strides = array<i32>} : memref<40x128xf32, #tpu.memory_space<vmem>>, vector<1x16xf32>,
        %swap3A_219 = vector.shape_cast %swap3A_218 : vector<1x16xf32> to vector<16xf32>
        %swap3A_220 = vector.shape_cast %mul3A_215 : vector<16xf32> to vector<1x16xf32>
        tpu.vector_store %arg15[%swap3A_216, %swap3A_217], %swap3A_220 {strides = array<i32>} : memref<40x128xf32, #tpu.memory_space<vmem>>, vector<1x16xf32>,
        %get3A_221 = arith.index_cast %add3A_138 : i32 to index
        %get3A_222 = arith.constant 96 : index
        %get3A_223 = tpu.vector_load %arg11[%get3A_221, %get3A_222] {strides = array<i32>} : memref<40x128xf32, #tpu.memory_space<vmem>>, vector<1x16xf32>,
        %get3A_224 = vector.shape_cast %get3A_223 : vector<1x16xf32> to vector<16xf32>
        %get3A_225 = arith.index_cast %add3A_138 : i32 to index
        %get3A_226 = arith.constant 96 : index
        %get3A_227 = tpu.vector_load %arg13[%get3A_225, %get3A_226] {strides = array<i32>} : memref<40x128xf32, #tpu.memory_space<vmem>>, vector<1x16xf32>,
        %get3A_228 = vector.shape_cast %get3A_227 : vector<1x16xf32> to vector<16xf32>
        %mul3A_229 = arith.mulf %get3A_224, %get3A_228 : vector<16xf32>
        %swap3A_230 = arith.index_cast %add3A_138 : i32 to index
        %swap3A_231 = arith.constant 96 : index
        %swap3A_232 = tpu.vector_load %arg15[%swap3A_230, %swap3A_231] {strides = array<i32>} : memref<40x128xf32, #tpu.memory_space<vmem>>, vector<1x16xf32>,
        %swap3A_233 = vector.shape_cast %swap3A_232 : vector<1x16xf32> to vector<16xf32>
        %swap3A_234 = vector.shape_cast %mul3A_229 : vector<16xf32> to vector<1x16xf32>
        tpu.vector_store %arg15[%swap3A_230, %swap3A_231], %swap3A_234 {strides = array<i32>} : memref<40x128xf32, #tpu.memory_space<vmem>>, vector<1x16xf32>,
        %get3A_235 = arith.index_cast %add3A_138 : i32 to index
        %get3A_236 = arith.constant 112 : index
        %get3A_237 = tpu.vector_load %arg11[%get3A_235, %get3A_236] {strides = array<i32>} : memref<40x128xf32, #tpu.memory_space<vmem>>, vector<1x16xf32>,
        %get3A_238 = vector.shape_cast %get3A_237 : vector<1x16xf32> to vector<16xf32>
        %get3A_239 = arith.index_cast %add3A_138 : i32 to index
        %get3A_240 = arith.constant 112 : index
        %get3A_241 = tpu.vector_load %arg13[%get3A_239, %get3A_240] {strides = array<i32>} : memref<40x128xf32, #tpu.memory_space<vmem>>, vector<1x16xf32>,
        %get3A_242 = vector.shape_cast %get3A_241 : vector<1x16xf32> to vector<16xf32>
        %mul3A_243 = arith.mulf %get3A_238, %get3A_242 : vector<16xf32>
        %swap3A_244 = arith.index_cast %add3A_138 : i32 to index
        %swap3A_245 = arith.constant 112 : index
        %swap3A_246 = tpu.vector_load %arg15[%swap3A_244, %swap3A_245] {strides = array<i32>} : memref<40x128xf32, #tpu.memory_space<vmem>>, vector<1x16xf32>,
        %swap3A_247 = vector.shape_cast %swap3A_246 : vector<1x16xf32> to vector<16xf32>
        %swap3A_248 = vector.shape_cast %mul3A_243 : vector<16xf32> to vector<1x16xf32>
        tpu.vector_store %arg15[%swap3A_244, %swap3A_245], %swap3A_248 {strides = array<i32>} : memref<40x128xf32, #tpu.memory_space<vmem>>, vector<1x16xf32>,
        %mul3A_249 = arith.constant 2 : i32
        %mul3A_250 = arith.muli %scan3A_133, %mul3A_249 : i32
        %add3A_251 = arith.constant 1 : i32
        %add3A_252 = arith.addi %mul3A_250, %add3A_251 : i32
        %get3A_253 = arith.index_cast %add3A_252 : i32 to index
        %get3A_254 = arith.constant 0 : index
        %get3A_255 = tpu.vector_load %arg11[%get3A_253, %get3A_254] {strides = array<i32>} : memref<40x128xf32, #tpu.memory_space<vmem>>, vector<1x16xf32>,
        %get3A_256 = vector.shape_cast %get3A_255 : vector<1x16xf32> to vector<16xf32>
        %get3A_257 = arith.index_cast %add3A_252 : i32 to index
        %get3A_258 = arith.constant 0 : index
        %get3A_259 = tpu.vector_load %arg13[%get3A_257, %get3A_258] {strides = array<i32>} : memref<40x128xf32, #tpu.memory_space<vmem>>, vector<1x16xf32>,
        %get3A_260 = vector.shape_cast %get3A_259 : vector<1x16xf32> to vector<16xf32>
        %mul3A_261 = arith.mulf %get3A_256, %get3A_260 : vector<16xf32>
        %swap3A_262 = arith.index_cast %add3A_252 : i32 to index
        %swap3A_263 = arith.constant 0 : index
        %swap3A_264 = tpu.vector_load %arg15[%swap3A_262, %swap3A_263] {strides = array<i32>} : memref<40x128xf32, #tpu.memory_space<vmem>>, vector<1x16xf32>,
        %swap3A_265 = vector.shape_cast %swap3A_264 : vector<1x16xf32> to vector<16xf32>
        %swap3A_266 = vector.shape_cast %mul3A_261 : vector<16xf32> to vector<1x16xf32>
        tpu.vector_store %arg15[%swap3A_262, %swap3A_263], %swap3A_266 {strides = array<i32>} : memref<40x128xf32, #tpu.memory_space<vmem>>, vector<1x16xf32>,
        %get3A_267 = arith.index_cast %add3A_252 : i32 to index
        %get3A_268 = arith.constant 16 : index
        %get3A_269 = tpu.vector_load %arg11[%get3A_267, %get3A_268] {strides = array<i32>} : memref<40x128xf32, #tpu.memory_space<vmem>>, vector<1x16xf32>,
        %get3A_270 = vector.shape_cast %get3A_269 : vector<1x16xf32> to vector<16xf32>
        %get3A_271 = arith.index_cast %add3A_252 : i32 to index
        %get3A_272 = arith.constant 16 : index
        %get3A_273 = tpu.vector_load %arg13[%get3A_271, %get3A_272] {strides = array<i32>} : memref<40x128xf32, #tpu.memory_space<vmem>>, vector<1x16xf32>,
        %get3A_274 = vector.shape_cast %get3A_273 : vector<1x16xf32> to vector<16xf32>
        %mul3A_275 = arith.mulf %get3A_270, %get3A_274 : vector<16xf32>
        %swap3A_276 = arith.index_cast %add3A_252 : i32 to index
        %swap3A_277 = arith.constant 16 : index
        %swap3A_278 = tpu.vector_load %arg15[%swap3A_276, %swap3A_277] {strides = array<i32>} : memref<40x128xf32, #tpu.memory_space<vmem>>, vector<1x16xf32>,
        %swap3A_279 = vector.shape_cast %swap3A_278 : vector<1x16xf32> to vector<16xf32>
        %swap3A_280 = vector.shape_cast %mul3A_275 : vector<16xf32> to vector<1x16xf32>
        tpu.vector_store %arg15[%swap3A_276, %swap3A_277], %swap3A_280 {strides = array<i32>} : memref<40x128xf32, #tpu.memory_space<vmem>>, vector<1x16xf32>,
        %get3A_281 = arith.index_cast %add3A_252 : i32 to index
        %get3A_282 = arith.constant 32 : index
        %get3A_283 = tpu.vector_load %arg11[%get3A_281, %get3A_282] {strides = array<i32>} : memref<40x128xf32, #tpu.memory_space<vmem>>, vector<1x16xf32>,
        %get3A_284 = vector.shape_cast %get3A_283 : vector<1x16xf32> to vector<16xf32>
        %get3A_285 = arith.index_cast %add3A_252 : i32 to index
        %get3A_286 = arith.constant 32 : index
        %get3A_287 = tpu.vector_load %arg13[%get3A_285, %get3A_286] {strides = array<i32>} : memref<40x128xf32, #tpu.memory_space<vmem>>, vector<1x16xf32>,
        %get3A_288 = vector.shape_cast %get3A_287 : vector<1x16xf32> to vector<16xf32>
        %mul3A_289 = arith.mulf %get3A_284, %get3A_288 : vector<16xf32>
        %swap3A_290 = arith.index_cast %add3A_252 : i32 to index
        %swap3A_291 = arith.constant 32 : index
        %swap3A_292 = tpu.vector_load %arg15[%swap3A_290, %swap3A_291] {strides = array<i32>} : memref<40x128xf32, #tpu.memory_space<vmem>>, vector<1x16xf32>,
        %swap3A_293 = vector.shape_cast %swap3A_292 : vector<1x16xf32> to vector<16xf32>
        %swap3A_294 = vector.shape_cast %mul3A_289 : vector<16xf32> to vector<1x16xf32>
        tpu.vector_store %arg15[%swap3A_290, %swap3A_291], %swap3A_294 {strides = array<i32>} : memref<40x128xf32, #tpu.memory_space<vmem>>, vector<1x16xf32>,
        %get3A_295 = arith.index_cast %add3A_252 : i32 to index
        %get3A_296 = arith.constant 48 : index
        %get3A_297 = tpu.vector_load %arg11[%get3A_295, %get3A_296] {strides = array<i32>} : memref<40x128xf32, #tpu.memory_space<vmem>>, vector<1x16xf32>,
        %get3A_298 = vector.shape_cast %get3A_297 : vector<1x16xf32> to vector<16xf32>
        %get3A_299 = arith.index_cast %add3A_252 : i32 to index
        %get3A_300 = arith.constant 48 : index
        %get3A_301 = tpu.vector_load %arg13[%get3A_299, %get3A_300] {strides = array<i32>} : memref<40x128xf32, #tpu.memory_space<vmem>>, vector<1x16xf32>,
        %get3A_302 = vector.shape_cast %get3A_301 : vector<1x16xf32> to vector<16xf32>
        %mul3A_303 = arith.mulf %get3A_298, %get3A_302 : vector<16xf32>
        %swap3A_304 = arith.index_cast %add3A_252 : i32 to index
        %swap3A_305 = arith.constant 48 : index
        %swap3A_306 = tpu.vector_load %arg15[%swap3A_304, %swap3A_305] {strides = array<i32>} : memref<40x128xf32, #tpu.memory_space<vmem>>, vector<1x16xf32>,
        %swap3A_307 = vector.shape_cast %swap3A_306 : vector<1x16xf32> to vector<16xf32>
        %swap3A_308 = vector.shape_cast %mul3A_303 : vector<16xf32> to vector<1x16xf32>
        tpu.vector_store %arg15[%swap3A_304, %swap3A_305], %swap3A_308 {strides = array<i32>} : memref<40x128xf32, #tpu.memory_space<vmem>>, vector<1x16xf32>,
        %get3A_309 = arith.index_cast %add3A_252 : i32 to index
        %get3A_310 = arith.constant 64 : index
        %get3A_311 = tpu.vector_load %arg11[%get3A_309, %get3A_310] {strides = array<i32>} : memref<40x128xf32, #tpu.memory_space<vmem>>, vector<1x16xf32>,
        %get3A_312 = vector.shape_cast %get3A_311 : vector<1x16xf32> to vector<16xf32>
        %get3A_313 = arith.index_cast %add3A_252 : i32 to index
        %get3A_314 = arith.constant 64 : index
        %get3A_315 = tpu.vector_load %arg13[%get3A_313, %get3A_314] {strides = array<i32>} : memref<40x128xf32, #tpu.memory_space<vmem>>, vector<1x16xf32>,
        %get3A_316 = vector.shape_cast %get3A_315 : vector<1x16xf32> to vector<16xf32>
        %mul3A_317 = arith.mulf %get3A_312, %get3A_316 : vector<16xf32>
        %swap3A_318 = arith.index_cast %add3A_252 : i32 to index
        %swap3A_319 = arith.constant 64 : index
        %swap3A_320 = tpu.vector_load %arg15[%swap3A_318, %swap3A_319] {strides = array<i32>} : memref<40x128xf32, #tpu.memory_space<vmem>>, vector<1x16xf32>,
        %swap3A_321 = vector.shape_cast %swap3A_320 : vector<1x16xf32> to vector<16xf32>
        %swap3A_322 = vector.shape_cast %mul3A_317 : vector<16xf32> to vector<1x16xf32>
        tpu.vector_store %arg15[%swap3A_318, %swap3A_319], %swap3A_322 {strides = array<i32>} : memref<40x128xf32, #tpu.memory_space<vmem>>, vector<1x16xf32>,
        %get3A_323 = arith.index_cast %add3A_252 : i32 to index
        %get3A_324 = arith.constant 80 : index
        %get3A_325 = tpu.vector_load %arg11[%get3A_323, %get3A_324] {strides = array<i32>} : memref<40x128xf32, #tpu.memory_space<vmem>>, vector<1x16xf32>,
        %get3A_326 = vector.shape_cast %get3A_325 : vector<1x16xf32> to vector<16xf32>
        %get3A_327 = arith.index_cast %add3A_252 : i32 to index
        %get3A_328 = arith.constant 80 : index
        %get3A_329 = tpu.vector_load %arg13[%get3A_327, %get3A_328] {strides = array<i32>} : memref<40x128xf32, #tpu.memory_space<vmem>>, vector<1x16xf32>,
        %get3A_330 = vector.shape_cast %get3A_329 : vector<1x16xf32> to vector<16xf32>
        %mul3A_331 = arith.mulf %get3A_326, %get3A_330 : vector<16xf32>
        %swap3A_332 = arith.index_cast %add3A_252 : i32 to index
        %swap3A_333 = arith.constant 80 : index
        %swap3A_334 = tpu.vector_load %arg15[%swap3A_332, %swap3A_333] {strides = array<i32>} : memref<40x128xf32, #tpu.memory_space<vmem>>, vector<1x16xf32>,
        %swap3A_335 = vector.shape_cast %swap3A_334 : vector<1x16xf32> to vector<16xf32>
        %swap3A_336 = vector.shape_cast %mul3A_331 : vector<16xf32> to vector<1x16xf32>
        tpu.vector_store %arg15[%swap3A_332, %swap3A_333], %swap3A_336 {strides = array<i32>} : memref<40x128xf32, #tpu.memory_space<vmem>>, vector<1x16xf32>,
        %get3A_337 = arith.index_cast %add3A_252 : i32 to index
        %get3A_338 = arith.constant 96 : index
        %get3A_339 = tpu.vector_load %arg11[%get3A_337, %get3A_338] {strides = array<i32>} : memref<40x128xf32, #tpu.memory_space<vmem>>, vector<1x16xf32>,
        %get3A_340 = vector.shape_cast %get3A_339 : vector<1x16xf32> to vector<16xf32>
        %get3A_341 = arith.index_cast %add3A_252 : i32 to index
        %get3A_342 = arith.constant 96 : index
        %get3A_343 = tpu.vector_load %arg13[%get3A_341, %get3A_342] {strides = array<i32>} : memref<40x128xf32, #tpu.memory_space<vmem>>, vector<1x16xf32>,
        %get3A_344 = vector.shape_cast %get3A_343 : vector<1x16xf32> to vector<16xf32>
        %mul3A_345 = arith.mulf %get3A_340, %get3A_344 : vector<16xf32>
        %swap3A_346 = arith.index_cast %add3A_252 : i32 to index
        %swap3A_347 = arith.constant 96 : index
        %swap3A_348 = tpu.vector_load %arg15[%swap3A_346, %swap3A_347] {strides = array<i32>} : memref<40x128xf32, #tpu.memory_space<vmem>>, vector<1x16xf32>,
        %swap3A_349 = vector.shape_cast %swap3A_348 : vector<1x16xf32> to vector<16xf32>
        %swap3A_350 = vector.shape_cast %mul3A_345 : vector<16xf32> to vector<1x16xf32>
        tpu.vector_store %arg15[%swap3A_346, %swap3A_347], %swap3A_350 {strides = array<i32>} : memref<40x128xf32, #tpu.memory_space<vmem>>, vector<1x16xf32>,
        %get3A_351 = arith.index_cast %add3A_252 : i32 to index
        %get3A_352 = arith.constant 112 : index
        %get3A_353 = tpu.vector_load %arg11[%get3A_351, %get3A_352] {strides = array<i32>} : memref<40x128xf32, #tpu.memory_space<vmem>>, vector<1x16xf32>,
        %get3A_354 = vector.shape_cast %get3A_353 : vector<1x16xf32> to vector<16xf32>
        %get3A_355 = arith.index_cast %add3A_252 : i32 to index
        %get3A_356 = arith.constant 112 : index
        %get3A_357 = tpu.vector_load %arg13[%get3A_355, %get3A_356] {strides = array<i32>} : memref<40x128xf32, #tpu.memory_space<vmem>>, vector<1x16xf32>,
        %get3A_358 = vector.shape_cast %get3A_357 : vector<1x16xf32> to vector<16xf32>
        %mul3A_359 = arith.mulf %get3A_354, %get3A_358 : vector<16xf32>
        %swap3A_360 = arith.index_cast %add3A_252 : i32 to index
        %swap3A_361 = arith.constant 112 : index
        %swap3A_362 = tpu.vector_load %arg15[%swap3A_360, %swap3A_361] {strides = array<i32>} : memref<40x128xf32, #tpu.memory_space<vmem>>, vector<1x16xf32>,
        %swap3A_363 = vector.shape_cast %swap3A_362 : vector<1x16xf32> to vector<16xf32>
        %swap3A_364 = vector.shape_cast %mul3A_359 : vector<16xf32> to vector<1x16xf32>
        tpu.vector_store %arg15[%swap3A_360, %swap3A_361], %swap3A_364 {strides = array<i32>} : memref<40x128xf32, #tpu.memory_space<vmem>>, vector<1x16xf32>,
        %scan3A_365 = arith.constant 0 : i32
        scf.yield %scan3A_365 : i32
      }
      %scan3A_90 = arith.constant 20 : i32
      "tpu.region"() ({
        %run_scoped3A = tpu.sem_alloc : memref<!tpu.dma_semaphore, #tpu.memory_space<semaphore_mem>>
        %dma_start3A_133 = arith.constant 0 : i32
        %dma_start3A_134 = arith.constant 0 : i32
        %dma_start3A_135 = tpu.memref_slice %arg17[%dma_start3A_133, %dma_start3A_134] : memref<10000x128xf32, #tpu.memory_space<vmem_shared>> -> memref<10000x128xf32, #tpu.memory_space<vmem_shared>>
        tpu.enqueue_indirect_dma source(%arg15 : memref<40x128xf32, #tpu.memory_space<vmem>>) target(%dma_start3A_135 : memref<10000x128xf32, #tpu.memory_space<vmem_shared>>) offsets(%arg9 : memref<40xi32, #tpu.memory_space<vmem>>) semaphore(%run_scoped3A : memref<!tpu.dma_semaphore, #tpu.memory_space<semaphore_mem>>) {add = true}
        %dma_wait3A_136 = arith.constant 0 : i32
        %dma_wait3A_137 = arith.constant 0 : i32
        %dma_wait3A_138 = tpu.memref_slice %arg17[%dma_wait3A_136, %dma_wait3A_137] : memref<10000x128xf32, #tpu.memory_space<vmem_shared>> -> memref<10000x128xf32, #tpu.memory_space<vmem_shared>>
        tpu.wait_indirect_dma semaphore(%run_scoped3A : memref<!tpu.dma_semaphore, #tpu.memory_space<semaphore_mem>>) src(%arg15 : memref<40x128xf32, #tpu.memory_space<vmem>>) dst(%dma_wait3A_138 : memref<10000x128xf32, #tpu.memory_space<vmem_shared>>)
        tpu.yield
      }) : () -> ()
      %add3A_91 = arith.constant 2 : i32
      %add3A_92 = arith.addi %mul3A_70, %add3A_91 : i32
      %lt3A_93 = arith.constant 100 : i32
      %lt3A_94 = arith.cmpi slt, %add3A_92, %lt3A_93 : i32
      %convert_element_type3A_95 = arith.extui %lt3A_94 : i1 to i32
      %cond3A_96 = arith.constant 0 : i32
      %cond3A_97 = arith.cmpi ne, %convert_element_type3A_95, %cond3A_96 : i32
      scf.if %cond3A_97 {
        %add3A_133 = arith.constant 2 : i32
        %add3A_134 = arith.addi %mul3A_70, %add3A_133 : i32
        %mul3A_135 = arith.constant 4000 : i32
        %mul3A_136 = arith.muli %add3A, %mul3A_135 : i32
        %add3A_137 = arith.constant 192000 : i32
        %add3A_138 = arith.addi %add3A_137, %mul3A_136 : i32
        %mul3A_139 = arith.constant 40 : i32
        %mul3A_140 = arith.muli %add3A_134, %mul3A_139 : i32
        %add3A_141 = arith.addi %add3A_138, %mul3A_140 : i32
        %dma_start3A_142 = tpu.memref_slice %arg4[%add3A_141] : memref<320000xi32, #tpu.memory_space<hbm>> -> memref<40xi32, #tpu.memory_space<hbm>>
        %dma_start3A_143 = tpu.memref_slice %arg4[%add3A_141] : memref<320000xi32, #tpu.memory_space<hbm>> -> memref<40xi32, #tpu.memory_space<hbm>>
        tpu.enqueue_dma source(%dma_start3A_143 : memref<40xi32, #tpu.memory_space<hbm>>) target(%arg7 : memref<40xi32, #tpu.memory_space<vmem>>) target_semaphore(%arg18 : memref<!tpu.dma_semaphore, #tpu.memory_space<semaphore_mem>>)
        %dma_start3A_144 = tpu.memref_slice %arg5[%add3A_141] : memref<320000xi32, #tpu.memory_space<hbm>> -> memref<40xi32, #tpu.memory_space<hbm>>
        %dma_start3A_145 = tpu.memref_slice %arg5[%add3A_141] : memref<320000xi32, #tpu.memory_space<hbm>> -> memref<40xi32, #tpu.memory_space<hbm>>
        tpu.enqueue_dma source(%dma_start3A_145 : memref<40xi32, #tpu.memory_space<hbm>>) target(%arg9 : memref<40xi32, #tpu.memory_space<vmem>>) target_semaphore(%arg18 : memref<!tpu.dma_semaphore, #tpu.memory_space<semaphore_mem>>)
      } else {
      }
      %mul3A_98 = arith.constant 2 : i32
      %mul3A_99 = arith.muli %scan3A_67, %mul3A_98 : i32
      %add3A_100 = arith.constant 1 : i32
      %add3A_101 = arith.addi %mul3A_99, %add3A_100 : i32
      %add3A_102 = arith.constant 1 : i32
      %add3A_103 = arith.addi %add3A_101, %add3A_102 : i32
      %lt3A_104 = arith.constant 100 : i32
      %lt3A_105 = arith.cmpi slt, %add3A_103, %lt3A_104 : i32
      %convert_element_type3A_106 = arith.extui %lt3A_105 : i1 to i32
      %cond3A_107 = arith.constant 0 : i32
      %cond3A_108 = arith.cmpi ne, %convert_element_type3A_106, %cond3A_107 : i32
      scf.if %cond3A_108 {
        %dma_wait3A_133 = arith.constant 0 : i32
        %dma_wait3A_134 = tpu.memref_slice %arg4[%dma_wait3A_133] : memref<320000xi32, #tpu.memory_space<hbm>> -> memref<40xi32, #tpu.memory_space<hbm>>
        %dma_wait3A_135 = arith.constant 0 : i32
        %dma_wait3A_136 = tpu.memref_slice %arg4[%dma_wait3A_135] : memref<320000xi32, #tpu.memory_space<hbm>> -> memref<40xi32, #tpu.memory_space<hbm>>
        tpu.wait_dma2 semaphore(%arg18 : memref<!tpu.dma_semaphore, #tpu.memory_space<semaphore_mem>>) src(%dma_wait3A_136 : memref<40xi32, #tpu.memory_space<hbm>>) dst(%arg7 : memref<40xi32, #tpu.memory_space<vmem>>)
        %dma_wait3A_137 = arith.constant 0 : i32
        %dma_wait3A_138 = tpu.memref_slice %arg5[%dma_wait3A_137] : memref<320000xi32, #tpu.memory_space<hbm>> -> memref<40xi32, #tpu.memory_space<hbm>>
        %dma_wait3A_139 = arith.constant 0 : i32
        %dma_wait3A_140 = tpu.memref_slice %arg5[%dma_wait3A_139] : memref<320000xi32, #tpu.memory_space<hbm>> -> memref<40xi32, #tpu.memory_space<hbm>>
        tpu.wait_dma2 semaphore(%arg18 : memref<!tpu.dma_semaphore, #tpu.memory_space<semaphore_mem>>) src(%dma_wait3A_140 : memref<40xi32, #tpu.memory_space<hbm>>) dst(%arg9 : memref<40xi32, #tpu.memory_space<vmem>>)
        %add3A_141 = arith.constant 1 : i32
        %add3A_142 = arith.addi %add3A_101, %add3A_141 : i32
        %mul3A_143 = arith.constant 4000 : i32
        %mul3A_144 = arith.muli %add3A, %mul3A_143 : i32
        %mul3A_145 = arith.constant 40 : i32
        %mul3A_146 = arith.muli %add3A_142, %mul3A_145 : i32
        %add3A_147 = arith.addi %mul3A_144, %mul3A_146 : i32
        %dma_start3A_148 = arith.constant 0 : i32
        %dma_start3A_149 = arith.constant 0 : i32
        %dma_start3A_150 = tpu.memref_slice %arg2[%dma_start3A_148, %dma_start3A_149] : memref<10000x128xf32, #tpu.memory_space<hbm>> -> memref<10000x128xf32, #tpu.memory_space<hbm>>
        tpu.enqueue_indirect_dma source(%dma_start3A_150 : memref<10000x128xf32, #tpu.memory_space<hbm>>) target(%arg11 : memref<40x128xf32, #tpu.memory_space<vmem>>) offsets(%arg7 : memref<40xi32, #tpu.memory_space<vmem>>) semaphore(%arg20 : memref<!tpu.dma_semaphore, #tpu.memory_space<semaphore_mem>>)
        %dma_start3A_151 = arith.constant 0 : i32
        %dma_start3A_152 = tpu.memref_slice %arg3[%add3A_147, %dma_start3A_151] : memref<128000x128xf32, #tpu.memory_space<hbm>> -> memref<40x128xf32, #tpu.memory_space<hbm>>
        %dma_start3A_153 = arith.constant 0 : i32
        %dma_start3A_154 = tpu.memref_slice %arg3[%add3A_147, %dma_start3A_153] : memref<128000x128xf32, #tpu.memory_space<hbm>> -> memref<40x128xf32, #tpu.memory_space<hbm>>
        tpu.enqueue_dma source(%dma_start3A_154 : memref<40x128xf32, #tpu.memory_space<hbm>>) target(%arg13 : memref<40x128xf32, #tpu.memory_space<vmem>>) target_semaphore(%arg22 : memref<!tpu.dma_semaphore, #tpu.memory_space<semaphore_mem>>)
      } else {
      }
      %dma_wait3A_109 = arith.constant 0 : i32
      %dma_wait3A_110 = arith.constant 0 : i32
      %dma_wait3A_111 = tpu.memref_slice %arg2[%dma_wait3A_109, %dma_wait3A_110] : memref<10000x128xf32, #tpu.memory_space<hbm>> -> memref<10000x128xf32, #tpu.memory_space<hbm>>
      tpu.wait_indirect_dma semaphore(%arg21 : memref<!tpu.dma_semaphore, #tpu.memory_space<semaphore_mem>>) src(%dma_wait3A_111 : memref<10000x128xf32, #tpu.memory_space<hbm>>) dst(%arg12 : memref<40x128xf32, #tpu.memory_space<vmem>>)
      %dma_wait3A_112 = arith.constant 0 : i32
      %dma_wait3A_113 = arith.constant 0 : i32
      %dma_wait3A_114 = tpu.memref_slice %arg3[%dma_wait3A_112, %dma_wait3A_113] : memref<128000x128xf32, #tpu.memory_space<hbm>> -> memref<40x128xf32, #tpu.memory_space<hbm>>
      %dma_wait3A_115 = arith.constant 0 : i32
      %dma_wait3A_116 = arith.constant 0 : i32
      %dma_wait3A_117 = tpu.memref_slice %arg3[%dma_wait3A_115, %dma_wait3A_116] : memref<128000x128xf32, #tpu.memory_space<hbm>> -> memref<40x128xf32, #tpu.memory_space<hbm>>
      tpu.wait_dma2 semaphore(%arg23 : memref<!tpu.dma_semaphore, #tpu.memory_space<semaphore_mem>>) src(%dma_wait3A_117 : memref<40x128xf32, #tpu.memory_space<hbm>>) dst(%arg14 : memref<40x128xf32, #tpu.memory_space<vmem>>)
      %scan3A_118 = arith.constant 0 : i32
      %scan3A_119 = arith.constant 0 : i32
      %scan3A_120 = arith.constant 20 : i32
      %scan3A_121 = arith.addi %scan3A_119, %scan3A_120 : i32
      %scan3A_122 = arith.constant 1 : i32
      %scan3A_123 = scf.for %scan3A_133 = %scan3A_119 to %scan3A_121 step %scan3A_122 iter_args(%scan3A_134 = %scan3A_118) -> (i32)  : i32 {
        %mul3A_135 = arith.constant 2 : i32
        %mul3A_136 = arith.muli %scan3A_133, %mul3A_135 : i32
        %add3A_137 = arith.constant 0 : i32
        %add3A_138 = arith.addi %mul3A_136, %add3A_137 : i32
        %get3A = arith.index_cast %add3A_138 : i32 to index
        %get3A_139 = arith.constant 0 : index
        %get3A_140 = tpu.vector_load %arg12[%get3A, %get3A_139] {strides = array<i32>} : memref<40x128xf32, #tpu.memory_space<vmem>>, vector<1x16xf32>,
        %get3A_141 = vector.shape_cast %get3A_140 : vector<1x16xf32> to vector<16xf32>
        %get3A_142 = arith.index_cast %add3A_138 : i32 to index
        %get3A_143 = arith.constant 0 : index
        %get3A_144 = tpu.vector_load %arg14[%get3A_142, %get3A_143] {strides = array<i32>} : memref<40x128xf32, #tpu.memory_space<vmem>>, vector<1x16xf32>,
        %get3A_145 = vector.shape_cast %get3A_144 : vector<1x16xf32> to vector<16xf32>
        %mul3A_146 = arith.mulf %get3A_141, %get3A_145 : vector<16xf32>
        %swap3A = arith.index_cast %add3A_138 : i32 to index
        %swap3A_147 = arith.constant 0 : index
        %swap3A_148 = tpu.vector_load %arg16[%swap3A, %swap3A_147] {strides = array<i32>} : memref<40x128xf32, #tpu.memory_space<vmem>>, vector<1x16xf32>,
        %swap3A_149 = vector.shape_cast %swap3A_148 : vector<1x16xf32> to vector<16xf32>
        %swap3A_150 = vector.shape_cast %mul3A_146 : vector<16xf32> to vector<1x16xf32>
        tpu.vector_store %arg16[%swap3A, %swap3A_147], %swap3A_150 {strides = array<i32>} : memref<40x128xf32, #tpu.memory_space<vmem>>, vector<1x16xf32>,
        %get3A_151 = arith.index_cast %add3A_138 : i32 to index
        %get3A_152 = arith.constant 16 : index
        %get3A_153 = tpu.vector_load %arg12[%get3A_151, %get3A_152] {strides = array<i32>} : memref<40x128xf32, #tpu.memory_space<vmem>>, vector<1x16xf32>,
        %get3A_154 = vector.shape_cast %get3A_153 : vector<1x16xf32> to vector<16xf32>
        %get3A_155 = arith.index_cast %add3A_138 : i32 to index
        %get3A_156 = arith.constant 16 : index
        %get3A_157 = tpu.vector_load %arg14[%get3A_155, %get3A_156] {strides = array<i32>} : memref<40x128xf32, #tpu.memory_space<vmem>>, vector<1x16xf32>,
        %get3A_158 = vector.shape_cast %get3A_157 : vector<1x16xf32> to vector<16xf32>
        %mul3A_159 = arith.mulf %get3A_154, %get3A_158 : vector<16xf32>
        %swap3A_160 = arith.index_cast %add3A_138 : i32 to index
        %swap3A_161 = arith.constant 16 : index
        %swap3A_162 = tpu.vector_load %arg16[%swap3A_160, %swap3A_161] {strides = array<i32>} : memref<40x128xf32, #tpu.memory_space<vmem>>, vector<1x16xf32>,
        %swap3A_163 = vector.shape_cast %swap3A_162 : vector<1x16xf32> to vector<16xf32>
        %swap3A_164 = vector.shape_cast %mul3A_159 : vector<16xf32> to vector<1x16xf32>
        tpu.vector_store %arg16[%swap3A_160, %swap3A_161], %swap3A_164 {strides = array<i32>} : memref<40x128xf32, #tpu.memory_space<vmem>>, vector<1x16xf32>,
        %get3A_165 = arith.index_cast %add3A_138 : i32 to index
        %get3A_166 = arith.constant 32 : index
        %get3A_167 = tpu.vector_load %arg12[%get3A_165, %get3A_166] {strides = array<i32>} : memref<40x128xf32, #tpu.memory_space<vmem>>, vector<1x16xf32>,
        %get3A_168 = vector.shape_cast %get3A_167 : vector<1x16xf32> to vector<16xf32>
        %get3A_169 = arith.index_cast %add3A_138 : i32 to index
        %get3A_170 = arith.constant 32 : index
        %get3A_171 = tpu.vector_load %arg14[%get3A_169, %get3A_170] {strides = array<i32>} : memref<40x128xf32, #tpu.memory_space<vmem>>, vector<1x16xf32>,
        %get3A_172 = vector.shape_cast %get3A_171 : vector<1x16xf32> to vector<16xf32>
        %mul3A_173 = arith.mulf %get3A_168, %get3A_172 : vector<16xf32>
        %swap3A_174 = arith.index_cast %add3A_138 : i32 to index
        %swap3A_175 = arith.constant 32 : index
        %swap3A_176 = tpu.vector_load %arg16[%swap3A_174, %swap3A_175] {strides = array<i32>} : memref<40x128xf32, #tpu.memory_space<vmem>>, vector<1x16xf32>,
        %swap3A_177 = vector.shape_cast %swap3A_176 : vector<1x16xf32> to vector<16xf32>
        %swap3A_178 = vector.shape_cast %mul3A_173 : vector<16xf32> to vector<1x16xf32>
        tpu.vector_store %arg16[%swap3A_174, %swap3A_175], %swap3A_178 {strides = array<i32>} : memref<40x128xf32, #tpu.memory_space<vmem>>, vector<1x16xf32>,
        %get3A_179 = arith.index_cast %add3A_138 : i32 to index
        %get3A_180 = arith.constant 48 : index
        %get3A_181 = tpu.vector_load %arg12[%get3A_179, %get3A_180] {strides = array<i32>} : memref<40x128xf32, #tpu.memory_space<vmem>>, vector<1x16xf32>,
        %get3A_182 = vector.shape_cast %get3A_181 : vector<1x16xf32> to vector<16xf32>
        %get3A_183 = arith.index_cast %add3A_138 : i32 to index
        %get3A_184 = arith.constant 48 : index
        %get3A_185 = tpu.vector_load %arg14[%get3A_183, %get3A_184] {strides = array<i32>} : memref<40x128xf32, #tpu.memory_space<vmem>>, vector<1x16xf32>,
        %get3A_186 = vector.shape_cast %get3A_185 : vector<1x16xf32> to vector<16xf32>
        %mul3A_187 = arith.mulf %get3A_182, %get3A_186 : vector<16xf32>
        %swap3A_188 = arith.index_cast %add3A_138 : i32 to index
        %swap3A_189 = arith.constant 48 : index
        %swap3A_190 = tpu.vector_load %arg16[%swap3A_188, %swap3A_189] {strides = array<i32>} : memref<40x128xf32, #tpu.memory_space<vmem>>, vector<1x16xf32>,
        %swap3A_191 = vector.shape_cast %swap3A_190 : vector<1x16xf32> to vector<16xf32>
        %swap3A_192 = vector.shape_cast %mul3A_187 : vector<16xf32> to vector<1x16xf32>
        tpu.vector_store %arg16[%swap3A_188, %swap3A_189], %swap3A_192 {strides = array<i32>} : memref<40x128xf32, #tpu.memory_space<vmem>>, vector<1x16xf32>,
        %get3A_193 = arith.index_cast %add3A_138 : i32 to index
        %get3A_194 = arith.constant 64 : index
        %get3A_195 = tpu.vector_load %arg12[%get3A_193, %get3A_194] {strides = array<i32>} : memref<40x128xf32, #tpu.memory_space<vmem>>, vector<1x16xf32>,
        %get3A_196 = vector.shape_cast %get3A_195 : vector<1x16xf32> to vector<16xf32>
        %get3A_197 = arith.index_cast %add3A_138 : i32 to index
        %get3A_198 = arith.constant 64 : index
        %get3A_199 = tpu.vector_load %arg14[%get3A_197, %get3A_198] {strides = array<i32>} : memref<40x128xf32, #tpu.memory_space<vmem>>, vector<1x16xf32>,
        %get3A_200 = vector.shape_cast %get3A_199 : vector<1x16xf32> to vector<16xf32>
        %mul3A_201 = arith.mulf %get3A_196, %get3A_200 : vector<16xf32>
        %swap3A_202 = arith.index_cast %add3A_138 : i32 to index
        %swap3A_203 = arith.constant 64 : index
        %swap3A_204 = tpu.vector_load %arg16[%swap3A_202, %swap3A_203] {strides = array<i32>} : memref<40x128xf32, #tpu.memory_space<vmem>>, vector<1x16xf32>,
        %swap3A_205 = vector.shape_cast %swap3A_204 : vector<1x16xf32> to vector<16xf32>
        %swap3A_206 = vector.shape_cast %mul3A_201 : vector<16xf32> to vector<1x16xf32>
        tpu.vector_store %arg16[%swap3A_202, %swap3A_203], %swap3A_206 {strides = array<i32>} : memref<40x128xf32, #tpu.memory_space<vmem>>, vector<1x16xf32>,
        %get3A_207 = arith.index_cast %add3A_138 : i32 to index
        %get3A_208 = arith.constant 80 : index
        %get3A_209 = tpu.vector_load %arg12[%get3A_207, %get3A_208] {strides = array<i32>} : memref<40x128xf32, #tpu.memory_space<vmem>>, vector<1x16xf32>,
        %get3A_210 = vector.shape_cast %get3A_209 : vector<1x16xf32> to vector<16xf32>
        %get3A_211 = arith.index_cast %add3A_138 : i32 to index
        %get3A_212 = arith.constant 80 : index
        %get3A_213 = tpu.vector_load %arg14[%get3A_211, %get3A_212] {strides = array<i32>} : memref<40x128xf32, #tpu.memory_space<vmem>>, vector<1x16xf32>,
        %get3A_214 = vector.shape_cast %get3A_213 : vector<1x16xf32> to vector<16xf32>
        %mul3A_215 = arith.mulf %get3A_210, %get3A_214 : vector<16xf32>
        %swap3A_216 = arith.index_cast %add3A_138 : i32 to index
        %swap3A_217 = arith.constant 80 : index
        %swap3A_218 = tpu.vector_load %arg16[%swap3A_216, %swap3A_217] {strides = array<i32>} : memref<40x128xf32, #tpu.memory_space<vmem>>, vector<1x16xf32>,
        %swap3A_219 = vector.shape_cast %swap3A_218 : vector<1x16xf32> to vector<16xf32>
        %swap3A_220 = vector.shape_cast %mul3A_215 : vector<16xf32> to vector<1x16xf32>
        tpu.vector_store %arg16[%swap3A_216, %swap3A_217], %swap3A_220 {strides = array<i32>} : memref<40x128xf32, #tpu.memory_space<vmem>>, vector<1x16xf32>,
        %get3A_221 = arith.index_cast %add3A_138 : i32 to index
        %get3A_222 = arith.constant 96 : index
        %get3A_223 = tpu.vector_load %arg12[%get3A_221, %get3A_222] {strides = array<i32>} : memref<40x128xf32, #tpu.memory_space<vmem>>, vector<1x16xf32>,
        %get3A_224 = vector.shape_cast %get3A_223 : vector<1x16xf32> to vector<16xf32>
        %get3A_225 = arith.index_cast %add3A_138 : i32 to index
        %get3A_226 = arith.constant 96 : index
        %get3A_227 = tpu.vector_load %arg14[%get3A_225, %get3A_226] {strides = array<i32>} : memref<40x128xf32, #tpu.memory_space<vmem>>, vector<1x16xf32>,
        %get3A_228 = vector.shape_cast %get3A_227 : vector<1x16xf32> to vector<16xf32>
        %mul3A_229 = arith.mulf %get3A_224, %get3A_228 : vector<16xf32>
        %swap3A_230 = arith.index_cast %add3A_138 : i32 to index
        %swap3A_231 = arith.constant 96 : index
        %swap3A_232 = tpu.vector_load %arg16[%swap3A_230, %swap3A_231] {strides = array<i32>} : memref<40x128xf32, #tpu.memory_space<vmem>>, vector<1x16xf32>,
        %swap3A_233 = vector.shape_cast %swap3A_232 : vector<1x16xf32> to vector<16xf32>
        %swap3A_234 = vector.shape_cast %mul3A_229 : vector<16xf32> to vector<1x16xf32>
        tpu.vector_store %arg16[%swap3A_230, %swap3A_231], %swap3A_234 {strides = array<i32>} : memref<40x128xf32, #tpu.memory_space<vmem>>, vector<1x16xf32>,
        %get3A_235 = arith.index_cast %add3A_138 : i32 to index
        %get3A_236 = arith.constant 112 : index
        %get3A_237 = tpu.vector_load %arg12[%get3A_235, %get3A_236] {strides = array<i32>} : memref<40x128xf32, #tpu.memory_space<vmem>>, vector<1x16xf32>,
        %get3A_238 = vector.shape_cast %get3A_237 : vector<1x16xf32> to vector<16xf32>
        %get3A_239 = arith.index_cast %add3A_138 : i32 to index
        %get3A_240 = arith.constant 112 : index
        %get3A_241 = tpu.vector_load %arg14[%get3A_239, %get3A_240] {strides = array<i32>} : memref<40x128xf32, #tpu.memory_space<vmem>>, vector<1x16xf32>,
        %get3A_242 = vector.shape_cast %get3A_241 : vector<1x16xf32> to vector<16xf32>
        %mul3A_243 = arith.mulf %get3A_238, %get3A_242 : vector<16xf32>
        %swap3A_244 = arith.index_cast %add3A_138 : i32 to index
        %swap3A_245 = arith.constant 112 : index
        %swap3A_246 = tpu.vector_load %arg16[%swap3A_244, %swap3A_245] {strides = array<i32>} : memref<40x128xf32, #tpu.memory_space<vmem>>, vector<1x16xf32>,
        %swap3A_247 = vector.shape_cast %swap3A_246 : vector<1x16xf32> to vector<16xf32>
        %swap3A_248 = vector.shape_cast %mul3A_243 : vector<16xf32> to vector<1x16xf32>
        tpu.vector_store %arg16[%swap3A_244, %swap3A_245], %swap3A_248 {strides = array<i32>} : memref<40x128xf32, #tpu.memory_space<vmem>>, vector<1x16xf32>,
        %mul3A_249 = arith.constant 2 : i32
        %mul3A_250 = arith.muli %scan3A_133, %mul3A_249 : i32
        %add3A_251 = arith.constant 1 : i32
        %add3A_252 = arith.addi %mul3A_250, %add3A_251 : i32
        %get3A_253 = arith.index_cast %add3A_252 : i32 to index
        %get3A_254 = arith.constant 0 : index
        %get3A_255 = tpu.vector_load %arg12[%get3A_253, %get3A_254] {strides = array<i32>} : memref<40x128xf32, #tpu.memory_space<vmem>>, vector<1x16xf32>,
        %get3A_256 = vector.shape_cast %get3A_255 : vector<1x16xf32> to vector<16xf32>
        %get3A_257 = arith.index_cast %add3A_252 : i32 to index
        %get3A_258 = arith.constant 0 : index
        %get3A_259 = tpu.vector_load %arg14[%get3A_257, %get3A_258] {strides = array<i32>} : memref<40x128xf32, #tpu.memory_space<vmem>>, vector<1x16xf32>,
        %get3A_260 = vector.shape_cast %get3A_259 : vector<1x16xf32> to vector<16xf32>
        %mul3A_261 = arith.mulf %get3A_256, %get3A_260 : vector<16xf32>
        %swap3A_262 = arith.index_cast %add3A_252 : i32 to index
        %swap3A_263 = arith.constant 0 : index
        %swap3A_264 = tpu.vector_load %arg16[%swap3A_262, %swap3A_263] {strides = array<i32>} : memref<40x128xf32, #tpu.memory_space<vmem>>, vector<1x16xf32>,
        %swap3A_265 = vector.shape_cast %swap3A_264 : vector<1x16xf32> to vector<16xf32>
        %swap3A_266 = vector.shape_cast %mul3A_261 : vector<16xf32> to vector<1x16xf32>
        tpu.vector_store %arg16[%swap3A_262, %swap3A_263], %swap3A_266 {strides = array<i32>} : memref<40x128xf32, #tpu.memory_space<vmem>>, vector<1x16xf32>,
        %get3A_267 = arith.index_cast %add3A_252 : i32 to index
        %get3A_268 = arith.constant 16 : index
        %get3A_269 = tpu.vector_load %arg12[%get3A_267, %get3A_268] {strides = array<i32>} : memref<40x128xf32, #tpu.memory_space<vmem>>, vector<1x16xf32>,
        %get3A_270 = vector.shape_cast %get3A_269 : vector<1x16xf32> to vector<16xf32>
        %get3A_271 = arith.index_cast %add3A_252 : i32 to index
        %get3A_272 = arith.constant 16 : index
        %get3A_273 = tpu.vector_load %arg14[%get3A_271, %get3A_272] {strides = array<i32>} : memref<40x128xf32, #tpu.memory_space<vmem>>, vector<1x16xf32>,
        %get3A_274 = vector.shape_cast %get3A_273 : vector<1x16xf32> to vector<16xf32>
        %mul3A_275 = arith.mulf %get3A_270, %get3A_274 : vector<16xf32>
        %swap3A_276 = arith.index_cast %add3A_252 : i32 to index
        %swap3A_277 = arith.constant 16 : index
        %swap3A_278 = tpu.vector_load %arg16[%swap3A_276, %swap3A_277] {strides = array<i32>} : memref<40x128xf32, #tpu.memory_space<vmem>>, vector<1x16xf32>,
        %swap3A_279 = vector.shape_cast %swap3A_278 : vector<1x16xf32> to vector<16xf32>
        %swap3A_280 = vector.shape_cast %mul3A_275 : vector<16xf32> to vector<1x16xf32>
        tpu.vector_store %arg16[%swap3A_276, %swap3A_277], %swap3A_280 {strides = array<i32>} : memref<40x128xf32, #tpu.memory_space<vmem>>, vector<1x16xf32>,
        %get3A_281 = arith.index_cast %add3A_252 : i32 to index
        %get3A_282 = arith.constant 32 : index
        %get3A_283 = tpu.vector_load %arg12[%get3A_281, %get3A_282] {strides = array<i32>} : memref<40x128xf32, #tpu.memory_space<vmem>>, vector<1x16xf32>,
        %get3A_284 = vector.shape_cast %get3A_283 : vector<1x16xf32> to vector<16xf32>
        %get3A_285 = arith.index_cast %add3A_252 : i32 to index
        %get3A_286 = arith.constant 32 : index
        %get3A_287 = tpu.vector_load %arg14[%get3A_285, %get3A_286] {strides = array<i32>} : memref<40x128xf32, #tpu.memory_space<vmem>>, vector<1x16xf32>,
        %get3A_288 = vector.shape_cast %get3A_287 : vector<1x16xf32> to vector<16xf32>
        %mul3A_289 = arith.mulf %get3A_284, %get3A_288 : vector<16xf32>
        %swap3A_290 = arith.index_cast %add3A_252 : i32 to index
        %swap3A_291 = arith.constant 32 : index
        %swap3A_292 = tpu.vector_load %arg16[%swap3A_290, %swap3A_291] {strides = array<i32>} : memref<40x128xf32, #tpu.memory_space<vmem>>, vector<1x16xf32>,
        %swap3A_293 = vector.shape_cast %swap3A_292 : vector<1x16xf32> to vector<16xf32>
        %swap3A_294 = vector.shape_cast %mul3A_289 : vector<16xf32> to vector<1x16xf32>
        tpu.vector_store %arg16[%swap3A_290, %swap3A_291], %swap3A_294 {strides = array<i32>} : memref<40x128xf32, #tpu.memory_space<vmem>>, vector<1x16xf32>,
        %get3A_295 = arith.index_cast %add3A_252 : i32 to index
        %get3A_296 = arith.constant 48 : index
        %get3A_297 = tpu.vector_load %arg12[%get3A_295, %get3A_296] {strides = array<i32>} : memref<40x128xf32, #tpu.memory_space<vmem>>, vector<1x16xf32>,
        %get3A_298 = vector.shape_cast %get3A_297 : vector<1x16xf32> to vector<16xf32>
        %get3A_299 = arith.index_cast %add3A_252 : i32 to index
        %get3A_300 = arith.constant 48 : index
        %get3A_301 = tpu.vector_load %arg14[%get3A_299, %get3A_300] {strides = array<i32>} : memref<40x128xf32, #tpu.memory_space<vmem>>, vector<1x16xf32>,
        %get3A_302 = vector.shape_cast %get3A_301 : vector<1x16xf32> to vector<16xf32>
        %mul3A_303 = arith.mulf %get3A_298, %get3A_302 : vector<16xf32>
        %swap3A_304 = arith.index_cast %add3A_252 : i32 to index
        %swap3A_305 = arith.constant 48 : index
        %swap3A_306 = tpu.vector_load %arg16[%swap3A_304, %swap3A_305] {strides = array<i32>} : memref<40x128xf32, #tpu.memory_space<vmem>>, vector<1x16xf32>,
        %swap3A_307 = vector.shape_cast %swap3A_306 : vector<1x16xf32> to vector<16xf32>
        %swap3A_308 = vector.shape_cast %mul3A_303 : vector<16xf32> to vector<1x16xf32>
        tpu.vector_store %arg16[%swap3A_304, %swap3A_305], %swap3A_308 {strides = array<i32>} : memref<40x128xf32, #tpu.memory_space<vmem>>, vector<1x16xf32>,
        %get3A_309 = arith.index_cast %add3A_252 : i32 to index
        %get3A_310 = arith.constant 64 : index
        %get3A_311 = tpu.vector_load %arg12[%get3A_309, %get3A_310] {strides = array<i32>} : memref<40x128xf32, #tpu.memory_space<vmem>>, vector<1x16xf32>,
        %get3A_312 = vector.shape_cast %get3A_311 : vector<1x16xf32> to vector<16xf32>
        %get3A_313 = arith.index_cast %add3A_252 : i32 to index
        %get3A_314 = arith.constant 64 : index
        %get3A_315 = tpu.vector_load %arg14[%get3A_313, %get3A_314] {strides = array<i32>} : memref<40x128xf32, #tpu.memory_space<vmem>>, vector<1x16xf32>,
        %get3A_316 = vector.shape_cast %get3A_315 : vector<1x16xf32> to vector<16xf32>
        %mul3A_317 = arith.mulf %get3A_312, %get3A_316 : vector<16xf32>
        %swap3A_318 = arith.index_cast %add3A_252 : i32 to index
        %swap3A_319 = arith.constant 64 : index
        %swap3A_320 = tpu.vector_load %arg16[%swap3A_318, %swap3A_319] {strides = array<i32>} : memref<40x128xf32, #tpu.memory_space<vmem>>, vector<1x16xf32>,
        %swap3A_321 = vector.shape_cast %swap3A_320 : vector<1x16xf32> to vector<16xf32>
        %swap3A_322 = vector.shape_cast %mul3A_317 : vector<16xf32> to vector<1x16xf32>
        tpu.vector_store %arg16[%swap3A_318, %swap3A_319], %swap3A_322 {strides = array<i32>} : memref<40x128xf32, #tpu.memory_space<vmem>>, vector<1x16xf32>,
        %get3A_323 = arith.index_cast %add3A_252 : i32 to index
        %get3A_324 = arith.constant 80 : index
        %get3A_325 = tpu.vector_load %arg12[%get3A_323, %get3A_324] {strides = array<i32>} : memref<40x128xf32, #tpu.memory_space<vmem>>, vector<1x16xf32>,
        %get3A_326 = vector.shape_cast %get3A_325 : vector<1x16xf32> to vector<16xf32>
        %get3A_327 = arith.index_cast %add3A_252 : i32 to index
        %get3A_328 = arith.constant 80 : index
        %get3A_329 = tpu.vector_load %arg14[%get3A_327, %get3A_328] {strides = array<i32>} : memref<40x128xf32, #tpu.memory_space<vmem>>, vector<1x16xf32>,
        %get3A_330 = vector.shape_cast %get3A_329 : vector<1x16xf32> to vector<16xf32>
        %mul3A_331 = arith.mulf %get3A_326, %get3A_330 : vector<16xf32>
        %swap3A_332 = arith.index_cast %add3A_252 : i32 to index
        %swap3A_333 = arith.constant 80 : index
        %swap3A_334 = tpu.vector_load %arg16[%swap3A_332, %swap3A_333] {strides = array<i32>} : memref<40x128xf32, #tpu.memory_space<vmem>>, vector<1x16xf32>,
        %swap3A_335 = vector.shape_cast %swap3A_334 : vector<1x16xf32> to vector<16xf32>
        %swap3A_336 = vector.shape_cast %mul3A_331 : vector<16xf32> to vector<1x16xf32>
        tpu.vector_store %arg16[%swap3A_332, %swap3A_333], %swap3A_336 {strides = array<i32>} : memref<40x128xf32, #tpu.memory_space<vmem>>, vector<1x16xf32>,
        %get3A_337 = arith.index_cast %add3A_252 : i32 to index
        %get3A_338 = arith.constant 96 : index
        %get3A_339 = tpu.vector_load %arg12[%get3A_337, %get3A_338] {strides = array<i32>} : memref<40x128xf32, #tpu.memory_space<vmem>>, vector<1x16xf32>,
        %get3A_340 = vector.shape_cast %get3A_339 : vector<1x16xf32> to vector<16xf32>
        %get3A_341 = arith.index_cast %add3A_252 : i32 to index
        %get3A_342 = arith.constant 96 : index
        %get3A_343 = tpu.vector_load %arg14[%get3A_341, %get3A_342] {strides = array<i32>} : memref<40x128xf32, #tpu.memory_space<vmem>>, vector<1x16xf32>,
        %get3A_344 = vector.shape_cast %get3A_343 : vector<1x16xf32> to vector<16xf32>
        %mul3A_345 = arith.mulf %get3A_340, %get3A_344 : vector<16xf32>
        %swap3A_346 = arith.index_cast %add3A_252 : i32 to index
        %swap3A_347 = arith.constant 96 : index
        %swap3A_348 = tpu.vector_load %arg16[%swap3A_346, %swap3A_347] {strides = array<i32>} : memref<40x128xf32, #tpu.memory_space<vmem>>, vector<1x16xf32>,
        %swap3A_349 = vector.shape_cast %swap3A_348 : vector<1x16xf32> to vector<16xf32>
        %swap3A_350 = vector.shape_cast %mul3A_345 : vector<16xf32> to vector<1x16xf32>
        tpu.vector_store %arg16[%swap3A_346, %swap3A_347], %swap3A_350 {strides = array<i32>} : memref<40x128xf32, #tpu.memory_space<vmem>>, vector<1x16xf32>,
        %get3A_351 = arith.index_cast %add3A_252 : i32 to index
        %get3A_352 = arith.constant 112 : index
        %get3A_353 = tpu.vector_load %arg12[%get3A_351, %get3A_352] {strides = array<i32>} : memref<40x128xf32, #tpu.memory_space<vmem>>, vector<1x16xf32>,
        %get3A_354 = vector.shape_cast %get3A_353 : vector<1x16xf32> to vector<16xf32>
        %get3A_355 = arith.index_cast %add3A_252 : i32 to index
        %get3A_356 = arith.constant 112 : index
        %get3A_357 = tpu.vector_load %arg14[%get3A_355, %get3A_356] {strides = array<i32>} : memref<40x128xf32, #tpu.memory_space<vmem>>, vector<1x16xf32>,
        %get3A_358 = vector.shape_cast %get3A_357 : vector<1x16xf32> to vector<16xf32>
        %mul3A_359 = arith.mulf %get3A_354, %get3A_358 : vector<16xf32>
        %swap3A_360 = arith.index_cast %add3A_252 : i32 to index
        %swap3A_361 = arith.constant 112 : index
        %swap3A_362 = tpu.vector_load %arg16[%swap3A_360, %swap3A_361] {strides = array<i32>} : memref<40x128xf32, #tpu.memory_space<vmem>>, vector<1x16xf32>,
        %swap3A_363 = vector.shape_cast %swap3A_362 : vector<1x16xf32> to vector<16xf32>
        %swap3A_364 = vector.shape_cast %mul3A_359 : vector<16xf32> to vector<1x16xf32>
        tpu.vector_store %arg16[%swap3A_360, %swap3A_361], %swap3A_364 {strides = array<i32>} : memref<40x128xf32, #tpu.memory_space<vmem>>, vector<1x16xf32>,
        %scan3A_365 = arith.constant 0 : i32
        scf.yield %scan3A_365 : i32
      }
      %scan3A_124 = arith.constant 20 : i32
      "tpu.region"() ({
        %run_scoped3A = tpu.sem_alloc : memref<!tpu.dma_semaphore, #tpu.memory_space<semaphore_mem>>
        %dma_start3A_133 = arith.constant 0 : i32
        %dma_start3A_134 = arith.constant 0 : i32
        %dma_start3A_135 = tpu.memref_slice %arg17[%dma_start3A_133, %dma_start3A_134] : memref<10000x128xf32, #tpu.memory_space<vmem_shared>> -> memref<10000x128xf32, #tpu.memory_space<vmem_shared>>
        tpu.enqueue_indirect_dma source(%arg16 : memref<40x128xf32, #tpu.memory_space<vmem>>) target(%dma_start3A_135 : memref<10000x128xf32, #tpu.memory_space<vmem_shared>>) offsets(%arg10 : memref<40xi32, #tpu.memory_space<vmem>>) semaphore(%run_scoped3A : memref<!tpu.dma_semaphore, #tpu.memory_space<semaphore_mem>>) {add = true}
        %dma_wait3A_136 = arith.constant 0 : i32
        %dma_wait3A_137 = arith.constant 0 : i32
        %dma_wait3A_138 = tpu.memref_slice %arg17[%dma_wait3A_136, %dma_wait3A_137] : memref<10000x128xf32, #tpu.memory_space<vmem_shared>> -> memref<10000x128xf32, #tpu.memory_space<vmem_shared>>
        tpu.wait_indirect_dma semaphore(%run_scoped3A : memref<!tpu.dma_semaphore, #tpu.memory_space<semaphore_mem>>) src(%arg16 : memref<40x128xf32, #tpu.memory_space<vmem>>) dst(%dma_wait3A_138 : memref<10000x128xf32, #tpu.memory_space<vmem_shared>>)
        tpu.yield
      }) : () -> ()
      %add3A_125 = arith.constant 2 : i32
      %add3A_126 = arith.addi %add3A_101, %add3A_125 : i32
      %lt3A_127 = arith.constant 100 : i32
      %lt3A_128 = arith.cmpi slt, %add3A_126, %lt3A_127 : i32
      %convert_element_type3A_129 = arith.extui %lt3A_128 : i1 to i32
      %cond3A_130 = arith.constant 0 : i32
      %cond3A_131 = arith.cmpi ne, %convert_element_type3A_129, %cond3A_130 : i32
      scf.if %cond3A_131 {
        %add3A_133 = arith.constant 2 : i32
        %add3A_134 = arith.addi %add3A_101, %add3A_133 : i32
        %mul3A_135 = arith.constant 4000 : i32
        %mul3A_136 = arith.muli %add3A, %mul3A_135 : i32
        %add3A_137 = arith.constant 192000 : i32
        %add3A_138 = arith.addi %add3A_137, %mul3A_136 : i32
        %mul3A_139 = arith.constant 40 : i32
        %mul3A_140 = arith.muli %add3A_134, %mul3A_139 : i32
        %add3A_141 = arith.addi %add3A_138, %mul3A_140 : i32
        %dma_start3A_142 = tpu.memref_slice %arg4[%add3A_141] : memref<320000xi32, #tpu.memory_space<hbm>> -> memref<40xi32, #tpu.memory_space<hbm>>
        %dma_start3A_143 = tpu.memref_slice %arg4[%add3A_141] : memref<320000xi32, #tpu.memory_space<hbm>> -> memref<40xi32, #tpu.memory_space<hbm>>
        tpu.enqueue_dma source(%dma_start3A_143 : memref<40xi32, #tpu.memory_space<hbm>>) target(%arg8 : memref<40xi32, #tpu.memory_space<vmem>>) target_semaphore(%arg19 : memref<!tpu.dma_semaphore, #tpu.memory_space<semaphore_mem>>)
        %dma_start3A_144 = tpu.memref_slice %arg5[%add3A_141] : memref<320000xi32, #tpu.memory_space<hbm>> -> memref<40xi32, #tpu.memory_space<hbm>>
        %dma_start3A_145 = tpu.memref_slice %arg5[%add3A_141] : memref<320000xi32, #tpu.memory_space<hbm>> -> memref<40xi32, #tpu.memory_space<hbm>>
        tpu.enqueue_dma source(%dma_start3A_145 : memref<40xi32, #tpu.memory_space<hbm>>) target(%arg10 : memref<40xi32, #tpu.memory_space<vmem>>) target_semaphore(%arg19 : memref<!tpu.dma_semaphore, #tpu.memory_space<semaphore_mem>>)
      } else {
      }
      %scan3A_132 = arith.constant 0 : i32
      scf.yield %scan3A_132 : i32
    }
    %scan3A_58 = arith.constant 50 : i32
    %barrier3A_59 = arith.constant 0 : index
    tpu.barrier barrier_id(%barrier3A_59)
    %scan3A_60 = arith.constant 0 : i32
    %scan3A_61 = arith.constant 0 : i32
    %scan3A_62 = arith.constant 16 : i32
    %scan3A_63 = arith.addi %scan3A_61, %scan3A_62 : i32
    %scan3A_64 = arith.constant 1 : i32
    %scan3A_65 = scf.for %scan3A_67 = %scan3A_61 to %scan3A_63 step %scan3A_64 iter_args(%scan3A_68 = %scan3A_60) -> (i32)  : i32 {
      %mul3A_69 = arith.constant 16 : i32
      %mul3A_70 = arith.muli %scan3A_67, %mul3A_69 : i32
      %add3A_71 = arith.addi %arg1, %mul3A_70 : i32
      %lt3A = arith.constant 250 : i32
      %lt3A_72 = arith.cmpi slt, %add3A_71, %lt3A : i32
      %convert_element_type3A = arith.extui %lt3A_72 : i1 to i32
      %cond3A = arith.constant 0 : i32
      %cond3A_73 = arith.cmpi ne, %convert_element_type3A, %cond3A : i32
      scf.if %cond3A_73 {
        %mul3A_75 = arith.constant 40 : i32
        %mul3A_76 = arith.muli %add3A_71, %mul3A_75 : i32
        "tpu.region"() ({
          %run_scoped3A = tpu.sem_alloc : memref<!tpu.dma_semaphore, #tpu.memory_space<semaphore_mem>>
          %dma_start3A_79 = arith.constant 0 : i32
          %dma_start3A_80 = tpu.memref_slice %arg17[%mul3A_76, %dma_start3A_79] : memref<10000x128xf32, #tpu.memory_space<vmem_shared>> -> memref<40x128xf32, #tpu.memory_space<vmem_shared>>
          %dma_start3A_81 = arith.constant 0 : i32
          %dma_start3A_82 = tpu.memref_slice %arg17[%mul3A_76, %dma_start3A_81] : memref<10000x128xf32, #tpu.memory_space<vmem_shared>> -> memref<40x128xf32, #tpu.memory_space<vmem_shared>>
          tpu.enqueue_dma source(%dma_start3A_82 : memref<40x128xf32, #tpu.memory_space<vmem_shared>>) target(%arg15 : memref<40x128xf32, #tpu.memory_space<vmem>>) target_semaphore(%run_scoped3A : memref<!tpu.dma_semaphore, #tpu.memory_space<semaphore_mem>>)
          %dma_wait3A_83 = arith.constant 0 : i32
          %dma_wait3A_84 = tpu.memref_slice %arg17[%mul3A_76, %dma_wait3A_83] : memref<10000x128xf32, #tpu.memory_space<vmem_shared>> -> memref<40x128xf32, #tpu.memory_space<vmem_shared>>
          %dma_wait3A_85 = arith.constant 0 : i32
          %dma_wait3A_86 = tpu.memref_slice %arg17[%mul3A_76, %dma_wait3A_85] : memref<10000x128xf32, #tpu.memory_space<vmem_shared>> -> memref<40x128xf32, #tpu.memory_space<vmem_shared>>
          tpu.wait_dma2 semaphore(%run_scoped3A : memref<!tpu.dma_semaphore, #tpu.memory_space<semaphore_mem>>) src(%dma_wait3A_86 : memref<40x128xf32, #tpu.memory_space<vmem_shared>>) dst(%arg15 : memref<40x128xf32, #tpu.memory_space<vmem>>)
          tpu.yield
        }) : () -> ()
        %mul3A_77 = arith.constant 40 : i32
        %mul3A_78 = arith.muli %add3A_71, %mul3A_77 : i32
        "tpu.region"() ({
          %run_scoped3A = tpu.sem_alloc : memref<!tpu.dma_semaphore, #tpu.memory_space<semaphore_mem>>
          %dma_start3A_79 = arith.constant 0 : i32
          %dma_start3A_80 = arith.constant 0 : i32
          %dma_start3A_81 = tpu.memref_slice %arg6[%arg0, %dma_start3A_79, %dma_start3A_80] : memref<2x10000x128xf32, #tpu.memory_space<hbm>> -> memref<1x10000x128xf32, #tpu.memory_space<hbm>>
          %dma_start3A_82 = tpu.memref_squeeze %dma_start3A_81 : memref<1x10000x128xf32, #tpu.memory_space<hbm>> -> memref<10000x128xf32, #tpu.memory_space<hbm>>
          %dma_start3A_83 = arith.constant 0 : i32
          %dma_start3A_84 = tpu.memref_slice %dma_start3A_82[%mul3A_78, %dma_start3A_83] : memref<10000x128xf32, #tpu.memory_space<hbm>> -> memref<40x128xf32, #tpu.memory_space<hbm>>
          %dma_start3A_85 = arith.constant 0 : i32
          %dma_start3A_86 = arith.constant 0 : i32
          %dma_start3A_87 = tpu.memref_slice %arg6[%arg0, %dma_start3A_85, %dma_start3A_86] : memref<2x10000x128xf32, #tpu.memory_space<hbm>> -> memref<1x10000x128xf32, #tpu.memory_space<hbm>>
          %dma_start3A_88 = tpu.memref_squeeze %dma_start3A_87 : memref<1x10000x128xf32, #tpu.memory_space<hbm>> -> memref<10000x128xf32, #tpu.memory_space<hbm>>
          %dma_start3A_89 = arith.constant 0 : i32
          %dma_start3A_90 = tpu.memref_slice %dma_start3A_88[%mul3A_78, %dma_start3A_89] : memref<10000x128xf32, #tpu.memory_space<hbm>> -> memref<40x128xf32, #tpu.memory_space<hbm>>
          tpu.enqueue_dma source(%arg15 : memref<40x128xf32, #tpu.memory_space<vmem>>) target(%dma_start3A_90 : memref<40x128xf32, #tpu.memory_space<hbm>>) target_semaphore(%run_scoped3A : memref<!tpu.dma_semaphore, #tpu.memory_space<semaphore_mem>>)
          %dma_wait3A_91 = arith.constant 0 : i32
          %dma_wait3A_92 = arith.constant 0 : i32
          %dma_wait3A_93 = tpu.memref_slice %arg6[%arg0, %dma_wait3A_91, %dma_wait3A_92] : memref<2x10000x128xf32, #tpu.memory_space<hbm>> -> memref<1x10000x128xf32, #tpu.memory_space<hbm>>
          %dma_wait3A_94 = tpu.memref_squeeze %dma_wait3A_93 : memref<1x10000x128xf32, #tpu.memory_space<hbm>> -> memref<10000x128xf32, #tpu.memory_space<hbm>>
          %dma_wait3A_95 = arith.constant 0 : i32
          %dma_wait3A_96 = tpu.memref_slice %dma_wait3A_94[%mul3A_78, %dma_wait3A_95] : memref<10000x128xf32, #tpu.memory_space<hbm>> -> memref<40x128xf32, #tpu.memory_space<hbm>>
          %dma_wait3A_97 = arith.constant 0 : i32
          %dma_wait3A_98 = arith.constant 0 : i32
          %dma_wait3A_99 = tpu.memref_slice %arg6[%arg0, %dma_wait3A_97, %dma_wait3A_98] : memref<2x10000x128xf32, #tpu.memory_space<hbm>> -> memref<1x10000x128xf32, #tpu.memory_space<hbm>>
          %dma_wait3A_100 = tpu.memref_squeeze %dma_wait3A_99 : memref<1x10000x128xf32, #tpu.memory_space<hbm>> -> memref<10000x128xf32, #tpu.memory_space<hbm>>
          %dma_wait3A_101 = arith.constant 0 : i32
          %dma_wait3A_102 = tpu.memref_slice %dma_wait3A_100[%mul3A_78, %dma_wait3A_101] : memref<10000x128xf32, #tpu.memory_space<hbm>> -> memref<40x128xf32, #tpu.memory_space<hbm>>
          tpu.wait_dma2 semaphore(%run_scoped3A : memref<!tpu.dma_semaphore, #tpu.memory_space<semaphore_mem>>) src(%arg15 : memref<40x128xf32, #tpu.memory_space<vmem>>) dst(%dma_wait3A_102 : memref<40x128xf32, #tpu.memory_space<hbm>>)
          tpu.yield
        }) : () -> ()
      } else {
      }
      %scan3A_74 = arith.constant 0 : i32
      scf.yield %scan3A_74 : i32
    }
    %scan3A_66 = arith.constant 16 : i32
    return
  }
}

module attributes {stable_mosaic.version = 14 : i64} {
  func.func @_lin1_body(%arg0: memref<10000x128xf32, #tpu.memory_space<vmem>>, %arg1: memref<128x128xf32, #tpu.memory_space<vmem>>, %arg2: memref<10000x128xf32, #tpu.memory_space<vmem>>) attributes {dimension_semantics = [], scalar_prefetch = 0 : i64, scratch_operands = 0 : i64, tpu.core_type = #tpu.core_type<tc>} {
    %get3A = arith.constant 0 : index
    %get3A_0 = arith.constant 0 : index
    %get3A_1 = vector.load %arg0[%get3A, %get3A_0] : memref<10000x128xf32, #tpu.memory_space<vmem>>, vector<10000x128xf32>
    %get3A_2 = arith.constant 0 : index
    %get3A_3 = arith.constant 0 : index
    %get3A_4 = vector.load %arg1[%get3A_2, %get3A_3] : memref<128x128xf32, #tpu.memory_space<vmem>>, vector<128x128xf32>
    %dot_general3A = arith.constant dense<0.000000e+00> : vector<10000x128xf32>
    %dot_general3A_5 = tpu.matmul %get3A_1, %get3A_4, %dot_general3A {dimension_numbers = #tpu.dot_dimension_numbers<[1], [1], [0], [0], [0, 0, 1, 0], [], []>, transpose_lhs_hint = false} : vector<10000x128xf32>, vector<128x128xf32>, vector<10000x128xf32> -> vector<10000x128xf32>
    %swap3A = arith.constant 0 : index
    %swap3A_6 = arith.constant 0 : index
    %swap3A_7 = vector.load %arg2[%swap3A, %swap3A_6] : memref<10000x128xf32, #tpu.memory_space<vmem>>, vector<10000x128xf32>
    tpu.vector_store %arg2[%swap3A, %swap3A_6], %dot_general3A_5 {strides = array<i32>} : memref<10000x128xf32, #tpu.memory_space<vmem>>, vector<10000x128xf32>,
    return
  }
}

module attributes {stable_mosaic.version = 14 : i64} {
  func.func @_filter_body(%arg0: i32, %arg1: memref<50x3200xbf16, #tpu.memory_space<vmem>>, %arg2: memref<1x1x3200xf32, #tpu.memory_space<vmem>>, %arg3: memref<128x50xbf16, #tpu.memory_space<vmem>>, %arg4: memref<1x128xf32, #tpu.memory_space<vmem>>, %arg5: memref<128x128xbf16, #tpu.memory_space<vmem>>, %arg6: memref<1x128xf32, #tpu.memory_space<vmem>>, %arg7: memref<3200x128xf32, #tpu.memory_space<vmem>>) attributes {dimension_semantics = [#tpu.dimension_semantics<arbitrary>], iteration_bounds = array<i64: 20>, scalar_prefetch = 0 : i64, scratch_operands = 0 : i64, tpu.core_type = #tpu.core_type<tc>, window_params = [{transform_indices = @transform_0, window_bounds = array<i64: 50, 3200>}, {transform_indices = @transform_1, window_bounds = array<i64: 1, 1, 3200>}, {pipeline_mode = #tpu.pipeline_mode<synchronous>, transform_indices = @transform_2, window_bounds = array<i64: 128, 50>}, {pipeline_mode = #tpu.pipeline_mode<synchronous>, transform_indices = @transform_3, window_bounds = array<i64: 1, 128>}, {pipeline_mode = #tpu.pipeline_mode<synchronous>, transform_indices = @transform_4, window_bounds = array<i64: 128, 128>}, {pipeline_mode = #tpu.pipeline_mode<synchronous>, transform_indices = @transform_5, window_bounds = array<i64: 1, 128>}, {transform_indices = @transform_6, window_bounds = array<i64: 3200, 128>}]} {
    %get3A = arith.constant 0 : index
    %get3A_0 = arith.constant 0 : index
    %get3A_1 = vector.load %arg1[%get3A, %get3A_0] : memref<50x3200xbf16, #tpu.memory_space<vmem>>, vector<50x3200xbf16>
    %get3A_2 = arith.constant 0 : index
    %get3A_3 = arith.constant 0 : index
    %get3A_4 = vector.load %arg3[%get3A_2, %get3A_3] : memref<128x50xbf16, #tpu.memory_space<vmem>>, vector<128x50xbf16>
    %dot_general3A = arith.constant dense<0.000000e+00> : vector<3200x128xf32>
    %dot_general3A_5 = tpu.matmul %get3A_1, %get3A_4, %dot_general3A {dimension_numbers = #tpu.dot_dimension_numbers<[0], [1], [1], [0], [0, 1, 1, 0], [], []>, transpose_lhs_hint = false} : vector<50x3200xbf16>, vector<128x50xbf16>, vector<3200x128xf32> -> vector<3200x128xf32>
    %get3A_6 = arith.constant 0 : index
    %get3A_7 = arith.constant 0 : index
    %get3A_8 = vector.load %arg4[%get3A_6, %get3A_7] : memref<1x128xf32, #tpu.memory_space<vmem>>, vector<1x128xf32>
    %add3A = vector.broadcast %get3A_8 : vector<1x128xf32> to vector<3200x128xf32>
    %add3A_9 = arith.addf %dot_general3A_5, %add3A : vector<3200x128xf32>
    %logistic3A = arith.negf %add3A_9 : vector<3200x128xf32>
    %logistic3A_10 = math.exp %logistic3A : vector<3200x128xf32>
    %logistic3A_11 = arith.constant 1.000000e+00 : f32
    %logistic3A_12 = vector.broadcast %logistic3A_11 : f32 to vector<3200x128xf32>
    %logistic3A_13 = arith.addf %logistic3A_12, %logistic3A_10 : vector<3200x128xf32>
    %logistic3A_14 = arith.divf %logistic3A_12, %logistic3A_13 : vector<3200x128xf32>
    %mul3A = arith.mulf %add3A_9, %logistic3A_14 : vector<3200x128xf32>
    %convert_element_type3A = arith.truncf %mul3A : vector<3200x128xf32> to vector<3200x128xbf16>
    %get3A_15 = arith.constant 0 : index
    %get3A_16 = arith.constant 0 : index
    %get3A_17 = vector.load %arg5[%get3A_15, %get3A_16] : memref<128x128xbf16, #tpu.memory_space<vmem>>, vector<128x128xbf16>
    %dot_general3A_18 = arith.constant dense<0.000000e+00> : vector<3200x128xf32>
    %dot_general3A_19 = tpu.matmul %convert_element_type3A, %get3A_17, %dot_general3A_18 {dimension_numbers = #tpu.dot_dimension_numbers<[1], [1], [0], [0], [0, 0, 1, 0], [], []>, transpose_lhs_hint = false} : vector<3200x128xbf16>, vector<128x128xbf16>, vector<3200x128xf32> -> vector<3200x128xf32>
    %get3A_20 = arith.constant 0 : index
    %get3A_21 = arith.constant 0 : index
    %get3A_22 = vector.load %arg6[%get3A_20, %get3A_21] : memref<1x128xf32, #tpu.memory_space<vmem>>, vector<1x128xf32>
    %add3A_23 = vector.broadcast %get3A_22 : vector<1x128xf32> to vector<3200x128xf32>
    %add3A_24 = arith.addf %dot_general3A_19, %add3A_23 : vector<3200x128xf32>
    %get3A_25 = arith.constant 0 : index
    %get3A_26 = arith.constant 0 : index
    %get3A_27 = arith.constant 0 : index
    %get3A_28 = vector.load %arg2[%get3A_25, %get3A_26, %get3A_27] : memref<1x1x3200xf32, #tpu.memory_space<vmem>>, vector<1x1x3200xf32>
    %get3A_29 = vector.shape_cast %get3A_28 : vector<1x1x3200xf32> to vector<1x3200xf32>
    %mul3A_30 = arith.constant 0.314159274 : f32
    %mul3A_31 = vector.broadcast %mul3A_30 : f32 to vector<1x3200xf32>
    %mul3A_32 = arith.mulf %get3A_29, %mul3A_31 : vector<1x3200xf32>
    %cos3A = math.cos %mul3A_32 : vector<1x3200xf32>
    %add3A_33 = arith.constant 1.000000e+00 : f32
    %add3A_34 = vector.broadcast %add3A_33 : f32 to vector<1x3200xf32>
    %add3A_35 = arith.addf %cos3A, %add3A_34 : vector<1x3200xf32>
    %mul3A_36 = arith.constant 5.000000e-01 : f32
    %mul3A_37 = vector.broadcast %mul3A_36 : f32 to vector<1x3200xf32>
    %mul3A_38 = arith.mulf %mul3A_37, %add3A_35 : vector<1x3200xf32>
    %lt3A = arith.constant 1.000000e+01 : f32
    %lt3A_39 = vector.broadcast %lt3A : f32 to vector<1x3200xf32>
    %lt3A_40 = arith.cmpf olt, %get3A_29, %lt3A_39 : vector<1x3200xf32>
    %jit3A = arith.constant 0.000000e+00 : f32
    %broadcast_in_dim3A = vector.broadcast %jit3A : f32 to vector<1x3200xf32>
    %select_n3A = arith.select %lt3A_40, %mul3A_38, %broadcast_in_dim3A : vector<1x3200xi1>, vector<1x3200xf32>
    %transpose3A = tpu.transpose %select_n3A, [1, 0] : vector<1x3200xf32> -> vector<3200x1xf32>
    %mul3A_41 = vector.broadcast %transpose3A : vector<3200x1xf32> to vector<3200x128xf32>
    %mul3A_42 = arith.mulf %add3A_24, %mul3A_41 : vector<3200x128xf32>
    %swap3A = arith.constant 0 : index
    %swap3A_43 = arith.constant 0 : index
    %swap3A_44 = vector.load %arg7[%swap3A, %swap3A_43] : memref<3200x128xf32, #tpu.memory_space<vmem>>, vector<3200x128xf32>
    tpu.vector_store %arg7[%swap3A, %swap3A_43], %mul3A_42 {strides = array<i32>} : memref<3200x128xf32, #tpu.memory_space<vmem>>, vector<3200x128xf32>,
    return
  }
  func.func @transform_0(%arg0: i32) -> (i32, i32) {
    %add3A = arith.constant 0 : i32
    %add3A_0 = arith.addi %arg0, %add3A : i32
    %c0_i32 = arith.constant 0 : i32
    %c0_i32_1 = arith.constant 0 : i32
    return %c0_i32, %add3A_0 : i32, i32
  }
  func.func @transform_1(%arg0: i32) -> (i32, i32, i32) {
    %add3A = arith.constant 0 : i32
    %add3A_0 = arith.addi %arg0, %add3A : i32
    %c0_i32 = arith.constant 0 : i32
    %c0_i32_1 = arith.constant 0 : i32
    %c0_i32_2 = arith.constant 0 : i32
    return %add3A_0, %c0_i32, %c0_i32_1 : i32, i32, i32
  }
  func.func @transform_2(%arg0: i32) -> (i32, i32) {
    %c0_i32 = arith.constant 0 : i32
    %c0_i32_0 = arith.constant 0 : i32
    %c0_i32_1 = arith.constant 0 : i32
    return %c0_i32, %c0_i32_0 : i32, i32
  }
  func.func @transform_3(%arg0: i32) -> (i32, i32) {
    %c0_i32 = arith.constant 0 : i32
    %c0_i32_0 = arith.constant 0 : i32
    %c0_i32_1 = arith.constant 0 : i32
    return %c0_i32, %c0_i32_0 : i32, i32
  }
  func.func @transform_4(%arg0: i32) -> (i32, i32) {
    %c0_i32 = arith.constant 0 : i32
    %c0_i32_0 = arith.constant 0 : i32
    %c0_i32_1 = arith.constant 0 : i32
    return %c0_i32, %c0_i32_0 : i32, i32
  }
  func.func @transform_5(%arg0: i32) -> (i32, i32) {
    %c0_i32 = arith.constant 0 : i32
    %c0_i32_0 = arith.constant 0 : i32
    %c0_i32_1 = arith.constant 0 : i32
    return %c0_i32, %c0_i32_0 : i32, i32
  }
  func.func @transform_6(%arg0: i32) -> (i32, i32) {
    %c0_i32 = arith.constant 0 : i32
    %c0_i32_0 = arith.constant 0 : i32
    return %arg0, %c0_i32 : i32, i32
  }
}

module attributes {stable_mosaic.version = 14 : i64} {
  func.func @_filter_body(%arg0: i32, %arg1: memref<50x3200xbf16, #tpu.memory_space<vmem>>, %arg2: memref<1x1x3200xf32, #tpu.memory_space<vmem>>, %arg3: memref<128x50xbf16, #tpu.memory_space<vmem>>, %arg4: memref<1x128xf32, #tpu.memory_space<vmem>>, %arg5: memref<128x128xbf16, #tpu.memory_space<vmem>>, %arg6: memref<1x128xf32, #tpu.memory_space<vmem>>, %arg7: memref<3200x128xf32, #tpu.memory_space<vmem>>) attributes {dimension_semantics = [#tpu.dimension_semantics<arbitrary>], iteration_bounds = array<i64: 40>, scalar_prefetch = 0 : i64, scratch_operands = 0 : i64, tpu.core_type = #tpu.core_type<tc>, window_params = [{transform_indices = @transform_0, window_bounds = array<i64: 50, 3200>}, {transform_indices = @transform_1, window_bounds = array<i64: 1, 1, 3200>}, {pipeline_mode = #tpu.pipeline_mode<synchronous>, transform_indices = @transform_2, window_bounds = array<i64: 128, 50>}, {pipeline_mode = #tpu.pipeline_mode<synchronous>, transform_indices = @transform_3, window_bounds = array<i64: 1, 128>}, {pipeline_mode = #tpu.pipeline_mode<synchronous>, transform_indices = @transform_4, window_bounds = array<i64: 128, 128>}, {pipeline_mode = #tpu.pipeline_mode<synchronous>, transform_indices = @transform_5, window_bounds = array<i64: 1, 128>}, {transform_indices = @transform_6, window_bounds = array<i64: 3200, 128>}]} {
    %get3A = arith.constant 0 : index
    %get3A_0 = arith.constant 0 : index
    %get3A_1 = vector.load %arg1[%get3A, %get3A_0] : memref<50x3200xbf16, #tpu.memory_space<vmem>>, vector<50x3200xbf16>
    %get3A_2 = arith.constant 0 : index
    %get3A_3 = arith.constant 0 : index
    %get3A_4 = vector.load %arg3[%get3A_2, %get3A_3] : memref<128x50xbf16, #tpu.memory_space<vmem>>, vector<128x50xbf16>
    %dot_general3A = arith.constant dense<0.000000e+00> : vector<3200x128xf32>
    %dot_general3A_5 = tpu.matmul %get3A_1, %get3A_4, %dot_general3A {dimension_numbers = #tpu.dot_dimension_numbers<[0], [1], [1], [0], [0, 1, 1, 0], [], []>, transpose_lhs_hint = false} : vector<50x3200xbf16>, vector<128x50xbf16>, vector<3200x128xf32> -> vector<3200x128xf32>
    %get3A_6 = arith.constant 0 : index
    %get3A_7 = arith.constant 0 : index
    %get3A_8 = vector.load %arg4[%get3A_6, %get3A_7] : memref<1x128xf32, #tpu.memory_space<vmem>>, vector<1x128xf32>
    %add3A = vector.broadcast %get3A_8 : vector<1x128xf32> to vector<3200x128xf32>
    %add3A_9 = arith.addf %dot_general3A_5, %add3A : vector<3200x128xf32>
    %logistic3A = arith.negf %add3A_9 : vector<3200x128xf32>
    %logistic3A_10 = math.exp %logistic3A : vector<3200x128xf32>
    %logistic3A_11 = arith.constant 1.000000e+00 : f32
    %logistic3A_12 = vector.broadcast %logistic3A_11 : f32 to vector<3200x128xf32>
    %logistic3A_13 = arith.addf %logistic3A_12, %logistic3A_10 : vector<3200x128xf32>
    %logistic3A_14 = arith.divf %logistic3A_12, %logistic3A_13 : vector<3200x128xf32>
    %mul3A = arith.mulf %add3A_9, %logistic3A_14 : vector<3200x128xf32>
    %convert_element_type3A = arith.truncf %mul3A : vector<3200x128xf32> to vector<3200x128xbf16>
    %get3A_15 = arith.constant 0 : index
    %get3A_16 = arith.constant 0 : index
    %get3A_17 = vector.load %arg5[%get3A_15, %get3A_16] : memref<128x128xbf16, #tpu.memory_space<vmem>>, vector<128x128xbf16>
    %dot_general3A_18 = arith.constant dense<0.000000e+00> : vector<3200x128xf32>
    %dot_general3A_19 = tpu.matmul %convert_element_type3A, %get3A_17, %dot_general3A_18 {dimension_numbers = #tpu.dot_dimension_numbers<[1], [1], [0], [0], [0, 0, 1, 0], [], []>, transpose_lhs_hint = false} : vector<3200x128xbf16>, vector<128x128xbf16>, vector<3200x128xf32> -> vector<3200x128xf32>
    %get3A_20 = arith.constant 0 : index
    %get3A_21 = arith.constant 0 : index
    %get3A_22 = vector.load %arg6[%get3A_20, %get3A_21] : memref<1x128xf32, #tpu.memory_space<vmem>>, vector<1x128xf32>
    %add3A_23 = vector.broadcast %get3A_22 : vector<1x128xf32> to vector<3200x128xf32>
    %add3A_24 = arith.addf %dot_general3A_19, %add3A_23 : vector<3200x128xf32>
    %get3A_25 = arith.constant 0 : index
    %get3A_26 = arith.constant 0 : index
    %get3A_27 = arith.constant 0 : index
    %get3A_28 = vector.load %arg2[%get3A_25, %get3A_26, %get3A_27] : memref<1x1x3200xf32, #tpu.memory_space<vmem>>, vector<1x1x3200xf32>
    %get3A_29 = vector.shape_cast %get3A_28 : vector<1x1x3200xf32> to vector<1x3200xf32>
    %mul3A_30 = arith.constant 0.314159274 : f32
    %mul3A_31 = vector.broadcast %mul3A_30 : f32 to vector<1x3200xf32>
    %mul3A_32 = arith.mulf %get3A_29, %mul3A_31 : vector<1x3200xf32>
    %cos3A = math.cos %mul3A_32 : vector<1x3200xf32>
    %add3A_33 = arith.constant 1.000000e+00 : f32
    %add3A_34 = vector.broadcast %add3A_33 : f32 to vector<1x3200xf32>
    %add3A_35 = arith.addf %cos3A, %add3A_34 : vector<1x3200xf32>
    %mul3A_36 = arith.constant 5.000000e-01 : f32
    %mul3A_37 = vector.broadcast %mul3A_36 : f32 to vector<1x3200xf32>
    %mul3A_38 = arith.mulf %mul3A_37, %add3A_35 : vector<1x3200xf32>
    %lt3A = arith.constant 1.000000e+01 : f32
    %lt3A_39 = vector.broadcast %lt3A : f32 to vector<1x3200xf32>
    %lt3A_40 = arith.cmpf olt, %get3A_29, %lt3A_39 : vector<1x3200xf32>
    %jit3A = arith.constant 0.000000e+00 : f32
    %broadcast_in_dim3A = vector.broadcast %jit3A : f32 to vector<1x3200xf32>
    %select_n3A = arith.select %lt3A_40, %mul3A_38, %broadcast_in_dim3A : vector<1x3200xi1>, vector<1x3200xf32>
    %transpose3A = tpu.transpose %select_n3A, [1, 0] : vector<1x3200xf32> -> vector<3200x1xf32>
    %mul3A_41 = vector.broadcast %transpose3A : vector<3200x1xf32> to vector<3200x128xf32>
    %mul3A_42 = arith.mulf %add3A_24, %mul3A_41 : vector<3200x128xf32>
    %swap3A = arith.constant 0 : index
    %swap3A_43 = arith.constant 0 : index
    %swap3A_44 = vector.load %arg7[%swap3A, %swap3A_43] : memref<3200x128xf32, #tpu.memory_space<vmem>>, vector<3200x128xf32>
    tpu.vector_store %arg7[%swap3A, %swap3A_43], %mul3A_42 {strides = array<i32>} : memref<3200x128xf32, #tpu.memory_space<vmem>>, vector<3200x128xf32>,
    return
  }
  func.func @transform_0(%arg0: i32) -> (i32, i32) {
    %add3A = arith.constant 60 : i32
    %add3A_0 = arith.addi %arg0, %add3A : i32
    %c0_i32 = arith.constant 0 : i32
    %c0_i32_1 = arith.constant 0 : i32
    return %c0_i32, %add3A_0 : i32, i32
  }
  func.func @transform_1(%arg0: i32) -> (i32, i32, i32) {
    %add3A = arith.constant 60 : i32
    %add3A_0 = arith.addi %arg0, %add3A : i32
    %c0_i32 = arith.constant 0 : i32
    %c0_i32_1 = arith.constant 0 : i32
    %c0_i32_2 = arith.constant 0 : i32
    return %add3A_0, %c0_i32, %c0_i32_1 : i32, i32, i32
  }
  func.func @transform_2(%arg0: i32) -> (i32, i32) {
    %c0_i32 = arith.constant 0 : i32
    %c0_i32_0 = arith.constant 0 : i32
    %c0_i32_1 = arith.constant 0 : i32
    return %c0_i32, %c0_i32_0 : i32, i32
  }
  func.func @transform_3(%arg0: i32) -> (i32, i32) {
    %c0_i32 = arith.constant 0 : i32
    %c0_i32_0 = arith.constant 0 : i32
    %c0_i32_1 = arith.constant 0 : i32
    return %c0_i32, %c0_i32_0 : i32, i32
  }
  func.func @transform_4(%arg0: i32) -> (i32, i32) {
    %c0_i32 = arith.constant 0 : i32
    %c0_i32_0 = arith.constant 0 : i32
    %c0_i32_1 = arith.constant 0 : i32
    return %c0_i32, %c0_i32_0 : i32, i32
  }
  func.func @transform_5(%arg0: i32) -> (i32, i32) {
    %c0_i32 = arith.constant 0 : i32
    %c0_i32_0 = arith.constant 0 : i32
    %c0_i32_1 = arith.constant 0 : i32
    return %c0_i32, %c0_i32_0 : i32, i32
  }
  func.func @transform_6(%arg0: i32) -> (i32, i32) {
    %c0_i32 = arith.constant 0 : i32
    %c0_i32_0 = arith.constant 0 : i32
    return %arg0, %c0_i32 : i32, i32
  }
}

module attributes {stable_mosaic.version = 14 : i64} {
  func.func @_filter_body(%arg0: i32, %arg1: memref<50x3200xbf16, #tpu.memory_space<vmem>>, %arg2: memref<1x1x3200xf32, #tpu.memory_space<vmem>>, %arg3: memref<128x50xbf16, #tpu.memory_space<vmem>>, %arg4: memref<1x128xf32, #tpu.memory_space<vmem>>, %arg5: memref<128x128xbf16, #tpu.memory_space<vmem>>, %arg6: memref<1x128xf32, #tpu.memory_space<vmem>>, %arg7: memref<3200x128xf32, #tpu.memory_space<vmem>>) attributes {dimension_semantics = [#tpu.dimension_semantics<arbitrary>], iteration_bounds = array<i64: 40>, scalar_prefetch = 0 : i64, scratch_operands = 0 : i64, tpu.core_type = #tpu.core_type<tc>, window_params = [{transform_indices = @transform_0, window_bounds = array<i64: 50, 3200>}, {transform_indices = @transform_1, window_bounds = array<i64: 1, 1, 3200>}, {pipeline_mode = #tpu.pipeline_mode<synchronous>, transform_indices = @transform_2, window_bounds = array<i64: 128, 50>}, {pipeline_mode = #tpu.pipeline_mode<synchronous>, transform_indices = @transform_3, window_bounds = array<i64: 1, 128>}, {pipeline_mode = #tpu.pipeline_mode<synchronous>, transform_indices = @transform_4, window_bounds = array<i64: 128, 128>}, {pipeline_mode = #tpu.pipeline_mode<synchronous>, transform_indices = @transform_5, window_bounds = array<i64: 1, 128>}, {transform_indices = @transform_6, window_bounds = array<i64: 3200, 128>}]} {
    %get3A = arith.constant 0 : index
    %get3A_0 = arith.constant 0 : index
    %get3A_1 = vector.load %arg1[%get3A, %get3A_0] : memref<50x3200xbf16, #tpu.memory_space<vmem>>, vector<50x3200xbf16>
    %get3A_2 = arith.constant 0 : index
    %get3A_3 = arith.constant 0 : index
    %get3A_4 = vector.load %arg3[%get3A_2, %get3A_3] : memref<128x50xbf16, #tpu.memory_space<vmem>>, vector<128x50xbf16>
    %dot_general3A = arith.constant dense<0.000000e+00> : vector<3200x128xf32>
    %dot_general3A_5 = tpu.matmul %get3A_1, %get3A_4, %dot_general3A {dimension_numbers = #tpu.dot_dimension_numbers<[0], [1], [1], [0], [0, 1, 1, 0], [], []>, transpose_lhs_hint = false} : vector<50x3200xbf16>, vector<128x50xbf16>, vector<3200x128xf32> -> vector<3200x128xf32>
    %get3A_6 = arith.constant 0 : index
    %get3A_7 = arith.constant 0 : index
    %get3A_8 = vector.load %arg4[%get3A_6, %get3A_7] : memref<1x128xf32, #tpu.memory_space<vmem>>, vector<1x128xf32>
    %add3A = vector.broadcast %get3A_8 : vector<1x128xf32> to vector<3200x128xf32>
    %add3A_9 = arith.addf %dot_general3A_5, %add3A : vector<3200x128xf32>
    %logistic3A = arith.negf %add3A_9 : vector<3200x128xf32>
    %logistic3A_10 = math.exp %logistic3A : vector<3200x128xf32>
    %logistic3A_11 = arith.constant 1.000000e+00 : f32
    %logistic3A_12 = vector.broadcast %logistic3A_11 : f32 to vector<3200x128xf32>
    %logistic3A_13 = arith.addf %logistic3A_12, %logistic3A_10 : vector<3200x128xf32>
    %logistic3A_14 = arith.divf %logistic3A_12, %logistic3A_13 : vector<3200x128xf32>
    %mul3A = arith.mulf %add3A_9, %logistic3A_14 : vector<3200x128xf32>
    %convert_element_type3A = arith.truncf %mul3A : vector<3200x128xf32> to vector<3200x128xbf16>
    %get3A_15 = arith.constant 0 : index
    %get3A_16 = arith.constant 0 : index
    %get3A_17 = vector.load %arg5[%get3A_15, %get3A_16] : memref<128x128xbf16, #tpu.memory_space<vmem>>, vector<128x128xbf16>
    %dot_general3A_18 = arith.constant dense<0.000000e+00> : vector<3200x128xf32>
    %dot_general3A_19 = tpu.matmul %convert_element_type3A, %get3A_17, %dot_general3A_18 {dimension_numbers = #tpu.dot_dimension_numbers<[1], [1], [0], [0], [0, 0, 1, 0], [], []>, transpose_lhs_hint = false} : vector<3200x128xbf16>, vector<128x128xbf16>, vector<3200x128xf32> -> vector<3200x128xf32>
    %get3A_20 = arith.constant 0 : index
    %get3A_21 = arith.constant 0 : index
    %get3A_22 = vector.load %arg6[%get3A_20, %get3A_21] : memref<1x128xf32, #tpu.memory_space<vmem>>, vector<1x128xf32>
    %add3A_23 = vector.broadcast %get3A_22 : vector<1x128xf32> to vector<3200x128xf32>
    %add3A_24 = arith.addf %dot_general3A_19, %add3A_23 : vector<3200x128xf32>
    %get3A_25 = arith.constant 0 : index
    %get3A_26 = arith.constant 0 : index
    %get3A_27 = arith.constant 0 : index
    %get3A_28 = vector.load %arg2[%get3A_25, %get3A_26, %get3A_27] : memref<1x1x3200xf32, #tpu.memory_space<vmem>>, vector<1x1x3200xf32>
    %get3A_29 = vector.shape_cast %get3A_28 : vector<1x1x3200xf32> to vector<1x3200xf32>
    %mul3A_30 = arith.constant 0.314159274 : f32
    %mul3A_31 = vector.broadcast %mul3A_30 : f32 to vector<1x3200xf32>
    %mul3A_32 = arith.mulf %get3A_29, %mul3A_31 : vector<1x3200xf32>
    %cos3A = math.cos %mul3A_32 : vector<1x3200xf32>
    %add3A_33 = arith.constant 1.000000e+00 : f32
    %add3A_34 = vector.broadcast %add3A_33 : f32 to vector<1x3200xf32>
    %add3A_35 = arith.addf %cos3A, %add3A_34 : vector<1x3200xf32>
    %mul3A_36 = arith.constant 5.000000e-01 : f32
    %mul3A_37 = vector.broadcast %mul3A_36 : f32 to vector<1x3200xf32>
    %mul3A_38 = arith.mulf %mul3A_37, %add3A_35 : vector<1x3200xf32>
    %lt3A = arith.constant 1.000000e+01 : f32
    %lt3A_39 = vector.broadcast %lt3A : f32 to vector<1x3200xf32>
    %lt3A_40 = arith.cmpf olt, %get3A_29, %lt3A_39 : vector<1x3200xf32>
    %jit3A = arith.constant 0.000000e+00 : f32
    %broadcast_in_dim3A = vector.broadcast %jit3A : f32 to vector<1x3200xf32>
    %select_n3A = arith.select %lt3A_40, %mul3A_38, %broadcast_in_dim3A : vector<1x3200xi1>, vector<1x3200xf32>
    %transpose3A = tpu.transpose %select_n3A, [1, 0] : vector<1x3200xf32> -> vector<3200x1xf32>
    %mul3A_41 = vector.broadcast %transpose3A : vector<3200x1xf32> to vector<3200x128xf32>
    %mul3A_42 = arith.mulf %add3A_24, %mul3A_41 : vector<3200x128xf32>
    %swap3A = arith.constant 0 : index
    %swap3A_43 = arith.constant 0 : index
    %swap3A_44 = vector.load %arg7[%swap3A, %swap3A_43] : memref<3200x128xf32, #tpu.memory_space<vmem>>, vector<3200x128xf32>
    tpu.vector_store %arg7[%swap3A, %swap3A_43], %mul3A_42 {strides = array<i32>} : memref<3200x128xf32, #tpu.memory_space<vmem>>, vector<3200x128xf32>,
    return
  }
  func.func @transform_0(%arg0: i32) -> (i32, i32) {
    %add3A = arith.constant 20 : i32
    %add3A_0 = arith.addi %arg0, %add3A : i32
    %c0_i32 = arith.constant 0 : i32
    %c0_i32_1 = arith.constant 0 : i32
    return %c0_i32, %add3A_0 : i32, i32
  }
  func.func @transform_1(%arg0: i32) -> (i32, i32, i32) {
    %add3A = arith.constant 20 : i32
    %add3A_0 = arith.addi %arg0, %add3A : i32
    %c0_i32 = arith.constant 0 : i32
    %c0_i32_1 = arith.constant 0 : i32
    %c0_i32_2 = arith.constant 0 : i32
    return %add3A_0, %c0_i32, %c0_i32_1 : i32, i32, i32
  }
  func.func @transform_2(%arg0: i32) -> (i32, i32) {
    %c0_i32 = arith.constant 0 : i32
    %c0_i32_0 = arith.constant 0 : i32
    %c0_i32_1 = arith.constant 0 : i32
    return %c0_i32, %c0_i32_0 : i32, i32
  }
  func.func @transform_3(%arg0: i32) -> (i32, i32) {
    %c0_i32 = arith.constant 0 : i32
    %c0_i32_0 = arith.constant 0 : i32
    %c0_i32_1 = arith.constant 0 : i32
    return %c0_i32, %c0_i32_0 : i32, i32
  }
  func.func @transform_4(%arg0: i32) -> (i32, i32) {
    %c0_i32 = arith.constant 0 : i32
    %c0_i32_0 = arith.constant 0 : i32
    %c0_i32_1 = arith.constant 0 : i32
    return %c0_i32, %c0_i32_0 : i32, i32
  }
  func.func @transform_5(%arg0: i32) -> (i32, i32) {
    %c0_i32 = arith.constant 0 : i32
    %c0_i32_0 = arith.constant 0 : i32
    %c0_i32_1 = arith.constant 0 : i32
    return %c0_i32, %c0_i32_0 : i32, i32
  }
  func.func @transform_6(%arg0: i32) -> (i32, i32) {
    %c0_i32 = arith.constant 0 : i32
    %c0_i32_0 = arith.constant 0 : i32
    return %arg0, %c0_i32 : i32, i32
  }
}

module attributes {stable_mosaic.version = 14 : i64} {
  func.func @_tail_body(%arg0: i32, %arg1: memref<2x2000x128xf32, #tpu.memory_space<vmem>>, %arg2: memref<2x2000x128xf32, #tpu.memory_space<vmem>>, %arg3: memref<2x2000x128xf32, #tpu.memory_space<vmem>>, %arg4: memref<128x128xf32, #tpu.memory_space<vmem>>, %arg5: memref<1x128xf32, #tpu.memory_space<vmem>>, %arg6: memref<128x128xf32, #tpu.memory_space<vmem>>, %arg7: memref<1x128xf32, #tpu.memory_space<vmem>>, %arg8: memref<2000x128xf32, #tpu.memory_space<vmem>>) attributes {dimension_semantics = [#tpu.dimension_semantics<arbitrary>], iteration_bounds = array<i64: 5>, scalar_prefetch = 0 : i64, scratch_operands = 0 : i64, tpu.core_type = #tpu.core_type<tc>, window_params = [{transform_indices = @transform_0, window_bounds = array<i64: 2, 2000, 128>}, {transform_indices = @transform_1, window_bounds = array<i64: 2, 2000, 128>}, {transform_indices = @transform_2, window_bounds = array<i64: 2, 2000, 128>}, {pipeline_mode = #tpu.pipeline_mode<synchronous>, transform_indices = @transform_3, window_bounds = array<i64: 128, 128>}, {pipeline_mode = #tpu.pipeline_mode<synchronous>, transform_indices = @transform_4, window_bounds = array<i64: 1, 128>}, {pipeline_mode = #tpu.pipeline_mode<synchronous>, transform_indices = @transform_5, window_bounds = array<i64: 128, 128>}, {pipeline_mode = #tpu.pipeline_mode<synchronous>, transform_indices = @transform_6, window_bounds = array<i64: 1, 128>}, {transform_indices = @transform_7, window_bounds = array<i64: 2000, 128>}]} {
    %get3A = arith.constant 0 : index
    %get3A_0 = arith.constant 0 : index
    %get3A_1 = arith.constant 0 : index
    %get3A_2 = vector.load %arg1[%get3A, %get3A_0, %get3A_1] : memref<2x2000x128xf32, #tpu.memory_space<vmem>>, vector<1x2000x128xf32>
    %get3A_3 = vector.shape_cast %get3A_2 : vector<1x2000x128xf32> to vector<2000x128xf32>
    %get3A_4 = arith.constant 1 : index
    %get3A_5 = arith.constant 0 : index
    %get3A_6 = arith.constant 0 : index
    %get3A_7 = vector.load %arg1[%get3A_4, %get3A_5, %get3A_6] : memref<2x2000x128xf32, #tpu.memory_space<vmem>>, vector<1x2000x128xf32>
    %get3A_8 = vector.shape_cast %get3A_7 : vector<1x2000x128xf32> to vector<2000x128xf32>
    %add3A = arith.addf %get3A_3, %get3A_8 : vector<2000x128xf32>
    %get3A_9 = arith.constant 0 : index
    %get3A_10 = arith.constant 0 : index
    %get3A_11 = arith.constant 0 : index
    %get3A_12 = vector.load %arg2[%get3A_9, %get3A_10, %get3A_11] : memref<2x2000x128xf32, #tpu.memory_space<vmem>>, vector<1x2000x128xf32>
    %get3A_13 = vector.shape_cast %get3A_12 : vector<1x2000x128xf32> to vector<2000x128xf32>
    %get3A_14 = arith.constant 1 : index
    %get3A_15 = arith.constant 0 : index
    %get3A_16 = arith.constant 0 : index
    %get3A_17 = vector.load %arg2[%get3A_14, %get3A_15, %get3A_16] : memref<2x2000x128xf32, #tpu.memory_space<vmem>>, vector<1x2000x128xf32>
    %get3A_18 = vector.shape_cast %get3A_17 : vector<1x2000x128xf32> to vector<2000x128xf32>
    %add3A_19 = arith.addf %get3A_13, %get3A_18 : vector<2000x128xf32>
    %add3A_20 = arith.addf %add3A, %add3A_19 : vector<2000x128xf32>
    %get3A_21 = arith.constant 0 : index
    %get3A_22 = arith.constant 0 : index
    %get3A_23 = arith.constant 0 : index
    %get3A_24 = vector.load %arg3[%get3A_21, %get3A_22, %get3A_23] : memref<2x2000x128xf32, #tpu.memory_space<vmem>>, vector<1x2000x128xf32>
    %get3A_25 = vector.shape_cast %get3A_24 : vector<1x2000x128xf32> to vector<2000x128xf32>
    %get3A_26 = arith.constant 1 : index
    %get3A_27 = arith.constant 0 : index
    %get3A_28 = arith.constant 0 : index
    %get3A_29 = vector.load %arg3[%get3A_26, %get3A_27, %get3A_28] : memref<2x2000x128xf32, #tpu.memory_space<vmem>>, vector<1x2000x128xf32>
    %get3A_30 = vector.shape_cast %get3A_29 : vector<1x2000x128xf32> to vector<2000x128xf32>
    %add3A_31 = arith.addf %get3A_25, %get3A_30 : vector<2000x128xf32>
    %add3A_32 = arith.addf %add3A_20, %add3A_31 : vector<2000x128xf32>
    %get3A_33 = arith.constant 0 : index
    %get3A_34 = arith.constant 0 : index
    %get3A_35 = vector.load %arg4[%get3A_33, %get3A_34] : memref<128x128xf32, #tpu.memory_space<vmem>>, vector<128x128xf32>
    %dot_general3A = arith.constant dense<0.000000e+00> : vector<2000x128xf32>
    %dot_general3A_36 = tpu.matmul %add3A_32, %get3A_35, %dot_general3A {dimension_numbers = #tpu.dot_dimension_numbers<[1], [1], [0], [0], [0, 0, 1, 0], [], []>, transpose_lhs_hint = false} : vector<2000x128xf32>, vector<128x128xf32>, vector<2000x128xf32> -> vector<2000x128xf32>
    %get3A_37 = arith.constant 0 : index
    %get3A_38 = arith.constant 0 : index
    %get3A_39 = vector.load %arg5[%get3A_37, %get3A_38] : memref<1x128xf32, #tpu.memory_space<vmem>>, vector<1x128xf32>
    %add3A_40 = vector.broadcast %get3A_39 : vector<1x128xf32> to vector<2000x128xf32>
    %add3A_41 = arith.addf %dot_general3A_36, %add3A_40 : vector<2000x128xf32>
    %logistic3A = arith.negf %add3A_41 : vector<2000x128xf32>
    %logistic3A_42 = math.exp %logistic3A : vector<2000x128xf32>
    %logistic3A_43 = arith.constant 1.000000e+00 : f32
    %logistic3A_44 = vector.broadcast %logistic3A_43 : f32 to vector<2000x128xf32>
    %logistic3A_45 = arith.addf %logistic3A_44, %logistic3A_42 : vector<2000x128xf32>
    %logistic3A_46 = arith.divf %logistic3A_44, %logistic3A_45 : vector<2000x128xf32>
    %mul3A = arith.mulf %add3A_41, %logistic3A_46 : vector<2000x128xf32>
    %get3A_47 = arith.constant 0 : index
    %get3A_48 = arith.constant 0 : index
    %get3A_49 = vector.load %arg6[%get3A_47, %get3A_48] : memref<128x128xf32, #tpu.memory_space<vmem>>, vector<128x128xf32>
    %dot_general3A_50 = arith.constant dense<0.000000e+00> : vector<2000x128xf32>
    %dot_general3A_51 = tpu.matmul %mul3A, %get3A_49, %dot_general3A_50 {dimension_numbers = #tpu.dot_dimension_numbers<[1], [1], [0], [0], [0, 0, 1, 0], [], []>, transpose_lhs_hint = false} : vector<2000x128xf32>, vector<128x128xf32>, vector<2000x128xf32> -> vector<2000x128xf32>
    %get3A_52 = arith.constant 0 : index
    %get3A_53 = arith.constant 0 : index
    %get3A_54 = vector.load %arg7[%get3A_52, %get3A_53] : memref<1x128xf32, #tpu.memory_space<vmem>>, vector<1x128xf32>
    %add3A_55 = vector.broadcast %get3A_54 : vector<1x128xf32> to vector<2000x128xf32>
    %add3A_56 = arith.addf %dot_general3A_51, %add3A_55 : vector<2000x128xf32>
    %swap3A = arith.constant 0 : index
    %swap3A_57 = arith.constant 0 : index
    %swap3A_58 = vector.load %arg8[%swap3A, %swap3A_57] : memref<2000x128xf32, #tpu.memory_space<vmem>>, vector<2000x128xf32>
    tpu.vector_store %arg8[%swap3A, %swap3A_57], %add3A_56 {strides = array<i32>} : memref<2000x128xf32, #tpu.memory_space<vmem>>, vector<2000x128xf32>,
    return
  }
  func.func @transform_0(%arg0: i32) -> (i32, i32, i32) {
    %c0_i32 = arith.constant 0 : i32
    %c0_i32_0 = arith.constant 0 : i32
    %c0_i32_1 = arith.constant 0 : i32
    return %c0_i32, %arg0, %c0_i32_0 : i32, i32, i32
  }
  func.func @transform_1(%arg0: i32) -> (i32, i32, i32) {
    %c0_i32 = arith.constant 0 : i32
    %c0_i32_0 = arith.constant 0 : i32
    %c0_i32_1 = arith.constant 0 : i32
    return %c0_i32, %arg0, %c0_i32_0 : i32, i32, i32
  }
  func.func @transform_2(%arg0: i32) -> (i32, i32, i32) {
    %c0_i32 = arith.constant 0 : i32
    %c0_i32_0 = arith.constant 0 : i32
    %c0_i32_1 = arith.constant 0 : i32
    return %c0_i32, %arg0, %c0_i32_0 : i32, i32, i32
  }
  func.func @transform_3(%arg0: i32) -> (i32, i32) {
    %c0_i32 = arith.constant 0 : i32
    %c0_i32_0 = arith.constant 0 : i32
    %c0_i32_1 = arith.constant 0 : i32
    return %c0_i32, %c0_i32_0 : i32, i32
  }
  func.func @transform_4(%arg0: i32) -> (i32, i32) {
    %c0_i32 = arith.constant 0 : i32
    %c0_i32_0 = arith.constant 0 : i32
    %c0_i32_1 = arith.constant 0 : i32
    return %c0_i32, %c0_i32_0 : i32, i32
  }
  func.func @transform_5(%arg0: i32) -> (i32, i32) {
    %c0_i32 = arith.constant 0 : i32
    %c0_i32_0 = arith.constant 0 : i32
    %c0_i32_1 = arith.constant 0 : i32
    return %c0_i32, %c0_i32_0 : i32, i32
  }
  func.func @transform_6(%arg0: i32) -> (i32, i32) {
    %c0_i32 = arith.constant 0 : i32
    %c0_i32_0 = arith.constant 0 : i32
    %c0_i32_1 = arith.constant 0 : i32
    return %c0_i32, %c0_i32_0 : i32, i32
  }
  func.func @transform_7(%arg0: i32) -> (i32, i32) {
    %c0_i32 = arith.constant 0 : i32
    %c0_i32_0 = arith.constant 0 : i32
    return %arg0, %c0_i32 : i32, i32
  }
}

</mosaic_0001>

<sc_bundles>
// kernel: kernel.10.cloned.1.call-start
scs
__scs_entry_jumppad:
0x0: {  	(pc) =	sbr.rel $0x88, $3  }
0x1: {  	(tag) =	ssettag $0x0;
	lr =	simm.s32 $0x1  }
0x2: {  	[smem:$0x3F94] =	sst lr;
	_ =	strace $0xD0000000  }
0x3: {  	_ = 	snop  }
0x4: {  	_ = 	snop  }
0x5: {  	_ = 	snop  }
0x6: {  	_ = 	snop  }
0x7: {  	_ = 	snop  }
__scs_overlays_trampoline_lowered:
0x8: {  	[smem:$0x3FA3] =	sst s0  }
0x9: {  	[smem:$0x3FA4] =	sst s1  }
0xa: {  	[smem:$0x3FA5] =	sst s2  }
0xb: {  	[smem:$0x3FA6] =	sst s3  }
0xc: {  	[smem:$0x3FA7] =	sst s4  }
0xd: {  	[smem:$0x3FA8] =	sst s5  }
0xe: {  	[smem:$0x3FA9] =	sst s6  }
0xf: {  	[smem:$0x3FAA] =	sst s7  }
0x10: {  	[smem:$0x3FAB] =	sst s8  }
0x11: {  	[smem:$0x3FAC] =	sst s9;
	s0 =	simm.s32 @!p0 $0x0  }
0x12: {  	s1 =	sld [smem:$0x3F92];
	s0 =	simm.s32 @p0 $0x1  }
0x13: {  	[smem:$0x3FAD] =	sst s0;
	s0 =	simm.s32 @!p1 $0x0  }
0x14: {  	s2 =	sld [smem:$0x3F91];
	s0 =	simm.s32 @p1 $0x1  }
0x15: {  	[smem:$0x3FAE] =	sst s0;
	s0 =	simm.s32 @!p2 $0x0  }
0x16: {  	s3 =	sld [smem:$0x3FDB];
	s0 =	simm.s32 @p2 $0x1  }
0x17: {  	s4 =	simm.s32 $0x1BF5;
	[smem:$0x3FB0] =	sst s0  }
0x18: {  	s0 =	sld [smem:$0x3F93];
	_ =	swait.ge [sflag:s4], $0x0  }
0x19: {  	s7 =	sld [smem:$0x3F94]  }
0x1a: {  	s8 =	sadd.s32 $0xFFFFE003, lr  }
0x1b: {  	s9 =	sadd.s32 $0xFFFFFEF7, lr;
	s5 =	simm.s32 $0xFFFFFFFF;
	p2 =	slt.u32 s8, $0xFFFFF086  }
0x1c: {  	p1 =	slt.u32 s9, $0xF7A;
	s5 =	simm.s32 @!p2 $0x0  }
0x1d: {  	s5 =	simm.s32 @p1 $0x1;
	p0 =	seq.s32 s7, s2  }
0x1e: {  	s7 =	smul.u32 @!p0 $0xF7A, s2;
	p2 =	seq.s32 @!p0 s5, $0x0  }
0x1f: {  	s9 =	smul.u32 $0xF7A, s1;
	s8 =	simm.s32 @!p0 $0x1BF5;
	p2 =	por !p2, p0  }
0x20: {  	[sflag:s8] =	ssyncset.s32 @!p0 $0xFFFFF086;
	s6 =	sadd.s32 @!p0 s3, s7;
	s7 =	simm.s32 @!p0 $0x108  }
0x21: {  	s3 =	sadd.s32 s3, s9;
	s6 =	sadd.s32 @!p0 $0x88, s6;
	s7 =	simm.s32 @p2 $0x1082  }
0x22: {  	[simem:s7], [sflag:s8] =	dma.local @!p0 [hbm:s6], $0xF7A  }
0x23: {  	s9 =	sor.u32 $0xD0000000, s2;
	s6 =	simm.s32 $0x108;
	_ =	swait.ge @!p0 [sflag:s8], $0x0  }
0x24: {  	s3 =	sadd.s32 $0x88, s3;
	s6 =	simm.s32 @!p1 $0x1082;
	[sflag:s4] =	ssyncset.s32 $0xFFFFF086  }
0x25: {  	[simem:s6], [sflag:s4] =	dma.local [hbm:s3], $0xF7A  }
0x26: {  	[smem:$0x3F94] =	sst s1;
	(tag) =	ssettag s2;
	_ =	strace s9  }
0x27: {  	s1 =	sld [smem:$0x3FA4]  }
0x28: {  	s2 =	sld [smem:$0x3FA5]  }
0x29: {  	s4 =	sld [smem:$0x3FA7]  }
0x2a: {  	p0 =	seq.s32 s5, $0x0;
	s5 =	sld [smem:$0x3FA8]  }
0x2b: {  	s6 =	sld [smem:$0x3FA9]  }
0x2c: {  	s7 =	sld [smem:$0x3FAA]  }
0x2d: {  	s3 =	simm.s32 $0x108;
	s8 =	sld [smem:$0x3FAB]  }
0x2e: {  	s3 =	simm.s32 @!p0 $0x1082;
	s9 =	sld [smem:$0x3FAC]  }
0x2f: {  	lr =	sadd.s32 s0, s3;
	s0 =	sld [smem:$0x3FA3]  }
0x30: {  	s3 =	sld [smem:$0x3FA6]  }
0x31: {  	[smem:$0x3FAF] =	sst s10  }
0x32: {  	s10 =	sld [smem:$0x3FAD];
	_ =	sdelay $0x3  }
0x33: {  	p0 =	seq.s32 s10, $0x1;
	s10 =	sld [smem:$0x3FAF];
	_ =	sdelay $0x3  }
0x34: {  	[smem:$0x3FAF] =	sst s10  }
0x35: {  	s10 =	sld [smem:$0x3FAE];
	_ =	sdelay $0x3  }
0x36: {  	p1 =	seq.s32 s10, $0x1;
	s10 =	sld [smem:$0x3FAF];
	_ =	sdelay $0x3  }
0x37: {  	[smem:$0x3FAF] =	sst s10  }
0x38: {  	s10 =	sld [smem:$0x3FB0]  }
0x39: {  	_ = 	snop;
	(pc) =	sbr.ind lr, $3  }
0x3a: {  	_ = 	snop  }
0x3b: {  	_ = 	snop  }
0x3c: {  	p2 =	seq.s32 s10, $0x1;
	s10 =	sld [smem:$0x3FAF]  }
0x3d: {  	_ =	shalt  }
0x3e: {  	_ =	shalt  }
0x3f: {  	_ =	shalt  }
0x40: {  	_ =	shalt  }
0x41: {  	_ =	shalt  }
0x42: {  	_ =	shalt  }
0x43: {  	_ =	shalt  }
0x44: {  	_ =	shalt  }
0x45: {  	_ =	shalt  }
0x46: {  	_ =	shalt  }
0x47: {  	_ =	shalt  }
0x48: {  	_ =	shalt  }
0x49: {  	_ =	shalt  }
0x4a: {  	_ =	shalt  }
0x4b: {  	_ =	shalt  }
0x4c: {  	_ =	shalt  }
0x4d: {  	_ =	shalt  }
0x4e: {  	_ =	shalt  }
0x4f: {  	_ =	shalt  }
0x50: {  	_ =	shalt  }
0x51: {  	_ =	shalt  }
0x52: {  	_ =	shalt  }
0x53: {  	_ =	shalt  }
0x54: {  	_ =	shalt  }
0x55: {  	_ =	shalt  }
0x56: {  	_ =	shalt  }
0x57: {  	_ =	shalt  }
0x58: {  	_ =	shalt  }
0x59: {  	_ =	shalt  }
0x5a: {  	_ =	shalt  }
0x5b: {  	_ =	shalt  }
0x5c: {  	_ =	shalt  }
0x5d: {  	_ =	shalt  }
0x5e: {  	_ =	shalt  }
0x5f: {  	_ =	shalt  }
0x60: {  	_ =	shalt  }
0x61: {  	_ =	shalt  }
0x62: {  	_ =	shalt  }
0x63: {  	_ =	shalt  }
0x64: {  	_ =	shalt  }
0x65: {  	_ =	shalt  }
0x66: {  	_ =	shalt  }
0x67: {  	_ =	shalt  }
0x68: {  	_ =	shalt  }
0x69: {  	_ =	shalt  }
0x6a: {  	_ =	shalt  }
0x6b: {  	_ =	shalt  }
0x6c: {  	_ =	shalt  }
0x6d: {  	_ =	shalt  }
0x6e: {  	_ =	shalt  }
0x6f: {  	_ =	shalt  }
0x70: {  	_ =	shalt  }
0x71: {  	_ =	shalt  }
0x72: {  	_ =	shalt  }
0x73: {  	_ =	shalt  }
0x74: {  	_ =	shalt  }
0x75: {  	_ =	shalt  }
0x76: {  	_ =	shalt  }
0x77: {  	_ =	shalt  }
0x78: {  	_ =	shalt  }
0x79: {  	_ =	shalt  }
0x7a: {  	_ =	shalt  }
0x7b: {  	_ =	shalt  }
0x7c: {  	_ =	shalt  }
0x7d: {  	_ =	shalt  }
0x7e: {  	_ =	shalt  }
0x7f: {  	_ =	shalt  }
0x80: {  	_ =	shalt  }
0x81: {  	_ =	shalt  }
0x82: {  	_ =	shalt  }
0x83: {  	_ =	shalt  }
0x84: {  	_ =	shalt  }
0x85: {  	_ =	shalt  }
0x86: {  	_ =	shalt  }
0x87: {  	_ =	shalt  }
.Lfunc_end0:
.L_simem_size_0:
called_computation_lowered:
.L_overlay_start_0:
0x88: {  	s2 =	sld [smem:$0x3FD9]  }
0x89: {  	s3 =	sld [smem:$0x3FFE];
	_ =	sdelay $0x1  }
0x8a: {  	s1 =	srdreg.scid  }
0x8b: {  	s0 =	sand.u32 $0x1, s1  }
0x8c: {  	s17 =	sshll.u32 s0, $0xA;
	s2 =	sadd.s32 s3, s2  }
0x8d: {  	s2 =	sadd.s32 s2, s17  }
0x8e: {  	[smem:$0x3FBB] =	sst s2  }
0x8f: {  	_ = 	snop  }
0x90: {  	s2 =	sld [smem:$0x3FD0];
	(tm) =	ssettm $0x1  }
0x91: {  	s18 =	sld [smem:$0x3FFB];
	_ =	sdelay $0x3  }
0x92: {  	_ =	strace s18  }
0x93: {  	s3 =	sld [smem:$0x3FFC];
	_ =	sdelay $0x3  }
0x94: {  	_ =	strace s3  }
0x95: {  	s3 =	sld [smem:$0x3FFD];
	_ =	sdelay $0x3  }
0x96: {  	_ =	strace s3  }
0x97: {  	_ =	strace $0x8FFFFFFF  }
0x98: {  	s19 =	sld [smem:$0x3FDB];
	_ =	sdelay $0x1  }
0x99: {  	s4 =	simm.s32 $_scs_section_size  }
0x9a: {  	s5 =	simm.s32 $_size__tile_overlayer_lowered;
	s6 =	simm.s32 $_tile_overlayer_lowered  }
0x9b: {  	s22 =	simm.s32 $0x1BFF;
	s21 =	sshll.u32 s6, $0x1;
	s3 =	sadd.s32 s4, s19  }
0x9c: {  	s7 =	simm.s32 $0x0;
	s20 =	sshll.u32 s5, $0x1;
	s5 =	sadd.s32 s21, s3  }
0x9d: {  	[timem:s7], [sflag:s22] =	dma.local [hbm:s5], s20  }
0x9e: {  	_ =	swait.ge [sflag:s22], s20  }
0x9f: {  	s4 =	ssub.s32 $0x0, s20;
	[sflag:s22] =	ssyncset.done $0x0  }
0xa0: {  	[sflag:s22] =	ssyncadd.s32 s4;
	_ =	sdelay $0x1  }
0xa1: {  	s23 =	simm.s32 $0x1B8B  }
0xa2: {  	_ =	swait.ge [sflag:s23], $0x1  }
0xa3: {  	[sflag:s23] =	ssyncset.done $0x0  }
0xa4: {  	s25 =	simm.s32 $0x1B8E;
	s24 =	sld [smem:$0x3FFE];
	[sflag:s23] =	ssyncadd.s32 $0xFFFFFFFF  }
0xa5: {  	s26 =	simm.s32 $execute0_lowered;
	[smem:$0x3FD2] =	sst s25  }
0xa6: {  	s5 =	sshll.u32 s26, $0x1;
	_ =	strace $0x80000046;
	[dreg:$0x1] =	wrdreg $0xFFFFFFFF  }
0xa7: {  	s28 =	simm.s32 $_size_execute0_lowered;
	s3 =	sadd.s32 s3, s5;
	[dreg:$0x0] =	wrdreg $0x0  }
0xa8: {  	s5 =	sshll.u32 s28, $0x1;
	[dreg:$0x2] =	wrdreg s3  }
0xa9: {  	[dreg:$0x3] =	wrdreg s5  }
0xaa: {  	[dreg:$0x4] =	wrdreg $0xC0  }
0xab: {  	_ =	task [dreg:s7], $0x5FFFF  }
0xac: {  	[dreg:$0x1] =	wrdreg $0xFFFFFFFF  }
0xad: {  	[dreg:$0x0] =	wrdreg $0x60  }
0xae: {  	[dreg:$0x2] =	wrdreg s2  }
0xaf: {  	[dreg:$0x3] =	wrdreg s24  }
0xb0: {  	[dreg:$0x4] =	wrdreg $0x7A000  }
0xb1: {  	[dreg:$0x5] =	wrdreg $0x9  }
0xb2: {  	_ =	task.clear_ibuf [dreg:s7], $0x6FFFF;
	_ =	strace $0x90000046  }
0xb3: {  	s29 =	simm.s32 $0x9;
	_ =	strace $0x80000048  }
0xb4: {  	_ =	swait.ge [sflag:s29], $0x1  }
0xb5: {  	[sflag:s29] =	ssyncadd.s32 $0xFFFFFFFF  }
0xb6: {  	_ =	strace $0x90000048  }
0xb7: {  	_ =	sfence  }
0xb8: {  	s30 =	sld [smem:$0x0];
	_ =	sdelay $0x2  }
0xb9: {  	s31 =	sshll.u32 s1, $0xD;
	s1 =	sshrl.u32 s1, $0x2  }
0xba: {  	s3 =	sand.u32 $0x4000, s31;
	s1 =	sadd.s32 s1, s30  }
0xbb: {  	s0 =	sor.u32 s3, s0;
	s1 =	sshll.u32 s1, $0x11  }
0xbc: {  	s0 =	sor.u32 s1, s0  }
0xbd: {  	s0 =	sadd.s32 $0x8F2B, s0  }
0xbe: {  	[sflag:s0] =	ssyncadd.remote.s32 $0x1  }
0xbf: {  	_ =	sfence.sel $0xFFFF  }
0xc0: {  	[dreg:$0x0] =	wrdreg $0xFFFFFFFF;
	(pc) =	sbr.abs _section_cstart, $3  }
0xc1: {  	[dreg:$0x1] =	wrdreg $0xFFFFFFFF  }
0xc2: {  	_ =	task.clear_ibuf [dreg:s7], $0x2FFFF;
	_ =	strace $0x9FFFFFFF  }
0xc3: {  	(tm) =	ssettm $0x7FFFFFFF  }
tec
execute0_lowered:
.L_overlay_start_1:
0x0: {  	(tag) =	ssettag $0x1  }
0x1: {  	s1 =	rddreg [dreg:$0x0]  }
0x2: {  	s0 =	rddreg [dreg:$0x1]  }
0x3: {  	s2 =	rddreg [dreg:$0x2];
	s4 =	simm.s32 $0x0  }
0x4: {  	s5 =	srdreg.scid;
	s3 =	stileid.u32;
	s20 =	simm.s32 $0x100  }
0x5: {  	s28 =	simm.s32 $0x2;
	s30 =	simm.s32 $0x3E00;
	s31 =	simm.s32 $0x3  }
0x6: {  	[smem:$0x7FF] =	sst s4;
	s7 =	sand.u32 $0x1, s5;
	s24 =	smul.u32 $0x5000, s3  }
0x7: {  	s6 =	sshll.u32 s3, $0x1;
	s5 =	sadd.s32 $0x127400, s0;
	s26 =	smul.u32 $0x280, s3  }
0x8: {  	_ =	strace $0x80000047;
	s8 =	smul.u32 $0x27100, s7;
	s9 =	sor.u32 s7, s6  }
0x9: {  	s6 =	sadd.s32 $0xBE00, s0;
	s10 =	ssub.s32 $0x2, s7;
	s11 =	smul.u32 $0x7D0, s9  }
0xa: {  	s7 =	sadd.s32 $0x2000, s0;
	s21 =	sshrl.u32 s10, $0x1;
	s9 =	smul.u32 $0x7D00, s9  }
0xb: {  	s25 =	sshrl.u32 s24, $0x2;
	[dreg:$0xa] =	wrdreg s26;
	s26 =	simm.s32 $0x180  }
0xc: {  	s24 =	simm.s32 $0x7;
	s0 =	sadd.s32 s8, s0;
	s8 =	ssub.s32 s10, s21  }
0xd: {  	s29 =	sadd.s32 s25, s2;
	s25 =	simm.s32 $0x80;
	s22 =	sshrl.u32 s11, $0x3  }
0xe: {  	s9 =	sadd.s32 s5, s9;
	s14 =	sadd.s32 $0x50, s11;
	s15 =	sadd.s32 $0x78, s11  }
0xf: {  	s16 =	sadd.s32 $0x221400, s0;
	s8 =	smax.u32 s8, $0x1;
	[dreg:$0x6] =	wrdreg s9  }
0x10: {  	s0 =	simm.s32 $0x5;
	s10 =	sadd.s32 s7, s22;
	[dreg:$0x9] =	wrdreg s8  }
0x11: {  	s12 =	sadd.s32 s6, s22;
	[dreg:$0x5] =	wrdreg s10;
	s10 =	sadd.s32 $0x28, s11  }
0x12: {  	s22 =	simm.s32 $0x28;
	s8 =	simm.s32 $0x4;
	s23 =	sshrl.u32 s10, $0x3  }
0x13: {  	[dreg:$0x4] =	wrdreg s12;
	s11 =	simm.s32 $0x6600;
	s13 =	sadd.s32 s6, s23  }
0x14: {  	s9 =	sadd.s32 s7, s23;
	s23 =	simm.s32 $0x1600;
	[dreg:$0x7] =	wrdreg s13  }
0x15: {  	v0 =	vimm.f32 $0.0e+00;
	[dreg:$0x8] =	wrdreg s9;
	s9 =	simm.s32 $0x6;
	s13 =	simm.s32 $0x0  }
.LBB2_1:
0x16: {  	[dreg:$0xb] =	wrdreg s13;
	s13 =	simm.s32 $0x0;
	s17 =	simm.s32 $0x200  }
.LBB2_2:
0x17: {  	p0 =	sne.s32 s17, $0x4E00;
	[tilespmem:s13+$0x5270] =	vst v0  }
0x18: {  	[tilespmem:s13+$0x5200] =	vst v0  }
0x19: {  	[tilespmem:s13+$0x5210] =	vst v0  }
.Ltmp0:
0x1a: {  	[tilespmem:s13+$0x5220] =	vst v0;
	(pc) =	sbr.rel @p0 .LBB2_2-.Ltmp0, $4  }
0x1b: {  	[tilespmem:s13+$0x5230] =	vst v0  }
0x1c: {  	[tilespmem:s13+$0x5240] =	vst v0  }
0x1d: {  	[tilespmem:s13+$0x5250] =	vst v0  }
0x1e: {  	[tilespmem:s13+$0x5260] =	vst v0;
	s13 =	sshra.s32 s17, $0x2;
	s17 =	sadd.s32 $0x200, s17  }
0x1f: {  	[tilespmem:s13+$0x5270] =	vst v0  }
0x20: {  	[tilespmem:s13+$0x5200] =	vst v0  }
0x21: {  	[tilespmem:s13+$0x5210] =	vst v0  }
0x22: {  	[tilespmem:s13+$0x5220] =	vst v0  }
0x23: {  	[tilespmem:s13+$0x5230] =	vst v0  }
0x24: {  	[tilespmem:s13+$0x5240] =	vst v0;
	s17 =	sadd.s32 $0x0, s3  }
0x25: {  	[tilespmem:s13+$0x5250] =	vst v0;
	p0 =	sgt.u32 s17, $0xF9  }
0x26: {  	[tilespmem:s13+$0x5260] =	vst v0;
	s13 =	simm.s32 @!p0 $0x5200;
	s19 =	simm.s32 @!p0 $0x7  }
0x27: {  	[spmem:s29] =	stream.linear.scatter @!p0 [tilespmem:s13], [sflag:$0x7], $0x1400, $0x38;
	[tilespmem:$0x1B280] =	vst v63  }
0x28: {  	s18 =	simm.s32 $0x20;
	_ =	swait.ge @!p0 [sflag:s19], $0x1400  }
0x29: {  	s17 =	simm.s32 $0x10;
	s13 =	sadd.s32 $0x14000, s29;
	[sflag:s19] =	ssyncset.done @!p0 $0x0  }
.LBB2_4:
0x2a: {  	s21 =	sadd.s32 s17, s3;
	s17 =	smov.u32 s18;
	s18 =	sadd.s32 $0x10, s18  }
0x2b: {  	[sflag:s19] =	ssyncadd.s32 @!p0 $0xFFFFEC00;
	p1 =	sne.s32 s18, $0x100  }
.Ltmp1:
0x2c: {  	p0 =	sgt.u32 s21, $0xF9;
	(pc) =	sbr.rel @p1 .LBB2_4-.Ltmp1, $4  }
0x2d: {  	s21 =	simm.s32 @!p0 $0x5200;
	s19 =	simm.s32 @!p0 $0x7  }
0x2e: {  	[spmem:s13] =	stream.linear.scatter @!p0 [tilespmem:s21], [sflag:$0x7], $0x1400, $0x38;
	[tilespmem:$0x1B280] =	vst v63  }
0x2f: {  	_ =	swait.ge @!p0 [sflag:s19], $0x1400  }
0x30: {  	s13 =	sadd.s32 $0x14000, s13;
	[sflag:s19] =	ssyncset.done @!p0 $0x0  }
0x31: {  	s17 =	sadd.s32 s17, s3  }
0x32: {  	p1 =	sgt.u32 s17, $0xF9  }
0x33: {  	[sflag:s19] =	ssyncadd.s32 @!p0 $0xFFFFEC00;
	s17 =	simm.s32 @!p1 $0x5200;
	s18 =	simm.s32 @!p1 $0x7  }
0x34: {  	[spmem:s13] =	stream.linear.scatter @!p1 [tilespmem:s17], [sflag:$0x7], $0x1400, $0x38;
	[tilespmem:$0x1B280] =	vst v63  }
0x35: {  	_ =	swait.ge @!p1 [sflag:s18], $0x1400  }
0x36: {  	[sflag:s18] =	ssyncset.done @!p1 $0x0  }
0x37: {  	[sflag:s18] =	ssyncadd.s32 @!p1 $0xFFFFEC00  }
0x38: {  	[bflag:$0x0] =	sbarrier.arrive $0xFFFF  }
0x39: {  	s13 =	simm.s32 $0x0;
	s12 =	rddreg [dreg:$0x4]  }
0x3a: {  	[tilespmem:s13], [sflag:$0x1] =	stream.linear.gather [hbm4b:s12+s13], $0x28, $0x38;
	[tilespmem:$0x1B280] =	vst v63  }
0x3b: {  	s19 =	simm.s32 $0x1;
	s18 =	rddreg [dreg:$0x5]  }
0x3c: {  	[tilespmem:s20], [sflag:$0x1] =	stream.linear.gather [hbm4b:s18+s13], $0x28, $0x38;
	[tilespmem:$0x1B280] =	vst v63  }
0x3d: {  	_ =	swait.ge [sflag:s19], $0x28  }
0x3e: {  	[sflag:s19] =	ssyncset.done $0x0  }
0x3f: {  	[sflag:s19] =	ssyncadd.s32 $0xFFFFFFD8  }
0x40: {  	_ =	swait.ge [sflag:s19], $0x28  }
0x41: {  	[sflag:s19] =	ssyncset.done $0x0  }
0x42: {  	s21 =	simm.s32 $0x200;
	[sflag:s19] =	ssyncadd.s32 $0xFFFFFFD8  }
0x43: {  	[tilespmem:s21], [sflag:$0x3] =	stream.indirect.gather [hbm4b:s1+s22], $0x80, s13, s22, $0xb8;
	[tilespmem:$0x1B280] =	vst v63  }
0x44: {  	s18 =	simm.s32 $0x2A00;
	s17 =	rddreg [dreg:$0x6]  }
0x45: {  	[tilespmem:s18], [sflag:$0x5] =	stream.linear.gather [hbm4b:s17+s13], $0x1400, $0x38;
	[tilespmem:$0x1B280] =	vst v63  }
0x46: {  	s19 =	rddreg [dreg:$0x7]  }
0x47: {  	[tilespmem:s25], [sflag:$0x2] =	stream.linear.gather [hbm4b:s19+s13], $0x28, $0x38;
	[tilespmem:$0x1B280] =	vst v63  }
0x48: {  	s21 =	rddreg [dreg:$0x8]  }
0x49: {  	[tilespmem:s26], [sflag:$0x2] =	stream.linear.gather [hbm4b:s21+s13], $0x28, $0x38;
	[tilespmem:$0x1B280] =	vst v63  }
.LBB2_6:
0x4a: {  	_ =	swait.ge [sflag:s28], $0x28  }
0x4b: {  	[sflag:s28] =	ssyncset.done $0x0  }
0x4c: {  	s17 =	smul.u32 $0x50, s13;
	[sflag:s28] =	ssyncadd.s32 $0xFFFFFFD8  }
0x4d: {  	_ =	swait.ge [sflag:s28], $0x28  }
0x4e: {  	s18 =	sadd.s32 s17, s10;
	[sflag:s28] =	ssyncset.done $0x0  }
0x4f: {  	s18 =	sshll.u32 s18, $0x4;
	[sflag:s28] =	ssyncadd.s32 $0xFFFFFFD8  }
0x50: {  	[tilespmem:s23], [sflag:$0x4] =	stream.indirect.gather [hbm4b:s1+s22], $0x80, s25, s22, $0xb8;
	[tilespmem:$0x1B280] =	vst v63  }
0x51: {  	s18 =	sadd.s32 s5, s18  }
0x52: {  	[tilespmem:s30], [sflag:$0x6] =	stream.linear.gather [hbm4b:s18+s4], $0x1400, $0x38;
	[tilespmem:$0x1B280] =	vst v63  }
0x53: {  	_ =	swait.ge [sflag:s31], $0x1400  }
0x54: {  	[sflag:s31] =	ssyncset.done $0x0  }
0x55: {  	[sflag:s31] =	ssyncadd.s32 $0xFFFFEC00  }
0x56: {  	_ =	swait.ge [sflag:s0], $0x1400  }
0x57: {  	[sflag:s0] =	ssyncset.done $0x0  }
0x58: {  	s19 =	simm.s32 $0xF0;
	[sflag:s0] =	ssyncadd.s32 $0xFFFFEC00  }
0x59: {  	v1 =	vld [tilespmem:s19+$0x200]  }
0x5a: {  	v2 =	vld [tilespmem:s19+$0x2A00]  }
0x5b: {  	v3 =	vld [tilespmem:s19+$0x110]  }
0x5c: {  	v4 =	vld [tilespmem:s19+$0x2910]  }
0x5d: {  	v5 =	vld [tilespmem:s19+$0x120]  }
0x5e: {  	v6 =	vld [tilespmem:s19+$0x2920]  }
0x5f: {  	v7 =	vld [tilespmem:s19+$0x130]  }
0x60: {  	v8 =	vld [tilespmem:s19+$0x140]  }
0x61: {  	v1 =	vmul.f32 v2, v1;
	v2 =	vld [tilespmem:s19+$0x2930]  }
0x62: {  	v3 =	vmul.f32 v4, v3;
	v4 =	vld [tilespmem:s19+$0x150]  }
0x63: {  	[tilespmem:s19+$0x5200] =	vst v1;
	v1 =	vld [tilespmem:s19+$0x2940]  }
0x64: {  	[tilespmem:s19+$0x5110] =	vst v3;
	v3 =	vmul.f32 v6, v5;
	v5 =	vld [tilespmem:s19+$0x2950]  }
0x65: {  	v6 =	vld [tilespmem:s19+$0x2960]  }
0x66: {  	[tilespmem:s19+$0x5120] =	vst v3;
	v3 =	vld [tilespmem:s19+$0x160];
	v2 =	vmul.f32 v2, v7  }
0x67: {  	v7 =	vld [tilespmem:s19+$0x2970]  }
0x68: {  	[tilespmem:s19+$0x5130] =	vst v2;
	v1 =	vmul.f32 v1, v8;
	v2 =	vld [tilespmem:s19+$0x170]  }
0x69: {  	v8 =	vld [tilespmem:s19+$0x29C0]  }
0x6a: {  	[tilespmem:s19+$0x5140] =	vst v1;
	v1 =	vmul.f32 v5, v4;
	v4 =	vld [tilespmem:s19+$0x180]  }
0x6b: {  	v5 =	vld [tilespmem:s19+$0x2980]  }
0x6c: {  	[tilespmem:s19+$0x5150] =	vst v1;
	v1 =	vmul.f32 v6, v3;
	v3 =	vld [tilespmem:s19+$0x190]  }
0x6d: {  	v6 =	vld [tilespmem:s19+$0x2990]  }
0x6e: {  	[tilespmem:s19+$0x5160] =	vst v1;
	v1 =	vmul.f32 v7, v2;
	v2 =	vld [tilespmem:s19+$0x1A0]  }
0x6f: {  	v7 =	vld [tilespmem:s19+$0x29A0]  }
0x70: {  	[tilespmem:s19+$0x5170] =	vst v1;
	v1 =	vmul.f32 v5, v4;
	v4 =	vld [tilespmem:s19+$0x1B0]  }
0x71: {  	v5 =	vld [tilespmem:s19+$0x29B0]  }
0x72: {  	[tilespmem:s19+$0x5180] =	vst v1;
	v1 =	vmul.f32 v6, v3;
	v6 =	vld [tilespmem:s19+$0x1C0]  }
0x73: {  	v9 =	vld [tilespmem:s19+$0x29D0]  }
0x74: {  	[tilespmem:s19+$0x5190] =	vst v1;
	v1 =	vmul.f32 v7, v2;
	v7 =	vld [tilespmem:s19+$0x1D0]  }
0x75: {  	v3 =	vld [tilespmem:s19+$0x1E0]  }
0x76: {  	[tilespmem:s19+$0x51A0] =	vst v1;
	v1 =	vmul.f32 v5, v4;
	v4 =	vld [tilespmem:s19+$0x29E0]  }
0x77: {  	v5 =	vld [tilespmem:s19+$0x29F0];
	v6 =	vmul.f32 v8, v6  }
0x78: {  	s18 =	simm.s32 $0x1F0;
	[tilespmem:s19+$0x51B0] =	vst v1;
	v1 =	vld [tilespmem:s19+$0x1F0]  }
0x79: {  	s21 =	simm.s32 $0xBC0;
	v2 =	vld [tilespmem:s18+$0x200];
	[tilespmem:s19+$0x51C0] =	vst v6;
	v6 =	vmul.f32 v9, v7  }
.LBB2_7:
0x7a: {  	p0 =	sne.s32 s21, $0x4FC0;
	v7 =	vld [tilespmem:s18+$0x2A00]  }
0x7b: {  	v8 =	vld [tilespmem:s18+$0x110];
	[tilespmem:s19+$0x51D0] =	vst v6;
	v3 =	vmul.f32 v4, v3  }
0x7c: {  	v4 =	vld [tilespmem:s18+$0x2910]  }
0x7d: {  	v6 =	vld [tilespmem:s18+$0x120];
	[tilespmem:s19+$0x51E0] =	vst v3;
	v1 =	vmul.f32 v5, v1  }
0x7e: {  	v3 =	vld [tilespmem:s18+$0x2920]  }
0x7f: {  	v5 =	vld [tilespmem:s18+$0x130];
	v2 =	vmul.f32 v7, v2;
	[tilespmem:s19+$0x51F0] =	vst v1;
	s19 =	smov.u32 s18  }
0x80: {  	v1 =	vld [tilespmem:s19+$0x2930]  }
0x81: {  	v4 =	vmul.f32 v4, v8;
	v7 =	vld [tilespmem:s19+$0x140];
	[tilespmem:s19+$0x5200] =	vst v2  }
0x82: {  	v2 =	vld [tilespmem:s19+$0x2940]  }
0x83: {  	[tilespmem:s19+$0x5110] =	vst v4;
	v3 =	vmul.f32 v3, v6;
	v4 =	vld [tilespmem:s19+$0x150]  }
0x84: {  	v6 =	vld [tilespmem:s19+$0x2950]  }
0x85: {  	[tilespmem:s19+$0x5120] =	vst v3;
	v1 =	vmul.f32 v1, v5;
	v3 =	vld [tilespmem:s19+$0x160]  }
0x86: {  	v5 =	vld [tilespmem:s19+$0x2960]  }
0x87: {  	[tilespmem:s19+$0x5130] =	vst v1;
	v1 =	vmul.f32 v2, v7;
	v2 =	vld [tilespmem:s19+$0x170]  }
0x88: {  	v7 =	vld [tilespmem:s19+$0x2970]  }
0x89: {  	[tilespmem:s19+$0x5140] =	vst v1;
	v1 =	vmul.f32 v6, v4;
	v4 =	vld [tilespmem:s19+$0x180]  }
0x8a: {  	v6 =	vld [tilespmem:s19+$0x2980]  }
0x8b: {  	[tilespmem:s19+$0x5150] =	vst v1;
	v1 =	vmul.f32 v5, v3;
	v3 =	vld [tilespmem:s19+$0x190]  }
0x8c: {  	v5 =	vld [tilespmem:s19+$0x2990]  }
0x8d: {  	[tilespmem:s19+$0x5160] =	vst v1;
	v1 =	vmul.f32 v7, v2;
	v2 =	vld [tilespmem:s19+$0x1A0]  }
0x8e: {  	v7 =	vld [tilespmem:s19+$0x29A0]  }
0x8f: {  	[tilespmem:s19+$0x5170] =	vst v1;
	v1 =	vmul.f32 v6, v4;
	v4 =	vld [tilespmem:s19+$0x1B0]  }
0x90: {  	v6 =	vld [tilespmem:s19+$0x29B0]  }
0x91: {  	[tilespmem:s19+$0x5180] =	vst v1;
	v1 =	vmul.f32 v5, v3;
	v5 =	vld [tilespmem:s19+$0x1C0]  }
0x92: {  	v8 =	vld [tilespmem:s19+$0x29C0]  }
0x93: {  	[tilespmem:s19+$0x5190] =	vst v1;
	v1 =	vmul.f32 v7, v2;
	v7 =	vld [tilespmem:s19+$0x1D0]  }
0x94: {  	v9 =	vld [tilespmem:s19+$0x29D0]  }
.Ltmp2:
0x95: {  	[tilespmem:s19+$0x51A0] =	vst v1;
	v1 =	vmul.f32 v6, v4;
	v3 =	vld [tilespmem:s19+$0x1E0];
	(pc) =	sbr.rel @p0 .LBB2_7-.Ltmp2, $4  }
0x96: {  	v4 =	vld [tilespmem:s19+$0x29E0]  }
0x97: {  	[tilespmem:s19+$0x51B0] =	vst v1;
	v6 =	vmul.f32 v8, v5;
	v1 =	vld [tilespmem:s19+$0x1F0]  }
0x98: {  	s18 =	sshra.s32 s21, $0x2;
	v5 =	vld [tilespmem:s19+$0x29F0]  }
0x99: {  	s21 =	sadd.s32 $0x400, s21;
	v2 =	vld [tilespmem:s18+$0x200];
	[tilespmem:s19+$0x51C0] =	vst v6;
	v6 =	vmul.f32 v9, v7  }
0x9a: {  	v7 =	vld [tilespmem:s18+$0x2A00]  }
0x9b: {  	v8 =	vld [tilespmem:s18+$0x110];
	[tilespmem:s19+$0x51D0] =	vst v6;
	v3 =	vmul.f32 v4, v3  }
0x9c: {  	v4 =	vld [tilespmem:s18+$0x2910]  }
0x9d: {  	v6 =	vld [tilespmem:s18+$0x120];
	[tilespmem:s19+$0x51E0] =	vst v3;
	v1 =	vmul.f32 v5, v1  }
0x9e: {  	v3 =	vld [tilespmem:s18+$0x2920]  }
0x9f: {  	v5 =	vld [tilespmem:s18+$0x130];
	[tilespmem:s19+$0x51F0] =	vst v1  }
0xa0: {  	v1 =	vmul.f32 v7, v2;
	v2 =	vld [tilespmem:s18+$0x2930]  }
0xa1: {  	v7 =	vld [tilespmem:s18+$0x140]  }
0xa2: {  	v4 =	vmul.f32 v4, v8;
	[tilespmem:s18+$0x5200] =	vst v1;
	v1 =	vld [tilespmem:s18+$0x2940]  }
0xa3: {  	v8 =	vld [tilespmem:s18+$0x29F0]  }
0xa4: {  	[tilespmem:s18+$0x5110] =	vst v4;
	v3 =	vmul.f32 v3, v6;
	v4 =	vld [tilespmem:s18+$0x150]  }
0xa5: {  	v6 =	vld [tilespmem:s18+$0x2950]  }
0xa6: {  	[tilespmem:s18+$0x5120] =	vst v3;
	v3 =	vld [tilespmem:s18+$0x160]  }
0xa7: {  	v2 =	vmul.f32 v2, v5;
	v5 =	vld [tilespmem:s18+$0x2960]  }
0xa8: {  	v1 =	vmul.f32 v1, v7;
	v7 =	vld [tilespmem:s18+$0x2970]  }
0xa9: {  	[tilespmem:s18+$0x5130] =	vst v2;
	v2 =	vld [tilespmem:s18+$0x170]  }
0xaa: {  	[tilespmem:s18+$0x5140] =	vst v1;
	v1 =	vmul.f32 v6, v4;
	v4 =	vld [tilespmem:s18+$0x180]  }
0xab: {  	v6 =	vld [tilespmem:s18+$0x2980]  }
0xac: {  	[tilespmem:s18+$0x5150] =	vst v1;
	v1 =	vmul.f32 v5, v3;
	v3 =	vld [tilespmem:s18+$0x190]  }
0xad: {  	v5 =	vld [tilespmem:s18+$0x2990]  }
0xae: {  	[tilespmem:s18+$0x5160] =	vst v1;
	v1 =	vmul.f32 v7, v2;
	v2 =	vld [tilespmem:s18+$0x1A0]  }
0xaf: {  	v7 =	vld [tilespmem:s18+$0x29A0]  }
0xb0: {  	[tilespmem:s18+$0x5170] =	vst v1;
	v1 =	vmul.f32 v6, v4;
	v4 =	vld [tilespmem:s18+$0x1B0]  }
0xb1: {  	v6 =	vld [tilespmem:s18+$0x29B0]  }
0xb2: {  	[tilespmem:s18+$0x5180] =	vst v1;
	v1 =	vmul.f32 v5, v3;
	v3 =	vld [tilespmem:s18+$0x1C0]  }
0xb3: {  	v5 =	vld [tilespmem:s18+$0x29C0]  }
0xb4: {  	[tilespmem:s18+$0x5190] =	vst v1;
	v1 =	vmul.f32 v7, v2;
	v2 =	vld [tilespmem:s18+$0x1D0]  }
0xb5: {  	v7 =	vld [tilespmem:s18+$0x29D0]  }
0xb6: {  	[tilespmem:s18+$0x51A0] =	vst v1;
	v1 =	vmul.f32 v6, v4;
	v4 =	vld [tilespmem:s18+$0x1E0]  }
0xb7: {  	v6 =	vld [tilespmem:s18+$0x29E0]  }
0xb8: {  	[tilespmem:s18+$0x51B0] =	vst v1;
	v1 =	vld [tilespmem:s18+$0x1F0];
	_ =	sdelay $0x1  }
0xb9: {  	v3 =	vmul.f32 v5, v3  }
0xba: {  	v2 =	vmul.f32 v7, v2  }
0xbb: {  	[tilespmem:s18+$0x51C0] =	vst v3;
	v3 =	vmul.f32 v6, v4  }
0xbc: {  	[tilespmem:s18+$0x51D0] =	vst v2;
	v1 =	vmul.f32 v8, v1  }
0xbd: {  	[tilespmem:s18+$0x51E0] =	vst v3  }
0xbe: {  	s12 =	simm.s32 $0x5200;
	p0 =	seq.s32 s13, $0x18;
	[tilespmem:s18+$0x51F0] =	vst v1  }
0xbf: {  	[spmem:s2] =	stream.indirect.scatter.add.f32 [tilespmem:s12], [sflag:$0x7], $0x80, s20, s22, $0xb8;
	[tilespmem:$0x1B280] =	vst v63  }
0xc0: {  	s18 =	sadd.s32 @!p0 s17, s14;
	_ =	swait.ge [sflag:s24], $0x1400  }
0xc1: {  	s19 =	sshrl.u32 @!p0 s18, $0x3;
	[sflag:s24] =	ssyncset.done $0x0  }
0xc2: {  	s12 =	simm.s32 @!p0 $0x0;
	s21 =	sadd.s32 @!p0 s6, s19;
	[sflag:s24] =	ssyncadd.s32 $0xFFFFEC00  }
0xc3: {  	[tilespmem:s12], [sflag:$0x1] =	stream.linear.gather @!p0 [hbm4b:s21+s12], $0x28, $0x38;
	[tilespmem:$0x1B280] =	vst v63  }
0xc4: {  	s19 =	sadd.s32 @!p0 s7, s19;
	s21 =	simm.s32 @!p0 $0x100  }
0xc5: {  	[tilespmem:s21], [sflag:$0x1] =	stream.linear.gather @!p0 [hbm4b:s19+s12], $0x28, $0x38;
	[tilespmem:$0x1B280] =	vst v63  }
0xc6: {  	s19 =	simm.s32 @!p0 $0x1  }
0xc7: {  	_ =	swait.ge @!p0 [sflag:s19], $0x28  }
0xc8: {  	[sflag:s19] =	ssyncset.done @!p0 $0x0  }
0xc9: {  	[sflag:s19] =	ssyncadd.s32 @!p0 $0xFFFFFFD8  }
0xca: {  	_ =	swait.ge @!p0 [sflag:s19], $0x28  }
0xcb: {  	s18 =	sshll.u32 @!p0 s18, $0x4;
	[sflag:s19] =	ssyncset.done @!p0 $0x0  }
0xcc: {  	s21 =	simm.s32 @!p0 $0x200;
	[sflag:s19] =	ssyncadd.s32 @!p0 $0xFFFFFFD8;
	s19 =	simm.s32 @!p0 $0x28  }
0xcd: {  	[tilespmem:s21], [sflag:$0x3] =	stream.indirect.gather @!p0 [hbm4b:s1+s19], $0x80, s12, s19, $0xb8;
	[tilespmem:$0x1B280] =	vst v63  }
0xce: {  	s18 =	sadd.s32 @!p0 s5, s18;
	s19 =	simm.s32 @!p0 $0x2A00  }
0xcf: {  	[tilespmem:s19], [sflag:$0x5] =	stream.linear.gather @!p0 [hbm4b:s18+s12], $0x1400, $0x38;
	[tilespmem:$0x1B280] =	vst v63  }
0xd0: {  	_ =	swait.ge [sflag:s8], $0x1400  }
0xd1: {  	[sflag:s8] =	ssyncset.done $0x0  }
0xd2: {  	[sflag:s8] =	ssyncadd.s32 $0xFFFFEC00  }
0xd3: {  	_ =	swait.ge [sflag:s9], $0x1400  }
0xd4: {  	[sflag:s9] =	ssyncset.done $0x0  }
0xd5: {  	s19 =	simm.s32 $0xF0;
	[sflag:s9] =	ssyncadd.s32 $0xFFFFEC00  }
0xd6: {  	v1 =	vld [tilespmem:s19+$0x1600]  }
0xd7: {  	v2 =	vld [tilespmem:s19+$0x3E00]  }
0xd8: {  	v3 =	vld [tilespmem:s19+$0x1510]  }
0xd9: {  	v4 =	vld [tilespmem:s19+$0x3D10]  }
0xda: {  	v5 =	vld [tilespmem:s19+$0x1520]  }
0xdb: {  	v6 =	vld [tilespmem:s19+$0x3D20]  }
0xdc: {  	v7 =	vld [tilespmem:s19+$0x1530]  }
0xdd: {  	v8 =	vld [tilespmem:s19+$0x1540]  }
0xde: {  	v1 =	vmul.f32 v2, v1;
	v2 =	vld [tilespmem:s19+$0x3D30]  }
0xdf: {  	v3 =	vmul.f32 v4, v3;
	v4 =	vld [tilespmem:s19+$0x1550]  }
0xe0: {  	[tilespmem:s19+$0x6600] =	vst v1;
	v1 =	vld [tilespmem:s19+$0x3D40]  }
0xe1: {  	[tilespmem:s19+$0x6510] =	vst v3;
	v3 =	vmul.f32 v6, v5;
	v5 =	vld [tilespmem:s19+$0x3D50]  }
0xe2: {  	v6 =	vld [tilespmem:s19+$0x3D60]  }
0xe3: {  	[tilespmem:s19+$0x6520] =	vst v3;
	v3 =	vld [tilespmem:s19+$0x1560];
	v2 =	vmul.f32 v2, v7  }
0xe4: {  	v7 =	vld [tilespmem:s19+$0x3D70]  }
0xe5: {  	[tilespmem:s19+$0x6530] =	vst v2;
	v1 =	vmul.f32 v1, v8;
	v2 =	vld [tilespmem:s19+$0x1570]  }
0xe6: {  	v8 =	vld [tilespmem:s19+$0x3DC0]  }
0xe7: {  	[tilespmem:s19+$0x6540] =	vst v1;
	v1 =	vmul.f32 v5, v4;
	v4 =	vld [tilespmem:s19+$0x1580]  }
0xe8: {  	v5 =	vld [tilespmem:s19+$0x3D80]  }
0xe9: {  	[tilespmem:s19+$0x6550] =	vst v1;
	v1 =	vmul.f32 v6, v3;
	v3 =	vld [tilespmem:s19+$0x1590]  }
0xea: {  	v6 =	vld [tilespmem:s19+$0x3D90]  }
0xeb: {  	[tilespmem:s19+$0x6560] =	vst v1;
	v1 =	vmul.f32 v7, v2;
	v2 =	vld [tilespmem:s19+$0x15A0]  }
0xec: {  	v7 =	vld [tilespmem:s19+$0x3DA0]  }
0xed: {  	[tilespmem:s19+$0x6570] =	vst v1;
	v1 =	vmul.f32 v5, v4;
	v4 =	vld [tilespmem:s19+$0x15B0]  }
0xee: {  	v5 =	vld [tilespmem:s19+$0x3DB0]  }
0xef: {  	[tilespmem:s19+$0x6580] =	vst v1;
	v1 =	vmul.f32 v6, v3;
	v6 =	vld [tilespmem:s19+$0x15C0]  }
0xf0: {  	v9 =	vld [tilespmem:s19+$0x3DD0]  }
0xf1: {  	[tilespmem:s19+$0x6590] =	vst v1;
	v1 =	vmul.f32 v7, v2;
	v7 =	vld [tilespmem:s19+$0x15D0]  }
0xf2: {  	v3 =	vld [tilespmem:s19+$0x15E0]  }
0xf3: {  	[tilespmem:s19+$0x65A0] =	vst v1;
	v1 =	vmul.f32 v5, v4;
	v4 =	vld [tilespmem:s19+$0x3DE0]  }
0xf4: {  	v5 =	vld [tilespmem:s19+$0x3DF0];
	v6 =	vmul.f32 v8, v6  }
0xf5: {  	s18 =	simm.s32 $0x1F0;
	[tilespmem:s19+$0x65B0] =	vst v1;
	v1 =	vld [tilespmem:s19+$0x15F0]  }
0xf6: {  	s21 =	simm.s32 $0xBC0;
	v2 =	vld [tilespmem:s18+$0x1600];
	[tilespmem:s19+$0x65C0] =	vst v6;
	v6 =	vmul.f32 v9, v7  }
.LBB2_9:
0xf7: {  	p1 =	sne.s32 s21, $0x4FC0;
	v7 =	vld [tilespmem:s18+$0x3E00]  }
0xf8: {  	v8 =	vld [tilespmem:s18+$0x1510];
	[tilespmem:s19+$0x65D0] =	vst v6;
	v3 =	vmul.f32 v4, v3  }
0xf9: {  	v4 =	vld [tilespmem:s18+$0x3D10]  }
0xfa: {  	v6 =	vld [tilespmem:s18+$0x1520];
	[tilespmem:s19+$0x65E0] =	vst v3;
	v1 =	vmul.f32 v5, v1  }
0xfb: {  	v3 =	vld [tilespmem:s18+$0x3D20]  }
0xfc: {  	v5 =	vld [tilespmem:s18+$0x1530];
	v2 =	vmul.f32 v7, v2;
	[tilespmem:s19+$0x65F0] =	vst v1;
	s19 =	smov.u32 s18  }
0xfd: {  	v1 =	vld [tilespmem:s19+$0x3D30]  }
0xfe: {  	v4 =	vmul.f32 v4, v8;
	v7 =	vld [tilespmem:s19+$0x1540];
	[tilespmem:s19+$0x6600] =	vst v2  }
0xff: {  	v2 =	vld [tilespmem:s19+$0x3D40]  }
0x100: {  	[tilespmem:s19+$0x6510] =	vst v4;
	v3 =	vmul.f32 v3, v6;
	v4 =	vld [tilespmem:s19+$0x1550]  }
0x101: {  	v6 =	vld [tilespmem:s19+$0x3D50]  }
0x102: {  	[tilespmem:s19+$0x6520] =	vst v3;
	v1 =	vmul.f32 v1, v5;
	v3 =	vld [tilespmem:s19+$0x1560]  }
0x103: {  	v5 =	vld [tilespmem:s19+$0x3D60]  }
0x104: {  	[tilespmem:s19+$0x6530] =	vst v1;
	v1 =	vmul.f32 v2, v7;
	v2 =	vld [tilespmem:s19+$0x1570]  }
0x105: {  	v7 =	vld [tilespmem:s19+$0x3D70]  }
0x106: {  	[tilespmem:s19+$0x6540] =	vst v1;
	v1 =	vmul.f32 v6, v4;
	v4 =	vld [tilespmem:s19+$0x1580]  }
0x107: {  	v6 =	vld [tilespmem:s19+$0x3D80]  }
0x108: {  	[tilespmem:s19+$0x6550] =	vst v1;
	v1 =	vmul.f32 v5, v3;
	v3 =	vld [tilespmem:s19+$0x1590]  }
0x109: {  	v5 =	vld [tilespmem:s19+$0x3D90]  }
0x10a: {  	[tilespmem:s19+$0x6560] =	vst v1;
	v1 =	vmul.f32 v7, v2;
	v2 =	vld [tilespmem:s19+$0x15A0]  }
0x10b: {  	v7 =	vld [tilespmem:s19+$0x3DA0]  }
0x10c: {  	[tilespmem:s19+$0x6570] =	vst v1;
	v1 =	vmul.f32 v6, v4;
	v4 =	vld [tilespmem:s19+$0x15B0]  }
0x10d: {  	v6 =	vld [tilespmem:s19+$0x3DB0]  }
0x10e: {  	[tilespmem:s19+$0x6580] =	vst v1;
	v1 =	vmul.f32 v5, v3;
	v5 =	vld [tilespmem:s19+$0x15C0]  }
0x10f: {  	v8 =	vld [tilespmem:s19+$0x3DC0]  }
0x110: {  	[tilespmem:s19+$0x6590] =	vst v1;
	v1 =	vmul.f32 v7, v2;
	v7 =	vld [tilespmem:s19+$0x15D0]  }
0x111: {  	v9 =	vld [tilespmem:s19+$0x3DD0]  }
.Ltmp3:
0x112: {  	[tilespmem:s19+$0x65A0] =	vst v1;
	v1 =	vmul.f32 v6, v4;
	v3 =	vld [tilespmem:s19+$0x15E0];
	(pc) =	sbr.rel @p1 .LBB2_9-.Ltmp3, $4  }
0x113: {  	v4 =	vld [tilespmem:s19+$0x3DE0]  }
0x114: {  	[tilespmem:s19+$0x65B0] =	vst v1;
	v6 =	vmul.f32 v8, v5;
	v1 =	vld [tilespmem:s19+$0x15F0]  }
0x115: {  	s18 =	sshra.s32 s21, $0x2;
	v5 =	vld [tilespmem:s19+$0x3DF0]  }
0x116: {  	s21 =	sadd.s32 $0x400, s21;
	v2 =	vld [tilespmem:s18+$0x1600];
	[tilespmem:s19+$0x65C0] =	vst v6;
	v6 =	vmul.f32 v9, v7  }
0x117: {  	v7 =	vld [tilespmem:s18+$0x3E00]  }
0x118: {  	v8 =	vld [tilespmem:s18+$0x1510];
	[tilespmem:s19+$0x65D0] =	vst v6;
	v3 =	vmul.f32 v4, v3  }
0x119: {  	v46 =	vld [tilespmem:s18+$0x3D10]  }
0x11a: {  	v6 =	vld [tilespmem:s18+$0x1520];
	[tilespmem:s19+$0x65E0] =	vst v3;
	v1 =	vmul.f32 v5, v1  }
0x11b: {  	v3 =	vld [tilespmem:s18+$0x3D20]  }
0x11c: {  	v47 =	vld [tilespmem:s18+$0x1530];
	[tilespmem:s19+$0x65F0] =	vst v1  }
0x11d: {  	v1 =	vmul.f32 v7, v2;
	v2 =	vld [tilespmem:s18+$0x3D30]  }
0x11e: {  	v48 =	vld [tilespmem:s18+$0x1540]  }
0x11f: {  	v49 =	vld [tilespmem:s18+$0x1550]  }
0x120: {  	[tilespmem:s18+$0x6600] =	vst v1;
	v1 =	vld [tilespmem:s18+$0x3D40]  }
0x121: {  	v50 =	vld [tilespmem:s18+$0x3D50]  }
0x122: {  	v51 =	vld [tilespmem:s18+$0x3D60];
	v3 =	vmul.f32 v3, v6  }
0x123: {  	v52 =	vld [tilespmem:s18+$0x3D70]  }
0x124: {  	[tilespmem:s18+$0x6520] =	vst v3;
	v2 =	vmul.f32 v2, v47;
	v3 =	vld [tilespmem:s18+$0x1560]  }
0x125: {  	v53 =	vld [tilespmem:s18+$0x1580];
	v1 =	vmul.f32 v1, v48  }
0x126: {  	[tilespmem:s18+$0x6530] =	vst v2;
	v2 =	vld [tilespmem:s18+$0x1570]  }
0x127: {  	v54 =	vld [tilespmem:s18+$0x3D80];
	[tilespmem:s18+$0x6540] =	vst v1;
	v1 =	vmul.f32 v50, v49  }
0x128: {  	v55 =	vld [tilespmem:s18+$0x3D90]  }
0x129: {  	v56 =	vld [tilespmem:s18+$0x3DA0];
	[tilespmem:s18+$0x6550] =	vst v1;
	v1 =	vmul.f32 v51, v3  }
0x12a: {  	v3 =	vld [tilespmem:s18+$0x1590]  }
0x12b: {  	v57 =	vld [tilespmem:s18+$0x15B0];
	[tilespmem:s18+$0x6560] =	vst v1;
	v1 =	vmul.f32 v52, v2  }
0x12c: {  	v2 =	vld [tilespmem:s18+$0x15A0]  }
0x12d: {  	v58 =	vld [tilespmem:s18+$0x3DB0];
	[tilespmem:s18+$0x6570] =	vst v1;
	v1 =	vmul.f32 v54, v53  }
0x12e: {  	v59 =	vld [tilespmem:s18+$0x3DC0]  }
0x12f: {  	v60 =	vld [tilespmem:s18+$0x3DD0];
	[tilespmem:s18+$0x6580] =	vst v1;
	v1 =	vmul.f32 v55, v3  }
0x130: {  	v61 =	vld [tilespmem:s18+$0x15E0]  }
0x131: {  	v62 =	vld [tilespmem:s18+$0x3DE0];
	[tilespmem:s18+$0x6590] =	vst v1;
	v1 =	vmul.f32 v56, v2  }
0x132: {  	v3 =	vld [tilespmem:s18+$0x15C0]  }
0x133: {  	v2 =	vld [tilespmem:s18+$0x15D0];
	[tilespmem:s18+$0x65A0] =	vst v1;
	v1 =	vmul.f32 v58, v57  }
0x134: {  	v63 =	vld [tilespmem:s18+$0x3DF0]  }
0x135: {  	[tilespmem:s18+$0x65B0] =	vst v1;
	v1 =	vld [tilespmem:s18+$0x15F0]  }
0x136: {  	v4 =	vmul.f32 v46, v8  }
0x137: {  	v3 =	vmul.f32 v59, v3  }
0x138: {  	[tilespmem:s18+$0x6510] =	vst v4;
	v2 =	vmul.f32 v60, v2  }
0x139: {  	[tilespmem:s18+$0x65C0] =	vst v3;
	v3 =	vmul.f32 v62, v61  }
0x13a: {  	[tilespmem:s18+$0x65D0] =	vst v2;
	v1 =	vmul.f32 v63, v1  }
0x13b: {  	[tilespmem:s18+$0x65E0] =	vst v3  }
.Ltmp4:
0x13c: {  	[tilespmem:s18+$0x65F0] =	vst v1;
	(pc) =	sbr.rel @p0 .LBB2_12-.Ltmp4, $4  }
0x13d: {  	[spmem:s2] =	stream.indirect.scatter.add.f32 [tilespmem:s11], [sflag:$0x7], $0x80, s26, s22, $0xb8;
	[tilespmem:$0x1B280] =	vst v63  }
0x13e: {  	_ =	swait.ge [sflag:s24], $0x1400  }
0x13f: {  	[sflag:s24] =	ssyncset.done $0x0  }
0x140: {  	[sflag:s24] =	ssyncadd.s32 $0xFFFFEC00  }
0x141: {  	s12 =	sadd.s32 s17, s15  }
.Ltmp5:
0x142: {  	s12 =	sshrl.u32 s12, $0x3;
	(pc) =	sbr.rel .LBB2_6-.Ltmp5, $4  }
0x143: {  	s21 =	sadd.s32 s6, s12  }
0x144: {  	[tilespmem:s25], [sflag:$0x2] =	stream.linear.gather [hbm4b:s21+s4], $0x28, $0x38;
	[tilespmem:$0x1B280] =	vst v63  }
0x145: {  	s13 =	sadd.s32 $0x1, s13;
	s12 =	sadd.s32 s7, s12  }
0x146: {  	[tilespmem:s26], [sflag:$0x2] =	stream.linear.gather [hbm4b:s12+s4], $0x28, $0x38;
	[tilespmem:$0x1B280] =	vst v63  }
.LBB2_12:
0x147: {  	s12 =	sadd.s32 $0x0, s3  }
0x148: {  	[bflag:$0x0] =	sbarrier.arrive $0xFFFF;
	p0 =	sgt.u32 s12, $0xF9  }
0x149: {  	s12 =	simm.s32 @!p0 $0x5200;
	s13 =	simm.s32 @!p0 $0x8;
	p0 =	por p0, p0  }
0x14a: {  	[tilespmem:s12], [sflag:$0x8] =	stream.linear.gather @!p0 [spmem:s29], $0x1400, $0x38;
	[tilespmem:$0x1B280] =	vst v63  }
0x14b: {  	s17 =	simm.s32 $0x20;
	s30 =	sadd.s32 $0x10, s3;
	_ =	swait.ge @!p0 [sflag:s13], $0x1400  }
0x14c: {  	s19 =	simm.s32 @!p0 $0x7;
	[sflag:s13] =	ssyncset.done @!p0 $0x0;
	s21 =	rddreg [dreg:$0xa]  }
0x14d: {  	s18 =	simm.s32 @!p0 $0x0;
	[sflag:s13] =	ssyncadd.s32 @!p0 $0xFFFFEC00;
	s13 =	sadd.s32 @!p0 s21, s16  }
0x14e: {  	[hbm4b:s13+s18] =	stream.linear.scatter @!p0 [tilespmem:s12], [sflag:$0x7], $0x1400, $0x38;
	[tilespmem:$0x1B280] =	vst v63  }
0x14f: {  	s23 =	smov.u32 s29;
	p1 =	sgt.u32 s30, $0xF9;
	_ =	swait.ge @!p0 [sflag:s19], $0x1400  }
0x150: {  	s13 =	sadd.s32 $0x2800, s21;
	s18 =	sadd.s32 $0x14000, s29;
	[sflag:s19] =	ssyncset.done @!p0 $0x0  }
.LBB2_13:
0x151: {  	s12 =	simm.s32 @!p1 $0x5200  }
0x152: {  	s21 =	simm.s32 @!p1 $0x8;
	[sflag:s19] =	ssyncadd.s32 @!p0 $0xFFFFEC00;
	s29 =	smov.u32 s17  }
0x153: {  	s30 =	smov.u32 s13;
	p0 =	por p1, p1;
	s17 =	sadd.s32 $0x10, s17  }
0x154: {  	[tilespmem:s12], [sflag:$0x8] =	stream.linear.gather @!p0 [spmem:s18], $0x1400, $0x38;
	[tilespmem:$0x1B280] =	vst v63  }
0x155: {  	s13 =	sadd.s32 $0x2800, s13;
	p2 =	sne.s32 s17, $0x100;
	_ =	swait.ge @!p0 [sflag:s21], $0x1400  }
.Ltmp6:
0x156: {  	s19 =	simm.s32 @!p0 $0x7;
	[sflag:s21] =	ssyncset.done @!p0 $0x0;
	(pc) =	sbr.rel @p2 .LBB2_13-.Ltmp6, $4  }
0x157: {  	[sflag:s21] =	ssyncadd.s32 @!p0 $0xFFFFEC00;
	s21 =	sadd.s32 @!p0 s30, s16;
	s30 =	simm.s32 @!p0 $0x0  }
0x158: {  	[hbm4b:s21+s30] =	stream.linear.scatter @!p0 [tilespmem:s12], [sflag:$0x7], $0x1400, $0x38;
	[tilespmem:$0x1B280] =	vst v63  }
0x159: {  	s12 =	sadd.s32 s29, s3;
	_ =	swait.ge @!p0 [sflag:s19], $0x1400  }
0x15a: {  	s18 =	sadd.s32 $0x14000, s18;
	p1 =	sgt.u32 s12, $0xF9;
	[sflag:s19] =	ssyncset.done @!p0 $0x0  }
0x15b: {  	s12 =	simm.s32 @!p1 $0x5200  }
0x15c: {  	s17 =	simm.s32 @!p1 $0x8;
	[sflag:s19] =	ssyncadd.s32 @!p0 $0xFFFFEC00;
	p0 =	por p1, p1  }
0x15d: {  	[tilespmem:s12], [sflag:$0x8] =	stream.linear.gather @!p0 [spmem:s18], $0x1400, $0x38;
	[tilespmem:$0x1B280] =	vst v63  }
0x15e: {  	_ =	swait.ge @!p0 [sflag:s17], $0x1400  }
0x15f: {  	s18 =	simm.s32 @!p0 $0x7;
	[sflag:s17] =	ssyncset.done @!p0 $0x0  }
0x160: {  	s13 =	sadd.s32 @!p0 s13, s16;
	[sflag:s17] =	ssyncadd.s32 @!p0 $0xFFFFEC00;
	s17 =	simm.s32 @!p0 $0x0  }
0x161: {  	[hbm4b:s13+s17] =	stream.linear.scatter @!p0 [tilespmem:s12], [sflag:$0x7], $0x1400, $0x38;
	[tilespmem:$0x1B280] =	vst v63  }
0x162: {  	_ =	swait.ge @!p0 [sflag:s18], $0x1400  }
0x163: {  	s19 =	rddreg [dreg:$0xb]  }
0x164: {  	s21 =	rddreg [dreg:$0x9];
	s13 =	sadd.s32 $0x1, s19  }
0x165: {  	p1 =	sne.s32 s13, s21  }
.Ltmp7:
0x166: {  	_ = 	snop;
	(pc) =	sbr.rel @p1 .LBB2_1-.Ltmp7, $3  }
0x167: {  	_ =	sdelay $0x1  }
0x168: {  	s29 =	smov.u32 s23;
	[sflag:s18] =	ssyncset.done @!p0 $0x0  }
0x169: {  	s23 =	simm.s32 $0x1600;
	s30 =	simm.s32 $0x3E00;
	[sflag:s18] =	ssyncadd.s32 @!p0 $0xFFFFEC00  }
0x16a: {  	_ =	sfence.sel $0x180000  }
0x16b: {  	[bflag:$0x0] =	sbarrier.arrive $0xFFFF  }
0x16c: {  	_ =	strace $0x90000047  }
0x16d: {  	[bflag:$0x2] =	sbarrier.arrive $0xFFFF  }
0x16e: {  	p0 =	sne.s32 s3, $0x0;
	s0 =	rddreg [dreg:$0x3]  }
0x16f: {  	s0 =	sadd.s32 @!p0 $0x100000, s0  }
0x170: {  	[sflag:s0] =	ssyncadd.tile.s32 @!p0 $0x1;
	_ =	shalt  }
.Lfunc_end2:
_tile_overlayer_lowered:
.L_overlay_start_2:
0x171: {  	(tag) =	ssettag $0x2  }
0x172: {  	s0 =	rddreg [dreg:$0x0];
	s2 =	stileid.u32  }
0x173: {  	s1 =	rddreg [dreg:$0x1];
	p0 =	sne.s32 s2, $0x0  }
0x174: {  	s3 =	rddreg [dreg:$0x2];
	[bflag:$0x3] =	sbarrier.arrive $0xFFFF;
	s2 =	simm.s32 @!p0 $0x1C07  }
0x175: {  	[timem:s3], [sflag:s2] =	dma.local @!p0 [hbm:s0], s1  }
0x176: {  	s0 =	simm.s32 @!p0 $0x7  }
0x177: {  	_ =	swait.ge @!p0 [sflag:s0], s1  }
0x178: {  	s1 =	ssub.s32 @!p0 $0x0, s1;
	[sflag:s0] =	ssyncset.done @!p0 $0x0  }
0x179: {  	[sflag:s0] =	ssyncadd.s32 @!p0 s1  }
0x17a: {  	[bflag:$0x3] =	sbarrier.arrive $0xFFFF  }
0x17b: {  	_ =	shalt  }

// kernel: kernel.13.cloned.1.call-start
scs
__scs_entry_jumppad:
0x0: {  	(pc) =	sbr.rel $0x88, $3  }
0x1: {  	(tag) =	ssettag $0x0;
	lr =	simm.s32 $0x1  }
0x2: {  	[smem:$0x3F94] =	sst lr;
	_ =	strace $0xD0000000  }
0x3: {  	_ = 	snop  }
0x4: {  	_ = 	snop  }
0x5: {  	_ = 	snop  }
0x6: {  	_ = 	snop  }
0x7: {  	_ = 	snop  }
__scs_overlays_trampoline_lowered:
0x8: {  	[smem:$0x3FA3] =	sst s0  }
0x9: {  	[smem:$0x3FA4] =	sst s1  }
0xa: {  	[smem:$0x3FA5] =	sst s2  }
0xb: {  	[smem:$0x3FA6] =	sst s3  }
0xc: {  	[smem:$0x3FA7] =	sst s4  }
0xd: {  	[smem:$0x3FA8] =	sst s5  }
0xe: {  	[smem:$0x3FA9] =	sst s6  }
0xf: {  	[smem:$0x3FAA] =	sst s7  }
0x10: {  	[smem:$0x3FAB] =	sst s8  }
0x11: {  	[smem:$0x3FAC] =	sst s9;
	s0 =	simm.s32 @!p0 $0x0  }
0x12: {  	s1 =	sld [smem:$0x3F92];
	s0 =	simm.s32 @p0 $0x1  }
0x13: {  	[smem:$0x3FAD] =	sst s0;
	s0 =	simm.s32 @!p1 $0x0  }
0x14: {  	s2 =	sld [smem:$0x3F91];
	s0 =	simm.s32 @p1 $0x1  }
0x15: {  	[smem:$0x3FAE] =	sst s0;
	s0 =	simm.s32 @!p2 $0x0  }
0x16: {  	s3 =	sld [smem:$0x3FDB];
	s0 =	simm.s32 @p2 $0x1  }
0x17: {  	s4 =	simm.s32 $0x1BF5;
	[smem:$0x3FB0] =	sst s0  }
0x18: {  	s0 =	sld [smem:$0x3F93];
	_ =	swait.ge [sflag:s4], $0x0  }
0x19: {  	s7 =	sld [smem:$0x3F94]  }
0x1a: {  	s8 =	sadd.s32 $0xFFFFE003, lr  }
0x1b: {  	s9 =	sadd.s32 $0xFFFFFEF7, lr;
	s5 =	simm.s32 $0xFFFFFFFF;
	p2 =	slt.u32 s8, $0xFFFFF086  }
0x1c: {  	p1 =	slt.u32 s9, $0xF7A;
	s5 =	simm.s32 @!p2 $0x0  }
0x1d: {  	s5 =	simm.s32 @p1 $0x1;
	p0 =	seq.s32 s7, s2  }
0x1e: {  	s7 =	smul.u32 @!p0 $0xF7A, s2;
	p2 =	seq.s32 @!p0 s5, $0x0  }
0x1f: {  	s9 =	smul.u32 $0xF7A, s1;
	s8 =	simm.s32 @!p0 $0x1BF5;
	p2 =	por !p2, p0  }
0x20: {  	[sflag:s8] =	ssyncset.s32 @!p0 $0xFFFFF086;
	s6 =	sadd.s32 @!p0 s3, s7;
	s7 =	simm.s32 @!p0 $0x108  }
0x21: {  	s3 =	sadd.s32 s3, s9;
	s6 =	sadd.s32 @!p0 $0x88, s6;
	s7 =	simm.s32 @p2 $0x1082  }
0x22: {  	[simem:s7], [sflag:s8] =	dma.local @!p0 [hbm:s6], $0xF7A  }
0x23: {  	s9 =	sor.u32 $0xD0000000, s2;
	s6 =	simm.s32 $0x108;
	_ =	swait.ge @!p0 [sflag:s8], $0x0  }
0x24: {  	s3 =	sadd.s32 $0x88, s3;
	s6 =	simm.s32 @!p1 $0x1082;
	[sflag:s4] =	ssyncset.s32 $0xFFFFF086  }
0x25: {  	[simem:s6], [sflag:s4] =	dma.local [hbm:s3], $0xF7A  }
0x26: {  	[smem:$0x3F94] =	sst s1;
	(tag) =	ssettag s2;
	_ =	strace s9  }
0x27: {  	s1 =	sld [smem:$0x3FA4]  }
0x28: {  	s2 =	sld [smem:$0x3FA5]  }
0x29: {  	s4 =	sld [smem:$0x3FA7]  }
0x2a: {  	p0 =	seq.s32 s5, $0x0;
	s5 =	sld [smem:$0x3FA8]  }
0x2b: {  	s6 =	sld [smem:$0x3FA9]  }
0x2c: {  	s7 =	sld [smem:$0x3FAA]  }
0x2d: {  	s3 =	simm.s32 $0x108;
	s8 =	sld [smem:$0x3FAB]  }
0x2e: {  	s3 =	simm.s32 @!p0 $0x1082;
	s9 =	sld [smem:$0x3FAC]  }
0x2f: {  	lr =	sadd.s32 s0, s3;
	s0 =	sld [smem:$0x3FA3]  }
0x30: {  	s3 =	sld [smem:$0x3FA6]  }
0x31: {  	[smem:$0x3FAF] =	sst s10  }
0x32: {  	s10 =	sld [smem:$0x3FAD];
	_ =	sdelay $0x3  }
0x33: {  	p0 =	seq.s32 s10, $0x1;
	s10 =	sld [smem:$0x3FAF];
	_ =	sdelay $0x3  }
0x34: {  	[smem:$0x3FAF] =	sst s10  }
0x35: {  	s10 =	sld [smem:$0x3FAE];
	_ =	sdelay $0x3  }
0x36: {  	p1 =	seq.s32 s10, $0x1;
	s10 =	sld [smem:$0x3FAF];
	_ =	sdelay $0x3  }
0x37: {  	[smem:$0x3FAF] =	sst s10  }
0x38: {  	s10 =	sld [smem:$0x3FB0]  }
0x39: {  	_ = 	snop;
	(pc) =	sbr.ind lr, $3  }
0x3a: {  	_ = 	snop  }
0x3b: {  	_ = 	snop  }
0x3c: {  	p2 =	seq.s32 s10, $0x1;
	s10 =	sld [smem:$0x3FAF]  }
0x3d: {  	_ =	shalt  }
0x3e: {  	_ =	shalt  }
0x3f: {  	_ =	shalt  }
0x40: {  	_ =	shalt  }
0x41: {  	_ =	shalt  }
0x42: {  	_ =	shalt  }
0x43: {  	_ =	shalt  }
0x44: {  	_ =	shalt  }
0x45: {  	_ =	shalt  }
0x46: {  	_ =	shalt  }
0x47: {  	_ =	shalt  }
0x48: {  	_ =	shalt  }
0x49: {  	_ =	shalt  }
0x4a: {  	_ =	shalt  }
0x4b: {  	_ =	shalt  }
0x4c: {  	_ =	shalt  }
0x4d: {  	_ =	shalt  }
0x4e: {  	_ =	shalt  }
0x4f: {  	_ =	shalt  }
0x50: {  	_ =	shalt  }
0x51: {  	_ =	shalt  }
0x52: {  	_ =	shalt  }
0x53: {  	_ =	shalt  }
0x54: {  	_ =	shalt  }
0x55: {  	_ =	shalt  }
0x56: {  	_ =	shalt  }
0x57: {  	_ =	shalt  }
0x58: {  	_ =	shalt  }
0x59: {  	_ =	shalt  }
0x5a: {  	_ =	shalt  }
0x5b: {  	_ =	shalt  }
0x5c: {  	_ =	shalt  }
0x5d: {  	_ =	shalt  }
0x5e: {  	_ =	shalt  }
0x5f: {  	_ =	shalt  }
0x60: {  	_ =	shalt  }
0x61: {  	_ =	shalt  }
0x62: {  	_ =	shalt  }
0x63: {  	_ =	shalt  }
0x64: {  	_ =	shalt  }
0x65: {  	_ =	shalt  }
0x66: {  	_ =	shalt  }
0x67: {  	_ =	shalt  }
0x68: {  	_ =	shalt  }
0x69: {  	_ =	shalt  }
0x6a: {  	_ =	shalt  }
0x6b: {  	_ =	shalt  }
0x6c: {  	_ =	shalt  }
0x6d: {  	_ =	shalt  }
0x6e: {  	_ =	shalt  }
0x6f: {  	_ =	shalt  }
0x70: {  	_ =	shalt  }
0x71: {  	_ =	shalt  }
0x72: {  	_ =	shalt  }
0x73: {  	_ =	shalt  }
0x74: {  	_ =	shalt  }
0x75: {  	_ =	shalt  }
0x76: {  	_ =	shalt  }
0x77: {  	_ =	shalt  }
0x78: {  	_ =	shalt  }
0x79: {  	_ =	shalt  }
0x7a: {  	_ =	shalt  }
0x7b: {  	_ =	shalt  }
0x7c: {  	_ =	shalt  }
0x7d: {  	_ =	shalt  }
0x7e: {  	_ =	shalt  }
0x7f: {  	_ =	shalt  }
0x80: {  	_ =	shalt  }
0x81: {  	_ =	shalt  }
0x82: {  	_ =	shalt  }
0x83: {  	_ =	shalt  }
0x84: {  	_ =	shalt  }
0x85: {  	_ =	shalt  }
0x86: {  	_ =	shalt  }
0x87: {  	_ =	shalt  }
.Lfunc_end0:
.L_simem_size_0:
called_computation.1_lowered:
.L_overlay_start_0:
0x88: {  	s2 =	sld [smem:$0x3FD9]  }
0x89: {  	s3 =	sld [smem:$0x3FFE];
	_ =	sdelay $0x1  }
0x8a: {  	s1 =	srdreg.scid  }
0x8b: {  	s0 =	sand.u32 $0x1, s1  }
0x8c: {  	s17 =	sshll.u32 s0, $0xA;
	s2 =	sadd.s32 s3, s2  }
0x8d: {  	s2 =	sadd.s32 s2, s17  }
0x8e: {  	[smem:$0x3FBB] =	sst s2  }
0x8f: {  	_ = 	snop  }
0x90: {  	s18 =	sld [smem:$0x3FD0];
	(tm) =	ssettm $0x1  }
0x91: {  	s19 =	sld [smem:$0x3FFB];
	_ =	sdelay $0x3  }
0x92: {  	_ =	strace s19  }
0x93: {  	s2 =	sld [smem:$0x3FFC];
	_ =	sdelay $0x3  }
0x94: {  	_ =	strace s2  }
0x95: {  	s2 =	sld [smem:$0x3FFD];
	_ =	sdelay $0x3  }
0x96: {  	_ =	strace s2  }
0x97: {  	_ =	strace $0x8FFFFFFF  }
0x98: {  	s20 =	sld [smem:$0x3FDB];
	_ =	sdelay $0x1  }
0x99: {  	s4 =	simm.s32 $_scs_section_size  }
0x9a: {  	s5 =	simm.s32 $_size__tile_overlayer_lowered;
	s6 =	simm.s32 $_tile_overlayer_lowered  }
0x9b: {  	s7 =	simm.s32 $0x1BFF;
	s21 =	sshll.u32 s6, $0x1;
	s4 =	sadd.s32 s4, s20  }
0x9c: {  	s22 =	simm.s32 $0x0;
	s5 =	sshll.u32 s5, $0x1;
	s6 =	sadd.s32 s21, s4  }
0x9d: {  	[timem:s22], [sflag:s7] =	dma.local [hbm:s6], s5  }
0x9e: {  	_ =	swait.ge [sflag:s7], s5  }
0x9f: {  	s5 =	ssub.s32 $0x0, s5;
	[sflag:s7] =	ssyncset.done $0x0  }
0xa0: {  	[sflag:s7] =	ssyncadd.s32 s5;
	_ =	sdelay $0x1  }
0xa1: {  	s23 =	simm.s32 $0x1B8B  }
0xa2: {  	_ =	swait.ge [sflag:s23], $0x1  }
0xa3: {  	[sflag:s23] =	ssyncset.done $0x0  }
0xa4: {  	[sflag:s23] =	ssyncadd.s32 $0xFFFFFFFF  }
0xa5: {  	s5 =	sld [smem:$0x0]  }
0xa6: {  	s6 =	sand.u32 $0xFFFFFFFE, s1  }
0xa7: {  	p0 =	sne.s32 s1, s6  }
0xa8: {  	s6 =	sshll.u32 @p0 s6, $0xE  }
0xa9: {  	s6 =	sadd.s32 @p0 $0x11B8D, s6;
	s7 =	sshll.u32 @p0 s5, $0x11  }
0xaa: {  	s6 =	sor.u32 @p0 s7, s6  }
0xab: {  	[sflag:s6] =	ssyncadd.remote.s32 @p0 $0x1;
	_ =	sdelay $0x1  }
0xac: {  	s6 =	simm.s32 @p0 $0x1B8D  }
0xad: {  	_ =	swait.eq @p0 [sflag:s6], $0x1  }
0xae: {  	[sflag:s6] =	ssyncadd.s32 @p0 $0xFFFFFFFF  }
0xaf: {  	s7 =	sshll.u32 @!p0 s1, $0xE  }
0xb0: {  	s7 =	sor.u32 @!p0 $0x4000, s7;
	s6 =	simm.s32 @!p0 $0x1B8D  }
0xb1: {  	s5 =	sshll.u32 @!p0 s5, $0x11;
	s7 =	sadd.s32 @!p0 $0x11B8D, s7;
	_ =	swait.eq @!p0 [sflag:s6], $0x1  }
0xb2: {  	s5 =	sor.u32 @!p0 s5, s7;
	[sflag:s6] =	ssyncadd.s32 @!p0 $0xFFFFFFFF  }
0xb3: {  	s25 =	simm.s32 $0x1B8E;
	s24 =	sld [smem:$0x3FFE];
	[sflag:s5] =	ssyncadd.remote.s32 @!p0 $0x1  }
0xb4: {  	s26 =	simm.s32 $execute0_lowered;
	[smem:$0x3FD2] =	sst s25  }
0xb5: {  	s6 =	sshll.u32 s26, $0x1;
	_ =	strace $0x8000004C;
	[dreg:$0x1] =	wrdreg $0xFFFFFFFF  }
0xb6: {  	s28 =	simm.s32 $_size_execute0_lowered;
	s4 =	sadd.s32 s4, s6;
	[dreg:$0x0] =	wrdreg $0x0  }
0xb7: {  	s6 =	sshll.u32 s28, $0x1;
	[dreg:$0x2] =	wrdreg s4  }
0xb8: {  	[dreg:$0x3] =	wrdreg s6  }
0xb9: {  	[dreg:$0x4] =	wrdreg $0xC0  }
0xba: {  	_ =	task [dreg:s22], $0x5FFFF  }
0xbb: {  	[dreg:$0x1] =	wrdreg $0xFFFFFFFF  }
0xbc: {  	[dreg:$0x0] =	wrdreg $0x60  }
0xbd: {  	[dreg:$0x2] =	wrdreg s18  }
0xbe: {  	[dreg:$0x3] =	wrdreg s24  }
0xbf: {  	[dreg:$0x4] =	wrdreg $0x7A000  }
0xc0: {  	[dreg:$0x5] =	wrdreg $0xA  }
0xc1: {  	_ =	task.clear_ibuf [dreg:s22], $0x6FFFF;
	_ =	strace $0x9000004C  }
0xc2: {  	s29 =	simm.s32 $0xA;
	_ =	strace $0x8000004E  }
0xc3: {  	_ =	swait.ge [sflag:s29], $0x1  }
0xc4: {  	[sflag:s29] =	ssyncadd.s32 $0xFFFFFFFF  }
0xc5: {  	_ =	strace $0x9000004E  }
0xc6: {  	_ =	sfence  }
0xc7: {  	s30 =	sld [smem:$0x0];
	_ =	sdelay $0x2  }
0xc8: {  	s31 =	sshll.u32 s1, $0xD;
	s1 =	sshrl.u32 s1, $0x2  }
0xc9: {  	s4 =	sand.u32 $0x4000, s31;
	s1 =	sadd.s32 s1, s30  }
0xca: {  	s0 =	sor.u32 s4, s0;
	s1 =	sshll.u32 s1, $0x11  }
0xcb: {  	s0 =	sor.u32 s1, s0  }
0xcc: {  	s0 =	sadd.s32 $0x8F2B, s0  }
0xcd: {  	[sflag:s0] =	ssyncadd.remote.s32 $0x1  }
0xce: {  	_ =	sfence.sel $0xFFFF  }
0xcf: {  	[dreg:$0x0] =	wrdreg $0xFFFFFFFF;
	(pc) =	sbr.abs _section_cstart, $3  }
0xd0: {  	[dreg:$0x1] =	wrdreg $0xFFFFFFFF  }
0xd1: {  	_ =	task.clear_ibuf [dreg:s22], $0x2FFFF;
	_ =	strace $0x9FFFFFFF  }
0xd2: {  	(tm) =	ssettm $0x7FFFFFFF  }
0xd3: {  	_ =	shalt  }
tec
execute0_lowered:
.L_overlay_start_1:
0x0: {  	(tag) =	ssettag $0x1  }
0x1: {  	s1 =	rddreg [dreg:$0x0]  }
0x2: {  	s0 =	rddreg [dreg:$0x1]  }
0x3: {  	s3 =	rddreg [dreg:$0x2]  }
0x4: {  	s4 =	simm.s32 $0x0;
	s5 =	srdreg.scid;
	s2 =	stileid.u32  }
0x5: {  	s28 =	simm.s32 $0x180;
	s29 =	simm.s32 $0x2;
	s31 =	simm.s32 $0x1600  }
0x6: {  	s18 =	simm.s32 $0x0;
	[smem:$0x7FF] =	sst s4;
	s9 =	sand.u32 $0x1, s5  }
0x7: {  	s19 =	sshll.u32 s2, $0x1;
	s5 =	sadd.s32 $0x4B1800, s0;
	s24 =	smul.u32 $0x5000, s2  }
0x8: {  	s7 =	sadd.s32 $0xBE00, s0;
	s8 =	sadd.s32 $0x2000, s0;
	s30 =	smul.u32 $0x280, s2  }
0x9: {  	s10 =	smul.u32 $0x27100, s9;
	s11 =	sor.u32 s9, s19;
	s12 =	ssub.s32 $0x2, s9  }
0xa: {  	_ =	strace $0x8000004D;
	s6 =	smul.u32 $0xFA0, s11;
	s20 =	sshrl.u32 s12, $0x1  }
0xb: {  	s11 =	smul.u32 $0xFA00, s11;
	s26 =	sshrl.u32 s24, $0x2;
	[dreg:$0xa] =	wrdreg s30  }
0xc: {  	s24 =	simm.s32 $0x5;
	s0 =	sadd.s32 s10, s0;
	s10 =	ssub.s32 s12, s20  }
0xd: {  	s9 =	sadd.s32 $0xFA00, s6;
	s22 =	sadd.s32 $0xFA28, s6;
	s11 =	sadd.s32 s5, s11  }
0xe: {  	s15 =	sadd.s32 $0x28, s6;
	s16 =	sadd.s32 $0xFA78, s6;
	s17 =	sadd.s32 $0x15C00, s0  }
0xf: {  	s10 =	smax.u32 s10, $0x1;
	s21 =	sshrl.u32 s9, $0x3;
	[dreg:$0x6] =	wrdreg s11  }
0x10: {  	s0 =	simm.s32 $0x3;
	[dreg:$0x9] =	wrdreg s10;
	s13 =	sadd.s32 s7, s21  }
0x11: {  	s23 =	sshrl.u32 s22, $0x3;
	s12 =	sadd.s32 s8, s21;
	[dreg:$0x4] =	wrdreg s13  }
0x12: {  	s10 =	simm.s32 $0x7;
	s25 =	sadd.s32 s7, s23;
	[dreg:$0x5] =	wrdreg s12  }
0x13: {  	s11 =	sadd.s32 s8, s23;
	s21 =	simm.s32 $0x100;
	[dreg:$0x7] =	wrdreg s25  }
0x14: {  	s23 =	simm.s32 $0x28;
	[dreg:$0x8] =	wrdreg s11;
	s25 =	sadd.s32 s26, s3  }
0x15: {  	v0 =	vimm.f32 $0.0e+00;
	s26 =	simm.s32 $0x80;
	s11 =	simm.s32 $0x4;
	s12 =	simm.s32 $0x6  }
.LBB2_1:
0x16: {  	[dreg:$0xb] =	wrdreg s18;
	s14 =	simm.s32 $0x0;
	s18 =	simm.s32 $0x200  }
.LBB2_2:
0x17: {  	p0 =	sne.s32 s18, $0x4E00;
	[tilespmem:s14+$0x5270] =	vst v0  }
0x18: {  	[tilespmem:s14+$0x5200] =	vst v0  }
0x19: {  	[tilespmem:s14+$0x5210] =	vst v0  }
.Ltmp0:
0x1a: {  	[tilespmem:s14+$0x5220] =	vst v0;
	(pc) =	sbr.rel @p0 .LBB2_2-.Ltmp0, $4  }
0x1b: {  	[tilespmem:s14+$0x5230] =	vst v0  }
0x1c: {  	[tilespmem:s14+$0x5240] =	vst v0  }
0x1d: {  	[tilespmem:s14+$0x5250] =	vst v0  }
0x1e: {  	[tilespmem:s14+$0x5260] =	vst v0;
	s14 =	sshra.s32 s18, $0x2;
	s18 =	sadd.s32 $0x200, s18  }
0x1f: {  	[tilespmem:s14+$0x5270] =	vst v0  }
0x20: {  	[tilespmem:s14+$0x5200] =	vst v0  }
0x21: {  	[tilespmem:s14+$0x5210] =	vst v0  }
0x22: {  	[tilespmem:s14+$0x5220] =	vst v0  }
0x23: {  	[tilespmem:s14+$0x5230] =	vst v0  }
0x24: {  	[tilespmem:s14+$0x5240] =	vst v0;
	s18 =	sadd.s32 $0x0, s2  }
0x25: {  	[tilespmem:s14+$0x5250] =	vst v0;
	p0 =	sgt.u32 s18, $0xF9  }
0x26: {  	[tilespmem:s14+$0x5260] =	vst v0;
	s14 =	simm.s32 @!p0 $0x5200;
	s20 =	simm.s32 @!p0 $0x7  }
0x27: {  	[spmem:s25] =	stream.linear.scatter @!p0 [tilespmem:s14], [sflag:$0x7], $0x1400, $0x38;
	[tilespmem:$0x1B280] =	vst v63  }
0x28: {  	s19 =	simm.s32 $0x20;
	_ =	swait.ge @!p0 [sflag:s20], $0x1400  }
0x29: {  	s18 =	simm.s32 $0x10;
	s14 =	sadd.s32 $0x14000, s25;
	[sflag:s20] =	ssyncset.done @!p0 $0x0  }
.LBB2_4:
0x2a: {  	s22 =	sadd.s32 s18, s2;
	s18 =	smov.u32 s19;
	s19 =	sadd.s32 $0x10, s19  }
0x2b: {  	[sflag:s20] =	ssyncadd.s32 @!p0 $0xFFFFEC00;
	p1 =	sne.s32 s19, $0x100  }
.Ltmp1:
0x2c: {  	p0 =	sgt.u32 s22, $0xF9;
	(pc) =	sbr.rel @p1 .LBB2_4-.Ltmp1, $4  }
0x2d: {  	s22 =	simm.s32 @!p0 $0x5200;
	s20 =	simm.s32 @!p0 $0x7  }
0x2e: {  	[spmem:s14] =	stream.linear.scatter @!p0 [tilespmem:s22], [sflag:$0x7], $0x1400, $0x38;
	[tilespmem:$0x1B280] =	vst v63  }
0x2f: {  	_ =	swait.ge @!p0 [sflag:s20], $0x1400  }
0x30: {  	s14 =	sadd.s32 $0x14000, s14;
	[sflag:s20] =	ssyncset.done @!p0 $0x0  }
0x31: {  	s18 =	sadd.s32 s18, s2  }
0x32: {  	p1 =	sgt.u32 s18, $0xF9  }
0x33: {  	[sflag:s20] =	ssyncadd.s32 @!p0 $0xFFFFEC00;
	s18 =	simm.s32 @!p1 $0x5200;
	s19 =	simm.s32 @!p1 $0x7  }
0x34: {  	[spmem:s14] =	stream.linear.scatter @!p1 [tilespmem:s18], [sflag:$0x7], $0x1400, $0x38;
	[tilespmem:$0x1B280] =	vst v63  }
0x35: {  	_ =	swait.ge @!p1 [sflag:s19], $0x1400  }
0x36: {  	[sflag:s19] =	ssyncset.done @!p1 $0x0  }
0x37: {  	[sflag:s19] =	ssyncadd.s32 @!p1 $0xFFFFEC00  }
0x38: {  	[bflag:$0x0] =	sbarrier.arrive $0xFFFF  }
0x39: {  	s18 =	simm.s32 $0x0;
	s30 =	rddreg [dreg:$0x4]  }
0x3a: {  	[tilespmem:s18], [sflag:$0x1] =	stream.linear.gather [hbm4b:s30+s18], $0x28, $0x38;
	[tilespmem:$0x1B280] =	vst v63  }
0x3b: {  	s13 =	rddreg [dreg:$0x5]  }
0x3c: {  	[tilespmem:s21], [sflag:$0x1] =	stream.linear.gather [hbm4b:s13+s18], $0x28, $0x38;
	[tilespmem:$0x1B280] =	vst v63  }
0x3d: {  	s13 =	simm.s32 $0x1  }
0x3e: {  	_ =	swait.ge [sflag:s13], $0x28  }
0x3f: {  	[sflag:s13] =	ssyncset.done $0x0  }
0x40: {  	[sflag:s13] =	ssyncadd.s32 $0xFFFFFFD8  }
0x41: {  	_ =	swait.ge [sflag:s13], $0x28  }
0x42: {  	[sflag:s13] =	ssyncset.done $0x0  }
0x43: {  	s14 =	simm.s32 $0x200;
	[sflag:s13] =	ssyncadd.s32 $0xFFFFFFD8  }
0x44: {  	[tilespmem:s14], [sflag:$0x3] =	stream.indirect.gather [hbm4b:s1+s23], $0x80, s18, s23, $0xb8;
	[tilespmem:$0x1B280] =	vst v63  }
0x45: {  	s20 =	simm.s32 $0x2A00;
	s19 =	rddreg [dreg:$0x6]  }
0x46: {  	[tilespmem:s20], [sflag:$0x5] =	stream.linear.gather [hbm4b:s19+s18], $0x1400, $0x38;
	[tilespmem:$0x1B280] =	vst v63  }
0x47: {  	s22 =	rddreg [dreg:$0x7]  }
0x48: {  	[tilespmem:s26], [sflag:$0x2] =	stream.linear.gather [hbm4b:s22+s18], $0x28, $0x38;
	[tilespmem:$0x1B280] =	vst v63  }
0x49: {  	s30 =	rddreg [dreg:$0x8];
	s13 =	simm.s32 $0x3E00  }
0x4a: {  	[tilespmem:s28], [sflag:$0x2] =	stream.linear.gather [hbm4b:s30+s18], $0x28, $0x38;
	[tilespmem:$0x1B280] =	vst v63  }
.LBB2_6:
0x4b: {  	_ =	swait.ge [sflag:s29], $0x28  }
0x4c: {  	[sflag:s29] =	ssyncset.done $0x0  }
0x4d: {  	s20 =	smul.u32 $0x50, s18;
	[sflag:s29] =	ssyncadd.s32 $0xFFFFFFD8  }
0x4e: {  	_ =	swait.ge [sflag:s29], $0x28  }
0x4f: {  	s14 =	sadd.s32 s20, s15;
	[sflag:s29] =	ssyncset.done $0x0  }
0x50: {  	s14 =	sshll.u32 s14, $0x4;
	[sflag:s29] =	ssyncadd.s32 $0xFFFFFFD8  }
0x51: {  	[tilespmem:s31], [sflag:$0x4] =	stream.indirect.gather [hbm4b:s1+s23], $0x80, s26, s23, $0xb8;
	[tilespmem:$0x1B280] =	vst v63  }
0x52: {  	s14 =	sadd.s32 s5, s14  }
0x53: {  	[tilespmem:s13], [sflag:$0x6] =	stream.linear.gather [hbm4b:s14+s4], $0x1400, $0x38;
	[tilespmem:$0x1B280] =	vst v63  }
0x54: {  	_ =	swait.ge [sflag:s0], $0x1400  }
0x55: {  	[sflag:s0] =	ssyncset.done $0x0  }
0x56: {  	[sflag:s0] =	ssyncadd.s32 $0xFFFFEC00  }
0x57: {  	_ =	swait.ge [sflag:s24], $0x1400  }
0x58: {  	[sflag:s24] =	ssyncset.done $0x0  }
0x59: {  	s22 =	simm.s32 $0xF0;
	[sflag:s24] =	ssyncadd.s32 $0xFFFFEC00  }
0x5a: {  	v1 =	vld [tilespmem:s22+$0x200]  }
0x5b: {  	v2 =	vld [tilespmem:s22+$0x2A00]  }
0x5c: {  	v3 =	vld [tilespmem:s22+$0x110]  }
0x5d: {  	v4 =	vld [tilespmem:s22+$0x2910]  }
0x5e: {  	v5 =	vld [tilespmem:s22+$0x120]  }
0x5f: {  	v6 =	vld [tilespmem:s22+$0x2920]  }
0x60: {  	v7 =	vld [tilespmem:s22+$0x130]  }
0x61: {  	v8 =	vld [tilespmem:s22+$0x140]  }
0x62: {  	v1 =	vmul.f32 v2, v1;
	v2 =	vld [tilespmem:s22+$0x2930]  }
0x63: {  	v3 =	vmul.f32 v4, v3;
	v4 =	vld [tilespmem:s22+$0x150]  }
0x64: {  	[tilespmem:s22+$0x5200] =	vst v1;
	v1 =	vld [tilespmem:s22+$0x2940]  }
0x65: {  	[tilespmem:s22+$0x5110] =	vst v3;
	v3 =	vmul.f32 v6, v5;
	v5 =	vld [tilespmem:s22+$0x2950]  }
0x66: {  	v6 =	vld [tilespmem:s22+$0x2960]  }
0x67: {  	[tilespmem:s22+$0x5120] =	vst v3;
	v3 =	vld [tilespmem:s22+$0x160];
	v2 =	vmul.f32 v2, v7  }
0x68: {  	v7 =	vld [tilespmem:s22+$0x2970]  }
0x69: {  	[tilespmem:s22+$0x5130] =	vst v2;
	v1 =	vmul.f32 v1, v8;
	v2 =	vld [tilespmem:s22+$0x170]  }
0x6a: {  	v8 =	vld [tilespmem:s22+$0x29C0]  }
0x6b: {  	[tilespmem:s22+$0x5140] =	vst v1;
	v1 =	vmul.f32 v5, v4;
	v4 =	vld [tilespmem:s22+$0x180]  }
0x6c: {  	v5 =	vld [tilespmem:s22+$0x2980]  }
0x6d: {  	[tilespmem:s22+$0x5150] =	vst v1;
	v1 =	vmul.f32 v6, v3;
	v3 =	vld [tilespmem:s22+$0x190]  }
0x6e: {  	v6 =	vld [tilespmem:s22+$0x2990]  }
0x6f: {  	[tilespmem:s22+$0x5160] =	vst v1;
	v1 =	vmul.f32 v7, v2;
	v2 =	vld [tilespmem:s22+$0x1A0]  }
0x70: {  	v7 =	vld [tilespmem:s22+$0x29A0]  }
0x71: {  	[tilespmem:s22+$0x5170] =	vst v1;
	v1 =	vmul.f32 v5, v4;
	v4 =	vld [tilespmem:s22+$0x1B0]  }
0x72: {  	v5 =	vld [tilespmem:s22+$0x29B0]  }
0x73: {  	[tilespmem:s22+$0x5180] =	vst v1;
	v1 =	vmul.f32 v6, v3;
	v6 =	vld [tilespmem:s22+$0x1C0]  }
0x74: {  	v9 =	vld [tilespmem:s22+$0x29D0]  }
0x75: {  	[tilespmem:s22+$0x5190] =	vst v1;
	v1 =	vmul.f32 v7, v2;
	v7 =	vld [tilespmem:s22+$0x1D0]  }
0x76: {  	v3 =	vld [tilespmem:s22+$0x1E0]  }
0x77: {  	[tilespmem:s22+$0x51A0] =	vst v1;
	v1 =	vmul.f32 v5, v4;
	v4 =	vld [tilespmem:s22+$0x29E0]  }
0x78: {  	v5 =	vld [tilespmem:s22+$0x29F0];
	v6 =	vmul.f32 v8, v6  }
0x79: {  	s14 =	simm.s32 $0x1F0;
	[tilespmem:s22+$0x51B0] =	vst v1;
	v1 =	vld [tilespmem:s22+$0x1F0]  }
0x7a: {  	s19 =	simm.s32 $0xBC0;
	v2 =	vld [tilespmem:s14+$0x200];
	[tilespmem:s22+$0x51C0] =	vst v6;
	v6 =	vmul.f32 v9, v7  }
.LBB2_7:
0x7b: {  	p0 =	sne.s32 s19, $0x4FC0;
	v7 =	vld [tilespmem:s14+$0x2A00]  }
0x7c: {  	v8 =	vld [tilespmem:s14+$0x110];
	[tilespmem:s22+$0x51D0] =	vst v6;
	v3 =	vmul.f32 v4, v3  }
0x7d: {  	v4 =	vld [tilespmem:s14+$0x2910]  }
0x7e: {  	v6 =	vld [tilespmem:s14+$0x120];
	[tilespmem:s22+$0x51E0] =	vst v3;
	v1 =	vmul.f32 v5, v1  }
0x7f: {  	v3 =	vld [tilespmem:s14+$0x2920]  }
0x80: {  	v5 =	vld [tilespmem:s14+$0x130];
	v2 =	vmul.f32 v7, v2;
	[tilespmem:s22+$0x51F0] =	vst v1;
	s22 =	smov.u32 s14  }
0x81: {  	v1 =	vld [tilespmem:s22+$0x2930]  }
0x82: {  	v4 =	vmul.f32 v4, v8;
	v7 =	vld [tilespmem:s22+$0x140];
	[tilespmem:s22+$0x5200] =	vst v2  }
0x83: {  	v2 =	vld [tilespmem:s22+$0x2940]  }
0x84: {  	[tilespmem:s22+$0x5110] =	vst v4;
	v3 =	vmul.f32 v3, v6;
	v4 =	vld [tilespmem:s22+$0x150]  }
0x85: {  	v6 =	vld [tilespmem:s22+$0x2950]  }
0x86: {  	[tilespmem:s22+$0x5120] =	vst v3;
	v1 =	vmul.f32 v1, v5;
	v3 =	vld [tilespmem:s22+$0x160]  }
0x87: {  	v5 =	vld [tilespmem:s22+$0x2960]  }
0x88: {  	[tilespmem:s22+$0x5130] =	vst v1;
	v1 =	vmul.f32 v2, v7;
	v2 =	vld [tilespmem:s22+$0x170]  }
0x89: {  	v7 =	vld [tilespmem:s22+$0x2970]  }
0x8a: {  	[tilespmem:s22+$0x5140] =	vst v1;
	v1 =	vmul.f32 v6, v4;
	v4 =	vld [tilespmem:s22+$0x180]  }
0x8b: {  	v6 =	vld [tilespmem:s22+$0x2980]  }
0x8c: {  	[tilespmem:s22+$0x5150] =	vst v1;
	v1 =	vmul.f32 v5, v3;
	v3 =	vld [tilespmem:s22+$0x190]  }
0x8d: {  	v5 =	vld [tilespmem:s22+$0x2990]  }
0x8e: {  	[tilespmem:s22+$0x5160] =	vst v1;
	v1 =	vmul.f32 v7, v2;
	v2 =	vld [tilespmem:s22+$0x1A0]  }
0x8f: {  	v7 =	vld [tilespmem:s22+$0x29A0]  }
0x90: {  	[tilespmem:s22+$0x5170] =	vst v1;
	v1 =	vmul.f32 v6, v4;
	v4 =	vld [tilespmem:s22+$0x1B0]  }
0x91: {  	v6 =	vld [tilespmem:s22+$0x29B0]  }
0x92: {  	[tilespmem:s22+$0x5180] =	vst v1;
	v1 =	vmul.f32 v5, v3;
	v5 =	vld [tilespmem:s22+$0x1C0]  }
0x93: {  	v8 =	vld [tilespmem:s22+$0x29C0]  }
0x94: {  	[tilespmem:s22+$0x5190] =	vst v1;
	v1 =	vmul.f32 v7, v2;
	v7 =	vld [tilespmem:s22+$0x1D0]  }
0x95: {  	v9 =	vld [tilespmem:s22+$0x29D0]  }
.Ltmp2:
0x96: {  	[tilespmem:s22+$0x51A0] =	vst v1;
	v1 =	vmul.f32 v6, v4;
	v3 =	vld [tilespmem:s22+$0x1E0];
	(pc) =	sbr.rel @p0 .LBB2_7-.Ltmp2, $4  }
0x97: {  	v4 =	vld [tilespmem:s22+$0x29E0]  }
0x98: {  	[tilespmem:s22+$0x51B0] =	vst v1;
	v6 =	vmul.f32 v8, v5;
	v1 =	vld [tilespmem:s22+$0x1F0]  }
0x99: {  	s14 =	sshra.s32 s19, $0x2;
	v5 =	vld [tilespmem:s22+$0x29F0]  }
0x9a: {  	s19 =	sadd.s32 $0x400, s19;
	v2 =	vld [tilespmem:s14+$0x200];
	[tilespmem:s22+$0x51C0] =	vst v6;
	v6 =	vmul.f32 v9, v7  }
0x9b: {  	v7 =	vld [tilespmem:s14+$0x2A00]  }
0x9c: {  	v8 =	vld [tilespmem:s14+$0x110];
	[tilespmem:s22+$0x51D0] =	vst v6;
	v3 =	vmul.f32 v4, v3  }
0x9d: {  	v4 =	vld [tilespmem:s14+$0x2910]  }
0x9e: {  	v6 =	vld [tilespmem:s14+$0x120];
	[tilespmem:s22+$0x51E0] =	vst v3;
	v1 =	vmul.f32 v5, v1  }
0x9f: {  	v3 =	vld [tilespmem:s14+$0x2920]  }
0xa0: {  	v5 =	vld [tilespmem:s14+$0x130];
	[tilespmem:s22+$0x51F0] =	vst v1  }
0xa1: {  	v1 =	vmul.f32 v7, v2;
	v2 =	vld [tilespmem:s14+$0x2930]  }
0xa2: {  	v7 =	vld [tilespmem:s14+$0x140]  }
0xa3: {  	v4 =	vmul.f32 v4, v8;
	[tilespmem:s14+$0x5200] =	vst v1;
	v1 =	vld [tilespmem:s14+$0x2940]  }
0xa4: {  	v8 =	vld [tilespmem:s14+$0x29F0]  }
0xa5: {  	[tilespmem:s14+$0x5110] =	vst v4;
	v3 =	vmul.f32 v3, v6;
	v4 =	vld [tilespmem:s14+$0x150]  }
0xa6: {  	v6 =	vld [tilespmem:s14+$0x2950]  }
0xa7: {  	[tilespmem:s14+$0x5120] =	vst v3;
	v3 =	vld [tilespmem:s14+$0x160]  }
0xa8: {  	v2 =	vmul.f32 v2, v5;
	v5 =	vld [tilespmem:s14+$0x2960]  }
0xa9: {  	v1 =	vmul.f32 v1, v7;
	v7 =	vld [tilespmem:s14+$0x2970]  }
0xaa: {  	[tilespmem:s14+$0x5130] =	vst v2;
	v2 =	vld [tilespmem:s14+$0x170]  }
0xab: {  	[tilespmem:s14+$0x5140] =	vst v1;
	v1 =	vmul.f32 v6, v4;
	v4 =	vld [tilespmem:s14+$0x180]  }
0xac: {  	v6 =	vld [tilespmem:s14+$0x2980]  }
0xad: {  	[tilespmem:s14+$0x5150] =	vst v1;
	v1 =	vmul.f32 v5, v3;
	v3 =	vld [tilespmem:s14+$0x190]  }
0xae: {  	v5 =	vld [tilespmem:s14+$0x2990]  }
0xaf: {  	[tilespmem:s14+$0x5160] =	vst v1;
	v1 =	vmul.f32 v7, v2;
	v2 =	vld [tilespmem:s14+$0x1A0]  }
0xb0: {  	v7 =	vld [tilespmem:s14+$0x29A0]  }
0xb1: {  	[tilespmem:s14+$0x5170] =	vst v1;
	v1 =	vmul.f32 v6, v4;
	v4 =	vld [tilespmem:s14+$0x1B0]  }
0xb2: {  	v6 =	vld [tilespmem:s14+$0x29B0]  }
0xb3: {  	[tilespmem:s14+$0x5180] =	vst v1;
	v1 =	vmul.f32 v5, v3;
	v3 =	vld [tilespmem:s14+$0x1C0]  }
0xb4: {  	v5 =	vld [tilespmem:s14+$0x29C0]  }
0xb5: {  	[tilespmem:s14+$0x5190] =	vst v1;
	v1 =	vmul.f32 v7, v2;
	v2 =	vld [tilespmem:s14+$0x1D0]  }
0xb6: {  	v7 =	vld [tilespmem:s14+$0x29D0]  }
0xb7: {  	[tilespmem:s14+$0x51A0] =	vst v1;
	v1 =	vmul.f32 v6, v4;
	v4 =	vld [tilespmem:s14+$0x1E0]  }
0xb8: {  	v6 =	vld [tilespmem:s14+$0x29E0]  }
0xb9: {  	[tilespmem:s14+$0x51B0] =	vst v1;
	v1 =	vld [tilespmem:s14+$0x1F0];
	_ =	sdelay $0x1  }
0xba: {  	v3 =	vmul.f32 v5, v3  }
0xbb: {  	v2 =	vmul.f32 v7, v2  }
0xbc: {  	[tilespmem:s14+$0x51C0] =	vst v3;
	v3 =	vmul.f32 v6, v4  }
0xbd: {  	[tilespmem:s14+$0x51D0] =	vst v2;
	v1 =	vmul.f32 v8, v1  }
0xbe: {  	p0 =	seq.s32 s18, $0x31;
	[tilespmem:s14+$0x51E0] =	vst v3  }
0xbf: {  	s30 =	simm.s32 $0x5200;
	[tilespmem:s14+$0x51F0] =	vst v1;
	s14 =	sadd.s32 @!p0 $0x50, s20  }
0xc0: {  	[spmem:s3] =	stream.indirect.scatter.add.f32 [tilespmem:s30], [sflag:$0x7], $0x80, s21, s23, $0xb8;
	[tilespmem:$0x1B280] =	vst v63  }
0xc1: {  	s19 =	sadd.s32 @!p0 s9, s14;
	_ =	swait.ge [sflag:s10], $0x1400  }
0xc2: {  	s19 =	sshrl.u32 @!p0 s19, $0x3;
	[sflag:s10] =	ssyncset.done $0x0  }
0xc3: {  	s30 =	simm.s32 @!p0 $0x0;
	s22 =	sadd.s32 @!p0 s7, s19;
	[sflag:s10] =	ssyncadd.s32 $0xFFFFEC00  }
0xc4: {  	[tilespmem:s30], [sflag:$0x1] =	stream.linear.gather @!p0 [hbm4b:s22+s30], $0x28, $0x38;
	[tilespmem:$0x1B280] =	vst v63  }
0xc5: {  	s19 =	sadd.s32 @!p0 s8, s19;
	s22 =	simm.s32 @!p0 $0x100  }
0xc6: {  	[tilespmem:s22], [sflag:$0x1] =	stream.linear.gather @!p0 [hbm4b:s19+s30], $0x28, $0x38;
	[tilespmem:$0x1B280] =	vst v63  }
0xc7: {  	s19 =	simm.s32 @!p0 $0x1  }
0xc8: {  	_ =	swait.ge @!p0 [sflag:s19], $0x28  }
0xc9: {  	[sflag:s19] =	ssyncset.done @!p0 $0x0  }
0xca: {  	[sflag:s19] =	ssyncadd.s32 @!p0 $0xFFFFFFD8  }
0xcb: {  	s14 =	sadd.s32 @!p0 s6, s14;
	_ =	swait.ge @!p0 [sflag:s19], $0x28  }
0xcc: {  	s14 =	sshll.u32 @!p0 s14, $0x4;
	[sflag:s19] =	ssyncset.done @!p0 $0x0  }
0xcd: {  	s22 =	simm.s32 @!p0 $0x200;
	[sflag:s19] =	ssyncadd.s32 @!p0 $0xFFFFFFD8;
	s19 =	simm.s32 @!p0 $0x28  }
0xce: {  	[tilespmem:s22], [sflag:$0x3] =	stream.indirect.gather @!p0 [hbm4b:s1+s19], $0x80, s30, s19, $0xb8;
	[tilespmem:$0x1B280] =	vst v63  }
0xcf: {  	s14 =	sadd.s32 @!p0 s5, s14;
	s19 =	simm.s32 @!p0 $0x2A00  }
0xd0: {  	[tilespmem:s19], [sflag:$0x5] =	stream.linear.gather @!p0 [hbm4b:s14+s30], $0x1400, $0x38;
	[tilespmem:$0x1B280] =	vst v63  }
0xd1: {  	_ =	swait.ge [sflag:s11], $0x1400  }
0xd2: {  	[sflag:s11] =	ssyncset.done $0x0  }
0xd3: {  	[sflag:s11] =	ssyncadd.s32 $0xFFFFEC00  }
0xd4: {  	_ =	swait.ge [sflag:s12], $0x1400  }
0xd5: {  	[sflag:s12] =	ssyncset.done $0x0  }
0xd6: {  	s22 =	simm.s32 $0xF0;
	[sflag:s12] =	ssyncadd.s32 $0xFFFFEC00  }
0xd7: {  	v1 =	vld [tilespmem:s22+$0x1600]  }
0xd8: {  	v2 =	vld [tilespmem:s22+$0x3E00]  }
0xd9: {  	v3 =	vld [tilespmem:s22+$0x1510]  }
0xda: {  	v4 =	vld [tilespmem:s22+$0x3D10]  }
0xdb: {  	v5 =	vld [tilespmem:s22+$0x1520]  }
0xdc: {  	v6 =	vld [tilespmem:s22+$0x3D20]  }
0xdd: {  	v7 =	vld [tilespmem:s22+$0x1530]  }
0xde: {  	v8 =	vld [tilespmem:s22+$0x1540]  }
0xdf: {  	v1 =	vmul.f32 v2, v1;
	v2 =	vld [tilespmem:s22+$0x3D30]  }
0xe0: {  	v3 =	vmul.f32 v4, v3;
	v4 =	vld [tilespmem:s22+$0x1550]  }
0xe1: {  	[tilespmem:s22+$0x6600] =	vst v1;
	v1 =	vld [tilespmem:s22+$0x3D40]  }
0xe2: {  	[tilespmem:s22+$0x6510] =	vst v3;
	v3 =	vmul.f32 v6, v5;
	v5 =	vld [tilespmem:s22+$0x3D50]  }
0xe3: {  	v6 =	vld [tilespmem:s22+$0x3D60]  }
0xe4: {  	[tilespmem:s22+$0x6520] =	vst v3;
	v3 =	vld [tilespmem:s22+$0x1560];
	v2 =	vmul.f32 v2, v7  }
0xe5: {  	v7 =	vld [tilespmem:s22+$0x3D70]  }
0xe6: {  	[tilespmem:s22+$0x6530] =	vst v2;
	v1 =	vmul.f32 v1, v8;
	v2 =	vld [tilespmem:s22+$0x1570]  }
0xe7: {  	v8 =	vld [tilespmem:s22+$0x3DC0]  }
0xe8: {  	[tilespmem:s22+$0x6540] =	vst v1;
	v1 =	vmul.f32 v5, v4;
	v4 =	vld [tilespmem:s22+$0x1580]  }
0xe9: {  	v5 =	vld [tilespmem:s22+$0x3D80]  }
0xea: {  	[tilespmem:s22+$0x6550] =	vst v1;
	v1 =	vmul.f32 v6, v3;
	v3 =	vld [tilespmem:s22+$0x1590]  }
0xeb: {  	v6 =	vld [tilespmem:s22+$0x3D90]  }
0xec: {  	[tilespmem:s22+$0x6560] =	vst v1;
	v1 =	vmul.f32 v7, v2;
	v2 =	vld [tilespmem:s22+$0x15A0]  }
0xed: {  	v7 =	vld [tilespmem:s22+$0x3DA0]  }
0xee: {  	[tilespmem:s22+$0x6570] =	vst v1;
	v1 =	vmul.f32 v5, v4;
	v4 =	vld [tilespmem:s22+$0x15B0]  }
0xef: {  	v5 =	vld [tilespmem:s22+$0x3DB0]  }
0xf0: {  	[tilespmem:s22+$0x6580] =	vst v1;
	v1 =	vmul.f32 v6, v3;
	v6 =	vld [tilespmem:s22+$0x15C0]  }
0xf1: {  	v9 =	vld [tilespmem:s22+$0x3DD0]  }
0xf2: {  	[tilespmem:s22+$0x6590] =	vst v1;
	v1 =	vmul.f32 v7, v2;
	v7 =	vld [tilespmem:s22+$0x15D0]  }
0xf3: {  	v3 =	vld [tilespmem:s22+$0x15E0]  }
0xf4: {  	[tilespmem:s22+$0x65A0] =	vst v1;
	v1 =	vmul.f32 v5, v4;
	v4 =	vld [tilespmem:s22+$0x3DE0]  }
0xf5: {  	v5 =	vld [tilespmem:s22+$0x3DF0];
	v6 =	vmul.f32 v8, v6  }
0xf6: {  	s14 =	simm.s32 $0x1F0;
	[tilespmem:s22+$0x65B0] =	vst v1;
	v1 =	vld [tilespmem:s22+$0x15F0]  }
0xf7: {  	s19 =	simm.s32 $0xBC0;
	v2 =	vld [tilespmem:s14+$0x1600];
	[tilespmem:s22+$0x65C0] =	vst v6;
	v6 =	vmul.f32 v9, v7  }
.LBB2_9:
0xf8: {  	p1 =	sne.s32 s19, $0x4FC0;
	v7 =	vld [tilespmem:s14+$0x3E00]  }
0xf9: {  	v8 =	vld [tilespmem:s14+$0x1510];
	[tilespmem:s22+$0x65D0] =	vst v6;
	v3 =	vmul.f32 v4, v3  }
0xfa: {  	v4 =	vld [tilespmem:s14+$0x3D10]  }
0xfb: {  	v6 =	vld [tilespmem:s14+$0x1520];
	[tilespmem:s22+$0x65E0] =	vst v3;
	v1 =	vmul.f32 v5, v1  }
0xfc: {  	v3 =	vld [tilespmem:s14+$0x3D20]  }
0xfd: {  	v5 =	vld [tilespmem:s14+$0x1530];
	v2 =	vmul.f32 v7, v2;
	[tilespmem:s22+$0x65F0] =	vst v1;
	s22 =	smov.u32 s14  }
0xfe: {  	v1 =	vld [tilespmem:s22+$0x3D30]  }
0xff: {  	v4 =	vmul.f32 v4, v8;
	v7 =	vld [tilespmem:s22+$0x1540];
	[tilespmem:s22+$0x6600] =	vst v2  }
0x100: {  	v2 =	vld [tilespmem:s22+$0x3D40]  }
0x101: {  	[tilespmem:s22+$0x6510] =	vst v4;
	v3 =	vmul.f32 v3, v6;
	v4 =	vld [tilespmem:s22+$0x1550]  }
0x102: {  	v6 =	vld [tilespmem:s22+$0x3D50]  }
0x103: {  	[tilespmem:s22+$0x6520] =	vst v3;
	v1 =	vmul.f32 v1, v5;
	v3 =	vld [tilespmem:s22+$0x1560]  }
0x104: {  	v5 =	vld [tilespmem:s22+$0x3D60]  }
0x105: {  	[tilespmem:s22+$0x6530] =	vst v1;
	v1 =	vmul.f32 v2, v7;
	v2 =	vld [tilespmem:s22+$0x1570]  }
0x106: {  	v7 =	vld [tilespmem:s22+$0x3D70]  }
0x107: {  	[tilespmem:s22+$0x6540] =	vst v1;
	v1 =	vmul.f32 v6, v4;
	v4 =	vld [tilespmem:s22+$0x1580]  }
0x108: {  	v6 =	vld [tilespmem:s22+$0x3D80]  }
0x109: {  	[tilespmem:s22+$0x6550] =	vst v1;
	v1 =	vmul.f32 v5, v3;
	v3 =	vld [tilespmem:s22+$0x1590]  }
0x10a: {  	v5 =	vld [tilespmem:s22+$0x3D90]  }
0x10b: {  	[tilespmem:s22+$0x6560] =	vst v1;
	v1 =	vmul.f32 v7, v2;
	v2 =	vld [tilespmem:s22+$0x15A0]  }
0x10c: {  	v7 =	vld [tilespmem:s22+$0x3DA0]  }
0x10d: {  	[tilespmem:s22+$0x6570] =	vst v1;
	v1 =	vmul.f32 v6, v4;
	v4 =	vld [tilespmem:s22+$0x15B0]  }
0x10e: {  	v6 =	vld [tilespmem:s22+$0x3DB0]  }
0x10f: {  	[tilespmem:s22+$0x6580] =	vst v1;
	v1 =	vmul.f32 v5, v3;
	v5 =	vld [tilespmem:s22+$0x15C0]  }
0x110: {  	v8 =	vld [tilespmem:s22+$0x3DC0]  }
0x111: {  	[tilespmem:s22+$0x6590] =	vst v1;
	v1 =	vmul.f32 v7, v2;
	v7 =	vld [tilespmem:s22+$0x15D0]  }
0x112: {  	v9 =	vld [tilespmem:s22+$0x3DD0]  }
.Ltmp3:
0x113: {  	[tilespmem:s22+$0x65A0] =	vst v1;
	v1 =	vmul.f32 v6, v4;
	v3 =	vld [tilespmem:s22+$0x15E0];
	(pc) =	sbr.rel @p1 .LBB2_9-.Ltmp3, $4  }
0x114: {  	v4 =	vld [tilespmem:s22+$0x3DE0]  }
0x115: {  	[tilespmem:s22+$0x65B0] =	vst v1;
	v6 =	vmul.f32 v8, v5;
	v1 =	vld [tilespmem:s22+$0x15F0]  }
0x116: {  	s14 =	sshra.s32 s19, $0x2;
	v5 =	vld [tilespmem:s22+$0x3DF0]  }
0x117: {  	s19 =	sadd.s32 $0x400, s19;
	v2 =	vld [tilespmem:s14+$0x1600];
	[tilespmem:s22+$0x65C0] =	vst v6;
	v6 =	vmul.f32 v9, v7  }
0x118: {  	v7 =	vld [tilespmem:s14+$0x3E00]  }
0x119: {  	v8 =	vld [tilespmem:s14+$0x1510];
	[tilespmem:s22+$0x65D0] =	vst v6;
	v3 =	vmul.f32 v4, v3  }
0x11a: {  	v46 =	vld [tilespmem:s14+$0x3D10]  }
0x11b: {  	v6 =	vld [tilespmem:s14+$0x1520];
	[tilespmem:s22+$0x65E0] =	vst v3;
	v1 =	vmul.f32 v5, v1  }
0x11c: {  	v3 =	vld [tilespmem:s14+$0x3D20]  }
0x11d: {  	v47 =	vld [tilespmem:s14+$0x1530];
	[tilespmem:s22+$0x65F0] =	vst v1  }
0x11e: {  	v1 =	vmul.f32 v7, v2;
	v2 =	vld [tilespmem:s14+$0x3D30]  }
0x11f: {  	v48 =	vld [tilespmem:s14+$0x1540]  }
0x120: {  	v49 =	vld [tilespmem:s14+$0x1550]  }
0x121: {  	[tilespmem:s14+$0x6600] =	vst v1;
	v1 =	vld [tilespmem:s14+$0x3D40]  }
0x122: {  	v50 =	vld [tilespmem:s14+$0x3D50]  }
0x123: {  	v51 =	vld [tilespmem:s14+$0x3D60];
	v3 =	vmul.f32 v3, v6  }
0x124: {  	v52 =	vld [tilespmem:s14+$0x3D70]  }
0x125: {  	[tilespmem:s14+$0x6520] =	vst v3;
	v2 =	vmul.f32 v2, v47;
	v3 =	vld [tilespmem:s14+$0x1560]  }
0x126: {  	v53 =	vld [tilespmem:s14+$0x1580];
	v1 =	vmul.f32 v1, v48  }
0x127: {  	[tilespmem:s14+$0x6530] =	vst v2;
	v2 =	vld [tilespmem:s14+$0x1570]  }
0x128: {  	v54 =	vld [tilespmem:s14+$0x3D80];
	[tilespmem:s14+$0x6540] =	vst v1;
	v1 =	vmul.f32 v50, v49  }
0x129: {  	v55 =	vld [tilespmem:s14+$0x3D90]  }
0x12a: {  	v56 =	vld [tilespmem:s14+$0x3DA0];
	[tilespmem:s14+$0x6550] =	vst v1;
	v1 =	vmul.f32 v51, v3  }
0x12b: {  	v3 =	vld [tilespmem:s14+$0x1590]  }
0x12c: {  	v57 =	vld [tilespmem:s14+$0x15B0];
	[tilespmem:s14+$0x6560] =	vst v1;
	v1 =	vmul.f32 v52, v2  }
0x12d: {  	v2 =	vld [tilespmem:s14+$0x15A0]  }
0x12e: {  	v58 =	vld [tilespmem:s14+$0x3DB0];
	[tilespmem:s14+$0x6570] =	vst v1;
	v1 =	vmul.f32 v54, v53  }
0x12f: {  	v59 =	vld [tilespmem:s14+$0x3DC0]  }
0x130: {  	v60 =	vld [tilespmem:s14+$0x3DD0];
	[tilespmem:s14+$0x6580] =	vst v1;
	v1 =	vmul.f32 v55, v3  }
0x131: {  	v61 =	vld [tilespmem:s14+$0x15E0]  }
0x132: {  	v62 =	vld [tilespmem:s14+$0x3DE0];
	[tilespmem:s14+$0x6590] =	vst v1;
	v1 =	vmul.f32 v56, v2  }
0x133: {  	v3 =	vld [tilespmem:s14+$0x15C0]  }
0x134: {  	v2 =	vld [tilespmem:s14+$0x15D0];
	[tilespmem:s14+$0x65A0] =	vst v1;
	v1 =	vmul.f32 v58, v57  }
0x135: {  	v63 =	vld [tilespmem:s14+$0x3DF0]  }
0x136: {  	[tilespmem:s14+$0x65B0] =	vst v1;
	v1 =	vld [tilespmem:s14+$0x15F0]  }
0x137: {  	v4 =	vmul.f32 v46, v8  }
0x138: {  	v3 =	vmul.f32 v59, v3  }
0x139: {  	[tilespmem:s14+$0x6510] =	vst v4;
	v2 =	vmul.f32 v60, v2  }
0x13a: {  	[tilespmem:s14+$0x65C0] =	vst v3;
	v3 =	vmul.f32 v62, v61  }
0x13b: {  	[tilespmem:s14+$0x65D0] =	vst v2;
	v1 =	vmul.f32 v63, v1  }
0x13c: {  	[tilespmem:s14+$0x65E0] =	vst v3  }
.Ltmp4:
0x13d: {  	s30 =	simm.s32 $0x6600;
	[tilespmem:s14+$0x65F0] =	vst v1;
	(pc) =	sbr.rel @p0 .LBB2_12-.Ltmp4, $4  }
0x13e: {  	[spmem:s3] =	stream.indirect.scatter.add.f32 [tilespmem:s30], [sflag:$0x7], $0x80, s28, s23, $0xb8;
	[tilespmem:$0x1B280] =	vst v63  }
0x13f: {  	_ =	swait.ge [sflag:s10], $0x1400  }
0x140: {  	[sflag:s10] =	ssyncset.done $0x0  }
0x141: {  	[sflag:s10] =	ssyncadd.s32 $0xFFFFEC00  }
0x142: {  	s14 =	sadd.s32 s20, s16  }
.Ltmp5:
0x143: {  	s14 =	sshrl.u32 s14, $0x3;
	(pc) =	sbr.rel .LBB2_6-.Ltmp5, $4  }
0x144: {  	s19 =	sadd.s32 s7, s14  }
0x145: {  	[tilespmem:s26], [sflag:$0x2] =	stream.linear.gather [hbm4b:s19+s4], $0x28, $0x38;
	[tilespmem:$0x1B280] =	vst v63  }
0x146: {  	s18 =	sadd.s32 $0x1, s18;
	s14 =	sadd.s32 s8, s14  }
0x147: {  	[tilespmem:s28], [sflag:$0x2] =	stream.linear.gather [hbm4b:s14+s4], $0x28, $0x38;
	[tilespmem:$0x1B280] =	vst v63  }
.LBB2_12:
0x148: {  	s14 =	sadd.s32 $0x0, s2  }
0x149: {  	[bflag:$0x0] =	sbarrier.arrive $0xFFFF;
	p0 =	sgt.u32 s14, $0xF9  }
0x14a: {  	s14 =	simm.s32 @!p0 $0x5200;
	s19 =	simm.s32 @!p0 $0x8;
	p0 =	por p0, p0  }
0x14b: {  	[tilespmem:s14], [sflag:$0x8] =	stream.linear.gather @!p0 [spmem:s25], $0x1400, $0x38;
	[tilespmem:$0x1B280] =	vst v63  }
0x14c: {  	s18 =	simm.s32 $0x20;
	s31 =	sadd.s32 $0x10, s2;
	_ =	swait.ge @!p0 [sflag:s19], $0x1400  }
0x14d: {  	s20 =	simm.s32 @!p0 $0x7;
	[sflag:s19] =	ssyncset.done @!p0 $0x0;
	s13 =	rddreg [dreg:$0xa]  }
0x14e: {  	s22 =	simm.s32 @!p0 $0x0;
	[sflag:s19] =	ssyncadd.s32 @!p0 $0xFFFFEC00;
	s19 =	sadd.s32 @!p0 s13, s17  }
0x14f: {  	[hbm4b:s19+s22] =	stream.linear.scatter @!p0 [tilespmem:s14], [sflag:$0x7], $0x1400, $0x38;
	[tilespmem:$0x1B280] =	vst v63  }
0x150: {  	p1 =	sgt.u32 s31, $0xF9;
	s14 =	sadd.s32 $0x2800, s13;
	_ =	swait.ge @!p0 [sflag:s20], $0x1400  }
0x151: {  	s13 =	smov.u32 s25;
	s19 =	sadd.s32 $0x14000, s25;
	[sflag:s20] =	ssyncset.done @!p0 $0x0  }
.LBB2_13:
0x152: {  	s22 =	simm.s32 @!p1 $0x5200  }
0x153: {  	s30 =	simm.s32 @!p1 $0x8;
	[sflag:s20] =	ssyncadd.s32 @!p0 $0xFFFFEC00;
	s31 =	smov.u32 s18  }
0x154: {  	s25 =	smov.u32 s14;
	p0 =	por p1, p1;
	s18 =	sadd.s32 $0x10, s18  }
0x155: {  	[tilespmem:s22], [sflag:$0x8] =	stream.linear.gather @!p0 [spmem:s19], $0x1400, $0x38;
	[tilespmem:$0x1B280] =	vst v63  }
0x156: {  	s14 =	sadd.s32 $0x2800, s14;
	p2 =	sne.s32 s18, $0x100;
	_ =	swait.ge @!p0 [sflag:s30], $0x1400  }
.Ltmp6:
0x157: {  	s20 =	simm.s32 @!p0 $0x7;
	[sflag:s30] =	ssyncset.done @!p0 $0x0;
	(pc) =	sbr.rel @p2 .LBB2_13-.Ltmp6, $4  }
0x158: {  	s25 =	sadd.s32 @!p0 s25, s17;
	[sflag:s30] =	ssyncadd.s32 @!p0 $0xFFFFEC00;
	s30 =	simm.s32 @!p0 $0x0  }
0x159: {  	[hbm4b:s25+s30] =	stream.linear.scatter @!p0 [tilespmem:s22], [sflag:$0x7], $0x1400, $0x38;
	[tilespmem:$0x1B280] =	vst v63  }
0x15a: {  	s22 =	sadd.s32 s31, s2;
	_ =	swait.ge @!p0 [sflag:s20], $0x1400  }
0x15b: {  	s19 =	sadd.s32 $0x14000, s19;
	p1 =	sgt.u32 s22, $0xF9;
	[sflag:s20] =	ssyncset.done @!p0 $0x0  }
0x15c: {  	s18 =	simm.s32 @!p1 $0x5200  }
0x15d: {  	s22 =	simm.s32 @!p1 $0x8;
	[sflag:s20] =	ssyncadd.s32 @!p0 $0xFFFFEC00;
	p0 =	por p1, p1  }
0x15e: {  	[tilespmem:s18], [sflag:$0x8] =	stream.linear.gather @!p0 [spmem:s19], $0x1400, $0x38;
	[tilespmem:$0x1B280] =	vst v63  }
0x15f: {  	_ =	swait.ge @!p0 [sflag:s22], $0x1400  }
0x160: {  	s19 =	simm.s32 @!p0 $0x7;
	[sflag:s22] =	ssyncset.done @!p0 $0x0  }
0x161: {  	s14 =	sadd.s32 @!p0 s14, s17;
	s20 =	simm.s32 @!p0 $0x0;
	[sflag:s22] =	ssyncadd.s32 @!p0 $0xFFFFEC00  }
0x162: {  	[hbm4b:s14+s20] =	stream.linear.scatter @!p0 [tilespmem:s18], [sflag:$0x7], $0x1400, $0x38;
	[tilespmem:$0x1B280] =	vst v63  }
0x163: {  	_ =	swait.ge @!p0 [sflag:s19], $0x1400  }
0x164: {  	s25 =	rddreg [dreg:$0xb]  }
0x165: {  	s30 =	rddreg [dreg:$0x9];
	s18 =	sadd.s32 $0x1, s25  }
0x166: {  	p1 =	sne.s32 s18, s30  }
.Ltmp7:
0x167: {  	_ = 	snop;
	(pc) =	sbr.rel @p1 .LBB2_1-.Ltmp7, $3  }
0x168: {  	_ =	sdelay $0x1  }
0x169: {  	[sflag:s19] =	ssyncset.done @!p0 $0x0  }
0x16a: {  	s31 =	simm.s32 $0x1600;
	[sflag:s19] =	ssyncadd.s32 @!p0 $0xFFFFEC00;
	s25 =	smov.u32 s13  }
0x16b: {  	_ =	sfence.sel $0x180000  }
0x16c: {  	[bflag:$0x0] =	sbarrier.arrive $0xFFFF  }
0x16d: {  	_ =	strace $0x9000004D  }
0x16e: {  	[bflag:$0x2] =	sbarrier.arrive $0xFFFF  }
0x16f: {  	p0 =	sne.s32 s2, $0x0;
	s0 =	rddreg [dreg:$0x3]  }
0x170: {  	s0 =	sadd.s32 @!p0 $0x100000, s0  }
0x171: {  	[sflag:s0] =	ssyncadd.tile.s32 @!p0 $0x1;
	_ =	shalt  }
.Lfunc_end2:
_tile_overlayer_lowered:
.L_overlay_start_2:
0x172: {  	(tag) =	ssettag $0x2  }
0x173: {  	s0 =	rddreg [dreg:$0x0];
	s2 =	stileid.u32  }
0x174: {  	s1 =	rddreg [dreg:$0x1];
	p0 =	sne.s32 s2, $0x0  }
0x175: {  	s3 =	rddreg [dreg:$0x2];
	[bflag:$0x3] =	sbarrier.arrive $0xFFFF;
	s2 =	simm.s32 @!p0 $0x1C07  }
0x176: {  	[timem:s3], [sflag:s2] =	dma.local @!p0 [hbm:s0], s1  }
0x177: {  	s0 =	simm.s32 @!p0 $0x7  }
0x178: {  	_ =	swait.ge @!p0 [sflag:s0], s1  }
0x179: {  	s1 =	ssub.s32 @!p0 $0x0, s1;
	[sflag:s0] =	ssyncset.done @!p0 $0x0  }
0x17a: {  	[sflag:s0] =	ssyncadd.s32 @!p0 s1  }
0x17b: {  	[bflag:$0x3] =	sbarrier.arrive $0xFFFF  }
0x17c: {  	_ =	shalt  }

// kernel: kernel.16.cloned.1.call-start
scs
__scs_entry_jumppad:
0x0: {  	(pc) =	sbr.rel $0x88, $3  }
0x1: {  	(tag) =	ssettag $0x0;
	lr =	simm.s32 $0x1  }
0x2: {  	[smem:$0x3F94] =	sst lr;
	_ =	strace $0xD0000000  }
0x3: {  	_ = 	snop  }
0x4: {  	_ = 	snop  }
0x5: {  	_ = 	snop  }
0x6: {  	_ = 	snop  }
0x7: {  	_ = 	snop  }
__scs_overlays_trampoline_lowered:
0x8: {  	[smem:$0x3FA3] =	sst s0  }
0x9: {  	[smem:$0x3FA4] =	sst s1  }
0xa: {  	[smem:$0x3FA5] =	sst s2  }
0xb: {  	[smem:$0x3FA6] =	sst s3  }
0xc: {  	[smem:$0x3FA7] =	sst s4  }
0xd: {  	[smem:$0x3FA8] =	sst s5  }
0xe: {  	[smem:$0x3FA9] =	sst s6  }
0xf: {  	[smem:$0x3FAA] =	sst s7  }
0x10: {  	[smem:$0x3FAB] =	sst s8  }
0x11: {  	[smem:$0x3FAC] =	sst s9;
	s0 =	simm.s32 @!p0 $0x0  }
0x12: {  	s1 =	sld [smem:$0x3F92];
	s0 =	simm.s32 @p0 $0x1  }
0x13: {  	[smem:$0x3FAD] =	sst s0;
	s0 =	simm.s32 @!p1 $0x0  }
0x14: {  	s2 =	sld [smem:$0x3F91];
	s0 =	simm.s32 @p1 $0x1  }
0x15: {  	[smem:$0x3FAE] =	sst s0;
	s0 =	simm.s32 @!p2 $0x0  }
0x16: {  	s3 =	sld [smem:$0x3FDB];
	s0 =	simm.s32 @p2 $0x1  }
0x17: {  	s4 =	simm.s32 $0x1BF5;
	[smem:$0x3FB0] =	sst s0  }
0x18: {  	s0 =	sld [smem:$0x3F93];
	_ =	swait.ge [sflag:s4], $0x0  }
0x19: {  	s7 =	sld [smem:$0x3F94]  }
0x1a: {  	s8 =	sadd.s32 $0xFFFFE003, lr  }
0x1b: {  	s9 =	sadd.s32 $0xFFFFFEF7, lr;
	s5 =	simm.s32 $0xFFFFFFFF;
	p2 =	slt.u32 s8, $0xFFFFF086  }
0x1c: {  	p1 =	slt.u32 s9, $0xF7A;
	s5 =	simm.s32 @!p2 $0x0  }
0x1d: {  	s5 =	simm.s32 @p1 $0x1;
	p0 =	seq.s32 s7, s2  }
0x1e: {  	s7 =	smul.u32 @!p0 $0xF7A, s2;
	p2 =	seq.s32 @!p0 s5, $0x0  }
0x1f: {  	s9 =	smul.u32 $0xF7A, s1;
	s8 =	simm.s32 @!p0 $0x1BF5;
	p2 =	por !p2, p0  }
0x20: {  	[sflag:s8] =	ssyncset.s32 @!p0 $0xFFFFF086;
	s6 =	sadd.s32 @!p0 s3, s7;
	s7 =	simm.s32 @!p0 $0x108  }
0x21: {  	s3 =	sadd.s32 s3, s9;
	s6 =	sadd.s32 @!p0 $0x88, s6;
	s7 =	simm.s32 @p2 $0x1082  }
0x22: {  	[simem:s7], [sflag:s8] =	dma.local @!p0 [hbm:s6], $0xF7A  }
0x23: {  	s9 =	sor.u32 $0xD0000000, s2;
	s6 =	simm.s32 $0x108;
	_ =	swait.ge @!p0 [sflag:s8], $0x0  }
0x24: {  	s3 =	sadd.s32 $0x88, s3;
	s6 =	simm.s32 @!p1 $0x1082;
	[sflag:s4] =	ssyncset.s32 $0xFFFFF086  }
0x25: {  	[simem:s6], [sflag:s4] =	dma.local [hbm:s3], $0xF7A  }
0x26: {  	[smem:$0x3F94] =	sst s1;
	(tag) =	ssettag s2;
	_ =	strace s9  }
0x27: {  	s1 =	sld [smem:$0x3FA4]  }
0x28: {  	s2 =	sld [smem:$0x3FA5]  }
0x29: {  	s4 =	sld [smem:$0x3FA7]  }
0x2a: {  	p0 =	seq.s32 s5, $0x0;
	s5 =	sld [smem:$0x3FA8]  }
0x2b: {  	s6 =	sld [smem:$0x3FA9]  }
0x2c: {  	s7 =	sld [smem:$0x3FAA]  }
0x2d: {  	s3 =	simm.s32 $0x108;
	s8 =	sld [smem:$0x3FAB]  }
0x2e: {  	s3 =	simm.s32 @!p0 $0x1082;
	s9 =	sld [smem:$0x3FAC]  }
0x2f: {  	lr =	sadd.s32 s0, s3;
	s0 =	sld [smem:$0x3FA3]  }
0x30: {  	s3 =	sld [smem:$0x3FA6]  }
0x31: {  	[smem:$0x3FAF] =	sst s10  }
0x32: {  	s10 =	sld [smem:$0x3FAD];
	_ =	sdelay $0x3  }
0x33: {  	p0 =	seq.s32 s10, $0x1;
	s10 =	sld [smem:$0x3FAF];
	_ =	sdelay $0x3  }
0x34: {  	[smem:$0x3FAF] =	sst s10  }
0x35: {  	s10 =	sld [smem:$0x3FAE];
	_ =	sdelay $0x3  }
0x36: {  	p1 =	seq.s32 s10, $0x1;
	s10 =	sld [smem:$0x3FAF];
	_ =	sdelay $0x3  }
0x37: {  	[smem:$0x3FAF] =	sst s10  }
0x38: {  	s10 =	sld [smem:$0x3FB0]  }
0x39: {  	_ = 	snop;
	(pc) =	sbr.ind lr, $3  }
0x3a: {  	_ = 	snop  }
0x3b: {  	_ = 	snop  }
0x3c: {  	p2 =	seq.s32 s10, $0x1;
	s10 =	sld [smem:$0x3FAF]  }
0x3d: {  	_ =	shalt  }
0x3e: {  	_ =	shalt  }
0x3f: {  	_ =	shalt  }
0x40: {  	_ =	shalt  }
0x41: {  	_ =	shalt  }
0x42: {  	_ =	shalt  }
0x43: {  	_ =	shalt  }
0x44: {  	_ =	shalt  }
0x45: {  	_ =	shalt  }
0x46: {  	_ =	shalt  }
0x47: {  	_ =	shalt  }
0x48: {  	_ =	shalt  }
0x49: {  	_ =	shalt  }
0x4a: {  	_ =	shalt  }
0x4b: {  	_ =	shalt  }
0x4c: {  	_ =	shalt  }
0x4d: {  	_ =	shalt  }
0x4e: {  	_ =	shalt  }
0x4f: {  	_ =	shalt  }
0x50: {  	_ =	shalt  }
0x51: {  	_ =	shalt  }
0x52: {  	_ =	shalt  }
0x53: {  	_ =	shalt  }
0x54: {  	_ =	shalt  }
0x55: {  	_ =	shalt  }
0x56: {  	_ =	shalt  }
0x57: {  	_ =	shalt  }
0x58: {  	_ =	shalt  }
0x59: {  	_ =	shalt  }
0x5a: {  	_ =	shalt  }
0x5b: {  	_ =	shalt  }
0x5c: {  	_ =	shalt  }
0x5d: {  	_ =	shalt  }
0x5e: {  	_ =	shalt  }
0x5f: {  	_ =	shalt  }
0x60: {  	_ =	shalt  }
0x61: {  	_ =	shalt  }
0x62: {  	_ =	shalt  }
0x63: {  	_ =	shalt  }
0x64: {  	_ =	shalt  }
0x65: {  	_ =	shalt  }
0x66: {  	_ =	shalt  }
0x67: {  	_ =	shalt  }
0x68: {  	_ =	shalt  }
0x69: {  	_ =	shalt  }
0x6a: {  	_ =	shalt  }
0x6b: {  	_ =	shalt  }
0x6c: {  	_ =	shalt  }
0x6d: {  	_ =	shalt  }
0x6e: {  	_ =	shalt  }
0x6f: {  	_ =	shalt  }
0x70: {  	_ =	shalt  }
0x71: {  	_ =	shalt  }
0x72: {  	_ =	shalt  }
0x73: {  	_ =	shalt  }
0x74: {  	_ =	shalt  }
0x75: {  	_ =	shalt  }
0x76: {  	_ =	shalt  }
0x77: {  	_ =	shalt  }
0x78: {  	_ =	shalt  }
0x79: {  	_ =	shalt  }
0x7a: {  	_ =	shalt  }
0x7b: {  	_ =	shalt  }
0x7c: {  	_ =	shalt  }
0x7d: {  	_ =	shalt  }
0x7e: {  	_ =	shalt  }
0x7f: {  	_ =	shalt  }
0x80: {  	_ =	shalt  }
0x81: {  	_ =	shalt  }
0x82: {  	_ =	shalt  }
0x83: {  	_ =	shalt  }
0x84: {  	_ =	shalt  }
0x85: {  	_ =	shalt  }
0x86: {  	_ =	shalt  }
0x87: {  	_ =	shalt  }
.Lfunc_end0:
.L_simem_size_0:
called_computation.2_lowered:
.L_overlay_start_0:
0x88: {  	s2 =	sld [smem:$0x3FD9]  }
0x89: {  	s3 =	sld [smem:$0x3FFE];
	_ =	sdelay $0x1  }
0x8a: {  	s1 =	srdreg.scid  }
0x8b: {  	s0 =	sand.u32 $0x1, s1  }
0x8c: {  	s17 =	sshll.u32 s0, $0xA;
	s2 =	sadd.s32 s3, s2  }
0x8d: {  	s2 =	sadd.s32 s2, s17  }
0x8e: {  	[smem:$0x3FBB] =	sst s2  }
0x8f: {  	_ = 	snop  }
0x90: {  	s18 =	sld [smem:$0x3FD0];
	(tm) =	ssettm $0x1  }
0x91: {  	s19 =	sld [smem:$0x3FFB];
	_ =	sdelay $0x3  }
0x92: {  	_ =	strace s19  }
0x93: {  	s2 =	sld [smem:$0x3FFC];
	_ =	sdelay $0x3  }
0x94: {  	_ =	strace s2  }
0x95: {  	s2 =	sld [smem:$0x3FFD];
	_ =	sdelay $0x3  }
0x96: {  	_ =	strace s2  }
0x97: {  	_ =	strace $0x8FFFFFFF  }
0x98: {  	s20 =	sld [smem:$0x3FDB];
	_ =	sdelay $0x1  }
0x99: {  	s4 =	simm.s32 $_scs_section_size  }
0x9a: {  	s5 =	simm.s32 $_size__tile_overlayer_lowered;
	s6 =	simm.s32 $_tile_overlayer_lowered  }
0x9b: {  	s7 =	simm.s32 $0x1BFF;
	s21 =	sshll.u32 s6, $0x1;
	s4 =	sadd.s32 s4, s20  }
0x9c: {  	s22 =	simm.s32 $0x0;
	s5 =	sshll.u32 s5, $0x1;
	s6 =	sadd.s32 s21, s4  }
0x9d: {  	[timem:s22], [sflag:s7] =	dma.local [hbm:s6], s5  }
0x9e: {  	_ =	swait.ge [sflag:s7], s5  }
0x9f: {  	s5 =	ssub.s32 $0x0, s5;
	[sflag:s7] =	ssyncset.done $0x0  }
0xa0: {  	[sflag:s7] =	ssyncadd.s32 s5;
	_ =	sdelay $0x1  }
0xa1: {  	s23 =	simm.s32 $0x1B8B  }
0xa2: {  	_ =	swait.ge [sflag:s23], $0x1  }
0xa3: {  	[sflag:s23] =	ssyncset.done $0x0  }
0xa4: {  	[sflag:s23] =	ssyncadd.s32 $0xFFFFFFFF  }
0xa5: {  	s5 =	sld [smem:$0x0]  }
0xa6: {  	s6 =	sand.u32 $0xFFFFFFFE, s1  }
0xa7: {  	p0 =	sne.s32 s1, s6  }
0xa8: {  	s6 =	sshll.u32 @p0 s6, $0xE  }
0xa9: {  	s6 =	sadd.s32 @p0 $0x11B8D, s6;
	s7 =	sshll.u32 @p0 s5, $0x11  }
0xaa: {  	s6 =	sor.u32 @p0 s7, s6  }
0xab: {  	[sflag:s6] =	ssyncadd.remote.s32 @p0 $0x1;
	_ =	sdelay $0x1  }
0xac: {  	s6 =	simm.s32 @p0 $0x1B8D  }
0xad: {  	_ =	swait.eq @p0 [sflag:s6], $0x1  }
0xae: {  	[sflag:s6] =	ssyncadd.s32 @p0 $0xFFFFFFFF  }
0xaf: {  	s7 =	sshll.u32 @!p0 s1, $0xE  }
0xb0: {  	s7 =	sor.u32 @!p0 $0x4000, s7;
	s6 =	simm.s32 @!p0 $0x1B8D  }
0xb1: {  	s5 =	sshll.u32 @!p0 s5, $0x11;
	s7 =	sadd.s32 @!p0 $0x11B8D, s7;
	_ =	swait.eq @!p0 [sflag:s6], $0x1  }
0xb2: {  	s5 =	sor.u32 @!p0 s5, s7;
	[sflag:s6] =	ssyncadd.s32 @!p0 $0xFFFFFFFF  }
0xb3: {  	s25 =	simm.s32 $0x1B8E;
	s24 =	sld [smem:$0x3FFE];
	[sflag:s5] =	ssyncadd.remote.s32 @!p0 $0x1  }
0xb4: {  	s26 =	simm.s32 $execute0_lowered;
	[smem:$0x3FD2] =	sst s25  }
0xb5: {  	s6 =	sshll.u32 s26, $0x1;
	_ =	strace $0x80000049;
	[dreg:$0x1] =	wrdreg $0xFFFFFFFF  }
0xb6: {  	s28 =	simm.s32 $_size_execute0_lowered;
	s4 =	sadd.s32 s4, s6;
	[dreg:$0x0] =	wrdreg $0x0  }
0xb7: {  	s6 =	sshll.u32 s28, $0x1;
	[dreg:$0x2] =	wrdreg s4  }
0xb8: {  	[dreg:$0x3] =	wrdreg s6  }
0xb9: {  	[dreg:$0x4] =	wrdreg $0xC0  }
0xba: {  	_ =	task [dreg:s22], $0x5FFFF  }
0xbb: {  	[dreg:$0x1] =	wrdreg $0xFFFFFFFF  }
0xbc: {  	[dreg:$0x0] =	wrdreg $0x60  }
0xbd: {  	[dreg:$0x2] =	wrdreg s18  }
0xbe: {  	[dreg:$0x3] =	wrdreg s24  }
0xbf: {  	[dreg:$0x4] =	wrdreg $0x7A000  }
0xc0: {  	[dreg:$0x5] =	wrdreg $0xB  }
0xc1: {  	_ =	task.clear_ibuf [dreg:s22], $0x6FFFF;
	_ =	strace $0x90000049  }
0xc2: {  	s29 =	simm.s32 $0xB;
	_ =	strace $0x8000004B  }
0xc3: {  	_ =	swait.ge [sflag:s29], $0x1  }
0xc4: {  	[sflag:s29] =	ssyncadd.s32 $0xFFFFFFFF  }
0xc5: {  	_ =	strace $0x9000004B  }
0xc6: {  	_ =	sfence  }
0xc7: {  	s30 =	sld [smem:$0x0];
	_ =	sdelay $0x2  }
0xc8: {  	s31 =	sshll.u32 s1, $0xD;
	s1 =	sshrl.u32 s1, $0x2  }
0xc9: {  	s4 =	sand.u32 $0x4000, s31;
	s1 =	sadd.s32 s1, s30  }
0xca: {  	s0 =	sor.u32 s4, s0;
	s1 =	sshll.u32 s1, $0x11  }
0xcb: {  	s0 =	sor.u32 s1, s0  }
0xcc: {  	s0 =	sadd.s32 $0x8F2B, s0  }
0xcd: {  	[sflag:s0] =	ssyncadd.remote.s32 $0x1  }
0xce: {  	_ =	sfence.sel $0xFFFF  }
0xcf: {  	[dreg:$0x0] =	wrdreg $0xFFFFFFFF;
	(pc) =	sbr.abs _section_cstart, $3  }
0xd0: {  	[dreg:$0x1] =	wrdreg $0xFFFFFFFF  }
0xd1: {  	_ =	task.clear_ibuf [dreg:s22], $0x2FFFF;
	_ =	strace $0x9FFFFFFF  }
0xd2: {  	(tm) =	ssettm $0x7FFFFFFF  }
0xd3: {  	_ =	shalt  }
tec
execute0_lowered:
.L_overlay_start_1:
0x0: {  	(tag) =	ssettag $0x1  }
0x1: {  	s1 =	rddreg [dreg:$0x0]  }
0x2: {  	s0 =	rddreg [dreg:$0x1]  }
0x3: {  	s3 =	rddreg [dreg:$0x2]  }
0x4: {  	s4 =	simm.s32 $0x0;
	s5 =	srdreg.scid;
	s2 =	stileid.u32  }
0x5: {  	s28 =	simm.s32 $0x180;
	s29 =	simm.s32 $0x2;
	s31 =	simm.s32 $0x1600  }
0x6: {  	s18 =	simm.s32 $0x0;
	[smem:$0x7FF] =	sst s4;
	s9 =	sand.u32 $0x1, s5  }
0x7: {  	s19 =	sshll.u32 s2, $0x1;
	s5 =	sadd.s32 $0x26F600, s0;
	s24 =	smul.u32 $0x5000, s2  }
0x8: {  	s7 =	sadd.s32 $0xBE00, s0;
	s8 =	sadd.s32 $0x2000, s0;
	s30 =	smul.u32 $0x280, s2  }
0x9: {  	s10 =	smul.u32 $0x27100, s9;
	s11 =	sor.u32 s9, s19;
	s12 =	ssub.s32 $0x2, s9  }
0xa: {  	_ =	strace $0x8000004A;
	s6 =	smul.u32 $0xFA0, s11;
	s20 =	sshrl.u32 s12, $0x1  }
0xb: {  	s11 =	smul.u32 $0xFA00, s11;
	s26 =	sshrl.u32 s24, $0x2;
	[dreg:$0xa] =	wrdreg s30  }
0xc: {  	s24 =	simm.s32 $0x5;
	s0 =	sadd.s32 s10, s0;
	s10 =	ssub.s32 s12, s20  }
0xd: {  	s9 =	sadd.s32 $0x2EE00, s6;
	s22 =	sadd.s32 $0x2EE28, s6;
	s11 =	sadd.s32 s5, s11  }
0xe: {  	s15 =	sadd.s32 $0x28, s6;
	s16 =	sadd.s32 $0x2EE78, s6;
	s17 =	sadd.s32 $0x463600, s0  }
0xf: {  	s10 =	smax.u32 s10, $0x1;
	s21 =	sshrl.u32 s9, $0x3;
	[dreg:$0x6] =	wrdreg s11  }
0x10: {  	s0 =	simm.s32 $0x3;
	[dreg:$0x9] =	wrdreg s10;
	s13 =	sadd.s32 s7, s21  }
0x11: {  	s23 =	sshrl.u32 s22, $0x3;
	s12 =	sadd.s32 s8, s21;
	[dreg:$0x4] =	wrdreg s13  }
0x12: {  	s10 =	simm.s32 $0x7;
	s25 =	sadd.s32 s7, s23;
	[dreg:$0x5] =	wrdreg s12  }
0x13: {  	s11 =	sadd.s32 s8, s23;
	s21 =	simm.s32 $0x100;
	[dreg:$0x7] =	wrdreg s25  }
0x14: {  	s23 =	simm.s32 $0x28;
	[dreg:$0x8] =	wrdreg s11;
	s25 =	sadd.s32 s26, s3  }
0x15: {  	v0 =	vimm.f32 $0.0e+00;
	s26 =	simm.s32 $0x80;
	s11 =	simm.s32 $0x4;
	s12 =	simm.s32 $0x6  }
.LBB2_1:
0x16: {  	[dreg:$0xb] =	wrdreg s18;
	s14 =	simm.s32 $0x0;
	s18 =	simm.s32 $0x200  }
.LBB2_2:
0x17: {  	p0 =	sne.s32 s18, $0x4E00;
	[tilespmem:s14+$0x5270] =	vst v0  }
0x18: {  	[tilespmem:s14+$0x5200] =	vst v0  }
0x19: {  	[tilespmem:s14+$0x5210] =	vst v0  }
.Ltmp0:
0x1a: {  	[tilespmem:s14+$0x5220] =	vst v0;
	(pc) =	sbr.rel @p0 .LBB2_2-.Ltmp0, $4  }
0x1b: {  	[tilespmem:s14+$0x5230] =	vst v0  }
0x1c: {  	[tilespmem:s14+$0x5240] =	vst v0  }
0x1d: {  	[tilespmem:s14+$0x5250] =	vst v0  }
0x1e: {  	[tilespmem:s14+$0x5260] =	vst v0;
	s14 =	sshra.s32 s18, $0x2;
	s18 =	sadd.s32 $0x200, s18  }
0x1f: {  	[tilespmem:s14+$0x5270] =	vst v0  }
0x20: {  	[tilespmem:s14+$0x5200] =	vst v0  }
0x21: {  	[tilespmem:s14+$0x5210] =	vst v0  }
0x22: {  	[tilespmem:s14+$0x5220] =	vst v0  }
0x23: {  	[tilespmem:s14+$0x5230] =	vst v0  }
0x24: {  	[tilespmem:s14+$0x5240] =	vst v0;
	s18 =	sadd.s32 $0x0, s2  }
0x25: {  	[tilespmem:s14+$0x5250] =	vst v0;
	p0 =	sgt.u32 s18, $0xF9  }
0x26: {  	[tilespmem:s14+$0x5260] =	vst v0;
	s14 =	simm.s32 @!p0 $0x5200;
	s20 =	simm.s32 @!p0 $0x7  }
0x27: {  	[spmem:s25] =	stream.linear.scatter @!p0 [tilespmem:s14], [sflag:$0x7], $0x1400, $0x38;
	[tilespmem:$0x1B280] =	vst v63  }
0x28: {  	s19 =	simm.s32 $0x20;
	_ =	swait.ge @!p0 [sflag:s20], $0x1400  }
0x29: {  	s18 =	simm.s32 $0x10;
	s14 =	sadd.s32 $0x14000, s25;
	[sflag:s20] =	ssyncset.done @!p0 $0x0  }
.LBB2_4:
0x2a: {  	s22 =	sadd.s32 s18, s2;
	s18 =	smov.u32 s19;
	s19 =	sadd.s32 $0x10, s19  }
0x2b: {  	[sflag:s20] =	ssyncadd.s32 @!p0 $0xFFFFEC00;
	p1 =	sne.s32 s19, $0x100  }
.Ltmp1:
0x2c: {  	p0 =	sgt.u32 s22, $0xF9;
	(pc) =	sbr.rel @p1 .LBB2_4-.Ltmp1, $4  }
0x2d: {  	s22 =	simm.s32 @!p0 $0x5200;
	s20 =	simm.s32 @!p0 $0x7  }
0x2e: {  	[spmem:s14] =	stream.linear.scatter @!p0 [tilespmem:s22], [sflag:$0x7], $0x1400, $0x38;
	[tilespmem:$0x1B280] =	vst v63  }
0x2f: {  	_ =	swait.ge @!p0 [sflag:s20], $0x1400  }
0x30: {  	s14 =	sadd.s32 $0x14000, s14;
	[sflag:s20] =	ssyncset.done @!p0 $0x0  }
0x31: {  	s18 =	sadd.s32 s18, s2  }
0x32: {  	p1 =	sgt.u32 s18, $0xF9  }
0x33: {  	[sflag:s20] =	ssyncadd.s32 @!p0 $0xFFFFEC00;
	s18 =	simm.s32 @!p1 $0x5200;
	s19 =	simm.s32 @!p1 $0x7  }
0x34: {  	[spmem:s14] =	stream.linear.scatter @!p1 [tilespmem:s18], [sflag:$0x7], $0x1400, $0x38;
	[tilespmem:$0x1B280] =	vst v63  }
0x35: {  	_ =	swait.ge @!p1 [sflag:s19], $0x1400  }
0x36: {  	[sflag:s19] =	ssyncset.done @!p1 $0x0  }
0x37: {  	[sflag:s19] =	ssyncadd.s32 @!p1 $0xFFFFEC00  }
0x38: {  	[bflag:$0x0] =	sbarrier.arrive $0xFFFF  }
0x39: {  	s18 =	simm.s32 $0x0;
	s30 =	rddreg [dreg:$0x4]  }
0x3a: {  	[tilespmem:s18], [sflag:$0x1] =	stream.linear.gather [hbm4b:s30+s18], $0x28, $0x38;
	[tilespmem:$0x1B280] =	vst v63  }
0x3b: {  	s13 =	rddreg [dreg:$0x5]  }
0x3c: {  	[tilespmem:s21], [sflag:$0x1] =	stream.linear.gather [hbm4b:s13+s18], $0x28, $0x38;
	[tilespmem:$0x1B280] =	vst v63  }
0x3d: {  	s13 =	simm.s32 $0x1  }
0x3e: {  	_ =	swait.ge [sflag:s13], $0x28  }
0x3f: {  	[sflag:s13] =	ssyncset.done $0x0  }
0x40: {  	[sflag:s13] =	ssyncadd.s32 $0xFFFFFFD8  }
0x41: {  	_ =	swait.ge [sflag:s13], $0x28  }
0x42: {  	[sflag:s13] =	ssyncset.done $0x0  }
0x43: {  	s14 =	simm.s32 $0x200;
	[sflag:s13] =	ssyncadd.s32 $0xFFFFFFD8  }
0x44: {  	[tilespmem:s14], [sflag:$0x3] =	stream.indirect.gather [hbm4b:s1+s23], $0x80, s18, s23, $0xb8;
	[tilespmem:$0x1B280] =	vst v63  }
0x45: {  	s20 =	simm.s32 $0x2A00;
	s19 =	rddreg [dreg:$0x6]  }
0x46: {  	[tilespmem:s20], [sflag:$0x5] =	stream.linear.gather [hbm4b:s19+s18], $0x1400, $0x38;
	[tilespmem:$0x1B280] =	vst v63  }
0x47: {  	s22 =	rddreg [dreg:$0x7]  }
0x48: {  	[tilespmem:s26], [sflag:$0x2] =	stream.linear.gather [hbm4b:s22+s18], $0x28, $0x38;
	[tilespmem:$0x1B280] =	vst v63  }
0x49: {  	s30 =	rddreg [dreg:$0x8];
	s13 =	simm.s32 $0x3E00  }
0x4a: {  	[tilespmem:s28], [sflag:$0x2] =	stream.linear.gather [hbm4b:s30+s18], $0x28, $0x38;
	[tilespmem:$0x1B280] =	vst v63  }
.LBB2_6:
0x4b: {  	_ =	swait.ge [sflag:s29], $0x28  }
0x4c: {  	[sflag:s29] =	ssyncset.done $0x0  }
0x4d: {  	s20 =	smul.u32 $0x50, s18;
	[sflag:s29] =	ssyncadd.s32 $0xFFFFFFD8  }
0x4e: {  	_ =	swait.ge [sflag:s29], $0x28  }
0x4f: {  	s14 =	sadd.s32 s20, s15;
	[sflag:s29] =	ssyncset.done $0x0  }
0x50: {  	s14 =	sshll.u32 s14, $0x4;
	[sflag:s29] =	ssyncadd.s32 $0xFFFFFFD8  }
0x51: {  	[tilespmem:s31], [sflag:$0x4] =	stream.indirect.gather [hbm4b:s1+s23], $0x80, s26, s23, $0xb8;
	[tilespmem:$0x1B280] =	vst v63  }
0x52: {  	s14 =	sadd.s32 s5, s14  }
0x53: {  	[tilespmem:s13], [sflag:$0x6] =	stream.linear.gather [hbm4b:s14+s4], $0x1400, $0x38;
	[tilespmem:$0x1B280] =	vst v63  }
0x54: {  	_ =	swait.ge [sflag:s0], $0x1400  }
0x55: {  	[sflag:s0] =	ssyncset.done $0x0  }
0x56: {  	[sflag:s0] =	ssyncadd.s32 $0xFFFFEC00  }
0x57: {  	_ =	swait.ge [sflag:s24], $0x1400  }
0x58: {  	[sflag:s24] =	ssyncset.done $0x0  }
0x59: {  	s22 =	simm.s32 $0xF0;
	[sflag:s24] =	ssyncadd.s32 $0xFFFFEC00  }
0x5a: {  	v1 =	vld [tilespmem:s22+$0x200]  }
0x5b: {  	v2 =	vld [tilespmem:s22+$0x2A00]  }
0x5c: {  	v3 =	vld [tilespmem:s22+$0x110]  }
0x5d: {  	v4 =	vld [tilespmem:s22+$0x2910]  }
0x5e: {  	v5 =	vld [tilespmem:s22+$0x120]  }
0x5f: {  	v6 =	vld [tilespmem:s22+$0x2920]  }
0x60: {  	v7 =	vld [tilespmem:s22+$0x130]  }
0x61: {  	v8 =	vld [tilespmem:s22+$0x140]  }
0x62: {  	v1 =	vmul.f32 v2, v1;
	v2 =	vld [tilespmem:s22+$0x2930]  }
0x63: {  	v3 =	vmul.f32 v4, v3;
	v4 =	vld [tilespmem:s22+$0x150]  }
0x64: {  	[tilespmem:s22+$0x5200] =	vst v1;
	v1 =	vld [tilespmem:s22+$0x2940]  }
0x65: {  	[tilespmem:s22+$0x5110] =	vst v3;
	v3 =	vmul.f32 v6, v5;
	v5 =	vld [tilespmem:s22+$0x2950]  }
0x66: {  	v6 =	vld [tilespmem:s22+$0x2960]  }
0x67: {  	[tilespmem:s22+$0x5120] =	vst v3;
	v3 =	vld [tilespmem:s22+$0x160];
	v2 =	vmul.f32 v2, v7  }
0x68: {  	v7 =	vld [tilespmem:s22+$0x2970]  }
0x69: {  	[tilespmem:s22+$0x5130] =	vst v2;
	v1 =	vmul.f32 v1, v8;
	v2 =	vld [tilespmem:s22+$0x170]  }
0x6a: {  	v8 =	vld [tilespmem:s22+$0x29C0]  }
0x6b: {  	[tilespmem:s22+$0x5140] =	vst v1;
	v1 =	vmul.f32 v5, v4;
	v4 =	vld [tilespmem:s22+$0x180]  }
0x6c: {  	v5 =	vld [tilespmem:s22+$0x2980]  }
0x6d: {  	[tilespmem:s22+$0x5150] =	vst v1;
	v1 =	vmul.f32 v6, v3;
	v3 =	vld [tilespmem:s22+$0x190]  }
0x6e: {  	v6 =	vld [tilespmem:s22+$0x2990]  }
0x6f: {  	[tilespmem:s22+$0x5160] =	vst v1;
	v1 =	vmul.f32 v7, v2;
	v2 =	vld [tilespmem:s22+$0x1A0]  }
0x70: {  	v7 =	vld [tilespmem:s22+$0x29A0]  }
0x71: {  	[tilespmem:s22+$0x5170] =	vst v1;
	v1 =	vmul.f32 v5, v4;
	v4 =	vld [tilespmem:s22+$0x1B0]  }
0x72: {  	v5 =	vld [tilespmem:s22+$0x29B0]  }
0x73: {  	[tilespmem:s22+$0x5180] =	vst v1;
	v1 =	vmul.f32 v6, v3;
	v6 =	vld [tilespmem:s22+$0x1C0]  }
0x74: {  	v9 =	vld [tilespmem:s22+$0x29D0]  }
0x75: {  	[tilespmem:s22+$0x5190] =	vst v1;
	v1 =	vmul.f32 v7, v2;
	v7 =	vld [tilespmem:s22+$0x1D0]  }
0x76: {  	v3 =	vld [tilespmem:s22+$0x1E0]  }
0x77: {  	[tilespmem:s22+$0x51A0] =	vst v1;
	v1 =	vmul.f32 v5, v4;
	v4 =	vld [tilespmem:s22+$0x29E0]  }
0x78: {  	v5 =	vld [tilespmem:s22+$0x29F0];
	v6 =	vmul.f32 v8, v6  }
0x79: {  	s14 =	simm.s32 $0x1F0;
	[tilespmem:s22+$0x51B0] =	vst v1;
	v1 =	vld [tilespmem:s22+$0x1F0]  }
0x7a: {  	s19 =	simm.s32 $0xBC0;
	v2 =	vld [tilespmem:s14+$0x200];
	[tilespmem:s22+$0x51C0] =	vst v6;
	v6 =	vmul.f32 v9, v7  }
.LBB2_7:
0x7b: {  	p0 =	sne.s32 s19, $0x4FC0;
	v7 =	vld [tilespmem:s14+$0x2A00]  }
0x7c: {  	v8 =	vld [tilespmem:s14+$0x110];
	[tilespmem:s22+$0x51D0] =	vst v6;
	v3 =	vmul.f32 v4, v3  }
0x7d: {  	v4 =	vld [tilespmem:s14+$0x2910]  }
0x7e: {  	v6 =	vld [tilespmem:s14+$0x120];
	[tilespmem:s22+$0x51E0] =	vst v3;
	v1 =	vmul.f32 v5, v1  }
0x7f: {  	v3 =	vld [tilespmem:s14+$0x2920]  }
0x80: {  	v5 =	vld [tilespmem:s14+$0x130];
	v2 =	vmul.f32 v7, v2;
	[tilespmem:s22+$0x51F0] =	vst v1;
	s22 =	smov.u32 s14  }
0x81: {  	v1 =	vld [tilespmem:s22+$0x2930]  }
0x82: {  	v4 =	vmul.f32 v4, v8;
	v7 =	vld [tilespmem:s22+$0x140];
	[tilespmem:s22+$0x5200] =	vst v2  }
0x83: {  	v2 =	vld [tilespmem:s22+$0x2940]  }
0x84: {  	[tilespmem:s22+$0x5110] =	vst v4;
	v3 =	vmul.f32 v3, v6;
	v4 =	vld [tilespmem:s22+$0x150]  }
0x85: {  	v6 =	vld [tilespmem:s22+$0x2950]  }
0x86: {  	[tilespmem:s22+$0x5120] =	vst v3;
	v1 =	vmul.f32 v1, v5;
	v3 =	vld [tilespmem:s22+$0x160]  }
0x87: {  	v5 =	vld [tilespmem:s22+$0x2960]  }
0x88: {  	[tilespmem:s22+$0x5130] =	vst v1;
	v1 =	vmul.f32 v2, v7;
	v2 =	vld [tilespmem:s22+$0x170]  }
0x89: {  	v7 =	vld [tilespmem:s22+$0x2970]  }
0x8a: {  	[tilespmem:s22+$0x5140] =	vst v1;
	v1 =	vmul.f32 v6, v4;
	v4 =	vld [tilespmem:s22+$0x180]  }
0x8b: {  	v6 =	vld [tilespmem:s22+$0x2980]  }
0x8c: {  	[tilespmem:s22+$0x5150] =	vst v1;
	v1 =	vmul.f32 v5, v3;
	v3 =	vld [tilespmem:s22+$0x190]  }
0x8d: {  	v5 =	vld [tilespmem:s22+$0x2990]  }
0x8e: {  	[tilespmem:s22+$0x5160] =	vst v1;
	v1 =	vmul.f32 v7, v2;
	v2 =	vld [tilespmem:s22+$0x1A0]  }
0x8f: {  	v7 =	vld [tilespmem:s22+$0x29A0]  }
0x90: {  	[tilespmem:s22+$0x5170] =	vst v1;
	v1 =	vmul.f32 v6, v4;
	v4 =	vld [tilespmem:s22+$0x1B0]  }
0x91: {  	v6 =	vld [tilespmem:s22+$0x29B0]  }
0x92: {  	[tilespmem:s22+$0x5180] =	vst v1;
	v1 =	vmul.f32 v5, v3;
	v5 =	vld [tilespmem:s22+$0x1C0]  }
0x93: {  	v8 =	vld [tilespmem:s22+$0x29C0]  }
0x94: {  	[tilespmem:s22+$0x5190] =	vst v1;
	v1 =	vmul.f32 v7, v2;
	v7 =	vld [tilespmem:s22+$0x1D0]  }
0x95: {  	v9 =	vld [tilespmem:s22+$0x29D0]  }
.Ltmp2:
0x96: {  	[tilespmem:s22+$0x51A0] =	vst v1;
	v1 =	vmul.f32 v6, v4;
	v3 =	vld [tilespmem:s22+$0x1E0];
	(pc) =	sbr.rel @p0 .LBB2_7-.Ltmp2, $4  }
0x97: {  	v4 =	vld [tilespmem:s22+$0x29E0]  }
0x98: {  	[tilespmem:s22+$0x51B0] =	vst v1;
	v6 =	vmul.f32 v8, v5;
	v1 =	vld [tilespmem:s22+$0x1F0]  }
0x99: {  	s14 =	sshra.s32 s19, $0x2;
	v5 =	vld [tilespmem:s22+$0x29F0]  }
0x9a: {  	s19 =	sadd.s32 $0x400, s19;
	v2 =	vld [tilespmem:s14+$0x200];
	[tilespmem:s22+$0x51C0] =	vst v6;
	v6 =	vmul.f32 v9, v7  }
0x9b: {  	v7 =	vld [tilespmem:s14+$0x2A00]  }
0x9c: {  	v8 =	vld [tilespmem:s14+$0x110];
	[tilespmem:s22+$0x51D0] =	vst v6;
	v3 =	vmul.f32 v4, v3  }
0x9d: {  	v4 =	vld [tilespmem:s14+$0x2910]  }
0x9e: {  	v6 =	vld [tilespmem:s14+$0x120];
	[tilespmem:s22+$0x51E0] =	vst v3;
	v1 =	vmul.f32 v5, v1  }
0x9f: {  	v3 =	vld [tilespmem:s14+$0x2920]  }
0xa0: {  	v5 =	vld [tilespmem:s14+$0x130];
	[tilespmem:s22+$0x51F0] =	vst v1  }
0xa1: {  	v1 =	vmul.f32 v7, v2;
	v2 =	vld [tilespmem:s14+$0x2930]  }
0xa2: {  	v7 =	vld [tilespmem:s14+$0x140]  }
0xa3: {  	v4 =	vmul.f32 v4, v8;
	[tilespmem:s14+$0x5200] =	vst v1;
	v1 =	vld [tilespmem:s14+$0x2940]  }
0xa4: {  	v8 =	vld [tilespmem:s14+$0x29F0]  }
0xa5: {  	[tilespmem:s14+$0x5110] =	vst v4;
	v3 =	vmul.f32 v3, v6;
	v4 =	vld [tilespmem:s14+$0x150]  }
0xa6: {  	v6 =	vld [tilespmem:s14+$0x2950]  }
0xa7: {  	[tilespmem:s14+$0x5120] =	vst v3;
	v3 =	vld [tilespmem:s14+$0x160]  }
0xa8: {  	v2 =	vmul.f32 v2, v5;
	v5 =	vld [tilespmem:s14+$0x2960]  }
0xa9: {  	v1 =	vmul.f32 v1, v7;
	v7 =	vld [tilespmem:s14+$0x2970]  }
0xaa: {  	[tilespmem:s14+$0x5130] =	vst v2;
	v2 =	vld [tilespmem:s14+$0x170]  }
0xab: {  	[tilespmem:s14+$0x5140] =	vst v1;
	v1 =	vmul.f32 v6, v4;
	v4 =	vld [tilespmem:s14+$0x180]  }
0xac: {  	v6 =	vld [tilespmem:s14+$0x2980]  }
0xad: {  	[tilespmem:s14+$0x5150] =	vst v1;
	v1 =	vmul.f32 v5, v3;
	v3 =	vld [tilespmem:s14+$0x190]  }
0xae: {  	v5 =	vld [tilespmem:s14+$0x2990]  }
0xaf: {  	[tilespmem:s14+$0x5160] =	vst v1;
	v1 =	vmul.f32 v7, v2;
	v2 =	vld [tilespmem:s14+$0x1A0]  }
0xb0: {  	v7 =	vld [tilespmem:s14+$0x29A0]  }
0xb1: {  	[tilespmem:s14+$0x5170] =	vst v1;
	v1 =	vmul.f32 v6, v4;
	v4 =	vld [tilespmem:s14+$0x1B0]  }
0xb2: {  	v6 =	vld [tilespmem:s14+$0x29B0]  }
0xb3: {  	[tilespmem:s14+$0x5180] =	vst v1;
	v1 =	vmul.f32 v5, v3;
	v3 =	vld [tilespmem:s14+$0x1C0]  }
0xb4: {  	v5 =	vld [tilespmem:s14+$0x29C0]  }
0xb5: {  	[tilespmem:s14+$0x5190] =	vst v1;
	v1 =	vmul.f32 v7, v2;
	v2 =	vld [tilespmem:s14+$0x1D0]  }
0xb6: {  	v7 =	vld [tilespmem:s14+$0x29D0]  }
0xb7: {  	[tilespmem:s14+$0x51A0] =	vst v1;
	v1 =	vmul.f32 v6, v4;
	v4 =	vld [tilespmem:s14+$0x1E0]  }
0xb8: {  	v6 =	vld [tilespmem:s14+$0x29E0]  }
0xb9: {  	[tilespmem:s14+$0x51B0] =	vst v1;
	v1 =	vld [tilespmem:s14+$0x1F0];
	_ =	sdelay $0x1  }
0xba: {  	v3 =	vmul.f32 v5, v3  }
0xbb: {  	v2 =	vmul.f32 v7, v2  }
0xbc: {  	[tilespmem:s14+$0x51C0] =	vst v3;
	v3 =	vmul.f32 v6, v4  }
0xbd: {  	[tilespmem:s14+$0x51D0] =	vst v2;
	v1 =	vmul.f32 v8, v1  }
0xbe: {  	p0 =	seq.s32 s18, $0x31;
	[tilespmem:s14+$0x51E0] =	vst v3  }
0xbf: {  	s30 =	simm.s32 $0x5200;
	[tilespmem:s14+$0x51F0] =	vst v1;
	s14 =	sadd.s32 @!p0 $0x50, s20  }
0xc0: {  	[spmem:s3] =	stream.indirect.scatter.add.f32 [tilespmem:s30], [sflag:$0x7], $0x80, s21, s23, $0xb8;
	[tilespmem:$0x1B280] =	vst v63  }
0xc1: {  	s19 =	sadd.s32 @!p0 s9, s14;
	_ =	swait.ge [sflag:s10], $0x1400  }
0xc2: {  	s19 =	sshrl.u32 @!p0 s19, $0x3;
	[sflag:s10] =	ssyncset.done $0x0  }
0xc3: {  	s30 =	simm.s32 @!p0 $0x0;
	s22 =	sadd.s32 @!p0 s7, s19;
	[sflag:s10] =	ssyncadd.s32 $0xFFFFEC00  }
0xc4: {  	[tilespmem:s30], [sflag:$0x1] =	stream.linear.gather @!p0 [hbm4b:s22+s30], $0x28, $0x38;
	[tilespmem:$0x1B280] =	vst v63  }
0xc5: {  	s19 =	sadd.s32 @!p0 s8, s19;
	s22 =	simm.s32 @!p0 $0x100  }
0xc6: {  	[tilespmem:s22], [sflag:$0x1] =	stream.linear.gather @!p0 [hbm4b:s19+s30], $0x28, $0x38;
	[tilespmem:$0x1B280] =	vst v63  }
0xc7: {  	s19 =	simm.s32 @!p0 $0x1  }
0xc8: {  	_ =	swait.ge @!p0 [sflag:s19], $0x28  }
0xc9: {  	[sflag:s19] =	ssyncset.done @!p0 $0x0  }
0xca: {  	[sflag:s19] =	ssyncadd.s32 @!p0 $0xFFFFFFD8  }
0xcb: {  	s14 =	sadd.s32 @!p0 s6, s14;
	_ =	swait.ge @!p0 [sflag:s19], $0x28  }
0xcc: {  	s14 =	sshll.u32 @!p0 s14, $0x4;
	[sflag:s19] =	ssyncset.done @!p0 $0x0  }
0xcd: {  	s22 =	simm.s32 @!p0 $0x200;
	[sflag:s19] =	ssyncadd.s32 @!p0 $0xFFFFFFD8;
	s19 =	simm.s32 @!p0 $0x28  }
0xce: {  	[tilespmem:s22], [sflag:$0x3] =	stream.indirect.gather @!p0 [hbm4b:s1+s19], $0x80, s30, s19, $0xb8;
	[tilespmem:$0x1B280] =	vst v63  }
0xcf: {  	s14 =	sadd.s32 @!p0 s5, s14;
	s19 =	simm.s32 @!p0 $0x2A00  }
0xd0: {  	[tilespmem:s19], [sflag:$0x5] =	stream.linear.gather @!p0 [hbm4b:s14+s30], $0x1400, $0x38;
	[tilespmem:$0x1B280] =	vst v63  }
0xd1: {  	_ =	swait.ge [sflag:s11], $0x1400  }
0xd2: {  	[sflag:s11] =	ssyncset.done $0x0  }
0xd3: {  	[sflag:s11] =	ssyncadd.s32 $0xFFFFEC00  }
0xd4: {  	_ =	swait.ge [sflag:s12], $0x1400  }
0xd5: {  	[sflag:s12] =	ssyncset.done $0x0  }
0xd6: {  	s22 =	simm.s32 $0xF0;
	[sflag:s12] =	ssyncadd.s32 $0xFFFFEC00  }
0xd7: {  	v1 =	vld [tilespmem:s22+$0x1600]  }
0xd8: {  	v2 =	vld [tilespmem:s22+$0x3E00]  }
0xd9: {  	v3 =	vld [tilespmem:s22+$0x1510]  }
0xda: {  	v4 =	vld [tilespmem:s22+$0x3D10]  }
0xdb: {  	v5 =	vld [tilespmem:s22+$0x1520]  }
0xdc: {  	v6 =	vld [tilespmem:s22+$0x3D20]  }
0xdd: {  	v7 =	vld [tilespmem:s22+$0x1530]  }
0xde: {  	v8 =	vld [tilespmem:s22+$0x1540]  }
0xdf: {  	v1 =	vmul.f32 v2, v1;
	v2 =	vld [tilespmem:s22+$0x3D30]  }
0xe0: {  	v3 =	vmul.f32 v4, v3;
	v4 =	vld [tilespmem:s22+$0x1550]  }
0xe1: {  	[tilespmem:s22+$0x6600] =	vst v1;
	v1 =	vld [tilespmem:s22+$0x3D40]  }
0xe2: {  	[tilespmem:s22+$0x6510] =	vst v3;
	v3 =	vmul.f32 v6, v5;
	v5 =	vld [tilespmem:s22+$0x3D50]  }
0xe3: {  	v6 =	vld [tilespmem:s22+$0x3D60]  }
0xe4: {  	[tilespmem:s22+$0x6520] =	vst v3;
	v3 =	vld [tilespmem:s22+$0x1560];
	v2 =	vmul.f32 v2, v7  }
0xe5: {  	v7 =	vld [tilespmem:s22+$0x3D70]  }
0xe6: {  	[tilespmem:s22+$0x6530] =	vst v2;
	v1 =	vmul.f32 v1, v8;
	v2 =	vld [tilespmem:s22+$0x1570]  }
0xe7: {  	v8 =	vld [tilespmem:s22+$0x3DC0]  }
0xe8: {  	[tilespmem:s22+$0x6540] =	vst v1;
	v1 =	vmul.f32 v5, v4;
	v4 =	vld [tilespmem:s22+$0x1580]  }
0xe9: {  	v5 =	vld [tilespmem:s22+$0x3D80]  }
0xea: {  	[tilespmem:s22+$0x6550] =	vst v1;
	v1 =	vmul.f32 v6, v3;
	v3 =	vld [tilespmem:s22+$0x1590]  }
0xeb: {  	v6 =	vld [tilespmem:s22+$0x3D90]  }
0xec: {  	[tilespmem:s22+$0x6560] =	vst v1;
	v1 =	vmul.f32 v7, v2;
	v2 =	vld [tilespmem:s22+$0x15A0]  }
0xed: {  	v7 =	vld [tilespmem:s22+$0x3DA0]  }
0xee: {  	[tilespmem:s22+$0x6570] =	vst v1;
	v1 =	vmul.f32 v5, v4;
	v4 =	vld [tilespmem:s22+$0x15B0]  }
0xef: {  	v5 =	vld [tilespmem:s22+$0x3DB0]  }
0xf0: {  	[tilespmem:s22+$0x6580] =	vst v1;
	v1 =	vmul.f32 v6, v3;
	v6 =	vld [tilespmem:s22+$0x15C0]  }
0xf1: {  	v9 =	vld [tilespmem:s22+$0x3DD0]  }
0xf2: {  	[tilespmem:s22+$0x6590] =	vst v1;
	v1 =	vmul.f32 v7, v2;
	v7 =	vld [tilespmem:s22+$0x15D0]  }
0xf3: {  	v3 =	vld [tilespmem:s22+$0x15E0]  }
0xf4: {  	[tilespmem:s22+$0x65A0] =	vst v1;
	v1 =	vmul.f32 v5, v4;
	v4 =	vld [tilespmem:s22+$0x3DE0]  }
0xf5: {  	v5 =	vld [tilespmem:s22+$0x3DF0];
	v6 =	vmul.f32 v8, v6  }
0xf6: {  	s14 =	simm.s32 $0x1F0;
	[tilespmem:s22+$0x65B0] =	vst v1;
	v1 =	vld [tilespmem:s22+$0x15F0]  }
0xf7: {  	s19 =	simm.s32 $0xBC0;
	v2 =	vld [tilespmem:s14+$0x1600];
	[tilespmem:s22+$0x65C0] =	vst v6;
	v6 =	vmul.f32 v9, v7  }
.LBB2_9:
0xf8: {  	p1 =	sne.s32 s19, $0x4FC0;
	v7 =	vld [tilespmem:s14+$0x3E00]  }
0xf9: {  	v8 =	vld [tilespmem:s14+$0x1510];
	[tilespmem:s22+$0x65D0] =	vst v6;
	v3 =	vmul.f32 v4, v3  }
0xfa: {  	v4 =	vld [tilespmem:s14+$0x3D10]  }
0xfb: {  	v6 =	vld [tilespmem:s14+$0x1520];
	[tilespmem:s22+$0x65E0] =	vst v3;
	v1 =	vmul.f32 v5, v1  }
0xfc: {  	v3 =	vld [tilespmem:s14+$0x3D20]  }
0xfd: {  	v5 =	vld [tilespmem:s14+$0x1530];
	v2 =	vmul.f32 v7, v2;
	[tilespmem:s22+$0x65F0] =	vst v1;
	s22 =	smov.u32 s14  }
0xfe: {  	v1 =	vld [tilespmem:s22+$0x3D30]  }
0xff: {  	v4 =	vmul.f32 v4, v8;
	v7 =	vld [tilespmem:s22+$0x1540];
	[tilespmem:s22+$0x6600] =	vst v2  }
0x100: {  	v2 =	vld [tilespmem:s22+$0x3D40]  }
0x101: {  	[tilespmem:s22+$0x6510] =	vst v4;
	v3 =	vmul.f32 v3, v6;
	v4 =	vld [tilespmem:s22+$0x1550]  }
0x102: {  	v6 =	vld [tilespmem:s22+$0x3D50]  }
0x103: {  	[tilespmem:s22+$0x6520] =	vst v3;
	v1 =	vmul.f32 v1, v5;
	v3 =	vld [tilespmem:s22+$0x1560]  }
0x104: {  	v5 =	vld [tilespmem:s22+$0x3D60]  }
0x105: {  	[tilespmem:s22+$0x6530] =	vst v1;
	v1 =	vmul.f32 v2, v7;
	v2 =	vld [tilespmem:s22+$0x1570]  }
0x106: {  	v7 =	vld [tilespmem:s22+$0x3D70]  }
0x107: {  	[tilespmem:s22+$0x6540] =	vst v1;
	v1 =	vmul.f32 v6, v4;
	v4 =	vld [tilespmem:s22+$0x1580]  }
0x108: {  	v6 =	vld [tilespmem:s22+$0x3D80]  }
0x109: {  	[tilespmem:s22+$0x6550] =	vst v1;
	v1 =	vmul.f32 v5, v3;
	v3 =	vld [tilespmem:s22+$0x1590]  }
0x10a: {  	v5 =	vld [tilespmem:s22+$0x3D90]  }
0x10b: {  	[tilespmem:s22+$0x6560] =	vst v1;
	v1 =	vmul.f32 v7, v2;
	v2 =	vld [tilespmem:s22+$0x15A0]  }
0x10c: {  	v7 =	vld [tilespmem:s22+$0x3DA0]  }
0x10d: {  	[tilespmem:s22+$0x6570] =	vst v1;
	v1 =	vmul.f32 v6, v4;
	v4 =	vld [tilespmem:s22+$0x15B0]  }
0x10e: {  	v6 =	vld [tilespmem:s22+$0x3DB0]  }
0x10f: {  	[tilespmem:s22+$0x6580] =	vst v1;
	v1 =	vmul.f32 v5, v3;
	v5 =	vld [tilespmem:s22+$0x15C0]  }
0x110: {  	v8 =	vld [tilespmem:s22+$0x3DC0]  }
0x111: {  	[tilespmem:s22+$0x6590] =	vst v1;
	v1 =	vmul.f32 v7, v2;
	v7 =	vld [tilespmem:s22+$0x15D0]  }
0x112: {  	v9 =	vld [tilespmem:s22+$0x3DD0]  }
.Ltmp3:
0x113: {  	[tilespmem:s22+$0x65A0] =	vst v1;
	v1 =	vmul.f32 v6, v4;
	v3 =	vld [tilespmem:s22+$0x15E0];
	(pc) =	sbr.rel @p1 .LBB2_9-.Ltmp3, $4  }
0x114: {  	v4 =	vld [tilespmem:s22+$0x3DE0]  }
0x115: {  	[tilespmem:s22+$0x65B0] =	vst v1;
	v6 =	vmul.f32 v8, v5;
	v1 =	vld [tilespmem:s22+$0x15F0]  }
0x116: {  	s14 =	sshra.s32 s19, $0x2;
	v5 =	vld [tilespmem:s22+$0x3DF0]  }
0x117: {  	s19 =	sadd.s32 $0x400, s19;
	v2 =	vld [tilespmem:s14+$0x1600];
	[tilespmem:s22+$0x65C0] =	vst v6;
	v6 =	vmul.f32 v9, v7  }
0x118: {  	v7 =	vld [tilespmem:s14+$0x3E00]  }
0x119: {  	v8 =	vld [tilespmem:s14+$0x1510];
	[tilespmem:s22+$0x65D0] =	vst v6;
	v3 =	vmul.f32 v4, v3  }
0x11a: {  	v46 =	vld [tilespmem:s14+$0x3D10]  }
0x11b: {  	v6 =	vld [tilespmem:s14+$0x1520];
	[tilespmem:s22+$0x65E0] =	vst v3;
	v1 =	vmul.f32 v5, v1  }
0x11c: {  	v3 =	vld [tilespmem:s14+$0x3D20]  }
0x11d: {  	v47 =	vld [tilespmem:s14+$0x1530];
	[tilespmem:s22+$0x65F0] =	vst v1  }
0x11e: {  	v1 =	vmul.f32 v7, v2;
	v2 =	vld [tilespmem:s14+$0x3D30]  }
0x11f: {  	v48 =	vld [tilespmem:s14+$0x1540]  }
0x120: {  	v49 =	vld [tilespmem:s14+$0x1550]  }
0x121: {  	[tilespmem:s14+$0x6600] =	vst v1;
	v1 =	vld [tilespmem:s14+$0x3D40]  }
0x122: {  	v50 =	vld [tilespmem:s14+$0x3D50]  }
0x123: {  	v51 =	vld [tilespmem:s14+$0x3D60];
	v3 =	vmul.f32 v3, v6  }
0x124: {  	v52 =	vld [tilespmem:s14+$0x3D70]  }
0x125: {  	[tilespmem:s14+$0x6520] =	vst v3;
	v2 =	vmul.f32 v2, v47;
	v3 =	vld [tilespmem:s14+$0x1560]  }
0x126: {  	v53 =	vld [tilespmem:s14+$0x1580];
	v1 =	vmul.f32 v1, v48  }
0x127: {  	[tilespmem:s14+$0x6530] =	vst v2;
	v2 =	vld [tilespmem:s14+$0x1570]  }
0x128: {  	v54 =	vld [tilespmem:s14+$0x3D80];
	[tilespmem:s14+$0x6540] =	vst v1;
	v1 =	vmul.f32 v50, v49  }
0x129: {  	v55 =	vld [tilespmem:s14+$0x3D90]  }
0x12a: {  	v56 =	vld [tilespmem:s14+$0x3DA0];
	[tilespmem:s14+$0x6550] =	vst v1;
	v1 =	vmul.f32 v51, v3  }
0x12b: {  	v3 =	vld [tilespmem:s14+$0x1590]  }
0x12c: {  	v57 =	vld [tilespmem:s14+$0x15B0];
	[tilespmem:s14+$0x6560] =	vst v1;
	v1 =	vmul.f32 v52, v2  }
0x12d: {  	v2 =	vld [tilespmem:s14+$0x15A0]  }
0x12e: {  	v58 =	vld [tilespmem:s14+$0x3DB0];
	[tilespmem:s14+$0x6570] =	vst v1;
	v1 =	vmul.f32 v54, v53  }
0x12f: {  	v59 =	vld [tilespmem:s14+$0x3DC0]  }
0x130: {  	v60 =	vld [tilespmem:s14+$0x3DD0];
	[tilespmem:s14+$0x6580] =	vst v1;
	v1 =	vmul.f32 v55, v3  }
0x131: {  	v61 =	vld [tilespmem:s14+$0x15E0]  }
0x132: {  	v62 =	vld [tilespmem:s14+$0x3DE0];
	[tilespmem:s14+$0x6590] =	vst v1;
	v1 =	vmul.f32 v56, v2  }
0x133: {  	v3 =	vld [tilespmem:s14+$0x15C0]  }
0x134: {  	v2 =	vld [tilespmem:s14+$0x15D0];
	[tilespmem:s14+$0x65A0] =	vst v1;
	v1 =	vmul.f32 v58, v57  }
0x135: {  	v63 =	vld [tilespmem:s14+$0x3DF0]  }
0x136: {  	[tilespmem:s14+$0x65B0] =	vst v1;
	v1 =	vld [tilespmem:s14+$0x15F0]  }
0x137: {  	v4 =	vmul.f32 v46, v8  }
0x138: {  	v3 =	vmul.f32 v59, v3  }
0x139: {  	[tilespmem:s14+$0x6510] =	vst v4;
	v2 =	vmul.f32 v60, v2  }
0x13a: {  	[tilespmem:s14+$0x65C0] =	vst v3;
	v3 =	vmul.f32 v62, v61  }
0x13b: {  	[tilespmem:s14+$0x65D0] =	vst v2;
	v1 =	vmul.f32 v63, v1  }
0x13c: {  	[tilespmem:s14+$0x65E0] =	vst v3  }
.Ltmp4:
0x13d: {  	s30 =	simm.s32 $0x6600;
	[tilespmem:s14+$0x65F0] =	vst v1;
	(pc) =	sbr.rel @p0 .LBB2_12-.Ltmp4, $4  }
0x13e: {  	[spmem:s3] =	stream.indirect.scatter.add.f32 [tilespmem:s30], [sflag:$0x7], $0x80, s28, s23, $0xb8;
	[tilespmem:$0x1B280] =	vst v63  }
0x13f: {  	_ =	swait.ge [sflag:s10], $0x1400  }
0x140: {  	[sflag:s10] =	ssyncset.done $0x0  }
0x141: {  	[sflag:s10] =	ssyncadd.s32 $0xFFFFEC00  }
0x142: {  	s14 =	sadd.s32 s20, s16  }
.Ltmp5:
0x143: {  	s14 =	sshrl.u32 s14, $0x3;
	(pc) =	sbr.rel .LBB2_6-.Ltmp5, $4  }
0x144: {  	s19 =	sadd.s32 s7, s14  }
0x145: {  	[tilespmem:s26], [sflag:$0x2] =	stream.linear.gather [hbm4b:s19+s4], $0x28, $0x38;
	[tilespmem:$0x1B280] =	vst v63  }
0x146: {  	s18 =	sadd.s32 $0x1, s18;
	s14 =	sadd.s32 s8, s14  }
0x147: {  	[tilespmem:s28], [sflag:$0x2] =	stream.linear.gather [hbm4b:s14+s4], $0x28, $0x38;
	[tilespmem:$0x1B280] =	vst v63  }
.LBB2_12:
0x148: {  	s14 =	sadd.s32 $0x0, s2  }
0x149: {  	[bflag:$0x0] =	sbarrier.arrive $0xFFFF;
	p0 =	sgt.u32 s14, $0xF9  }
0x14a: {  	s14 =	simm.s32 @!p0 $0x5200;
	s19 =	simm.s32 @!p0 $0x8;
	p0 =	por p0, p0  }
0x14b: {  	[tilespmem:s14], [sflag:$0x8] =	stream.linear.gather @!p0 [spmem:s25], $0x1400, $0x38;
	[tilespmem:$0x1B280] =	vst v63  }
0x14c: {  	s18 =	simm.s32 $0x20;
	s31 =	sadd.s32 $0x10, s2;
	_ =	swait.ge @!p0 [sflag:s19], $0x1400  }
0x14d: {  	s20 =	simm.s32 @!p0 $0x7;
	[sflag:s19] =	ssyncset.done @!p0 $0x0;
	s13 =	rddreg [dreg:$0xa]  }
0x14e: {  	s22 =	simm.s32 @!p0 $0x0;
	[sflag:s19] =	ssyncadd.s32 @!p0 $0xFFFFEC00;
	s19 =	sadd.s32 @!p0 s13, s17  }
0x14f: {  	[hbm4b:s19+s22] =	stream.linear.scatter @!p0 [tilespmem:s14], [sflag:$0x7], $0x1400, $0x38;
	[tilespmem:$0x1B280] =	vst v63  }
0x150: {  	p1 =	sgt.u32 s31, $0xF9;
	s14 =	sadd.s32 $0x2800, s13;
	_ =	swait.ge @!p0 [sflag:s20], $0x1400  }
0x151: {  	s13 =	smov.u32 s25;
	s19 =	sadd.s32 $0x14000, s25;
	[sflag:s20] =	ssyncset.done @!p0 $0x0  }
.LBB2_13:
0x152: {  	s22 =	simm.s32 @!p1 $0x5200  }
0x153: {  	s30 =	simm.s32 @!p1 $0x8;
	[sflag:s20] =	ssyncadd.s32 @!p0 $0xFFFFEC00;
	s31 =	smov.u32 s18  }
0x154: {  	s25 =	smov.u32 s14;
	p0 =	por p1, p1;
	s18 =	sadd.s32 $0x10, s18  }
0x155: {  	[tilespmem:s22], [sflag:$0x8] =	stream.linear.gather @!p0 [spmem:s19], $0x1400, $0x38;
	[tilespmem:$0x1B280] =	vst v63  }
0x156: {  	s14 =	sadd.s32 $0x2800, s14;
	p2 =	sne.s32 s18, $0x100;
	_ =	swait.ge @!p0 [sflag:s30], $0x1400  }
.Ltmp6:
0x157: {  	s20 =	simm.s32 @!p0 $0x7;
	[sflag:s30] =	ssyncset.done @!p0 $0x0;
	(pc) =	sbr.rel @p2 .LBB2_13-.Ltmp6, $4  }
0x158: {  	s25 =	sadd.s32 @!p0 s25, s17;
	[sflag:s30] =	ssyncadd.s32 @!p0 $0xFFFFEC00;
	s30 =	simm.s32 @!p0 $0x0  }
0x159: {  	[hbm4b:s25+s30] =	stream.linear.scatter @!p0 [tilespmem:s22], [sflag:$0x7], $0x1400, $0x38;
	[tilespmem:$0x1B280] =	vst v63  }
0x15a: {  	s22 =	sadd.s32 s31, s2;
	_ =	swait.ge @!p0 [sflag:s20], $0x1400  }
0x15b: {  	s19 =	sadd.s32 $0x14000, s19;
	p1 =	sgt.u32 s22, $0xF9;
	[sflag:s20] =	ssyncset.done @!p0 $0x0  }
0x15c: {  	s18 =	simm.s32 @!p1 $0x5200  }
0x15d: {  	s22 =	simm.s32 @!p1 $0x8;
	[sflag:s20] =	ssyncadd.s32 @!p0 $0xFFFFEC00;
	p0 =	por p1, p1  }
0x15e: {  	[tilespmem:s18], [sflag:$0x8] =	stream.linear.gather @!p0 [spmem:s19], $0x1400, $0x38;
	[tilespmem:$0x1B280] =	vst v63  }
0x15f: {  	_ =	swait.ge @!p0 [sflag:s22], $0x1400  }
0x160: {  	s19 =	simm.s32 @!p0 $0x7;
	[sflag:s22] =	ssyncset.done @!p0 $0x0  }
0x161: {  	s14 =	sadd.s32 @!p0 s14, s17;
	s20 =	simm.s32 @!p0 $0x0;
	[sflag:s22] =	ssyncadd.s32 @!p0 $0xFFFFEC00  }
0x162: {  	[hbm4b:s14+s20] =	stream.linear.scatter @!p0 [tilespmem:s18], [sflag:$0x7], $0x1400, $0x38;
	[tilespmem:$0x1B280] =	vst v63  }
0x163: {  	_ =	swait.ge @!p0 [sflag:s19], $0x1400  }
0x164: {  	s25 =	rddreg [dreg:$0xb]  }
0x165: {  	s30 =	rddreg [dreg:$0x9];
	s18 =	sadd.s32 $0x1, s25  }
0x166: {  	p1 =	sne.s32 s18, s30  }
.Ltmp7:
0x167: {  	_ = 	snop;
	(pc) =	sbr.rel @p1 .LBB2_1-.Ltmp7, $3  }
0x168: {  	_ =	sdelay $0x1  }
0x169: {  	[sflag:s19] =	ssyncset.done @!p0 $0x0  }
0x16a: {  	s31 =	simm.s32 $0x1600;
	[sflag:s19] =	ssyncadd.s32 @!p0 $0xFFFFEC00;
	s25 =	smov.u32 s13  }
0x16b: {  	_ =	sfence.sel $0x180000  }
0x16c: {  	[bflag:$0x0] =	sbarrier.arrive $0xFFFF  }
0x16d: {  	_ =	strace $0x9000004A  }
0x16e: {  	[bflag:$0x2] =	sbarrier.arrive $0xFFFF  }
0x16f: {  	p0 =	sne.s32 s2, $0x0;
	s0 =	rddreg [dreg:$0x3]  }
0x170: {  	s0 =	sadd.s32 @!p0 $0x100000, s0  }
0x171: {  	[sflag:s0] =	ssyncadd.tile.s32 @!p0 $0x1;
	_ =	shalt  }
.Lfunc_end2:
_tile_overlayer_lowered:
.L_overlay_start_2:
0x172: {  	(tag) =	ssettag $0x2  }
0x173: {  	s0 =	rddreg [dreg:$0x0];
	s2 =	stileid.u32  }
0x174: {  	s1 =	rddreg [dreg:$0x1];
	p0 =	sne.s32 s2, $0x0  }
0x175: {  	s3 =	rddreg [dreg:$0x2];
	[bflag:$0x3] =	sbarrier.arrive $0xFFFF;
	s2 =	simm.s32 @!p0 $0x1C07  }
0x176: {  	[timem:s3], [sflag:s2] =	dma.local @!p0 [hbm:s0], s1  }
0x177: {  	s0 =	simm.s32 @!p0 $0x7  }
0x178: {  	_ =	swait.ge @!p0 [sflag:s0], s1  }
0x179: {  	s1 =	ssub.s32 @!p0 $0x0, s1;
	[sflag:s0] =	ssyncset.done @!p0 $0x0  }
0x17a: {  	[sflag:s0] =	ssyncadd.s32 @!p0 s1  }
0x17b: {  	[bflag:$0x3] =	sbarrier.arrive $0xFFFF  }
0x17c: {  	_ =	shalt  }

</sc_bundles>
